<compile_context>
chip_gen: v7x
topology: tpu7x:2x2x1
jax: 0.10.2.dev20260603
libtpu: 0.0.44.dev20260713+nightly
codegen_flags: <defaults>
</compile_context>

<pallas_src>
import functools

import jax
import jax.numpy as jnp
from jax import lax
from jax.experimental import pallas as pl
from jax.experimental.pallas import tpu as pltpu
from jax.experimental.pallas import tpu_sc as plsc

NN = 50000
EE = 800000
SDIM = 64
VFD = 48
EDIM = 16
HID = 64
PP = 8
PK = 128

NCORES = 2
NSUB = 16
NWORK = NCORES * NSUB

BN = 1000
BE = 2000
GC = 1000
SCC = 400

EPW = EE // NWORK
GITERS = EPW // GC
EPT = EE // NSUB
SITERS = EPT // SCC
NPT = NN // NSUB

_f32 = jnp.float32


def _norm_pack(s, v, p8, gamma_i, beta_i):
    sn = gamma_i * (s - jnp.mean(s, axis=-1, keepdims=True)) / jnp.sqrt(
        jnp.mean((s - jnp.mean(s, axis=-1, keepdims=True)) ** 2,
                 axis=-1, keepdims=True) + 1e-6) + beta_i
    vn = v / jnp.sqrt(jnp.sum(v * v, axis=-1, keepdims=True) / 16.0 + 1e-6)
    return sn, vn


def _pack0_body(s_ref, v_ref, p_ref, g_ref, b_ref, pk_ref):
    sn, vn = _norm_pack(s_ref[...], v_ref[...], None, g_ref[...], b_ref[...])
    z = jnp.zeros((sn.shape[0], PK - SDIM - VFD - PP), _f32)
    pk_ref[...] = jnp.concatenate([sn, vn, p_ref[...], z], axis=-1)


def _pack0(s, v, p8, gamma_i, beta_i):
    return pl.pallas_call(
        _pack0_body,
        grid=(NN // BN,),
        in_specs=[
            pl.BlockSpec((BN, SDIM), lambda i: (i, 0)),
            pl.BlockSpec((BN, VFD), lambda i: (i, 0)),
            pl.BlockSpec((BN, PP), lambda i: (i, 0)),
            pl.BlockSpec((1, SDIM), lambda i: (0, 0)),
            pl.BlockSpec((1, SDIM), lambda i: (0, 0)),
        ],
        out_specs=pl.BlockSpec((BN, PK), lambda i: (i, 0)),
        out_shape=jax.ShapeDtypeStruct((NN, PK), _f32),
    )(s, v, p8, gamma_i.reshape(1, SDIM), beta_i.reshape(1, SDIM))


def _gather_body(pk_hbm, src_hbm, dst_hbm, srow_o, drow_o,
                 isrc_v, idst_v, brow, sem):
    wid = lax.axis_index("s") * NCORES + lax.axis_index("c")
    base0 = wid * EPW

    def chunk(ci):
        base = base0 + ci * GC
        pltpu.sync_copy(src_hbm.at[pl.ds(base, GC)], isrc_v)
        pltpu.sync_copy(dst_hbm.at[pl.ds(base, GC)], idst_v)
        pltpu.async_copy(pk_hbm.at[isrc_v], brow, sem).wait()
        pltpu.sync_copy(brow, srow_o.at[pl.ds(base, GC)])
        pltpu.async_copy(pk_hbm.at[idst_v], brow, sem).wait()
        pltpu.sync_copy(brow, drow_o.at[pl.ds(base, GC)])

    pl.loop(0, GITERS)(chunk)


def _gather_edges(pk, src, dst):
    mesh = plsc.VectorSubcoreMesh(core_axis_name="c", subcore_axis_name="s")
    k = pl.kernel(
        _gather_body,
        out_type=[
            jax.ShapeDtypeStruct((EE, PK), _f32),
            jax.ShapeDtypeStruct((EE, PK), _f32),
        ],
        mesh=mesh,
        scratch_types=[
            pltpu.VMEM((GC,), jnp.int32),
            pltpu.VMEM((GC,), jnp.int32),
            pltpu.VMEM((GC, PK), _f32),
            pltpu.SemaphoreType.DMA,
        ],
    )
    return k(pk, src, dst)


def _edge_body(first, srow_ref, drow_ref, e_ref, da_ref,
               w1s_ref, w1d_ref, w1c_ref, w1x8_ref, w1a8_ref, w1d8_ref,
               b1_ref, w2_ref, b2_ref, t16_ref, k848_ref, sh8_ref,
               msg_o, en_o):
    srow = srow_ref[...]
    drow = drow_ref[...]

    h = jnp.dot(srow, w1s_ref[...], preferred_element_type=_f32)
    h = h + jnp.dot(drow, w1d_ref[...], preferred_element_type=_f32)
    h = h + jnp.dot(e_ref[...], w1c_ref[...], preferred_element_type=_f32)
    if first:
        x1 = da_ref[...]
        h = h + jnp.dot(x1, w1x8_ref[...], preferred_element_type=_f32)
        rn8 = jnp.dot(x1, sh8_ref[...], preferred_element_type=_f32)
    else:
        psrc = srow[:, 112:120]
        pdst = drow[:, 112:120]
        r = pdst - psrc
        h = h + jnp.dot(pdst * psrc, w1a8_ref[...],
                        preferred_element_type=_f32)
        d2_8 = jnp.dot(r * r, jnp.ones((PP, PP), _f32),
                       preferred_element_type=_f32)
        d8 = jnp.sqrt(jnp.maximum(d2_8, 1e-6))
        h = h + jnp.dot(d8, w1d8_ref[...], preferred_element_type=_f32)
        rn8 = r / (1.0 + d8)
    h = h + b1_ref[...]
    h = h * jax.nn.sigmoid(h)
    out = jnp.dot(h, w2_ref[...], preferred_element_type=_f32) + b2_ref[...]

    s_msg = out[:, 0:SDIM]
    w_vv = out[:, SDIM:SDIM + 16]
    w_vs = out[:, SDIM + 16:SDIM + 32]
    e_new = out[:, SDIM + 32:SDIM + 48]
    w_p8 = out[:, 112:120]

    wvv48 = jnp.dot(w_vv, t16_ref[...], preferred_element_type=_f32)
    wvs48 = jnp.dot(w_vs, t16_ref[...], preferred_element_type=_f32)
    rn48 = jnp.dot(rn8, k848_ref[...], preferred_element_type=_f32)
    vsrc = srow[:, SDIM:SDIM + VFD]
    vm = vsrc * wvv48 + rn48 * wvs48
    tp8 = rn8 * jnp.tanh(w_p8)
    ones = jnp.ones((vm.shape[0], 1), _f32)
    z4 = jnp.zeros((vm.shape[0], 4), _f32)
    z8 = jnp.zeros((vm.shape[0], 8), _f32)
    msg_o[...] = jnp.concatenate(
        [s_msg, vm[:, 0:24], tp8[:, 0:3], ones, z4, vm[:, 24:48], z8],
        axis=-1)
    en_o[...] = e_new


def _edge_mlp(first, srow, drow, e, da,
              w1s, w1d, w1c, w1x8, w1a8, w1d8, b1, w2, b2, t16, k848, sh8):
    kb = functools.partial(_edge_body, first)
    return pl.pallas_call(
        kb,
        grid=(EE // BE,),
        in_specs=[
            pl.BlockSpec((BE, PK), lambda i: (i, 0)),
            pl.BlockSpec((BE, PK), lambda i: (i, 0)),
            pl.BlockSpec((BE, EDIM), lambda i: (i, 0)),
            pl.BlockSpec((BE, PP), lambda i: (i, 0)),
            pl.BlockSpec((PK, HID), lambda i: (0, 0)),
            pl.BlockSpec((PK, HID), lambda i: (0, 0)),
            pl.BlockSpec((EDIM, HID), lambda i: (0, 0)),
            pl.BlockSpec((PP, HID), lambda i: (0, 0)),
            pl.BlockSpec((PP, HID), lambda i: (0, 0)),
            pl.BlockSpec((PP, HID), lambda i: (0, 0)),
            pl.BlockSpec((1, HID), lambda i: (0, 0)),
            pl.BlockSpec((HID, 128), lambda i: (0, 0)),
            pl.BlockSpec((1, 128), lambda i: (0, 0)),
            pl.BlockSpec((16, VFD), lambda i: (0, 0)),
            pl.BlockSpec((PP, VFD), lambda i: (0, 0)),
            pl.BlockSpec((PP, PP), lambda i: (0, 0)),
        ],
        out_specs=[
            pl.BlockSpec((BE, PK), lambda i: (i, 0)),
            pl.BlockSpec((BE, EDIM), lambda i: (i, 0)),
        ],
        out_shape=[
            jax.ShapeDtypeStruct((EE, PK), _f32),
            jax.ShapeDtypeStruct((EE, EDIM), _f32),
        ],
    )(srow, drow, e, da, w1s, w1d, w1c, w1x8, w1a8, w1d8, b1, w2, b2,
      t16, k848, sh8)


def _scat_body(co, msg_hbm, dst_hbm, z_hbm, out_hbm,
               idx_v, msg_v, acc, sem):
    cid = lax.axis_index("c")
    sid = lax.axis_index("s")
    r0 = sid * NPT
    pltpu.sync_copy(z_hbm.at[pl.ds(r0, NPT)], acc.at[pl.ds(r0, NPT)])
    plsc.subcore_barrier()

    def chunk(ci):
        base = sid * EPT + ci * SCC
        pltpu.sync_copy(dst_hbm.at[pl.ds(base, SCC)], idx_v)
        pltpu.sync_copy(
            msg_hbm.at[pl.ds(base, SCC), pl.ds(co + cid * 32, 32)], msg_v)
        pltpu.sync_copy(msg_v, acc.at[idx_v], add=True)

    pl.loop(0, SITERS)(chunk)
    plsc.subcore_barrier()
    pltpu.sync_copy(acc.at[pl.ds(r0, NPT)], out_hbm.at[cid, pl.ds(r0, NPT)])


def _scatter32(msg, dst, z, co):
    mesh = plsc.VectorSubcoreMesh(core_axis_name="c", subcore_axis_name="s")
    k = pl.kernel(
        functools.partial(_scat_body, co),
        out_type=jax.ShapeDtypeStruct((2, NN, 32), _f32),
        mesh=mesh,
        compiler_params=pltpu.CompilerParams(use_tc_tiling_on_sc=False),
        scratch_types=[
            pltpu.VMEM((SCC,), jnp.int32),
            pltpu.VMEM((SCC, 32), _f32),
            pltpu.VMEM_SHARED((NN, 32), _f32),
            pltpu.SemaphoreType.DMA,
        ],
    )
    return k(msg, dst, z)


def _combine_body(last, pk_ref, ss_ref, vs_ref,
                  wu1_ref, bu1_ref, wu2_ref, bu2_ref, g_ref, b_ref,
                  so_ref, vo_ref, x_ref):
    pk = pk_ref[...]
    vs0 = vs_ref[0]
    vs1 = vs_ref[1]
    cnt = jnp.maximum(vs0[:, 27:28], 1.0)
    vsum = jnp.concatenate([vs0[:, 0:24], vs1[:, 0:24]], axis=-1)
    v_new = pk[:, SDIM:SDIM + VFD] + vsum / cnt
    p_new = jnp.concatenate(
        [pk[:, 112:115] + vs0[:, 24:27] / cnt,
         jnp.zeros((pk.shape[0], PP - 3), _f32)], axis=-1)
    s = pk[:, 0:SDIM] + jnp.concatenate([ss_ref[0], ss_ref[1]], axis=-1)
    if not last:
        h = jnp.dot(s, wu1_ref[...], preferred_element_type=_f32) + bu1_ref[...]
        h = h * jax.nn.sigmoid(h)
        s = s + jnp.dot(h, wu2_ref[...], preferred_element_type=_f32) + bu2_ref[...]
    so_ref[...] = s
    vo_ref[...] = v_new
    if last:
        x_ref[...] = p_new
    else:
        sn, vn = _norm_pack(s, v_new, None, g_ref[...], b_ref[...])
        z = jnp.zeros((s.shape[0], PK - SDIM - VFD - PP), _f32)
        x_ref[...] = jnp.concatenate([sn, vn, p_new, z], axis=-1)


def _combine(last, pk, ssum, vsum, wu1, bu1, wu2, bu2, g, b):
    kb = functools.partial(_combine_body, last)
    xw = PP if last else PK
    return pl.pallas_call(
        kb,
        grid=(NN // BN,),
        in_specs=[
            pl.BlockSpec((BN, PK), lambda i: (i, 0)),
            pl.BlockSpec((2, BN, 32), lambda i: (0, i, 0)),
            pl.BlockSpec((2, BN, 32), lambda i: (0, i, 0)),
            pl.BlockSpec((SDIM, HID), lambda i: (0, 0)),
            pl.BlockSpec((1, HID), lambda i: (0, 0)),
            pl.BlockSpec((HID, SDIM), lambda i: (0, 0)),
            pl.BlockSpec((1, SDIM), lambda i: (0, 0)),
            pl.BlockSpec((1, SDIM), lambda i: (0, 0)),
            pl.BlockSpec((1, SDIM), lambda i: (0, 0)),
        ],
        out_specs=[
            pl.BlockSpec((BN, SDIM), lambda i: (i, 0)),
            pl.BlockSpec((BN, VFD), lambda i: (i, 0)),
            pl.BlockSpec((BN, xw), lambda i: (i, 0)),
        ],
        out_shape=[
            jax.ShapeDtypeStruct((NN, SDIM), _f32),
            jax.ShapeDtypeStruct((NN, VFD), _f32),
            jax.ShapeDtypeStruct((NN, xw), _f32),
        ],
    )(pk, ssum, vsum, wu1, bu1.reshape(1, HID), wu2, bu2.reshape(1, SDIM),
      g.reshape(1, SDIM), b.reshape(1, SDIM))


def kernel(s, v, p, edge_index_local, d_local, a_local, r_norm_local, e_local,
           edge_index_global, d_global, a_global, r_norm_global, e_global,
           W1, b1, W2, b2, gamma, beta, Wu1, bu1, Wu2, bu2):
    nl = W1.shape[0]
    src = edge_index_global[0].astype(jnp.int32)
    dst = edge_index_global[1].astype(jnp.int32)

    v = v.reshape(NN, VFD)
    p8 = jnp.pad(p, ((0, 0), (0, PP - 3)))

    z1 = jnp.zeros((nl, PK - SDIM - VFD - PP, HID), _f32)
    zv1 = jnp.zeros((nl, VFD + PP, HID), _f32)
    w1s = jnp.concatenate([W1[:, 0:SDIM, :], zv1, z1], axis=1)
    w1d = jnp.concatenate([W1[:, SDIM:2 * SDIM, :], zv1, z1], axis=1)
    w1c = W1[:, 2 * SDIM:2 * SDIM + EDIM, :]
    w1x8 = jnp.concatenate(
        [W1[:, 2 * SDIM + EDIM:, :], jnp.zeros((nl, PP - 2, HID), _f32)],
        axis=1)
    t16 = jnp.tile(jnp.eye(16, dtype=_f32), (1, 3))
    k848 = jnp.concatenate(
        [jnp.kron(jnp.eye(3, dtype=_f32), jnp.ones((1, 16), _f32)),
         jnp.zeros((PP - 3, VFD), _f32)], axis=0)
    sh8 = jnp.pad(jnp.eye(3, dtype=_f32), ((2, PP - 5), (0, PP - 3)))
    d_row = W1[:, 2 * SDIM + EDIM, :]
    a_row = W1[:, 2 * SDIM + EDIM + 1, :]
    w1a8 = jnp.tile(a_row[:, None, :], (1, PP, 1))
    w1d8 = jnp.tile(d_row[:, None, :], (1, PP, 1)) / 8.0
    sd, vd = SDIM, 16
    wp = W2[:, :, sd + 2 * vd:sd + 2 * vd + 1]
    w2r = jnp.concatenate([
        W2[:, :, 0:sd],
        W2[:, :, sd:sd + vd],
        W2[:, :, sd + vd:sd + 2 * vd],
        W2[:, :, sd + 2 * vd + 1:],
        jnp.tile(wp, (1, 1, PP)),
        jnp.zeros((nl, HID, 8), _f32),
    ], axis=-1)
    bp = b2[:, sd + 2 * vd:sd + 2 * vd + 1]
    b2r = jnp.concatenate([
        b2[:, 0:sd], b2[:, sd:sd + vd], b2[:, sd + vd:sd + 2 * vd],
        b2[:, sd + 2 * vd + 1:], jnp.tile(bp, (1, PP)),
        jnp.zeros((nl, 8), _f32),
    ], axis=-1)

    zv = jnp.zeros((NN, 32), _f32)

    e = e_global
    da1 = jnp.concatenate(
        [d_global[:, None], a_global[:, None], r_norm_global,
         jnp.zeros((EE, 3), _f32)], axis=-1)

    pk = _pack0(s, v, p8, gamma[0], beta[0])
    for i in range(nl):
        srow, drow = _gather_edges(pk, src, dst)
        msg, e = _edge_mlp(
            i == 0, srow, drow, e, da1,
            w1s[i], w1d[i], w1c[i], w1x8[i], w1a8[i], w1d8[i],
            b1[i].reshape(1, HID),
            w2r[i], b2r[i].reshape(1, 128), t16, k848, sh8)
        ssum = _scatter32(msg, dst, zv, 0)
        vsum = _scatter32(msg, dst, zv, SDIM)
        last = i == nl - 1
        gi = min(i + 1, nl - 1)
        s, v, pk = _combine(
            last, pk, ssum, vsum,
            Wu1[i], bu1[i], Wu2[i], bu2[i], gamma[gi], beta[gi])

    return (s, v.reshape(NN, 3, 16), e, pk[:, 0:3])

# --- scband reference (transcript-rebuilt; emitter-appended) ---
"""Pipeline reference for scband-eqgatedge-gnn-83700322665128 (READ-ONLY COPY).

The authoritative reference and input builder live on the scoring server;
editing this copy changes nothing except your own understanding.
"""

import jax, jax.numpy as jnp
import numpy as np

N = 50000
E = 800000
SD = 64
VD = 16
ED = 16
L = 5
H = 64
FIN = 2 * SD + ED + 2
FOUT = SD + 2 * VD + 1 + ED


def setup_inputs(seed: int = 0) -> dict:
    key = jax.random.key(seed)
    ks = jax.random.split(key, 20)
    inp = {}
    inp['s'] = jax.random.normal(ks[0], (N, SD), jnp.float32)
    inp['v'] = jax.random.normal(ks[1], (N, 3, VD), jnp.float32)
    inp['p'] = jax.random.normal(ks[2], (N, 3), jnp.float32)
    inp['edge_index_local'] = jax.random.randint(ks[3], (2, E), 0, N)
    inp['d_local'] = jax.random.uniform(ks[4], (E,), jnp.float32)
    inp['a_local'] = jax.random.normal(ks[5], (E,), jnp.float32)
    inp['r_norm_local'] = jax.random.normal(ks[6], (E, 3), jnp.float32)
    inp['e_local'] = jax.random.normal(ks[7], (E, ED), jnp.float32)
    inp['edge_index_global'] = jax.random.randint(ks[8], (2, E), 0, N)
    inp['d_global'] = jax.random.uniform(ks[9], (E,), jnp.float32)
    inp['a_global'] = jax.random.normal(ks[10], (E,), jnp.float32)
    inp['r_norm_global'] = jax.random.normal(ks[11], (E, 3), jnp.float32)
    inp['e_global'] = jax.random.normal(ks[12], (E, ED), jnp.float32)
    sc = lambda k, shp, fan: jax.random.normal(k, shp, jnp.float32) / np.sqrt(fan)
    inp['W1'] = sc(ks[13], (L, FIN, H), FIN)
    inp['b1'] = jnp.zeros((L, H), jnp.float32)
    inp['W2'] = sc(ks[14], (L, H, FOUT), H)
    inp['b2'] = jnp.zeros((L, FOUT), jnp.float32)
    inp['gamma'] = jnp.ones((L, SD), jnp.float32)
    inp['beta'] = jnp.zeros((L, SD), jnp.float32)
    inp['Wu1'] = sc(ks[15], (L, SD, H), SD)
    inp['bu1'] = jnp.zeros((L, H), jnp.float32)
    inp['Wu2'] = sc(ks[16], (L, H, SD), H)
    inp['bu2'] = jnp.zeros((L, SD), jnp.float32)
    return inp


def reference(s, v, p, edge_index_local, d_local, a_local, r_norm_local, e_local,
              edge_index_global, d_global, a_global, r_norm_global, e_global,
              W1, b1, W2, b2, gamma, beta, Wu1, bu1, Wu2, bu2):
    n = s.shape[0]
    sd = s.shape[1]
    vd = v.shape[2]
    nl = W1.shape[0]
    src = edge_index_global[0]
    dst = edge_index_global[1]
    d, a, r_norm, e = d_global, a_global, r_norm_global, e_global
    cnt = jnp.maximum(jax.ops.segment_sum(jnp.ones_like(dst, dtype=s.dtype), dst, num_segments=n), 1.0)
    for i in range(nl):
        # LayerNorm over scalar features; RMS-normalize vector channels
        mu = jnp.mean(s, axis=-1, keepdims=True)
        var = jnp.mean((s - mu) ** 2, axis=-1, keepdims=True)
        s = gamma[i] * (s - mu) / jnp.sqrt(var + 1e-6) + beta[i]
        vn = jnp.sqrt(jnp.mean(jnp.sum(v ** 2, axis=1), axis=-1) + 1e-6)
        v = v / vn[:, None, None]
        # edge-wise message MLP (gather s[src], s[dst], v[src])
        feat = jnp.concatenate([s[src], s[dst], e, d[:, None], a[:, None]], axis=-1)
        h = jax.nn.silu(feat @ W1[i] + b1[i])
        out = h @ W2[i] + b2[i]
        s_msg = out[:, :sd]
        w_vv = out[:, sd:sd + vd]
        w_vs = out[:, sd + vd:sd + 2 * vd]
        w_p = out[:, sd + 2 * vd:sd + 2 * vd + 1]
        e = out[:, sd + 2 * vd + 1:]
        # aggregate: scalars summed, vectors/positions mean (vector_aggr='mean')
        s = s + jax.ops.segment_sum(s_msg, dst, num_segments=n)
        v_msg = v[src] * w_vv[:, None, :] + r_norm[:, :, None] * w_vs[:, None, :]
        v = v + jax.ops.segment_sum(v_msg, dst, num_segments=n) / cnt[:, None, None]
        p_msg = r_norm * jnp.tanh(w_p)
        p = p + jax.ops.segment_sum(p_msg, dst, num_segments=n) / cnt[:, None]
        if i < nl - 1:
            s = s + jax.nn.silu(s @ Wu1[i] + bu1[i]) @ Wu2[i] + bu2[i]
        # recompute_edge_attributes=True: calculate_edge_attrs with updated positions
        r = p[dst] - p[src]
        a = jnp.sum(p[dst] * p[src], axis=-1)
        d = jnp.sqrt(jnp.maximum(jnp.sum(r * r, axis=-1), 1e-6))
        r_norm = r / (1.0 + d[:, None])
    return (s, v, e, p)

if __name__ == "__main__":
    import jax
    _d = setup_inputs()
    print(jax.jit(kernel)(*tuple(_d.values())))

</pallas_src>

<mosaic_0001>
#map = affine_map<(d0, d1) -> (0, 0)>
#map1 = affine_map<(d0, d1) -> (0)>
#map2 = affine_map<(d0, d1) -> (0, 0, 0)>
module attributes {stable_mosaic.version = 14 : i64} {
  func.func @_scat_body(%arg0: i32, %arg1: i32, %arg2: memref<800000x128xf32, #tpu.memory_space<hbm>>, %arg3: memref<800000xi32, #tpu.memory_space<hbm>>, %arg4: memref<50000x32xf32, #tpu.memory_space<hbm>>, %arg5: memref<2x50000x32xf32, #tpu.memory_space<hbm>>, %arg6: memref<400xi32, #tpu.memory_space<vmem>>, %arg7: memref<400x32xf32, #tpu.memory_space<vmem>>, %arg8: memref<50000x32xf32, #tpu.memory_space<vmem_shared>>, %arg9: memref<!tpu.dma_semaphore, #tpu.memory_space<semaphore_mem>>) attributes {dimension_semantics = [#tpu.dimension_semantics<core_parallel>, #tpu.dimension_semantics<subcore_parallel>], iteration_bounds = array<i64: 2, 16>, scalar_prefetch = 0 : i64, scratch_operands = 4 : i64, tpu.core_type = #tpu.core_type<sc_vector_subcore>, window_params = [{transform_indices = #map}, {transform_indices = #map1}, {transform_indices = #map}, {transform_indices = #map2}]} {
    %mul3A = arith.constant 3125 : i32
    %mul3A_0 = arith.muli %arg1, %mul3A : i32
    "tpu.region"() ({
      %run_scoped3A = tpu.sem_alloc : memref<!tpu.dma_semaphore, #tpu.memory_space<semaphore_mem>>
      %dma_start3A = arith.constant 0 : i32
      %dma_start3A_6 = tpu.memref_slice %arg8[%mul3A_0, %dma_start3A] : memref<50000x32xf32, #tpu.memory_space<vmem_shared>> -> memref<3125x32xf32, #tpu.memory_space<vmem_shared>>
      %dma_start3A_7 = arith.constant 0 : i32
      %dma_start3A_8 = tpu.memref_slice %arg4[%mul3A_0, %dma_start3A_7] : memref<50000x32xf32, #tpu.memory_space<hbm>> -> memref<3125x32xf32, #tpu.memory_space<hbm>>
      tpu.enqueue_dma source(%dma_start3A_8 : memref<3125x32xf32, #tpu.memory_space<hbm>>) target(%dma_start3A_6 : memref<3125x32xf32, #tpu.memory_space<vmem_shared>>) target_semaphore(%run_scoped3A : memref<!tpu.dma_semaphore, #tpu.memory_space<semaphore_mem>>)
      %dma_wait3A = arith.constant 0 : i32
      %dma_wait3A_9 = tpu.memref_slice %arg8[%mul3A_0, %dma_wait3A] : memref<50000x32xf32, #tpu.memory_space<vmem_shared>> -> memref<3125x32xf32, #tpu.memory_space<vmem_shared>>
      %dma_wait3A_10 = arith.constant 0 : i32
      %dma_wait3A_11 = tpu.memref_slice %arg4[%mul3A_0, %dma_wait3A_10] : memref<50000x32xf32, #tpu.memory_space<hbm>> -> memref<3125x32xf32, #tpu.memory_space<hbm>>
      tpu.wait_dma2 semaphore(%run_scoped3A : memref<!tpu.dma_semaphore, #tpu.memory_space<semaphore_mem>>) src(%dma_wait3A_11 : memref<3125x32xf32, #tpu.memory_space<hbm>>) dst(%dma_wait3A_9 : memref<3125x32xf32, #tpu.memory_space<vmem_shared>>)
      tpu.yield
    }) : () -> ()
    %barrier3A = arith.constant 0 : index
    tpu.barrier barrier_id(%barrier3A)
    %scan3A = arith.constant 0 : i32
    %scan3A_1 = arith.constant 125 : i32
    %scan3A_2 = arith.addi %scan3A, %scan3A_1 : i32
    %scan3A_3 = arith.constant 1 : i32
    scf.for %scan3A_6 = %scan3A to %scan3A_2 step %scan3A_3  : i32 {
      %mul3A_7 = arith.constant 1 : i32
      %mul3A_8 = arith.muli %scan3A_6, %mul3A_7 : i32
      %add3A = arith.constant 0 : i32
      %add3A_9 = arith.addi %add3A, %mul3A_8 : i32
      %mul3A_10 = arith.constant 50000 : i32
      %mul3A_11 = arith.muli %arg1, %mul3A_10 : i32
      %mul3A_12 = arith.constant 400 : i32
      %mul3A_13 = arith.muli %add3A_9, %mul3A_12 : i32
      %add3A_14 = arith.addi %mul3A_11, %mul3A_13 : i32
      "tpu.region"() ({
        %run_scoped3A = tpu.sem_alloc : memref<!tpu.dma_semaphore, #tpu.memory_space<semaphore_mem>>
        %dma_start3A = tpu.memref_slice %arg3[%add3A_14] : memref<800000xi32, #tpu.memory_space<hbm>> -> memref<400xi32, #tpu.memory_space<hbm>>
        %dma_start3A_19 = tpu.memref_slice %arg3[%add3A_14] : memref<800000xi32, #tpu.memory_space<hbm>> -> memref<400xi32, #tpu.memory_space<hbm>>
        tpu.enqueue_dma source(%dma_start3A_19 : memref<400xi32, #tpu.memory_space<hbm>>) target(%arg6 : memref<400xi32, #tpu.memory_space<vmem>>) target_semaphore(%run_scoped3A : memref<!tpu.dma_semaphore, #tpu.memory_space<semaphore_mem>>)
        %dma_wait3A = tpu.memref_slice %arg3[%add3A_14] : memref<800000xi32, #tpu.memory_space<hbm>> -> memref<400xi32, #tpu.memory_space<hbm>>
        %dma_wait3A_20 = tpu.memref_slice %arg3[%add3A_14] : memref<800000xi32, #tpu.memory_space<hbm>> -> memref<400xi32, #tpu.memory_space<hbm>>
        tpu.wait_dma2 semaphore(%run_scoped3A : memref<!tpu.dma_semaphore, #tpu.memory_space<semaphore_mem>>) src(%dma_wait3A_20 : memref<400xi32, #tpu.memory_space<hbm>>) dst(%arg6 : memref<400xi32, #tpu.memory_space<vmem>>)
        tpu.yield
      }) : () -> ()
      %mul3A_15 = arith.constant 32 : i32
      %mul3A_16 = arith.muli %arg0, %mul3A_15 : i32
      %add3A_17 = arith.constant 64 : i32
      %add3A_18 = arith.addi %add3A_17, %mul3A_16 : i32
      "tpu.region"() ({
        %run_scoped3A = tpu.sem_alloc : memref<!tpu.dma_semaphore, #tpu.memory_space<semaphore_mem>>
        %dma_start3A = tpu.memref_slice %arg2[%add3A_14, %add3A_18] : memref<800000x128xf32, #tpu.memory_space<hbm>> -> memref<400x32xf32, #tpu.memory_space<hbm>>
        %dma_start3A_19 = tpu.memref_slice %arg2[%add3A_14, %add3A_18] : memref<800000x128xf32, #tpu.memory_space<hbm>> -> memref<400x32xf32, #tpu.memory_space<hbm>>
        tpu.enqueue_dma source(%dma_start3A_19 : memref<400x32xf32, #tpu.memory_space<hbm>>) target(%arg7 : memref<400x32xf32, #tpu.memory_space<vmem>>) target_semaphore(%run_scoped3A : memref<!tpu.dma_semaphore, #tpu.memory_space<semaphore_mem>>)
        %dma_wait3A = tpu.memref_slice %arg2[%add3A_14, %add3A_18] : memref<800000x128xf32, #tpu.memory_space<hbm>> -> memref<400x32xf32, #tpu.memory_space<hbm>>
        %dma_wait3A_20 = tpu.memref_slice %arg2[%add3A_14, %add3A_18] : memref<800000x128xf32, #tpu.memory_space<hbm>> -> memref<400x32xf32, #tpu.memory_space<hbm>>
        tpu.wait_dma2 semaphore(%run_scoped3A : memref<!tpu.dma_semaphore, #tpu.memory_space<semaphore_mem>>) src(%dma_wait3A_20 : memref<400x32xf32, #tpu.memory_space<hbm>>) dst(%arg7 : memref<400x32xf32, #tpu.memory_space<vmem>>)
        tpu.yield
      }) : () -> ()
      "tpu.region"() ({
        %run_scoped3A = tpu.sem_alloc : memref<!tpu.dma_semaphore, #tpu.memory_space<semaphore_mem>>
        %dma_start3A = arith.constant 0 : i32
        %dma_start3A_19 = arith.constant 0 : i32
        %dma_start3A_20 = tpu.memref_slice %arg8[%dma_start3A, %dma_start3A_19] : memref<50000x32xf32, #tpu.memory_space<vmem_shared>> -> memref<50000x32xf32, #tpu.memory_space<vmem_shared>>
        tpu.enqueue_indirect_dma source(%arg7 : memref<400x32xf32, #tpu.memory_space<vmem>>) target(%dma_start3A_20 : memref<50000x32xf32, #tpu.memory_space<vmem_shared>>) offsets(%arg6 : memref<400xi32, #tpu.memory_space<vmem>>) semaphore(%run_scoped3A : memref<!tpu.dma_semaphore, #tpu.memory_space<semaphore_mem>>) {add = true}
        %dma_wait3A = arith.constant 0 : i32
        %dma_wait3A_21 = arith.constant 0 : i32
        %dma_wait3A_22 = tpu.memref_slice %arg8[%dma_wait3A, %dma_wait3A_21] : memref<50000x32xf32, #tpu.memory_space<vmem_shared>> -> memref<50000x32xf32, #tpu.memory_space<vmem_shared>>
        tpu.wait_indirect_dma semaphore(%run_scoped3A : memref<!tpu.dma_semaphore, #tpu.memory_space<semaphore_mem>>) src(%arg7 : memref<400x32xf32, #tpu.memory_space<vmem>>) dst(%dma_wait3A_22 : memref<50000x32xf32, #tpu.memory_space<vmem_shared>>)
        tpu.yield
      }) : () -> ()
    }
    %scan3A_4 = arith.constant 125 : i32
    %barrier3A_5 = arith.constant 0 : index
    tpu.barrier barrier_id(%barrier3A_5)
    "tpu.region"() ({
      %run_scoped3A = tpu.sem_alloc : memref<!tpu.dma_semaphore, #tpu.memory_space<semaphore_mem>>
      %dma_start3A = arith.constant 0 : i32
      %dma_start3A_6 = tpu.memref_slice %arg5[%arg0, %mul3A_0, %dma_start3A] : memref<2x50000x32xf32, #tpu.memory_space<hbm>> -> memref<1x3125x32xf32, #tpu.memory_space<hbm>>
      %dma_start3A_7 = tpu.memref_squeeze %dma_start3A_6 : memref<1x3125x32xf32, #tpu.memory_space<hbm>> -> memref<3125x32xf32, #tpu.memory_space<hbm>>
      %dma_start3A_8 = arith.constant 0 : i32
      %dma_start3A_9 = tpu.memref_slice %arg8[%mul3A_0, %dma_start3A_8] : memref<50000x32xf32, #tpu.memory_space<vmem_shared>> -> memref<3125x32xf32, #tpu.memory_space<vmem_shared>>
      tpu.enqueue_dma source(%dma_start3A_9 : memref<3125x32xf32, #tpu.memory_space<vmem_shared>>) target(%dma_start3A_7 : memref<3125x32xf32, #tpu.memory_space<hbm>>) target_semaphore(%run_scoped3A : memref<!tpu.dma_semaphore, #tpu.memory_space<semaphore_mem>>)
      %dma_wait3A = arith.constant 0 : i32
      %dma_wait3A_10 = tpu.memref_slice %arg5[%arg0, %mul3A_0, %dma_wait3A] : memref<2x50000x32xf32, #tpu.memory_space<hbm>> -> memref<1x3125x32xf32, #tpu.memory_space<hbm>>
      %dma_wait3A_11 = tpu.memref_squeeze %dma_wait3A_10 : memref<1x3125x32xf32, #tpu.memory_space<hbm>> -> memref<3125x32xf32, #tpu.memory_space<hbm>>
      %dma_wait3A_12 = arith.constant 0 : i32
      %dma_wait3A_13 = tpu.memref_slice %arg8[%mul3A_0, %dma_wait3A_12] : memref<50000x32xf32, #tpu.memory_space<vmem_shared>> -> memref<3125x32xf32, #tpu.memory_space<vmem_shared>>
      tpu.wait_dma2 semaphore(%run_scoped3A : memref<!tpu.dma_semaphore, #tpu.memory_space<semaphore_mem>>) src(%dma_wait3A_13 : memref<3125x32xf32, #tpu.memory_space<vmem_shared>>) dst(%dma_wait3A_11 : memref<3125x32xf32, #tpu.memory_space<hbm>>)
      tpu.yield
    }) : () -> ()
    return
  }
}

#map = affine_map<(d0, d1) -> (0, 0)>
#map1 = affine_map<(d0, d1) -> (0)>
module attributes {stable_mosaic.version = 14 : i64} {
  func.func @_gather_body(%arg0: i32, %arg1: i32, %arg2: memref<50000x128xf32, #tpu.memory_space<hbm>>, %arg3: memref<800000xi32, #tpu.memory_space<hbm>>, %arg4: memref<800000xi32, #tpu.memory_space<hbm>>, %arg5: memref<800000x128xf32, #tpu.memory_space<hbm>>, %arg6: memref<800000x128xf32, #tpu.memory_space<hbm>>, %arg7: memref<1000xi32, #tpu.memory_space<vmem>>, %arg8: memref<1000xi32, #tpu.memory_space<vmem>>, %arg9: memref<1000x128xf32, #tpu.memory_space<vmem>>, %arg10: memref<!tpu.dma_semaphore, #tpu.memory_space<semaphore_mem>>) attributes {dimension_semantics = [#tpu.dimension_semantics<core_parallel>, #tpu.dimension_semantics<subcore_parallel>], iteration_bounds = array<i64: 2, 16>, scalar_prefetch = 0 : i64, scratch_operands = 4 : i64, tpu.core_type = #tpu.core_type<sc_vector_subcore>, window_params = [{transform_indices = #map}, {transform_indices = #map1}, {transform_indices = #map1}, {transform_indices = #map}, {transform_indices = #map}]} {
    %mul3A = arith.constant 2 : i32
    %mul3A_0 = arith.muli %arg1, %mul3A : i32
    %add3A = arith.addi %mul3A_0, %arg0 : i32
    %mul3A_1 = arith.constant 25000 : i32
    %mul3A_2 = arith.muli %add3A, %mul3A_1 : i32
    %scan3A = arith.constant 0 : i32
    %scan3A_3 = arith.constant 25 : i32
    %scan3A_4 = arith.addi %scan3A, %scan3A_3 : i32
    %scan3A_5 = arith.constant 1 : i32
    scf.for %scan3A_7 = %scan3A to %scan3A_4 step %scan3A_5  : i32 {
      %mul3A_8 = arith.constant 1 : i32
      %mul3A_9 = arith.muli %scan3A_7, %mul3A_8 : i32
      %add3A_10 = arith.constant 0 : i32
      %add3A_11 = arith.addi %add3A_10, %mul3A_9 : i32
      %mul3A_12 = arith.constant 1000 : i32
      %mul3A_13 = arith.muli %add3A_11, %mul3A_12 : i32
      %add3A_14 = arith.addi %mul3A_2, %mul3A_13 : i32
      "tpu.region"() ({
        %run_scoped3A = tpu.sem_alloc : memref<!tpu.dma_semaphore, #tpu.memory_space<semaphore_mem>>
        %dma_start3A_25 = tpu.memref_slice %arg3[%add3A_14] : memref<800000xi32, #tpu.memory_space<hbm>> -> memref<1000xi32, #tpu.memory_space<hbm>>
        %dma_start3A_26 = tpu.memref_slice %arg3[%add3A_14] : memref<800000xi32, #tpu.memory_space<hbm>> -> memref<1000xi32, #tpu.memory_space<hbm>>
        tpu.enqueue_dma source(%dma_start3A_26 : memref<1000xi32, #tpu.memory_space<hbm>>) target(%arg7 : memref<1000xi32, #tpu.memory_space<vmem>>) target_semaphore(%run_scoped3A : memref<!tpu.dma_semaphore, #tpu.memory_space<semaphore_mem>>)
        %dma_wait3A_27 = tpu.memref_slice %arg3[%add3A_14] : memref<800000xi32, #tpu.memory_space<hbm>> -> memref<1000xi32, #tpu.memory_space<hbm>>
        %dma_wait3A_28 = tpu.memref_slice %arg3[%add3A_14] : memref<800000xi32, #tpu.memory_space<hbm>> -> memref<1000xi32, #tpu.memory_space<hbm>>
        tpu.wait_dma2 semaphore(%run_scoped3A : memref<!tpu.dma_semaphore, #tpu.memory_space<semaphore_mem>>) src(%dma_wait3A_28 : memref<1000xi32, #tpu.memory_space<hbm>>) dst(%arg7 : memref<1000xi32, #tpu.memory_space<vmem>>)
        tpu.yield
      }) : () -> ()
      "tpu.region"() ({
        %run_scoped3A = tpu.sem_alloc : memref<!tpu.dma_semaphore, #tpu.memory_space<semaphore_mem>>
        %dma_start3A_25 = tpu.memref_slice %arg4[%add3A_14] : memref<800000xi32, #tpu.memory_space<hbm>> -> memref<1000xi32, #tpu.memory_space<hbm>>
        %dma_start3A_26 = tpu.memref_slice %arg4[%add3A_14] : memref<800000xi32, #tpu.memory_space<hbm>> -> memref<1000xi32, #tpu.memory_space<hbm>>
        tpu.enqueue_dma source(%dma_start3A_26 : memref<1000xi32, #tpu.memory_space<hbm>>) target(%arg8 : memref<1000xi32, #tpu.memory_space<vmem>>) target_semaphore(%run_scoped3A : memref<!tpu.dma_semaphore, #tpu.memory_space<semaphore_mem>>)
        %dma_wait3A_27 = tpu.memref_slice %arg4[%add3A_14] : memref<800000xi32, #tpu.memory_space<hbm>> -> memref<1000xi32, #tpu.memory_space<hbm>>
        %dma_wait3A_28 = tpu.memref_slice %arg4[%add3A_14] : memref<800000xi32, #tpu.memory_space<hbm>> -> memref<1000xi32, #tpu.memory_space<hbm>>
        tpu.wait_dma2 semaphore(%run_scoped3A : memref<!tpu.dma_semaphore, #tpu.memory_space<semaphore_mem>>) src(%dma_wait3A_28 : memref<1000xi32, #tpu.memory_space<hbm>>) dst(%arg8 : memref<1000xi32, #tpu.memory_space<vmem>>)
        tpu.yield
      }) : () -> ()
      %dma_start3A = arith.constant 0 : i32
      %dma_start3A_15 = arith.constant 0 : i32
      %dma_start3A_16 = tpu.memref_slice %arg2[%dma_start3A, %dma_start3A_15] : memref<50000x128xf32, #tpu.memory_space<hbm>> -> memref<50000x128xf32, #tpu.memory_space<hbm>>
      tpu.enqueue_indirect_dma source(%dma_start3A_16 : memref<50000x128xf32, #tpu.memory_space<hbm>>) target(%arg9 : memref<1000x128xf32, #tpu.memory_space<vmem>>) offsets(%arg7 : memref<1000xi32, #tpu.memory_space<vmem>>) semaphore(%arg10 : memref<!tpu.dma_semaphore, #tpu.memory_space<semaphore_mem>>)
      %dma_wait3A = arith.constant 0 : i32
      %dma_wait3A_17 = arith.constant 0 : i32
      %dma_wait3A_18 = tpu.memref_slice %arg2[%dma_wait3A, %dma_wait3A_17] : memref<50000x128xf32, #tpu.memory_space<hbm>> -> memref<50000x128xf32, #tpu.memory_space<hbm>>
      tpu.wait_indirect_dma semaphore(%arg10 : memref<!tpu.dma_semaphore, #tpu.memory_space<semaphore_mem>>) src(%dma_wait3A_18 : memref<50000x128xf32, #tpu.memory_space<hbm>>) dst(%arg9 : memref<1000x128xf32, #tpu.memory_space<vmem>>)
      "tpu.region"() ({
        %run_scoped3A = tpu.sem_alloc : memref<!tpu.dma_semaphore, #tpu.memory_space<semaphore_mem>>
        %dma_start3A_25 = arith.constant 0 : i32
        %dma_start3A_26 = tpu.memref_slice %arg5[%add3A_14, %dma_start3A_25] : memref<800000x128xf32, #tpu.memory_space<hbm>> -> memref<1000x128xf32, #tpu.memory_space<hbm>>
        %dma_start3A_27 = arith.constant 0 : i32
        %dma_start3A_28 = tpu.memref_slice %arg5[%add3A_14, %dma_start3A_27] : memref<800000x128xf32, #tpu.memory_space<hbm>> -> memref<1000x128xf32, #tpu.memory_space<hbm>>
        tpu.enqueue_dma source(%arg9 : memref<1000x128xf32, #tpu.memory_space<vmem>>) target(%dma_start3A_28 : memref<1000x128xf32, #tpu.memory_space<hbm>>) target_semaphore(%run_scoped3A : memref<!tpu.dma_semaphore, #tpu.memory_space<semaphore_mem>>)
        %dma_wait3A_29 = arith.constant 0 : i32
        %dma_wait3A_30 = tpu.memref_slice %arg5[%add3A_14, %dma_wait3A_29] : memref<800000x128xf32, #tpu.memory_space<hbm>> -> memref<1000x128xf32, #tpu.memory_space<hbm>>
        %dma_wait3A_31 = arith.constant 0 : i32
        %dma_wait3A_32 = tpu.memref_slice %arg5[%add3A_14, %dma_wait3A_31] : memref<800000x128xf32, #tpu.memory_space<hbm>> -> memref<1000x128xf32, #tpu.memory_space<hbm>>
        tpu.wait_dma2 semaphore(%run_scoped3A : memref<!tpu.dma_semaphore, #tpu.memory_space<semaphore_mem>>) src(%arg9 : memref<1000x128xf32, #tpu.memory_space<vmem>>) dst(%dma_wait3A_32 : memref<1000x128xf32, #tpu.memory_space<hbm>>)
        tpu.yield
      }) : () -> ()
      %dma_start3A_19 = arith.constant 0 : i32
      %dma_start3A_20 = arith.constant 0 : i32
      %dma_start3A_21 = tpu.memref_slice %arg2[%dma_start3A_19, %dma_start3A_20] : memref<50000x128xf32, #tpu.memory_space<hbm>> -> memref<50000x128xf32, #tpu.memory_space<hbm>>
      tpu.enqueue_indirect_dma source(%dma_start3A_21 : memref<50000x128xf32, #tpu.memory_space<hbm>>) target(%arg9 : memref<1000x128xf32, #tpu.memory_space<vmem>>) offsets(%arg8 : memref<1000xi32, #tpu.memory_space<vmem>>) semaphore(%arg10 : memref<!tpu.dma_semaphore, #tpu.memory_space<semaphore_mem>>)
      %dma_wait3A_22 = arith.constant 0 : i32
      %dma_wait3A_23 = arith.constant 0 : i32
      %dma_wait3A_24 = tpu.memref_slice %arg2[%dma_wait3A_22, %dma_wait3A_23] : memref<50000x128xf32, #tpu.memory_space<hbm>> -> memref<50000x128xf32, #tpu.memory_space<hbm>>
      tpu.wait_indirect_dma semaphore(%arg10 : memref<!tpu.dma_semaphore, #tpu.memory_space<semaphore_mem>>) src(%dma_wait3A_24 : memref<50000x128xf32, #tpu.memory_space<hbm>>) dst(%arg9 : memref<1000x128xf32, #tpu.memory_space<vmem>>)
      "tpu.region"() ({
        %run_scoped3A = tpu.sem_alloc : memref<!tpu.dma_semaphore, #tpu.memory_space<semaphore_mem>>
        %dma_start3A_25 = arith.constant 0 : i32
        %dma_start3A_26 = tpu.memref_slice %arg6[%add3A_14, %dma_start3A_25] : memref<800000x128xf32, #tpu.memory_space<hbm>> -> memref<1000x128xf32, #tpu.memory_space<hbm>>
        %dma_start3A_27 = arith.constant 0 : i32
        %dma_start3A_28 = tpu.memref_slice %arg6[%add3A_14, %dma_start3A_27] : memref<800000x128xf32, #tpu.memory_space<hbm>> -> memref<1000x128xf32, #tpu.memory_space<hbm>>
        tpu.enqueue_dma source(%arg9 : memref<1000x128xf32, #tpu.memory_space<vmem>>) target(%dma_start3A_28 : memref<1000x128xf32, #tpu.memory_space<hbm>>) target_semaphore(%run_scoped3A : memref<!tpu.dma_semaphore, #tpu.memory_space<semaphore_mem>>)
        %dma_wait3A_29 = arith.constant 0 : i32
        %dma_wait3A_30 = tpu.memref_slice %arg6[%add3A_14, %dma_wait3A_29] : memref<800000x128xf32, #tpu.memory_space<hbm>> -> memref<1000x128xf32, #tpu.memory_space<hbm>>
        %dma_wait3A_31 = arith.constant 0 : i32
        %dma_wait3A_32 = tpu.memref_slice %arg6[%add3A_14, %dma_wait3A_31] : memref<800000x128xf32, #tpu.memory_space<hbm>> -> memref<1000x128xf32, #tpu.memory_space<hbm>>
        tpu.wait_dma2 semaphore(%run_scoped3A : memref<!tpu.dma_semaphore, #tpu.memory_space<semaphore_mem>>) src(%arg9 : memref<1000x128xf32, #tpu.memory_space<vmem>>) dst(%dma_wait3A_32 : memref<1000x128xf32, #tpu.memory_space<hbm>>)
        tpu.yield
      }) : () -> ()
    }
    %scan3A_6 = arith.constant 25 : i32
    return
  }
}

#map = affine_map<(d0, d1) -> (0, 0)>
#map1 = affine_map<(d0, d1) -> (0)>
module attributes {stable_mosaic.version = 14 : i64} {
  func.func @_gather_body(%arg0: i32, %arg1: i32, %arg2: memref<50000x128xf32, #tpu.memory_space<hbm>>, %arg3: memref<800000xi32, #tpu.memory_space<hbm>>, %arg4: memref<800000xi32, #tpu.memory_space<hbm>>, %arg5: memref<800000x128xf32, #tpu.memory_space<hbm>>, %arg6: memref<800000x128xf32, #tpu.memory_space<hbm>>, %arg7: memref<1000xi32, #tpu.memory_space<vmem>>, %arg8: memref<1000xi32, #tpu.memory_space<vmem>>, %arg9: memref<1000x128xf32, #tpu.memory_space<vmem>>, %arg10: memref<!tpu.dma_semaphore, #tpu.memory_space<semaphore_mem>>) attributes {dimension_semantics = [#tpu.dimension_semantics<core_parallel>, #tpu.dimension_semantics<subcore_parallel>], iteration_bounds = array<i64: 2, 16>, scalar_prefetch = 0 : i64, scratch_operands = 4 : i64, tpu.core_type = #tpu.core_type<sc_vector_subcore>, window_params = [{transform_indices = #map}, {transform_indices = #map1}, {transform_indices = #map1}, {transform_indices = #map}, {transform_indices = #map}]} {
    %mul3A = arith.constant 2 : i32
    %mul3A_0 = arith.muli %arg1, %mul3A : i32
    %add3A = arith.addi %mul3A_0, %arg0 : i32
    %mul3A_1 = arith.constant 25000 : i32
    %mul3A_2 = arith.muli %add3A, %mul3A_1 : i32
    %scan3A = arith.constant 0 : i32
    %scan3A_3 = arith.constant 25 : i32
    %scan3A_4 = arith.addi %scan3A, %scan3A_3 : i32
    %scan3A_5 = arith.constant 1 : i32
    scf.for %scan3A_7 = %scan3A to %scan3A_4 step %scan3A_5  : i32 {
      %mul3A_8 = arith.constant 1 : i32
      %mul3A_9 = arith.muli %scan3A_7, %mul3A_8 : i32
      %add3A_10 = arith.constant 0 : i32
      %add3A_11 = arith.addi %add3A_10, %mul3A_9 : i32
      %mul3A_12 = arith.constant 1000 : i32
      %mul3A_13 = arith.muli %add3A_11, %mul3A_12 : i32
      %add3A_14 = arith.addi %mul3A_2, %mul3A_13 : i32
      "tpu.region"() ({
        %run_scoped3A = tpu.sem_alloc : memref<!tpu.dma_semaphore, #tpu.memory_space<semaphore_mem>>
        %dma_start3A_25 = tpu.memref_slice %arg3[%add3A_14] : memref<800000xi32, #tpu.memory_space<hbm>> -> memref<1000xi32, #tpu.memory_space<hbm>>
        %dma_start3A_26 = tpu.memref_slice %arg3[%add3A_14] : memref<800000xi32, #tpu.memory_space<hbm>> -> memref<1000xi32, #tpu.memory_space<hbm>>
        tpu.enqueue_dma source(%dma_start3A_26 : memref<1000xi32, #tpu.memory_space<hbm>>) target(%arg7 : memref<1000xi32, #tpu.memory_space<vmem>>) target_semaphore(%run_scoped3A : memref<!tpu.dma_semaphore, #tpu.memory_space<semaphore_mem>>)
        %dma_wait3A_27 = tpu.memref_slice %arg3[%add3A_14] : memref<800000xi32, #tpu.memory_space<hbm>> -> memref<1000xi32, #tpu.memory_space<hbm>>
        %dma_wait3A_28 = tpu.memref_slice %arg3[%add3A_14] : memref<800000xi32, #tpu.memory_space<hbm>> -> memref<1000xi32, #tpu.memory_space<hbm>>
        tpu.wait_dma2 semaphore(%run_scoped3A : memref<!tpu.dma_semaphore, #tpu.memory_space<semaphore_mem>>) src(%dma_wait3A_28 : memref<1000xi32, #tpu.memory_space<hbm>>) dst(%arg7 : memref<1000xi32, #tpu.memory_space<vmem>>)
        tpu.yield
      }) : () -> ()
      "tpu.region"() ({
        %run_scoped3A = tpu.sem_alloc : memref<!tpu.dma_semaphore, #tpu.memory_space<semaphore_mem>>
        %dma_start3A_25 = tpu.memref_slice %arg4[%add3A_14] : memref<800000xi32, #tpu.memory_space<hbm>> -> memref<1000xi32, #tpu.memory_space<hbm>>
        %dma_start3A_26 = tpu.memref_slice %arg4[%add3A_14] : memref<800000xi32, #tpu.memory_space<hbm>> -> memref<1000xi32, #tpu.memory_space<hbm>>
        tpu.enqueue_dma source(%dma_start3A_26 : memref<1000xi32, #tpu.memory_space<hbm>>) target(%arg8 : memref<1000xi32, #tpu.memory_space<vmem>>) target_semaphore(%run_scoped3A : memref<!tpu.dma_semaphore, #tpu.memory_space<semaphore_mem>>)
        %dma_wait3A_27 = tpu.memref_slice %arg4[%add3A_14] : memref<800000xi32, #tpu.memory_space<hbm>> -> memref<1000xi32, #tpu.memory_space<hbm>>
        %dma_wait3A_28 = tpu.memref_slice %arg4[%add3A_14] : memref<800000xi32, #tpu.memory_space<hbm>> -> memref<1000xi32, #tpu.memory_space<hbm>>
        tpu.wait_dma2 semaphore(%run_scoped3A : memref<!tpu.dma_semaphore, #tpu.memory_space<semaphore_mem>>) src(%dma_wait3A_28 : memref<1000xi32, #tpu.memory_space<hbm>>) dst(%arg8 : memref<1000xi32, #tpu.memory_space<vmem>>)
        tpu.yield
      }) : () -> ()
      %dma_start3A = arith.constant 0 : i32
      %dma_start3A_15 = arith.constant 0 : i32
      %dma_start3A_16 = tpu.memref_slice %arg2[%dma_start3A, %dma_start3A_15] : memref<50000x128xf32, #tpu.memory_space<hbm>> -> memref<50000x128xf32, #tpu.memory_space<hbm>>
      tpu.enqueue_indirect_dma source(%dma_start3A_16 : memref<50000x128xf32, #tpu.memory_space<hbm>>) target(%arg9 : memref<1000x128xf32, #tpu.memory_space<vmem>>) offsets(%arg7 : memref<1000xi32, #tpu.memory_space<vmem>>) semaphore(%arg10 : memref<!tpu.dma_semaphore, #tpu.memory_space<semaphore_mem>>)
      %dma_wait3A = arith.constant 0 : i32
      %dma_wait3A_17 = arith.constant 0 : i32
      %dma_wait3A_18 = tpu.memref_slice %arg2[%dma_wait3A, %dma_wait3A_17] : memref<50000x128xf32, #tpu.memory_space<hbm>> -> memref<50000x128xf32, #tpu.memory_space<hbm>>
      tpu.wait_indirect_dma semaphore(%arg10 : memref<!tpu.dma_semaphore, #tpu.memory_space<semaphore_mem>>) src(%dma_wait3A_18 : memref<50000x128xf32, #tpu.memory_space<hbm>>) dst(%arg9 : memref<1000x128xf32, #tpu.memory_space<vmem>>)
      "tpu.region"() ({
        %run_scoped3A = tpu.sem_alloc : memref<!tpu.dma_semaphore, #tpu.memory_space<semaphore_mem>>
        %dma_start3A_25 = arith.constant 0 : i32
        %dma_start3A_26 = tpu.memref_slice %arg5[%add3A_14, %dma_start3A_25] : memref<800000x128xf32, #tpu.memory_space<hbm>> -> memref<1000x128xf32, #tpu.memory_space<hbm>>
        %dma_start3A_27 = arith.constant 0 : i32
        %dma_start3A_28 = tpu.memref_slice %arg5[%add3A_14, %dma_start3A_27] : memref<800000x128xf32, #tpu.memory_space<hbm>> -> memref<1000x128xf32, #tpu.memory_space<hbm>>
        tpu.enqueue_dma source(%arg9 : memref<1000x128xf32, #tpu.memory_space<vmem>>) target(%dma_start3A_28 : memref<1000x128xf32, #tpu.memory_space<hbm>>) target_semaphore(%run_scoped3A : memref<!tpu.dma_semaphore, #tpu.memory_space<semaphore_mem>>)
        %dma_wait3A_29 = arith.constant 0 : i32
        %dma_wait3A_30 = tpu.memref_slice %arg5[%add3A_14, %dma_wait3A_29] : memref<800000x128xf32, #tpu.memory_space<hbm>> -> memref<1000x128xf32, #tpu.memory_space<hbm>>
        %dma_wait3A_31 = arith.constant 0 : i32
        %dma_wait3A_32 = tpu.memref_slice %arg5[%add3A_14, %dma_wait3A_31] : memref<800000x128xf32, #tpu.memory_space<hbm>> -> memref<1000x128xf32, #tpu.memory_space<hbm>>
        tpu.wait_dma2 semaphore(%run_scoped3A : memref<!tpu.dma_semaphore, #tpu.memory_space<semaphore_mem>>) src(%arg9 : memref<1000x128xf32, #tpu.memory_space<vmem>>) dst(%dma_wait3A_32 : memref<1000x128xf32, #tpu.memory_space<hbm>>)
        tpu.yield
      }) : () -> ()
      %dma_start3A_19 = arith.constant 0 : i32
      %dma_start3A_20 = arith.constant 0 : i32
      %dma_start3A_21 = tpu.memref_slice %arg2[%dma_start3A_19, %dma_start3A_20] : memref<50000x128xf32, #tpu.memory_space<hbm>> -> memref<50000x128xf32, #tpu.memory_space<hbm>>
      tpu.enqueue_indirect_dma source(%dma_start3A_21 : memref<50000x128xf32, #tpu.memory_space<hbm>>) target(%arg9 : memref<1000x128xf32, #tpu.memory_space<vmem>>) offsets(%arg8 : memref<1000xi32, #tpu.memory_space<vmem>>) semaphore(%arg10 : memref<!tpu.dma_semaphore, #tpu.memory_space<semaphore_mem>>)
      %dma_wait3A_22 = arith.constant 0 : i32
      %dma_wait3A_23 = arith.constant 0 : i32
      %dma_wait3A_24 = tpu.memref_slice %arg2[%dma_wait3A_22, %dma_wait3A_23] : memref<50000x128xf32, #tpu.memory_space<hbm>> -> memref<50000x128xf32, #tpu.memory_space<hbm>>
      tpu.wait_indirect_dma semaphore(%arg10 : memref<!tpu.dma_semaphore, #tpu.memory_space<semaphore_mem>>) src(%dma_wait3A_24 : memref<50000x128xf32, #tpu.memory_space<hbm>>) dst(%arg9 : memref<1000x128xf32, #tpu.memory_space<vmem>>)
      "tpu.region"() ({
        %run_scoped3A = tpu.sem_alloc : memref<!tpu.dma_semaphore, #tpu.memory_space<semaphore_mem>>
        %dma_start3A_25 = arith.constant 0 : i32
        %dma_start3A_26 = tpu.memref_slice %arg6[%add3A_14, %dma_start3A_25] : memref<800000x128xf32, #tpu.memory_space<hbm>> -> memref<1000x128xf32, #tpu.memory_space<hbm>>
        %dma_start3A_27 = arith.constant 0 : i32
        %dma_start3A_28 = tpu.memref_slice %arg6[%add3A_14, %dma_start3A_27] : memref<800000x128xf32, #tpu.memory_space<hbm>> -> memref<1000x128xf32, #tpu.memory_space<hbm>>
        tpu.enqueue_dma source(%arg9 : memref<1000x128xf32, #tpu.memory_space<vmem>>) target(%dma_start3A_28 : memref<1000x128xf32, #tpu.memory_space<hbm>>) target_semaphore(%run_scoped3A : memref<!tpu.dma_semaphore, #tpu.memory_space<semaphore_mem>>)
        %dma_wait3A_29 = arith.constant 0 : i32
        %dma_wait3A_30 = tpu.memref_slice %arg6[%add3A_14, %dma_wait3A_29] : memref<800000x128xf32, #tpu.memory_space<hbm>> -> memref<1000x128xf32, #tpu.memory_space<hbm>>
        %dma_wait3A_31 = arith.constant 0 : i32
        %dma_wait3A_32 = tpu.memref_slice %arg6[%add3A_14, %dma_wait3A_31] : memref<800000x128xf32, #tpu.memory_space<hbm>> -> memref<1000x128xf32, #tpu.memory_space<hbm>>
        tpu.wait_dma2 semaphore(%run_scoped3A : memref<!tpu.dma_semaphore, #tpu.memory_space<semaphore_mem>>) src(%arg9 : memref<1000x128xf32, #tpu.memory_space<vmem>>) dst(%dma_wait3A_32 : memref<1000x128xf32, #tpu.memory_space<hbm>>)
        tpu.yield
      }) : () -> ()
    }
    %scan3A_6 = arith.constant 25 : i32
    return
  }
}

#map = affine_map<(d0, d1) -> (0, 0)>
#map1 = affine_map<(d0, d1) -> (0)>
#map2 = affine_map<(d0, d1) -> (0, 0, 0)>
module attributes {stable_mosaic.version = 14 : i64} {
  func.func @_scat_body(%arg0: i32, %arg1: i32, %arg2: memref<800000x128xf32, #tpu.memory_space<hbm>>, %arg3: memref<800000xi32, #tpu.memory_space<hbm>>, %arg4: memref<50000x32xf32, #tpu.memory_space<hbm>>, %arg5: memref<2x50000x32xf32, #tpu.memory_space<hbm>>, %arg6: memref<400xi32, #tpu.memory_space<vmem>>, %arg7: memref<400x32xf32, #tpu.memory_space<vmem>>, %arg8: memref<50000x32xf32, #tpu.memory_space<vmem_shared>>, %arg9: memref<!tpu.dma_semaphore, #tpu.memory_space<semaphore_mem>>) attributes {dimension_semantics = [#tpu.dimension_semantics<core_parallel>, #tpu.dimension_semantics<subcore_parallel>], iteration_bounds = array<i64: 2, 16>, scalar_prefetch = 0 : i64, scratch_operands = 4 : i64, tpu.core_type = #tpu.core_type<sc_vector_subcore>, window_params = [{transform_indices = #map}, {transform_indices = #map1}, {transform_indices = #map}, {transform_indices = #map2}]} {
    %mul3A = arith.constant 3125 : i32
    %mul3A_0 = arith.muli %arg1, %mul3A : i32
    "tpu.region"() ({
      %run_scoped3A = tpu.sem_alloc : memref<!tpu.dma_semaphore, #tpu.memory_space<semaphore_mem>>
      %dma_start3A = arith.constant 0 : i32
      %dma_start3A_6 = tpu.memref_slice %arg8[%mul3A_0, %dma_start3A] : memref<50000x32xf32, #tpu.memory_space<vmem_shared>> -> memref<3125x32xf32, #tpu.memory_space<vmem_shared>>
      %dma_start3A_7 = arith.constant 0 : i32
      %dma_start3A_8 = tpu.memref_slice %arg4[%mul3A_0, %dma_start3A_7] : memref<50000x32xf32, #tpu.memory_space<hbm>> -> memref<3125x32xf32, #tpu.memory_space<hbm>>
      tpu.enqueue_dma source(%dma_start3A_8 : memref<3125x32xf32, #tpu.memory_space<hbm>>) target(%dma_start3A_6 : memref<3125x32xf32, #tpu.memory_space<vmem_shared>>) target_semaphore(%run_scoped3A : memref<!tpu.dma_semaphore, #tpu.memory_space<semaphore_mem>>)
      %dma_wait3A = arith.constant 0 : i32
      %dma_wait3A_9 = tpu.memref_slice %arg8[%mul3A_0, %dma_wait3A] : memref<50000x32xf32, #tpu.memory_space<vmem_shared>> -> memref<3125x32xf32, #tpu.memory_space<vmem_shared>>
      %dma_wait3A_10 = arith.constant 0 : i32
      %dma_wait3A_11 = tpu.memref_slice %arg4[%mul3A_0, %dma_wait3A_10] : memref<50000x32xf32, #tpu.memory_space<hbm>> -> memref<3125x32xf32, #tpu.memory_space<hbm>>
      tpu.wait_dma2 semaphore(%run_scoped3A : memref<!tpu.dma_semaphore, #tpu.memory_space<semaphore_mem>>) src(%dma_wait3A_11 : memref<3125x32xf32, #tpu.memory_space<hbm>>) dst(%dma_wait3A_9 : memref<3125x32xf32, #tpu.memory_space<vmem_shared>>)
      tpu.yield
    }) : () -> ()
    %barrier3A = arith.constant 0 : index
    tpu.barrier barrier_id(%barrier3A)
    %scan3A = arith.constant 0 : i32
    %scan3A_1 = arith.constant 125 : i32
    %scan3A_2 = arith.addi %scan3A, %scan3A_1 : i32
    %scan3A_3 = arith.constant 1 : i32
    scf.for %scan3A_6 = %scan3A to %scan3A_2 step %scan3A_3  : i32 {
      %mul3A_7 = arith.constant 1 : i32
      %mul3A_8 = arith.muli %scan3A_6, %mul3A_7 : i32
      %add3A = arith.constant 0 : i32
      %add3A_9 = arith.addi %add3A, %mul3A_8 : i32
      %mul3A_10 = arith.constant 50000 : i32
      %mul3A_11 = arith.muli %arg1, %mul3A_10 : i32
      %mul3A_12 = arith.constant 400 : i32
      %mul3A_13 = arith.muli %add3A_9, %mul3A_12 : i32
      %add3A_14 = arith.addi %mul3A_11, %mul3A_13 : i32
      "tpu.region"() ({
        %run_scoped3A = tpu.sem_alloc : memref<!tpu.dma_semaphore, #tpu.memory_space<semaphore_mem>>
        %dma_start3A = tpu.memref_slice %arg3[%add3A_14] : memref<800000xi32, #tpu.memory_space<hbm>> -> memref<400xi32, #tpu.memory_space<hbm>>
        %dma_start3A_19 = tpu.memref_slice %arg3[%add3A_14] : memref<800000xi32, #tpu.memory_space<hbm>> -> memref<400xi32, #tpu.memory_space<hbm>>
        tpu.enqueue_dma source(%dma_start3A_19 : memref<400xi32, #tpu.memory_space<hbm>>) target(%arg6 : memref<400xi32, #tpu.memory_space<vmem>>) target_semaphore(%run_scoped3A : memref<!tpu.dma_semaphore, #tpu.memory_space<semaphore_mem>>)
        %dma_wait3A = tpu.memref_slice %arg3[%add3A_14] : memref<800000xi32, #tpu.memory_space<hbm>> -> memref<400xi32, #tpu.memory_space<hbm>>
        %dma_wait3A_20 = tpu.memref_slice %arg3[%add3A_14] : memref<800000xi32, #tpu.memory_space<hbm>> -> memref<400xi32, #tpu.memory_space<hbm>>
        tpu.wait_dma2 semaphore(%run_scoped3A : memref<!tpu.dma_semaphore, #tpu.memory_space<semaphore_mem>>) src(%dma_wait3A_20 : memref<400xi32, #tpu.memory_space<hbm>>) dst(%arg6 : memref<400xi32, #tpu.memory_space<vmem>>)
        tpu.yield
      }) : () -> ()
      %mul3A_15 = arith.constant 32 : i32
      %mul3A_16 = arith.muli %arg0, %mul3A_15 : i32
      %add3A_17 = arith.constant 0 : i32
      %add3A_18 = arith.addi %add3A_17, %mul3A_16 : i32
      "tpu.region"() ({
        %run_scoped3A = tpu.sem_alloc : memref<!tpu.dma_semaphore, #tpu.memory_space<semaphore_mem>>
        %dma_start3A = tpu.memref_slice %arg2[%add3A_14, %add3A_18] : memref<800000x128xf32, #tpu.memory_space<hbm>> -> memref<400x32xf32, #tpu.memory_space<hbm>>
        %dma_start3A_19 = tpu.memref_slice %arg2[%add3A_14, %add3A_18] : memref<800000x128xf32, #tpu.memory_space<hbm>> -> memref<400x32xf32, #tpu.memory_space<hbm>>
        tpu.enqueue_dma source(%dma_start3A_19 : memref<400x32xf32, #tpu.memory_space<hbm>>) target(%arg7 : memref<400x32xf32, #tpu.memory_space<vmem>>) target_semaphore(%run_scoped3A : memref<!tpu.dma_semaphore, #tpu.memory_space<semaphore_mem>>)
        %dma_wait3A = tpu.memref_slice %arg2[%add3A_14, %add3A_18] : memref<800000x128xf32, #tpu.memory_space<hbm>> -> memref<400x32xf32, #tpu.memory_space<hbm>>
        %dma_wait3A_20 = tpu.memref_slice %arg2[%add3A_14, %add3A_18] : memref<800000x128xf32, #tpu.memory_space<hbm>> -> memref<400x32xf32, #tpu.memory_space<hbm>>
        tpu.wait_dma2 semaphore(%run_scoped3A : memref<!tpu.dma_semaphore, #tpu.memory_space<semaphore_mem>>) src(%dma_wait3A_20 : memref<400x32xf32, #tpu.memory_space<hbm>>) dst(%arg7 : memref<400x32xf32, #tpu.memory_space<vmem>>)
        tpu.yield
      }) : () -> ()
      "tpu.region"() ({
        %run_scoped3A = tpu.sem_alloc : memref<!tpu.dma_semaphore, #tpu.memory_space<semaphore_mem>>
        %dma_start3A = arith.constant 0 : i32
        %dma_start3A_19 = arith.constant 0 : i32
        %dma_start3A_20 = tpu.memref_slice %arg8[%dma_start3A, %dma_start3A_19] : memref<50000x32xf32, #tpu.memory_space<vmem_shared>> -> memref<50000x32xf32, #tpu.memory_space<vmem_shared>>
        tpu.enqueue_indirect_dma source(%arg7 : memref<400x32xf32, #tpu.memory_space<vmem>>) target(%dma_start3A_20 : memref<50000x32xf32, #tpu.memory_space<vmem_shared>>) offsets(%arg6 : memref<400xi32, #tpu.memory_space<vmem>>) semaphore(%run_scoped3A : memref<!tpu.dma_semaphore, #tpu.memory_space<semaphore_mem>>) {add = true}
        %dma_wait3A = arith.constant 0 : i32
        %dma_wait3A_21 = arith.constant 0 : i32
        %dma_wait3A_22 = tpu.memref_slice %arg8[%dma_wait3A, %dma_wait3A_21] : memref<50000x32xf32, #tpu.memory_space<vmem_shared>> -> memref<50000x32xf32, #tpu.memory_space<vmem_shared>>
        tpu.wait_indirect_dma semaphore(%run_scoped3A : memref<!tpu.dma_semaphore, #tpu.memory_space<semaphore_mem>>) src(%arg7 : memref<400x32xf32, #tpu.memory_space<vmem>>) dst(%dma_wait3A_22 : memref<50000x32xf32, #tpu.memory_space<vmem_shared>>)
        tpu.yield
      }) : () -> ()
    }
    %scan3A_4 = arith.constant 125 : i32
    %barrier3A_5 = arith.constant 0 : index
    tpu.barrier barrier_id(%barrier3A_5)
    "tpu.region"() ({
      %run_scoped3A = tpu.sem_alloc : memref<!tpu.dma_semaphore, #tpu.memory_space<semaphore_mem>>
      %dma_start3A = arith.constant 0 : i32
      %dma_start3A_6 = tpu.memref_slice %arg5[%arg0, %mul3A_0, %dma_start3A] : memref<2x50000x32xf32, #tpu.memory_space<hbm>> -> memref<1x3125x32xf32, #tpu.memory_space<hbm>>
      %dma_start3A_7 = tpu.memref_squeeze %dma_start3A_6 : memref<1x3125x32xf32, #tpu.memory_space<hbm>> -> memref<3125x32xf32, #tpu.memory_space<hbm>>
      %dma_start3A_8 = arith.constant 0 : i32
      %dma_start3A_9 = tpu.memref_slice %arg8[%mul3A_0, %dma_start3A_8] : memref<50000x32xf32, #tpu.memory_space<vmem_shared>> -> memref<3125x32xf32, #tpu.memory_space<vmem_shared>>
      tpu.enqueue_dma source(%dma_start3A_9 : memref<3125x32xf32, #tpu.memory_space<vmem_shared>>) target(%dma_start3A_7 : memref<3125x32xf32, #tpu.memory_space<hbm>>) target_semaphore(%run_scoped3A : memref<!tpu.dma_semaphore, #tpu.memory_space<semaphore_mem>>)
      %dma_wait3A = arith.constant 0 : i32
      %dma_wait3A_10 = tpu.memref_slice %arg5[%arg0, %mul3A_0, %dma_wait3A] : memref<2x50000x32xf32, #tpu.memory_space<hbm>> -> memref<1x3125x32xf32, #tpu.memory_space<hbm>>
      %dma_wait3A_11 = tpu.memref_squeeze %dma_wait3A_10 : memref<1x3125x32xf32, #tpu.memory_space<hbm>> -> memref<3125x32xf32, #tpu.memory_space<hbm>>
      %dma_wait3A_12 = arith.constant 0 : i32
      %dma_wait3A_13 = tpu.memref_slice %arg8[%mul3A_0, %dma_wait3A_12] : memref<50000x32xf32, #tpu.memory_space<vmem_shared>> -> memref<3125x32xf32, #tpu.memory_space<vmem_shared>>
      tpu.wait_dma2 semaphore(%run_scoped3A : memref<!tpu.dma_semaphore, #tpu.memory_space<semaphore_mem>>) src(%dma_wait3A_13 : memref<3125x32xf32, #tpu.memory_space<vmem_shared>>) dst(%dma_wait3A_11 : memref<3125x32xf32, #tpu.memory_space<hbm>>)
      tpu.yield
    }) : () -> ()
    return
  }
}

#map = affine_map<(d0, d1) -> (0, 0)>
#map1 = affine_map<(d0, d1) -> (0)>
#map2 = affine_map<(d0, d1) -> (0, 0, 0)>
module attributes {stable_mosaic.version = 14 : i64} {
  func.func @_scat_body(%arg0: i32, %arg1: i32, %arg2: memref<800000x128xf32, #tpu.memory_space<hbm>>, %arg3: memref<800000xi32, #tpu.memory_space<hbm>>, %arg4: memref<50000x32xf32, #tpu.memory_space<hbm>>, %arg5: memref<2x50000x32xf32, #tpu.memory_space<hbm>>, %arg6: memref<400xi32, #tpu.memory_space<vmem>>, %arg7: memref<400x32xf32, #tpu.memory_space<vmem>>, %arg8: memref<50000x32xf32, #tpu.memory_space<vmem_shared>>, %arg9: memref<!tpu.dma_semaphore, #tpu.memory_space<semaphore_mem>>) attributes {dimension_semantics = [#tpu.dimension_semantics<core_parallel>, #tpu.dimension_semantics<subcore_parallel>], iteration_bounds = array<i64: 2, 16>, scalar_prefetch = 0 : i64, scratch_operands = 4 : i64, tpu.core_type = #tpu.core_type<sc_vector_subcore>, window_params = [{transform_indices = #map}, {transform_indices = #map1}, {transform_indices = #map}, {transform_indices = #map2}]} {
    %mul3A = arith.constant 3125 : i32
    %mul3A_0 = arith.muli %arg1, %mul3A : i32
    "tpu.region"() ({
      %run_scoped3A = tpu.sem_alloc : memref<!tpu.dma_semaphore, #tpu.memory_space<semaphore_mem>>
      %dma_start3A = arith.constant 0 : i32
      %dma_start3A_6 = tpu.memref_slice %arg8[%mul3A_0, %dma_start3A] : memref<50000x32xf32, #tpu.memory_space<vmem_shared>> -> memref<3125x32xf32, #tpu.memory_space<vmem_shared>>
      %dma_start3A_7 = arith.constant 0 : i32
      %dma_start3A_8 = tpu.memref_slice %arg4[%mul3A_0, %dma_start3A_7] : memref<50000x32xf32, #tpu.memory_space<hbm>> -> memref<3125x32xf32, #tpu.memory_space<hbm>>
      tpu.enqueue_dma source(%dma_start3A_8 : memref<3125x32xf32, #tpu.memory_space<hbm>>) target(%dma_start3A_6 : memref<3125x32xf32, #tpu.memory_space<vmem_shared>>) target_semaphore(%run_scoped3A : memref<!tpu.dma_semaphore, #tpu.memory_space<semaphore_mem>>)
      %dma_wait3A = arith.constant 0 : i32
      %dma_wait3A_9 = tpu.memref_slice %arg8[%mul3A_0, %dma_wait3A] : memref<50000x32xf32, #tpu.memory_space<vmem_shared>> -> memref<3125x32xf32, #tpu.memory_space<vmem_shared>>
      %dma_wait3A_10 = arith.constant 0 : i32
      %dma_wait3A_11 = tpu.memref_slice %arg4[%mul3A_0, %dma_wait3A_10] : memref<50000x32xf32, #tpu.memory_space<hbm>> -> memref<3125x32xf32, #tpu.memory_space<hbm>>
      tpu.wait_dma2 semaphore(%run_scoped3A : memref<!tpu.dma_semaphore, #tpu.memory_space<semaphore_mem>>) src(%dma_wait3A_11 : memref<3125x32xf32, #tpu.memory_space<hbm>>) dst(%dma_wait3A_9 : memref<3125x32xf32, #tpu.memory_space<vmem_shared>>)
      tpu.yield
    }) : () -> ()
    %barrier3A = arith.constant 0 : index
    tpu.barrier barrier_id(%barrier3A)
    %scan3A = arith.constant 0 : i32
    %scan3A_1 = arith.constant 125 : i32
    %scan3A_2 = arith.addi %scan3A, %scan3A_1 : i32
    %scan3A_3 = arith.constant 1 : i32
    scf.for %scan3A_6 = %scan3A to %scan3A_2 step %scan3A_3  : i32 {
      %mul3A_7 = arith.constant 1 : i32
      %mul3A_8 = arith.muli %scan3A_6, %mul3A_7 : i32
      %add3A = arith.constant 0 : i32
      %add3A_9 = arith.addi %add3A, %mul3A_8 : i32
      %mul3A_10 = arith.constant 50000 : i32
      %mul3A_11 = arith.muli %arg1, %mul3A_10 : i32
      %mul3A_12 = arith.constant 400 : i32
      %mul3A_13 = arith.muli %add3A_9, %mul3A_12 : i32
      %add3A_14 = arith.addi %mul3A_11, %mul3A_13 : i32
      "tpu.region"() ({
        %run_scoped3A = tpu.sem_alloc : memref<!tpu.dma_semaphore, #tpu.memory_space<semaphore_mem>>
        %dma_start3A = tpu.memref_slice %arg3[%add3A_14] : memref<800000xi32, #tpu.memory_space<hbm>> -> memref<400xi32, #tpu.memory_space<hbm>>
        %dma_start3A_19 = tpu.memref_slice %arg3[%add3A_14] : memref<800000xi32, #tpu.memory_space<hbm>> -> memref<400xi32, #tpu.memory_space<hbm>>
        tpu.enqueue_dma source(%dma_start3A_19 : memref<400xi32, #tpu.memory_space<hbm>>) target(%arg6 : memref<400xi32, #tpu.memory_space<vmem>>) target_semaphore(%run_scoped3A : memref<!tpu.dma_semaphore, #tpu.memory_space<semaphore_mem>>)
        %dma_wait3A = tpu.memref_slice %arg3[%add3A_14] : memref<800000xi32, #tpu.memory_space<hbm>> -> memref<400xi32, #tpu.memory_space<hbm>>
        %dma_wait3A_20 = tpu.memref_slice %arg3[%add3A_14] : memref<800000xi32, #tpu.memory_space<hbm>> -> memref<400xi32, #tpu.memory_space<hbm>>
        tpu.wait_dma2 semaphore(%run_scoped3A : memref<!tpu.dma_semaphore, #tpu.memory_space<semaphore_mem>>) src(%dma_wait3A_20 : memref<400xi32, #tpu.memory_space<hbm>>) dst(%arg6 : memref<400xi32, #tpu.memory_space<vmem>>)
        tpu.yield
      }) : () -> ()
      %mul3A_15 = arith.constant 32 : i32
      %mul3A_16 = arith.muli %arg0, %mul3A_15 : i32
      %add3A_17 = arith.constant 64 : i32
      %add3A_18 = arith.addi %add3A_17, %mul3A_16 : i32
      "tpu.region"() ({
        %run_scoped3A = tpu.sem_alloc : memref<!tpu.dma_semaphore, #tpu.memory_space<semaphore_mem>>
        %dma_start3A = tpu.memref_slice %arg2[%add3A_14, %add3A_18] : memref<800000x128xf32, #tpu.memory_space<hbm>> -> memref<400x32xf32, #tpu.memory_space<hbm>>
        %dma_start3A_19 = tpu.memref_slice %arg2[%add3A_14, %add3A_18] : memref<800000x128xf32, #tpu.memory_space<hbm>> -> memref<400x32xf32, #tpu.memory_space<hbm>>
        tpu.enqueue_dma source(%dma_start3A_19 : memref<400x32xf32, #tpu.memory_space<hbm>>) target(%arg7 : memref<400x32xf32, #tpu.memory_space<vmem>>) target_semaphore(%run_scoped3A : memref<!tpu.dma_semaphore, #tpu.memory_space<semaphore_mem>>)
        %dma_wait3A = tpu.memref_slice %arg2[%add3A_14, %add3A_18] : memref<800000x128xf32, #tpu.memory_space<hbm>> -> memref<400x32xf32, #tpu.memory_space<hbm>>
        %dma_wait3A_20 = tpu.memref_slice %arg2[%add3A_14, %add3A_18] : memref<800000x128xf32, #tpu.memory_space<hbm>> -> memref<400x32xf32, #tpu.memory_space<hbm>>
        tpu.wait_dma2 semaphore(%run_scoped3A : memref<!tpu.dma_semaphore, #tpu.memory_space<semaphore_mem>>) src(%dma_wait3A_20 : memref<400x32xf32, #tpu.memory_space<hbm>>) dst(%arg7 : memref<400x32xf32, #tpu.memory_space<vmem>>)
        tpu.yield
      }) : () -> ()
      "tpu.region"() ({
        %run_scoped3A = tpu.sem_alloc : memref<!tpu.dma_semaphore, #tpu.memory_space<semaphore_mem>>
        %dma_start3A = arith.constant 0 : i32
        %dma_start3A_19 = arith.constant 0 : i32
        %dma_start3A_20 = tpu.memref_slice %arg8[%dma_start3A, %dma_start3A_19] : memref<50000x32xf32, #tpu.memory_space<vmem_shared>> -> memref<50000x32xf32, #tpu.memory_space<vmem_shared>>
        tpu.enqueue_indirect_dma source(%arg7 : memref<400x32xf32, #tpu.memory_space<vmem>>) target(%dma_start3A_20 : memref<50000x32xf32, #tpu.memory_space<vmem_shared>>) offsets(%arg6 : memref<400xi32, #tpu.memory_space<vmem>>) semaphore(%run_scoped3A : memref<!tpu.dma_semaphore, #tpu.memory_space<semaphore_mem>>) {add = true}
        %dma_wait3A = arith.constant 0 : i32
        %dma_wait3A_21 = arith.constant 0 : i32
        %dma_wait3A_22 = tpu.memref_slice %arg8[%dma_wait3A, %dma_wait3A_21] : memref<50000x32xf32, #tpu.memory_space<vmem_shared>> -> memref<50000x32xf32, #tpu.memory_space<vmem_shared>>
        tpu.wait_indirect_dma semaphore(%run_scoped3A : memref<!tpu.dma_semaphore, #tpu.memory_space<semaphore_mem>>) src(%arg7 : memref<400x32xf32, #tpu.memory_space<vmem>>) dst(%dma_wait3A_22 : memref<50000x32xf32, #tpu.memory_space<vmem_shared>>)
        tpu.yield
      }) : () -> ()
    }
    %scan3A_4 = arith.constant 125 : i32
    %barrier3A_5 = arith.constant 0 : index
    tpu.barrier barrier_id(%barrier3A_5)
    "tpu.region"() ({
      %run_scoped3A = tpu.sem_alloc : memref<!tpu.dma_semaphore, #tpu.memory_space<semaphore_mem>>
      %dma_start3A = arith.constant 0 : i32
      %dma_start3A_6 = tpu.memref_slice %arg5[%arg0, %mul3A_0, %dma_start3A] : memref<2x50000x32xf32, #tpu.memory_space<hbm>> -> memref<1x3125x32xf32, #tpu.memory_space<hbm>>
      %dma_start3A_7 = tpu.memref_squeeze %dma_start3A_6 : memref<1x3125x32xf32, #tpu.memory_space<hbm>> -> memref<3125x32xf32, #tpu.memory_space<hbm>>
      %dma_start3A_8 = arith.constant 0 : i32
      %dma_start3A_9 = tpu.memref_slice %arg8[%mul3A_0, %dma_start3A_8] : memref<50000x32xf32, #tpu.memory_space<vmem_shared>> -> memref<3125x32xf32, #tpu.memory_space<vmem_shared>>
      tpu.enqueue_dma source(%dma_start3A_9 : memref<3125x32xf32, #tpu.memory_space<vmem_shared>>) target(%dma_start3A_7 : memref<3125x32xf32, #tpu.memory_space<hbm>>) target_semaphore(%run_scoped3A : memref<!tpu.dma_semaphore, #tpu.memory_space<semaphore_mem>>)
      %dma_wait3A = arith.constant 0 : i32
      %dma_wait3A_10 = tpu.memref_slice %arg5[%arg0, %mul3A_0, %dma_wait3A] : memref<2x50000x32xf32, #tpu.memory_space<hbm>> -> memref<1x3125x32xf32, #tpu.memory_space<hbm>>
      %dma_wait3A_11 = tpu.memref_squeeze %dma_wait3A_10 : memref<1x3125x32xf32, #tpu.memory_space<hbm>> -> memref<3125x32xf32, #tpu.memory_space<hbm>>
      %dma_wait3A_12 = arith.constant 0 : i32
      %dma_wait3A_13 = tpu.memref_slice %arg8[%mul3A_0, %dma_wait3A_12] : memref<50000x32xf32, #tpu.memory_space<vmem_shared>> -> memref<3125x32xf32, #tpu.memory_space<vmem_shared>>
      tpu.wait_dma2 semaphore(%run_scoped3A : memref<!tpu.dma_semaphore, #tpu.memory_space<semaphore_mem>>) src(%dma_wait3A_13 : memref<3125x32xf32, #tpu.memory_space<vmem_shared>>) dst(%dma_wait3A_11 : memref<3125x32xf32, #tpu.memory_space<hbm>>)
      tpu.yield
    }) : () -> ()
    return
  }
}

#map = affine_map<(d0, d1) -> (0, 0)>
#map1 = affine_map<(d0, d1) -> (0)>
#map2 = affine_map<(d0, d1) -> (0, 0, 0)>
module attributes {stable_mosaic.version = 14 : i64} {
  func.func @_scat_body(%arg0: i32, %arg1: i32, %arg2: memref<800000x128xf32, #tpu.memory_space<hbm>>, %arg3: memref<800000xi32, #tpu.memory_space<hbm>>, %arg4: memref<50000x32xf32, #tpu.memory_space<hbm>>, %arg5: memref<2x50000x32xf32, #tpu.memory_space<hbm>>, %arg6: memref<400xi32, #tpu.memory_space<vmem>>, %arg7: memref<400x32xf32, #tpu.memory_space<vmem>>, %arg8: memref<50000x32xf32, #tpu.memory_space<vmem_shared>>, %arg9: memref<!tpu.dma_semaphore, #tpu.memory_space<semaphore_mem>>) attributes {dimension_semantics = [#tpu.dimension_semantics<core_parallel>, #tpu.dimension_semantics<subcore_parallel>], iteration_bounds = array<i64: 2, 16>, scalar_prefetch = 0 : i64, scratch_operands = 4 : i64, tpu.core_type = #tpu.core_type<sc_vector_subcore>, window_params = [{transform_indices = #map}, {transform_indices = #map1}, {transform_indices = #map}, {transform_indices = #map2}]} {
    %mul3A = arith.constant 3125 : i32
    %mul3A_0 = arith.muli %arg1, %mul3A : i32
    "tpu.region"() ({
      %run_scoped3A = tpu.sem_alloc : memref<!tpu.dma_semaphore, #tpu.memory_space<semaphore_mem>>
      %dma_start3A = arith.constant 0 : i32
      %dma_start3A_6 = tpu.memref_slice %arg8[%mul3A_0, %dma_start3A] : memref<50000x32xf32, #tpu.memory_space<vmem_shared>> -> memref<3125x32xf32, #tpu.memory_space<vmem_shared>>
      %dma_start3A_7 = arith.constant 0 : i32
      %dma_start3A_8 = tpu.memref_slice %arg4[%mul3A_0, %dma_start3A_7] : memref<50000x32xf32, #tpu.memory_space<hbm>> -> memref<3125x32xf32, #tpu.memory_space<hbm>>
      tpu.enqueue_dma source(%dma_start3A_8 : memref<3125x32xf32, #tpu.memory_space<hbm>>) target(%dma_start3A_6 : memref<3125x32xf32, #tpu.memory_space<vmem_shared>>) target_semaphore(%run_scoped3A : memref<!tpu.dma_semaphore, #tpu.memory_space<semaphore_mem>>)
      %dma_wait3A = arith.constant 0 : i32
      %dma_wait3A_9 = tpu.memref_slice %arg8[%mul3A_0, %dma_wait3A] : memref<50000x32xf32, #tpu.memory_space<vmem_shared>> -> memref<3125x32xf32, #tpu.memory_space<vmem_shared>>
      %dma_wait3A_10 = arith.constant 0 : i32
      %dma_wait3A_11 = tpu.memref_slice %arg4[%mul3A_0, %dma_wait3A_10] : memref<50000x32xf32, #tpu.memory_space<hbm>> -> memref<3125x32xf32, #tpu.memory_space<hbm>>
      tpu.wait_dma2 semaphore(%run_scoped3A : memref<!tpu.dma_semaphore, #tpu.memory_space<semaphore_mem>>) src(%dma_wait3A_11 : memref<3125x32xf32, #tpu.memory_space<hbm>>) dst(%dma_wait3A_9 : memref<3125x32xf32, #tpu.memory_space<vmem_shared>>)
      tpu.yield
    }) : () -> ()
    %barrier3A = arith.constant 0 : index
    tpu.barrier barrier_id(%barrier3A)
    %scan3A = arith.constant 0 : i32
    %scan3A_1 = arith.constant 125 : i32
    %scan3A_2 = arith.addi %scan3A, %scan3A_1 : i32
    %scan3A_3 = arith.constant 1 : i32
    scf.for %scan3A_6 = %scan3A to %scan3A_2 step %scan3A_3  : i32 {
      %mul3A_7 = arith.constant 1 : i32
      %mul3A_8 = arith.muli %scan3A_6, %mul3A_7 : i32
      %add3A = arith.constant 0 : i32
      %add3A_9 = arith.addi %add3A, %mul3A_8 : i32
      %mul3A_10 = arith.constant 50000 : i32
      %mul3A_11 = arith.muli %arg1, %mul3A_10 : i32
      %mul3A_12 = arith.constant 400 : i32
      %mul3A_13 = arith.muli %add3A_9, %mul3A_12 : i32
      %add3A_14 = arith.addi %mul3A_11, %mul3A_13 : i32
      "tpu.region"() ({
        %run_scoped3A = tpu.sem_alloc : memref<!tpu.dma_semaphore, #tpu.memory_space<semaphore_mem>>
        %dma_start3A = tpu.memref_slice %arg3[%add3A_14] : memref<800000xi32, #tpu.memory_space<hbm>> -> memref<400xi32, #tpu.memory_space<hbm>>
        %dma_start3A_19 = tpu.memref_slice %arg3[%add3A_14] : memref<800000xi32, #tpu.memory_space<hbm>> -> memref<400xi32, #tpu.memory_space<hbm>>
        tpu.enqueue_dma source(%dma_start3A_19 : memref<400xi32, #tpu.memory_space<hbm>>) target(%arg6 : memref<400xi32, #tpu.memory_space<vmem>>) target_semaphore(%run_scoped3A : memref<!tpu.dma_semaphore, #tpu.memory_space<semaphore_mem>>)
        %dma_wait3A = tpu.memref_slice %arg3[%add3A_14] : memref<800000xi32, #tpu.memory_space<hbm>> -> memref<400xi32, #tpu.memory_space<hbm>>
        %dma_wait3A_20 = tpu.memref_slice %arg3[%add3A_14] : memref<800000xi32, #tpu.memory_space<hbm>> -> memref<400xi32, #tpu.memory_space<hbm>>
        tpu.wait_dma2 semaphore(%run_scoped3A : memref<!tpu.dma_semaphore, #tpu.memory_space<semaphore_mem>>) src(%dma_wait3A_20 : memref<400xi32, #tpu.memory_space<hbm>>) dst(%arg6 : memref<400xi32, #tpu.memory_space<vmem>>)
        tpu.yield
      }) : () -> ()
      %mul3A_15 = arith.constant 32 : i32
      %mul3A_16 = arith.muli %arg0, %mul3A_15 : i32
      %add3A_17 = arith.constant 0 : i32
      %add3A_18 = arith.addi %add3A_17, %mul3A_16 : i32
      "tpu.region"() ({
        %run_scoped3A = tpu.sem_alloc : memref<!tpu.dma_semaphore, #tpu.memory_space<semaphore_mem>>
        %dma_start3A = tpu.memref_slice %arg2[%add3A_14, %add3A_18] : memref<800000x128xf32, #tpu.memory_space<hbm>> -> memref<400x32xf32, #tpu.memory_space<hbm>>
        %dma_start3A_19 = tpu.memref_slice %arg2[%add3A_14, %add3A_18] : memref<800000x128xf32, #tpu.memory_space<hbm>> -> memref<400x32xf32, #tpu.memory_space<hbm>>
        tpu.enqueue_dma source(%dma_start3A_19 : memref<400x32xf32, #tpu.memory_space<hbm>>) target(%arg7 : memref<400x32xf32, #tpu.memory_space<vmem>>) target_semaphore(%run_scoped3A : memref<!tpu.dma_semaphore, #tpu.memory_space<semaphore_mem>>)
        %dma_wait3A = tpu.memref_slice %arg2[%add3A_14, %add3A_18] : memref<800000x128xf32, #tpu.memory_space<hbm>> -> memref<400x32xf32, #tpu.memory_space<hbm>>
        %dma_wait3A_20 = tpu.memref_slice %arg2[%add3A_14, %add3A_18] : memref<800000x128xf32, #tpu.memory_space<hbm>> -> memref<400x32xf32, #tpu.memory_space<hbm>>
        tpu.wait_dma2 semaphore(%run_scoped3A : memref<!tpu.dma_semaphore, #tpu.memory_space<semaphore_mem>>) src(%dma_wait3A_20 : memref<400x32xf32, #tpu.memory_space<hbm>>) dst(%arg7 : memref<400x32xf32, #tpu.memory_space<vmem>>)
        tpu.yield
      }) : () -> ()
      "tpu.region"() ({
        %run_scoped3A = tpu.sem_alloc : memref<!tpu.dma_semaphore, #tpu.memory_space<semaphore_mem>>
        %dma_start3A = arith.constant 0 : i32
        %dma_start3A_19 = arith.constant 0 : i32
        %dma_start3A_20 = tpu.memref_slice %arg8[%dma_start3A, %dma_start3A_19] : memref<50000x32xf32, #tpu.memory_space<vmem_shared>> -> memref<50000x32xf32, #tpu.memory_space<vmem_shared>>
        tpu.enqueue_indirect_dma source(%arg7 : memref<400x32xf32, #tpu.memory_space<vmem>>) target(%dma_start3A_20 : memref<50000x32xf32, #tpu.memory_space<vmem_shared>>) offsets(%arg6 : memref<400xi32, #tpu.memory_space<vmem>>) semaphore(%run_scoped3A : memref<!tpu.dma_semaphore, #tpu.memory_space<semaphore_mem>>) {add = true}
        %dma_wait3A = arith.constant 0 : i32
        %dma_wait3A_21 = arith.constant 0 : i32
        %dma_wait3A_22 = tpu.memref_slice %arg8[%dma_wait3A, %dma_wait3A_21] : memref<50000x32xf32, #tpu.memory_space<vmem_shared>> -> memref<50000x32xf32, #tpu.memory_space<vmem_shared>>
        tpu.wait_indirect_dma semaphore(%run_scoped3A : memref<!tpu.dma_semaphore, #tpu.memory_space<semaphore_mem>>) src(%arg7 : memref<400x32xf32, #tpu.memory_space<vmem>>) dst(%dma_wait3A_22 : memref<50000x32xf32, #tpu.memory_space<vmem_shared>>)
        tpu.yield
      }) : () -> ()
    }
    %scan3A_4 = arith.constant 125 : i32
    %barrier3A_5 = arith.constant 0 : index
    tpu.barrier barrier_id(%barrier3A_5)
    "tpu.region"() ({
      %run_scoped3A = tpu.sem_alloc : memref<!tpu.dma_semaphore, #tpu.memory_space<semaphore_mem>>
      %dma_start3A = arith.constant 0 : i32
      %dma_start3A_6 = tpu.memref_slice %arg5[%arg0, %mul3A_0, %dma_start3A] : memref<2x50000x32xf32, #tpu.memory_space<hbm>> -> memref<1x3125x32xf32, #tpu.memory_space<hbm>>
      %dma_start3A_7 = tpu.memref_squeeze %dma_start3A_6 : memref<1x3125x32xf32, #tpu.memory_space<hbm>> -> memref<3125x32xf32, #tpu.memory_space<hbm>>
      %dma_start3A_8 = arith.constant 0 : i32
      %dma_start3A_9 = tpu.memref_slice %arg8[%mul3A_0, %dma_start3A_8] : memref<50000x32xf32, #tpu.memory_space<vmem_shared>> -> memref<3125x32xf32, #tpu.memory_space<vmem_shared>>
      tpu.enqueue_dma source(%dma_start3A_9 : memref<3125x32xf32, #tpu.memory_space<vmem_shared>>) target(%dma_start3A_7 : memref<3125x32xf32, #tpu.memory_space<hbm>>) target_semaphore(%run_scoped3A : memref<!tpu.dma_semaphore, #tpu.memory_space<semaphore_mem>>)
      %dma_wait3A = arith.constant 0 : i32
      %dma_wait3A_10 = tpu.memref_slice %arg5[%arg0, %mul3A_0, %dma_wait3A] : memref<2x50000x32xf32, #tpu.memory_space<hbm>> -> memref<1x3125x32xf32, #tpu.memory_space<hbm>>
      %dma_wait3A_11 = tpu.memref_squeeze %dma_wait3A_10 : memref<1x3125x32xf32, #tpu.memory_space<hbm>> -> memref<3125x32xf32, #tpu.memory_space<hbm>>
      %dma_wait3A_12 = arith.constant 0 : i32
      %dma_wait3A_13 = tpu.memref_slice %arg8[%mul3A_0, %dma_wait3A_12] : memref<50000x32xf32, #tpu.memory_space<vmem_shared>> -> memref<3125x32xf32, #tpu.memory_space<vmem_shared>>
      tpu.wait_dma2 semaphore(%run_scoped3A : memref<!tpu.dma_semaphore, #tpu.memory_space<semaphore_mem>>) src(%dma_wait3A_13 : memref<3125x32xf32, #tpu.memory_space<vmem_shared>>) dst(%dma_wait3A_11 : memref<3125x32xf32, #tpu.memory_space<hbm>>)
      tpu.yield
    }) : () -> ()
    return
  }
}

#map = affine_map<(d0, d1) -> (0, 0)>
#map1 = affine_map<(d0, d1) -> (0)>
module attributes {stable_mosaic.version = 14 : i64} {
  func.func @_gather_body(%arg0: i32, %arg1: i32, %arg2: memref<50000x128xf32, #tpu.memory_space<hbm>>, %arg3: memref<800000xi32, #tpu.memory_space<hbm>>, %arg4: memref<800000xi32, #tpu.memory_space<hbm>>, %arg5: memref<800000x128xf32, #tpu.memory_space<hbm>>, %arg6: memref<800000x128xf32, #tpu.memory_space<hbm>>, %arg7: memref<1000xi32, #tpu.memory_space<vmem>>, %arg8: memref<1000xi32, #tpu.memory_space<vmem>>, %arg9: memref<1000x128xf32, #tpu.memory_space<vmem>>, %arg10: memref<!tpu.dma_semaphore, #tpu.memory_space<semaphore_mem>>) attributes {dimension_semantics = [#tpu.dimension_semantics<core_parallel>, #tpu.dimension_semantics<subcore_parallel>], iteration_bounds = array<i64: 2, 16>, scalar_prefetch = 0 : i64, scratch_operands = 4 : i64, tpu.core_type = #tpu.core_type<sc_vector_subcore>, window_params = [{transform_indices = #map}, {transform_indices = #map1}, {transform_indices = #map1}, {transform_indices = #map}, {transform_indices = #map}]} {
    %mul3A = arith.constant 2 : i32
    %mul3A_0 = arith.muli %arg1, %mul3A : i32
    %add3A = arith.addi %mul3A_0, %arg0 : i32
    %mul3A_1 = arith.constant 25000 : i32
    %mul3A_2 = arith.muli %add3A, %mul3A_1 : i32
    %scan3A = arith.constant 0 : i32
    %scan3A_3 = arith.constant 25 : i32
    %scan3A_4 = arith.addi %scan3A, %scan3A_3 : i32
    %scan3A_5 = arith.constant 1 : i32
    scf.for %scan3A_7 = %scan3A to %scan3A_4 step %scan3A_5  : i32 {
      %mul3A_8 = arith.constant 1 : i32
      %mul3A_9 = arith.muli %scan3A_7, %mul3A_8 : i32
      %add3A_10 = arith.constant 0 : i32
      %add3A_11 = arith.addi %add3A_10, %mul3A_9 : i32
      %mul3A_12 = arith.constant 1000 : i32
      %mul3A_13 = arith.muli %add3A_11, %mul3A_12 : i32
      %add3A_14 = arith.addi %mul3A_2, %mul3A_13 : i32
      "tpu.region"() ({
        %run_scoped3A = tpu.sem_alloc : memref<!tpu.dma_semaphore, #tpu.memory_space<semaphore_mem>>
        %dma_start3A_25 = tpu.memref_slice %arg3[%add3A_14] : memref<800000xi32, #tpu.memory_space<hbm>> -> memref<1000xi32, #tpu.memory_space<hbm>>
        %dma_start3A_26 = tpu.memref_slice %arg3[%add3A_14] : memref<800000xi32, #tpu.memory_space<hbm>> -> memref<1000xi32, #tpu.memory_space<hbm>>
        tpu.enqueue_dma source(%dma_start3A_26 : memref<1000xi32, #tpu.memory_space<hbm>>) target(%arg7 : memref<1000xi32, #tpu.memory_space<vmem>>) target_semaphore(%run_scoped3A : memref<!tpu.dma_semaphore, #tpu.memory_space<semaphore_mem>>)
        %dma_wait3A_27 = tpu.memref_slice %arg3[%add3A_14] : memref<800000xi32, #tpu.memory_space<hbm>> -> memref<1000xi32, #tpu.memory_space<hbm>>
        %dma_wait3A_28 = tpu.memref_slice %arg3[%add3A_14] : memref<800000xi32, #tpu.memory_space<hbm>> -> memref<1000xi32, #tpu.memory_space<hbm>>
        tpu.wait_dma2 semaphore(%run_scoped3A : memref<!tpu.dma_semaphore, #tpu.memory_space<semaphore_mem>>) src(%dma_wait3A_28 : memref<1000xi32, #tpu.memory_space<hbm>>) dst(%arg7 : memref<1000xi32, #tpu.memory_space<vmem>>)
        tpu.yield
      }) : () -> ()
      "tpu.region"() ({
        %run_scoped3A = tpu.sem_alloc : memref<!tpu.dma_semaphore, #tpu.memory_space<semaphore_mem>>
        %dma_start3A_25 = tpu.memref_slice %arg4[%add3A_14] : memref<800000xi32, #tpu.memory_space<hbm>> -> memref<1000xi32, #tpu.memory_space<hbm>>
        %dma_start3A_26 = tpu.memref_slice %arg4[%add3A_14] : memref<800000xi32, #tpu.memory_space<hbm>> -> memref<1000xi32, #tpu.memory_space<hbm>>
        tpu.enqueue_dma source(%dma_start3A_26 : memref<1000xi32, #tpu.memory_space<hbm>>) target(%arg8 : memref<1000xi32, #tpu.memory_space<vmem>>) target_semaphore(%run_scoped3A : memref<!tpu.dma_semaphore, #tpu.memory_space<semaphore_mem>>)
        %dma_wait3A_27 = tpu.memref_slice %arg4[%add3A_14] : memref<800000xi32, #tpu.memory_space<hbm>> -> memref<1000xi32, #tpu.memory_space<hbm>>
        %dma_wait3A_28 = tpu.memref_slice %arg4[%add3A_14] : memref<800000xi32, #tpu.memory_space<hbm>> -> memref<1000xi32, #tpu.memory_space<hbm>>
        tpu.wait_dma2 semaphore(%run_scoped3A : memref<!tpu.dma_semaphore, #tpu.memory_space<semaphore_mem>>) src(%dma_wait3A_28 : memref<1000xi32, #tpu.memory_space<hbm>>) dst(%arg8 : memref<1000xi32, #tpu.memory_space<vmem>>)
        tpu.yield
      }) : () -> ()
      %dma_start3A = arith.constant 0 : i32
      %dma_start3A_15 = arith.constant 0 : i32
      %dma_start3A_16 = tpu.memref_slice %arg2[%dma_start3A, %dma_start3A_15] : memref<50000x128xf32, #tpu.memory_space<hbm>> -> memref<50000x128xf32, #tpu.memory_space<hbm>>
      tpu.enqueue_indirect_dma source(%dma_start3A_16 : memref<50000x128xf32, #tpu.memory_space<hbm>>) target(%arg9 : memref<1000x128xf32, #tpu.memory_space<vmem>>) offsets(%arg7 : memref<1000xi32, #tpu.memory_space<vmem>>) semaphore(%arg10 : memref<!tpu.dma_semaphore, #tpu.memory_space<semaphore_mem>>)
      %dma_wait3A = arith.constant 0 : i32
      %dma_wait3A_17 = arith.constant 0 : i32
      %dma_wait3A_18 = tpu.memref_slice %arg2[%dma_wait3A, %dma_wait3A_17] : memref<50000x128xf32, #tpu.memory_space<hbm>> -> memref<50000x128xf32, #tpu.memory_space<hbm>>
      tpu.wait_indirect_dma semaphore(%arg10 : memref<!tpu.dma_semaphore, #tpu.memory_space<semaphore_mem>>) src(%dma_wait3A_18 : memref<50000x128xf32, #tpu.memory_space<hbm>>) dst(%arg9 : memref<1000x128xf32, #tpu.memory_space<vmem>>)
      "tpu.region"() ({
        %run_scoped3A = tpu.sem_alloc : memref<!tpu.dma_semaphore, #tpu.memory_space<semaphore_mem>>
        %dma_start3A_25 = arith.constant 0 : i32
        %dma_start3A_26 = tpu.memref_slice %arg5[%add3A_14, %dma_start3A_25] : memref<800000x128xf32, #tpu.memory_space<hbm>> -> memref<1000x128xf32, #tpu.memory_space<hbm>>
        %dma_start3A_27 = arith.constant 0 : i32
        %dma_start3A_28 = tpu.memref_slice %arg5[%add3A_14, %dma_start3A_27] : memref<800000x128xf32, #tpu.memory_space<hbm>> -> memref<1000x128xf32, #tpu.memory_space<hbm>>
        tpu.enqueue_dma source(%arg9 : memref<1000x128xf32, #tpu.memory_space<vmem>>) target(%dma_start3A_28 : memref<1000x128xf32, #tpu.memory_space<hbm>>) target_semaphore(%run_scoped3A : memref<!tpu.dma_semaphore, #tpu.memory_space<semaphore_mem>>)
        %dma_wait3A_29 = arith.constant 0 : i32
        %dma_wait3A_30 = tpu.memref_slice %arg5[%add3A_14, %dma_wait3A_29] : memref<800000x128xf32, #tpu.memory_space<hbm>> -> memref<1000x128xf32, #tpu.memory_space<hbm>>
        %dma_wait3A_31 = arith.constant 0 : i32
        %dma_wait3A_32 = tpu.memref_slice %arg5[%add3A_14, %dma_wait3A_31] : memref<800000x128xf32, #tpu.memory_space<hbm>> -> memref<1000x128xf32, #tpu.memory_space<hbm>>
        tpu.wait_dma2 semaphore(%run_scoped3A : memref<!tpu.dma_semaphore, #tpu.memory_space<semaphore_mem>>) src(%arg9 : memref<1000x128xf32, #tpu.memory_space<vmem>>) dst(%dma_wait3A_32 : memref<1000x128xf32, #tpu.memory_space<hbm>>)
        tpu.yield
      }) : () -> ()
      %dma_start3A_19 = arith.constant 0 : i32
      %dma_start3A_20 = arith.constant 0 : i32
      %dma_start3A_21 = tpu.memref_slice %arg2[%dma_start3A_19, %dma_start3A_20] : memref<50000x128xf32, #tpu.memory_space<hbm>> -> memref<50000x128xf32, #tpu.memory_space<hbm>>
      tpu.enqueue_indirect_dma source(%dma_start3A_21 : memref<50000x128xf32, #tpu.memory_space<hbm>>) target(%arg9 : memref<1000x128xf32, #tpu.memory_space<vmem>>) offsets(%arg8 : memref<1000xi32, #tpu.memory_space<vmem>>) semaphore(%arg10 : memref<!tpu.dma_semaphore, #tpu.memory_space<semaphore_mem>>)
      %dma_wait3A_22 = arith.constant 0 : i32
      %dma_wait3A_23 = arith.constant 0 : i32
      %dma_wait3A_24 = tpu.memref_slice %arg2[%dma_wait3A_22, %dma_wait3A_23] : memref<50000x128xf32, #tpu.memory_space<hbm>> -> memref<50000x128xf32, #tpu.memory_space<hbm>>
      tpu.wait_indirect_dma semaphore(%arg10 : memref<!tpu.dma_semaphore, #tpu.memory_space<semaphore_mem>>) src(%dma_wait3A_24 : memref<50000x128xf32, #tpu.memory_space<hbm>>) dst(%arg9 : memref<1000x128xf32, #tpu.memory_space<vmem>>)
      "tpu.region"() ({
        %run_scoped3A = tpu.sem_alloc : memref<!tpu.dma_semaphore, #tpu.memory_space<semaphore_mem>>
        %dma_start3A_25 = arith.constant 0 : i32
        %dma_start3A_26 = tpu.memref_slice %arg6[%add3A_14, %dma_start3A_25] : memref<800000x128xf32, #tpu.memory_space<hbm>> -> memref<1000x128xf32, #tpu.memory_space<hbm>>
        %dma_start3A_27 = arith.constant 0 : i32
        %dma_start3A_28 = tpu.memref_slice %arg6[%add3A_14, %dma_start3A_27] : memref<800000x128xf32, #tpu.memory_space<hbm>> -> memref<1000x128xf32, #tpu.memory_space<hbm>>
        tpu.enqueue_dma source(%arg9 : memref<1000x128xf32, #tpu.memory_space<vmem>>) target(%dma_start3A_28 : memref<1000x128xf32, #tpu.memory_space<hbm>>) target_semaphore(%run_scoped3A : memref<!tpu.dma_semaphore, #tpu.memory_space<semaphore_mem>>)
        %dma_wait3A_29 = arith.constant 0 : i32
        %dma_wait3A_30 = tpu.memref_slice %arg6[%add3A_14, %dma_wait3A_29] : memref<800000x128xf32, #tpu.memory_space<hbm>> -> memref<1000x128xf32, #tpu.memory_space<hbm>>
        %dma_wait3A_31 = arith.constant 0 : i32
        %dma_wait3A_32 = tpu.memref_slice %arg6[%add3A_14, %dma_wait3A_31] : memref<800000x128xf32, #tpu.memory_space<hbm>> -> memref<1000x128xf32, #tpu.memory_space<hbm>>
        tpu.wait_dma2 semaphore(%run_scoped3A : memref<!tpu.dma_semaphore, #tpu.memory_space<semaphore_mem>>) src(%arg9 : memref<1000x128xf32, #tpu.memory_space<vmem>>) dst(%dma_wait3A_32 : memref<1000x128xf32, #tpu.memory_space<hbm>>)
        tpu.yield
      }) : () -> ()
    }
    %scan3A_6 = arith.constant 25 : i32
    return
  }
}

#map = affine_map<(d0, d1) -> (0, 0)>
#map1 = affine_map<(d0, d1) -> (0)>
#map2 = affine_map<(d0, d1) -> (0, 0, 0)>
module attributes {stable_mosaic.version = 14 : i64} {
  func.func @_scat_body(%arg0: i32, %arg1: i32, %arg2: memref<800000x128xf32, #tpu.memory_space<hbm>>, %arg3: memref<800000xi32, #tpu.memory_space<hbm>>, %arg4: memref<50000x32xf32, #tpu.memory_space<hbm>>, %arg5: memref<2x50000x32xf32, #tpu.memory_space<hbm>>, %arg6: memref<400xi32, #tpu.memory_space<vmem>>, %arg7: memref<400x32xf32, #tpu.memory_space<vmem>>, %arg8: memref<50000x32xf32, #tpu.memory_space<vmem_shared>>, %arg9: memref<!tpu.dma_semaphore, #tpu.memory_space<semaphore_mem>>) attributes {dimension_semantics = [#tpu.dimension_semantics<core_parallel>, #tpu.dimension_semantics<subcore_parallel>], iteration_bounds = array<i64: 2, 16>, scalar_prefetch = 0 : i64, scratch_operands = 4 : i64, tpu.core_type = #tpu.core_type<sc_vector_subcore>, window_params = [{transform_indices = #map}, {transform_indices = #map1}, {transform_indices = #map}, {transform_indices = #map2}]} {
    %mul3A = arith.constant 3125 : i32
    %mul3A_0 = arith.muli %arg1, %mul3A : i32
    "tpu.region"() ({
      %run_scoped3A = tpu.sem_alloc : memref<!tpu.dma_semaphore, #tpu.memory_space<semaphore_mem>>
      %dma_start3A = arith.constant 0 : i32
      %dma_start3A_6 = tpu.memref_slice %arg8[%mul3A_0, %dma_start3A] : memref<50000x32xf32, #tpu.memory_space<vmem_shared>> -> memref<3125x32xf32, #tpu.memory_space<vmem_shared>>
      %dma_start3A_7 = arith.constant 0 : i32
      %dma_start3A_8 = tpu.memref_slice %arg4[%mul3A_0, %dma_start3A_7] : memref<50000x32xf32, #tpu.memory_space<hbm>> -> memref<3125x32xf32, #tpu.memory_space<hbm>>
      tpu.enqueue_dma source(%dma_start3A_8 : memref<3125x32xf32, #tpu.memory_space<hbm>>) target(%dma_start3A_6 : memref<3125x32xf32, #tpu.memory_space<vmem_shared>>) target_semaphore(%run_scoped3A : memref<!tpu.dma_semaphore, #tpu.memory_space<semaphore_mem>>)
      %dma_wait3A = arith.constant 0 : i32
      %dma_wait3A_9 = tpu.memref_slice %arg8[%mul3A_0, %dma_wait3A] : memref<50000x32xf32, #tpu.memory_space<vmem_shared>> -> memref<3125x32xf32, #tpu.memory_space<vmem_shared>>
      %dma_wait3A_10 = arith.constant 0 : i32
      %dma_wait3A_11 = tpu.memref_slice %arg4[%mul3A_0, %dma_wait3A_10] : memref<50000x32xf32, #tpu.memory_space<hbm>> -> memref<3125x32xf32, #tpu.memory_space<hbm>>
      tpu.wait_dma2 semaphore(%run_scoped3A : memref<!tpu.dma_semaphore, #tpu.memory_space<semaphore_mem>>) src(%dma_wait3A_11 : memref<3125x32xf32, #tpu.memory_space<hbm>>) dst(%dma_wait3A_9 : memref<3125x32xf32, #tpu.memory_space<vmem_shared>>)
      tpu.yield
    }) : () -> ()
    %barrier3A = arith.constant 0 : index
    tpu.barrier barrier_id(%barrier3A)
    %scan3A = arith.constant 0 : i32
    %scan3A_1 = arith.constant 125 : i32
    %scan3A_2 = arith.addi %scan3A, %scan3A_1 : i32
    %scan3A_3 = arith.constant 1 : i32
    scf.for %scan3A_6 = %scan3A to %scan3A_2 step %scan3A_3  : i32 {
      %mul3A_7 = arith.constant 1 : i32
      %mul3A_8 = arith.muli %scan3A_6, %mul3A_7 : i32
      %add3A = arith.constant 0 : i32
      %add3A_9 = arith.addi %add3A, %mul3A_8 : i32
      %mul3A_10 = arith.constant 50000 : i32
      %mul3A_11 = arith.muli %arg1, %mul3A_10 : i32
      %mul3A_12 = arith.constant 400 : i32
      %mul3A_13 = arith.muli %add3A_9, %mul3A_12 : i32
      %add3A_14 = arith.addi %mul3A_11, %mul3A_13 : i32
      "tpu.region"() ({
        %run_scoped3A = tpu.sem_alloc : memref<!tpu.dma_semaphore, #tpu.memory_space<semaphore_mem>>
        %dma_start3A = tpu.memref_slice %arg3[%add3A_14] : memref<800000xi32, #tpu.memory_space<hbm>> -> memref<400xi32, #tpu.memory_space<hbm>>
        %dma_start3A_19 = tpu.memref_slice %arg3[%add3A_14] : memref<800000xi32, #tpu.memory_space<hbm>> -> memref<400xi32, #tpu.memory_space<hbm>>
        tpu.enqueue_dma source(%dma_start3A_19 : memref<400xi32, #tpu.memory_space<hbm>>) target(%arg6 : memref<400xi32, #tpu.memory_space<vmem>>) target_semaphore(%run_scoped3A : memref<!tpu.dma_semaphore, #tpu.memory_space<semaphore_mem>>)
        %dma_wait3A = tpu.memref_slice %arg3[%add3A_14] : memref<800000xi32, #tpu.memory_space<hbm>> -> memref<400xi32, #tpu.memory_space<hbm>>
        %dma_wait3A_20 = tpu.memref_slice %arg3[%add3A_14] : memref<800000xi32, #tpu.memory_space<hbm>> -> memref<400xi32, #tpu.memory_space<hbm>>
        tpu.wait_dma2 semaphore(%run_scoped3A : memref<!tpu.dma_semaphore, #tpu.memory_space<semaphore_mem>>) src(%dma_wait3A_20 : memref<400xi32, #tpu.memory_space<hbm>>) dst(%arg6 : memref<400xi32, #tpu.memory_space<vmem>>)
        tpu.yield
      }) : () -> ()
      %mul3A_15 = arith.constant 32 : i32
      %mul3A_16 = arith.muli %arg0, %mul3A_15 : i32
      %add3A_17 = arith.constant 64 : i32
      %add3A_18 = arith.addi %add3A_17, %mul3A_16 : i32
      "tpu.region"() ({
        %run_scoped3A = tpu.sem_alloc : memref<!tpu.dma_semaphore, #tpu.memory_space<semaphore_mem>>
        %dma_start3A = tpu.memref_slice %arg2[%add3A_14, %add3A_18] : memref<800000x128xf32, #tpu.memory_space<hbm>> -> memref<400x32xf32, #tpu.memory_space<hbm>>
        %dma_start3A_19 = tpu.memref_slice %arg2[%add3A_14, %add3A_18] : memref<800000x128xf32, #tpu.memory_space<hbm>> -> memref<400x32xf32, #tpu.memory_space<hbm>>
        tpu.enqueue_dma source(%dma_start3A_19 : memref<400x32xf32, #tpu.memory_space<hbm>>) target(%arg7 : memref<400x32xf32, #tpu.memory_space<vmem>>) target_semaphore(%run_scoped3A : memref<!tpu.dma_semaphore, #tpu.memory_space<semaphore_mem>>)
        %dma_wait3A = tpu.memref_slice %arg2[%add3A_14, %add3A_18] : memref<800000x128xf32, #tpu.memory_space<hbm>> -> memref<400x32xf32, #tpu.memory_space<hbm>>
        %dma_wait3A_20 = tpu.memref_slice %arg2[%add3A_14, %add3A_18] : memref<800000x128xf32, #tpu.memory_space<hbm>> -> memref<400x32xf32, #tpu.memory_space<hbm>>
        tpu.wait_dma2 semaphore(%run_scoped3A : memref<!tpu.dma_semaphore, #tpu.memory_space<semaphore_mem>>) src(%dma_wait3A_20 : memref<400x32xf32, #tpu.memory_space<hbm>>) dst(%arg7 : memref<400x32xf32, #tpu.memory_space<vmem>>)
        tpu.yield
      }) : () -> ()
      "tpu.region"() ({
        %run_scoped3A = tpu.sem_alloc : memref<!tpu.dma_semaphore, #tpu.memory_space<semaphore_mem>>
        %dma_start3A = arith.constant 0 : i32
        %dma_start3A_19 = arith.constant 0 : i32
        %dma_start3A_20 = tpu.memref_slice %arg8[%dma_start3A, %dma_start3A_19] : memref<50000x32xf32, #tpu.memory_space<vmem_shared>> -> memref<50000x32xf32, #tpu.memory_space<vmem_shared>>
        tpu.enqueue_indirect_dma source(%arg7 : memref<400x32xf32, #tpu.memory_space<vmem>>) target(%dma_start3A_20 : memref<50000x32xf32, #tpu.memory_space<vmem_shared>>) offsets(%arg6 : memref<400xi32, #tpu.memory_space<vmem>>) semaphore(%run_scoped3A : memref<!tpu.dma_semaphore, #tpu.memory_space<semaphore_mem>>) {add = true}
        %dma_wait3A = arith.constant 0 : i32
        %dma_wait3A_21 = arith.constant 0 : i32
        %dma_wait3A_22 = tpu.memref_slice %arg8[%dma_wait3A, %dma_wait3A_21] : memref<50000x32xf32, #tpu.memory_space<vmem_shared>> -> memref<50000x32xf32, #tpu.memory_space<vmem_shared>>
        tpu.wait_indirect_dma semaphore(%run_scoped3A : memref<!tpu.dma_semaphore, #tpu.memory_space<semaphore_mem>>) src(%arg7 : memref<400x32xf32, #tpu.memory_space<vmem>>) dst(%dma_wait3A_22 : memref<50000x32xf32, #tpu.memory_space<vmem_shared>>)
        tpu.yield
      }) : () -> ()
    }
    %scan3A_4 = arith.constant 125 : i32
    %barrier3A_5 = arith.constant 0 : index
    tpu.barrier barrier_id(%barrier3A_5)
    "tpu.region"() ({
      %run_scoped3A = tpu.sem_alloc : memref<!tpu.dma_semaphore, #tpu.memory_space<semaphore_mem>>
      %dma_start3A = arith.constant 0 : i32
      %dma_start3A_6 = tpu.memref_slice %arg5[%arg0, %mul3A_0, %dma_start3A] : memref<2x50000x32xf32, #tpu.memory_space<hbm>> -> memref<1x3125x32xf32, #tpu.memory_space<hbm>>
      %dma_start3A_7 = tpu.memref_squeeze %dma_start3A_6 : memref<1x3125x32xf32, #tpu.memory_space<hbm>> -> memref<3125x32xf32, #tpu.memory_space<hbm>>
      %dma_start3A_8 = arith.constant 0 : i32
      %dma_start3A_9 = tpu.memref_slice %arg8[%mul3A_0, %dma_start3A_8] : memref<50000x32xf32, #tpu.memory_space<vmem_shared>> -> memref<3125x32xf32, #tpu.memory_space<vmem_shared>>
      tpu.enqueue_dma source(%dma_start3A_9 : memref<3125x32xf32, #tpu.memory_space<vmem_shared>>) target(%dma_start3A_7 : memref<3125x32xf32, #tpu.memory_space<hbm>>) target_semaphore(%run_scoped3A : memref<!tpu.dma_semaphore, #tpu.memory_space<semaphore_mem>>)
      %dma_wait3A = arith.constant 0 : i32
      %dma_wait3A_10 = tpu.memref_slice %arg5[%arg0, %mul3A_0, %dma_wait3A] : memref<2x50000x32xf32, #tpu.memory_space<hbm>> -> memref<1x3125x32xf32, #tpu.memory_space<hbm>>
      %dma_wait3A_11 = tpu.memref_squeeze %dma_wait3A_10 : memref<1x3125x32xf32, #tpu.memory_space<hbm>> -> memref<3125x32xf32, #tpu.memory_space<hbm>>
      %dma_wait3A_12 = arith.constant 0 : i32
      %dma_wait3A_13 = tpu.memref_slice %arg8[%mul3A_0, %dma_wait3A_12] : memref<50000x32xf32, #tpu.memory_space<vmem_shared>> -> memref<3125x32xf32, #tpu.memory_space<vmem_shared>>
      tpu.wait_dma2 semaphore(%run_scoped3A : memref<!tpu.dma_semaphore, #tpu.memory_space<semaphore_mem>>) src(%dma_wait3A_13 : memref<3125x32xf32, #tpu.memory_space<vmem_shared>>) dst(%dma_wait3A_11 : memref<3125x32xf32, #tpu.memory_space<hbm>>)
      tpu.yield
    }) : () -> ()
    return
  }
}

#map = affine_map<(d0, d1) -> (0, 0)>
#map1 = affine_map<(d0, d1) -> (0)>
#map2 = affine_map<(d0, d1) -> (0, 0, 0)>
module attributes {stable_mosaic.version = 14 : i64} {
  func.func @_scat_body(%arg0: i32, %arg1: i32, %arg2: memref<800000x128xf32, #tpu.memory_space<hbm>>, %arg3: memref<800000xi32, #tpu.memory_space<hbm>>, %arg4: memref<50000x32xf32, #tpu.memory_space<hbm>>, %arg5: memref<2x50000x32xf32, #tpu.memory_space<hbm>>, %arg6: memref<400xi32, #tpu.memory_space<vmem>>, %arg7: memref<400x32xf32, #tpu.memory_space<vmem>>, %arg8: memref<50000x32xf32, #tpu.memory_space<vmem_shared>>, %arg9: memref<!tpu.dma_semaphore, #tpu.memory_space<semaphore_mem>>) attributes {dimension_semantics = [#tpu.dimension_semantics<core_parallel>, #tpu.dimension_semantics<subcore_parallel>], iteration_bounds = array<i64: 2, 16>, scalar_prefetch = 0 : i64, scratch_operands = 4 : i64, tpu.core_type = #tpu.core_type<sc_vector_subcore>, window_params = [{transform_indices = #map}, {transform_indices = #map1}, {transform_indices = #map}, {transform_indices = #map2}]} {
    %mul3A = arith.constant 3125 : i32
    %mul3A_0 = arith.muli %arg1, %mul3A : i32
    "tpu.region"() ({
      %run_scoped3A = tpu.sem_alloc : memref<!tpu.dma_semaphore, #tpu.memory_space<semaphore_mem>>
      %dma_start3A = arith.constant 0 : i32
      %dma_start3A_6 = tpu.memref_slice %arg8[%mul3A_0, %dma_start3A] : memref<50000x32xf32, #tpu.memory_space<vmem_shared>> -> memref<3125x32xf32, #tpu.memory_space<vmem_shared>>
      %dma_start3A_7 = arith.constant 0 : i32
      %dma_start3A_8 = tpu.memref_slice %arg4[%mul3A_0, %dma_start3A_7] : memref<50000x32xf32, #tpu.memory_space<hbm>> -> memref<3125x32xf32, #tpu.memory_space<hbm>>
      tpu.enqueue_dma source(%dma_start3A_8 : memref<3125x32xf32, #tpu.memory_space<hbm>>) target(%dma_start3A_6 : memref<3125x32xf32, #tpu.memory_space<vmem_shared>>) target_semaphore(%run_scoped3A : memref<!tpu.dma_semaphore, #tpu.memory_space<semaphore_mem>>)
      %dma_wait3A = arith.constant 0 : i32
      %dma_wait3A_9 = tpu.memref_slice %arg8[%mul3A_0, %dma_wait3A] : memref<50000x32xf32, #tpu.memory_space<vmem_shared>> -> memref<3125x32xf32, #tpu.memory_space<vmem_shared>>
      %dma_wait3A_10 = arith.constant 0 : i32
      %dma_wait3A_11 = tpu.memref_slice %arg4[%mul3A_0, %dma_wait3A_10] : memref<50000x32xf32, #tpu.memory_space<hbm>> -> memref<3125x32xf32, #tpu.memory_space<hbm>>
      tpu.wait_dma2 semaphore(%run_scoped3A : memref<!tpu.dma_semaphore, #tpu.memory_space<semaphore_mem>>) src(%dma_wait3A_11 : memref<3125x32xf32, #tpu.memory_space<hbm>>) dst(%dma_wait3A_9 : memref<3125x32xf32, #tpu.memory_space<vmem_shared>>)
      tpu.yield
    }) : () -> ()
    %barrier3A = arith.constant 0 : index
    tpu.barrier barrier_id(%barrier3A)
    %scan3A = arith.constant 0 : i32
    %scan3A_1 = arith.constant 125 : i32
    %scan3A_2 = arith.addi %scan3A, %scan3A_1 : i32
    %scan3A_3 = arith.constant 1 : i32
    scf.for %scan3A_6 = %scan3A to %scan3A_2 step %scan3A_3  : i32 {
      %mul3A_7 = arith.constant 1 : i32
      %mul3A_8 = arith.muli %scan3A_6, %mul3A_7 : i32
      %add3A = arith.constant 0 : i32
      %add3A_9 = arith.addi %add3A, %mul3A_8 : i32
      %mul3A_10 = arith.constant 50000 : i32
      %mul3A_11 = arith.muli %arg1, %mul3A_10 : i32
      %mul3A_12 = arith.constant 400 : i32
      %mul3A_13 = arith.muli %add3A_9, %mul3A_12 : i32
      %add3A_14 = arith.addi %mul3A_11, %mul3A_13 : i32
      "tpu.region"() ({
        %run_scoped3A = tpu.sem_alloc : memref<!tpu.dma_semaphore, #tpu.memory_space<semaphore_mem>>
        %dma_start3A = tpu.memref_slice %arg3[%add3A_14] : memref<800000xi32, #tpu.memory_space<hbm>> -> memref<400xi32, #tpu.memory_space<hbm>>
        %dma_start3A_19 = tpu.memref_slice %arg3[%add3A_14] : memref<800000xi32, #tpu.memory_space<hbm>> -> memref<400xi32, #tpu.memory_space<hbm>>
        tpu.enqueue_dma source(%dma_start3A_19 : memref<400xi32, #tpu.memory_space<hbm>>) target(%arg6 : memref<400xi32, #tpu.memory_space<vmem>>) target_semaphore(%run_scoped3A : memref<!tpu.dma_semaphore, #tpu.memory_space<semaphore_mem>>)
        %dma_wait3A = tpu.memref_slice %arg3[%add3A_14] : memref<800000xi32, #tpu.memory_space<hbm>> -> memref<400xi32, #tpu.memory_space<hbm>>
        %dma_wait3A_20 = tpu.memref_slice %arg3[%add3A_14] : memref<800000xi32, #tpu.memory_space<hbm>> -> memref<400xi32, #tpu.memory_space<hbm>>
        tpu.wait_dma2 semaphore(%run_scoped3A : memref<!tpu.dma_semaphore, #tpu.memory_space<semaphore_mem>>) src(%dma_wait3A_20 : memref<400xi32, #tpu.memory_space<hbm>>) dst(%arg6 : memref<400xi32, #tpu.memory_space<vmem>>)
        tpu.yield
      }) : () -> ()
      %mul3A_15 = arith.constant 32 : i32
      %mul3A_16 = arith.muli %arg0, %mul3A_15 : i32
      %add3A_17 = arith.constant 0 : i32
      %add3A_18 = arith.addi %add3A_17, %mul3A_16 : i32
      "tpu.region"() ({
        %run_scoped3A = tpu.sem_alloc : memref<!tpu.dma_semaphore, #tpu.memory_space<semaphore_mem>>
        %dma_start3A = tpu.memref_slice %arg2[%add3A_14, %add3A_18] : memref<800000x128xf32, #tpu.memory_space<hbm>> -> memref<400x32xf32, #tpu.memory_space<hbm>>
        %dma_start3A_19 = tpu.memref_slice %arg2[%add3A_14, %add3A_18] : memref<800000x128xf32, #tpu.memory_space<hbm>> -> memref<400x32xf32, #tpu.memory_space<hbm>>
        tpu.enqueue_dma source(%dma_start3A_19 : memref<400x32xf32, #tpu.memory_space<hbm>>) target(%arg7 : memref<400x32xf32, #tpu.memory_space<vmem>>) target_semaphore(%run_scoped3A : memref<!tpu.dma_semaphore, #tpu.memory_space<semaphore_mem>>)
        %dma_wait3A = tpu.memref_slice %arg2[%add3A_14, %add3A_18] : memref<800000x128xf32, #tpu.memory_space<hbm>> -> memref<400x32xf32, #tpu.memory_space<hbm>>
        %dma_wait3A_20 = tpu.memref_slice %arg2[%add3A_14, %add3A_18] : memref<800000x128xf32, #tpu.memory_space<hbm>> -> memref<400x32xf32, #tpu.memory_space<hbm>>
        tpu.wait_dma2 semaphore(%run_scoped3A : memref<!tpu.dma_semaphore, #tpu.memory_space<semaphore_mem>>) src(%dma_wait3A_20 : memref<400x32xf32, #tpu.memory_space<hbm>>) dst(%arg7 : memref<400x32xf32, #tpu.memory_space<vmem>>)
        tpu.yield
      }) : () -> ()
      "tpu.region"() ({
        %run_scoped3A = tpu.sem_alloc : memref<!tpu.dma_semaphore, #tpu.memory_space<semaphore_mem>>
        %dma_start3A = arith.constant 0 : i32
        %dma_start3A_19 = arith.constant 0 : i32
        %dma_start3A_20 = tpu.memref_slice %arg8[%dma_start3A, %dma_start3A_19] : memref<50000x32xf32, #tpu.memory_space<vmem_shared>> -> memref<50000x32xf32, #tpu.memory_space<vmem_shared>>
        tpu.enqueue_indirect_dma source(%arg7 : memref<400x32xf32, #tpu.memory_space<vmem>>) target(%dma_start3A_20 : memref<50000x32xf32, #tpu.memory_space<vmem_shared>>) offsets(%arg6 : memref<400xi32, #tpu.memory_space<vmem>>) semaphore(%run_scoped3A : memref<!tpu.dma_semaphore, #tpu.memory_space<semaphore_mem>>) {add = true}
        %dma_wait3A = arith.constant 0 : i32
        %dma_wait3A_21 = arith.constant 0 : i32
        %dma_wait3A_22 = tpu.memref_slice %arg8[%dma_wait3A, %dma_wait3A_21] : memref<50000x32xf32, #tpu.memory_space<vmem_shared>> -> memref<50000x32xf32, #tpu.memory_space<vmem_shared>>
        tpu.wait_indirect_dma semaphore(%run_scoped3A : memref<!tpu.dma_semaphore, #tpu.memory_space<semaphore_mem>>) src(%arg7 : memref<400x32xf32, #tpu.memory_space<vmem>>) dst(%dma_wait3A_22 : memref<50000x32xf32, #tpu.memory_space<vmem_shared>>)
        tpu.yield
      }) : () -> ()
    }
    %scan3A_4 = arith.constant 125 : i32
    %barrier3A_5 = arith.constant 0 : index
    tpu.barrier barrier_id(%barrier3A_5)
    "tpu.region"() ({
      %run_scoped3A = tpu.sem_alloc : memref<!tpu.dma_semaphore, #tpu.memory_space<semaphore_mem>>
      %dma_start3A = arith.constant 0 : i32
      %dma_start3A_6 = tpu.memref_slice %arg5[%arg0, %mul3A_0, %dma_start3A] : memref<2x50000x32xf32, #tpu.memory_space<hbm>> -> memref<1x3125x32xf32, #tpu.memory_space<hbm>>
      %dma_start3A_7 = tpu.memref_squeeze %dma_start3A_6 : memref<1x3125x32xf32, #tpu.memory_space<hbm>> -> memref<3125x32xf32, #tpu.memory_space<hbm>>
      %dma_start3A_8 = arith.constant 0 : i32
      %dma_start3A_9 = tpu.memref_slice %arg8[%mul3A_0, %dma_start3A_8] : memref<50000x32xf32, #tpu.memory_space<vmem_shared>> -> memref<3125x32xf32, #tpu.memory_space<vmem_shared>>
      tpu.enqueue_dma source(%dma_start3A_9 : memref<3125x32xf32, #tpu.memory_space<vmem_shared>>) target(%dma_start3A_7 : memref<3125x32xf32, #tpu.memory_space<hbm>>) target_semaphore(%run_scoped3A : memref<!tpu.dma_semaphore, #tpu.memory_space<semaphore_mem>>)
      %dma_wait3A = arith.constant 0 : i32
      %dma_wait3A_10 = tpu.memref_slice %arg5[%arg0, %mul3A_0, %dma_wait3A] : memref<2x50000x32xf32, #tpu.memory_space<hbm>> -> memref<1x3125x32xf32, #tpu.memory_space<hbm>>
      %dma_wait3A_11 = tpu.memref_squeeze %dma_wait3A_10 : memref<1x3125x32xf32, #tpu.memory_space<hbm>> -> memref<3125x32xf32, #tpu.memory_space<hbm>>
      %dma_wait3A_12 = arith.constant 0 : i32
      %dma_wait3A_13 = tpu.memref_slice %arg8[%mul3A_0, %dma_wait3A_12] : memref<50000x32xf32, #tpu.memory_space<vmem_shared>> -> memref<3125x32xf32, #tpu.memory_space<vmem_shared>>
      tpu.wait_dma2 semaphore(%run_scoped3A : memref<!tpu.dma_semaphore, #tpu.memory_space<semaphore_mem>>) src(%dma_wait3A_13 : memref<3125x32xf32, #tpu.memory_space<vmem_shared>>) dst(%dma_wait3A_11 : memref<3125x32xf32, #tpu.memory_space<hbm>>)
      tpu.yield
    }) : () -> ()
    return
  }
}

#map = affine_map<(d0, d1) -> (0, 0)>
#map1 = affine_map<(d0, d1) -> (0)>
module attributes {stable_mosaic.version = 14 : i64} {
  func.func @_gather_body(%arg0: i32, %arg1: i32, %arg2: memref<50000x128xf32, #tpu.memory_space<hbm>>, %arg3: memref<800000xi32, #tpu.memory_space<hbm>>, %arg4: memref<800000xi32, #tpu.memory_space<hbm>>, %arg5: memref<800000x128xf32, #tpu.memory_space<hbm>>, %arg6: memref<800000x128xf32, #tpu.memory_space<hbm>>, %arg7: memref<1000xi32, #tpu.memory_space<vmem>>, %arg8: memref<1000xi32, #tpu.memory_space<vmem>>, %arg9: memref<1000x128xf32, #tpu.memory_space<vmem>>, %arg10: memref<!tpu.dma_semaphore, #tpu.memory_space<semaphore_mem>>) attributes {dimension_semantics = [#tpu.dimension_semantics<core_parallel>, #tpu.dimension_semantics<subcore_parallel>], iteration_bounds = array<i64: 2, 16>, scalar_prefetch = 0 : i64, scratch_operands = 4 : i64, tpu.core_type = #tpu.core_type<sc_vector_subcore>, window_params = [{transform_indices = #map}, {transform_indices = #map1}, {transform_indices = #map1}, {transform_indices = #map}, {transform_indices = #map}]} {
    %mul3A = arith.constant 2 : i32
    %mul3A_0 = arith.muli %arg1, %mul3A : i32
    %add3A = arith.addi %mul3A_0, %arg0 : i32
    %mul3A_1 = arith.constant 25000 : i32
    %mul3A_2 = arith.muli %add3A, %mul3A_1 : i32
    %scan3A = arith.constant 0 : i32
    %scan3A_3 = arith.constant 25 : i32
    %scan3A_4 = arith.addi %scan3A, %scan3A_3 : i32
    %scan3A_5 = arith.constant 1 : i32
    scf.for %scan3A_7 = %scan3A to %scan3A_4 step %scan3A_5  : i32 {
      %mul3A_8 = arith.constant 1 : i32
      %mul3A_9 = arith.muli %scan3A_7, %mul3A_8 : i32
      %add3A_10 = arith.constant 0 : i32
      %add3A_11 = arith.addi %add3A_10, %mul3A_9 : i32
      %mul3A_12 = arith.constant 1000 : i32
      %mul3A_13 = arith.muli %add3A_11, %mul3A_12 : i32
      %add3A_14 = arith.addi %mul3A_2, %mul3A_13 : i32
      "tpu.region"() ({
        %run_scoped3A = tpu.sem_alloc : memref<!tpu.dma_semaphore, #tpu.memory_space<semaphore_mem>>
        %dma_start3A_25 = tpu.memref_slice %arg3[%add3A_14] : memref<800000xi32, #tpu.memory_space<hbm>> -> memref<1000xi32, #tpu.memory_space<hbm>>
        %dma_start3A_26 = tpu.memref_slice %arg3[%add3A_14] : memref<800000xi32, #tpu.memory_space<hbm>> -> memref<1000xi32, #tpu.memory_space<hbm>>
        tpu.enqueue_dma source(%dma_start3A_26 : memref<1000xi32, #tpu.memory_space<hbm>>) target(%arg7 : memref<1000xi32, #tpu.memory_space<vmem>>) target_semaphore(%run_scoped3A : memref<!tpu.dma_semaphore, #tpu.memory_space<semaphore_mem>>)
        %dma_wait3A_27 = tpu.memref_slice %arg3[%add3A_14] : memref<800000xi32, #tpu.memory_space<hbm>> -> memref<1000xi32, #tpu.memory_space<hbm>>
        %dma_wait3A_28 = tpu.memref_slice %arg3[%add3A_14] : memref<800000xi32, #tpu.memory_space<hbm>> -> memref<1000xi32, #tpu.memory_space<hbm>>
        tpu.wait_dma2 semaphore(%run_scoped3A : memref<!tpu.dma_semaphore, #tpu.memory_space<semaphore_mem>>) src(%dma_wait3A_28 : memref<1000xi32, #tpu.memory_space<hbm>>) dst(%arg7 : memref<1000xi32, #tpu.memory_space<vmem>>)
        tpu.yield
      }) : () -> ()
      "tpu.region"() ({
        %run_scoped3A = tpu.sem_alloc : memref<!tpu.dma_semaphore, #tpu.memory_space<semaphore_mem>>
        %dma_start3A_25 = tpu.memref_slice %arg4[%add3A_14] : memref<800000xi32, #tpu.memory_space<hbm>> -> memref<1000xi32, #tpu.memory_space<hbm>>
        %dma_start3A_26 = tpu.memref_slice %arg4[%add3A_14] : memref<800000xi32, #tpu.memory_space<hbm>> -> memref<1000xi32, #tpu.memory_space<hbm>>
        tpu.enqueue_dma source(%dma_start3A_26 : memref<1000xi32, #tpu.memory_space<hbm>>) target(%arg8 : memref<1000xi32, #tpu.memory_space<vmem>>) target_semaphore(%run_scoped3A : memref<!tpu.dma_semaphore, #tpu.memory_space<semaphore_mem>>)
        %dma_wait3A_27 = tpu.memref_slice %arg4[%add3A_14] : memref<800000xi32, #tpu.memory_space<hbm>> -> memref<1000xi32, #tpu.memory_space<hbm>>
        %dma_wait3A_28 = tpu.memref_slice %arg4[%add3A_14] : memref<800000xi32, #tpu.memory_space<hbm>> -> memref<1000xi32, #tpu.memory_space<hbm>>
        tpu.wait_dma2 semaphore(%run_scoped3A : memref<!tpu.dma_semaphore, #tpu.memory_space<semaphore_mem>>) src(%dma_wait3A_28 : memref<1000xi32, #tpu.memory_space<hbm>>) dst(%arg8 : memref<1000xi32, #tpu.memory_space<vmem>>)
        tpu.yield
      }) : () -> ()
      %dma_start3A = arith.constant 0 : i32
      %dma_start3A_15 = arith.constant 0 : i32
      %dma_start3A_16 = tpu.memref_slice %arg2[%dma_start3A, %dma_start3A_15] : memref<50000x128xf32, #tpu.memory_space<hbm>> -> memref<50000x128xf32, #tpu.memory_space<hbm>>
      tpu.enqueue_indirect_dma source(%dma_start3A_16 : memref<50000x128xf32, #tpu.memory_space<hbm>>) target(%arg9 : memref<1000x128xf32, #tpu.memory_space<vmem>>) offsets(%arg7 : memref<1000xi32, #tpu.memory_space<vmem>>) semaphore(%arg10 : memref<!tpu.dma_semaphore, #tpu.memory_space<semaphore_mem>>)
      %dma_wait3A = arith.constant 0 : i32
      %dma_wait3A_17 = arith.constant 0 : i32
      %dma_wait3A_18 = tpu.memref_slice %arg2[%dma_wait3A, %dma_wait3A_17] : memref<50000x128xf32, #tpu.memory_space<hbm>> -> memref<50000x128xf32, #tpu.memory_space<hbm>>
      tpu.wait_indirect_dma semaphore(%arg10 : memref<!tpu.dma_semaphore, #tpu.memory_space<semaphore_mem>>) src(%dma_wait3A_18 : memref<50000x128xf32, #tpu.memory_space<hbm>>) dst(%arg9 : memref<1000x128xf32, #tpu.memory_space<vmem>>)
      "tpu.region"() ({
        %run_scoped3A = tpu.sem_alloc : memref<!tpu.dma_semaphore, #tpu.memory_space<semaphore_mem>>
        %dma_start3A_25 = arith.constant 0 : i32
        %dma_start3A_26 = tpu.memref_slice %arg5[%add3A_14, %dma_start3A_25] : memref<800000x128xf32, #tpu.memory_space<hbm>> -> memref<1000x128xf32, #tpu.memory_space<hbm>>
        %dma_start3A_27 = arith.constant 0 : i32
        %dma_start3A_28 = tpu.memref_slice %arg5[%add3A_14, %dma_start3A_27] : memref<800000x128xf32, #tpu.memory_space<hbm>> -> memref<1000x128xf32, #tpu.memory_space<hbm>>
        tpu.enqueue_dma source(%arg9 : memref<1000x128xf32, #tpu.memory_space<vmem>>) target(%dma_start3A_28 : memref<1000x128xf32, #tpu.memory_space<hbm>>) target_semaphore(%run_scoped3A : memref<!tpu.dma_semaphore, #tpu.memory_space<semaphore_mem>>)
        %dma_wait3A_29 = arith.constant 0 : i32
        %dma_wait3A_30 = tpu.memref_slice %arg5[%add3A_14, %dma_wait3A_29] : memref<800000x128xf32, #tpu.memory_space<hbm>> -> memref<1000x128xf32, #tpu.memory_space<hbm>>
        %dma_wait3A_31 = arith.constant 0 : i32
        %dma_wait3A_32 = tpu.memref_slice %arg5[%add3A_14, %dma_wait3A_31] : memref<800000x128xf32, #tpu.memory_space<hbm>> -> memref<1000x128xf32, #tpu.memory_space<hbm>>
        tpu.wait_dma2 semaphore(%run_scoped3A : memref<!tpu.dma_semaphore, #tpu.memory_space<semaphore_mem>>) src(%arg9 : memref<1000x128xf32, #tpu.memory_space<vmem>>) dst(%dma_wait3A_32 : memref<1000x128xf32, #tpu.memory_space<hbm>>)
        tpu.yield
      }) : () -> ()
      %dma_start3A_19 = arith.constant 0 : i32
      %dma_start3A_20 = arith.constant 0 : i32
      %dma_start3A_21 = tpu.memref_slice %arg2[%dma_start3A_19, %dma_start3A_20] : memref<50000x128xf32, #tpu.memory_space<hbm>> -> memref<50000x128xf32, #tpu.memory_space<hbm>>
      tpu.enqueue_indirect_dma source(%dma_start3A_21 : memref<50000x128xf32, #tpu.memory_space<hbm>>) target(%arg9 : memref<1000x128xf32, #tpu.memory_space<vmem>>) offsets(%arg8 : memref<1000xi32, #tpu.memory_space<vmem>>) semaphore(%arg10 : memref<!tpu.dma_semaphore, #tpu.memory_space<semaphore_mem>>)
      %dma_wait3A_22 = arith.constant 0 : i32
      %dma_wait3A_23 = arith.constant 0 : i32
      %dma_wait3A_24 = tpu.memref_slice %arg2[%dma_wait3A_22, %dma_wait3A_23] : memref<50000x128xf32, #tpu.memory_space<hbm>> -> memref<50000x128xf32, #tpu.memory_space<hbm>>
      tpu.wait_indirect_dma semaphore(%arg10 : memref<!tpu.dma_semaphore, #tpu.memory_space<semaphore_mem>>) src(%dma_wait3A_24 : memref<50000x128xf32, #tpu.memory_space<hbm>>) dst(%arg9 : memref<1000x128xf32, #tpu.memory_space<vmem>>)
      "tpu.region"() ({
        %run_scoped3A = tpu.sem_alloc : memref<!tpu.dma_semaphore, #tpu.memory_space<semaphore_mem>>
        %dma_start3A_25 = arith.constant 0 : i32
        %dma_start3A_26 = tpu.memref_slice %arg6[%add3A_14, %dma_start3A_25] : memref<800000x128xf32, #tpu.memory_space<hbm>> -> memref<1000x128xf32, #tpu.memory_space<hbm>>
        %dma_start3A_27 = arith.constant 0 : i32
        %dma_start3A_28 = tpu.memref_slice %arg6[%add3A_14, %dma_start3A_27] : memref<800000x128xf32, #tpu.memory_space<hbm>> -> memref<1000x128xf32, #tpu.memory_space<hbm>>
        tpu.enqueue_dma source(%arg9 : memref<1000x128xf32, #tpu.memory_space<vmem>>) target(%dma_start3A_28 : memref<1000x128xf32, #tpu.memory_space<hbm>>) target_semaphore(%run_scoped3A : memref<!tpu.dma_semaphore, #tpu.memory_space<semaphore_mem>>)
        %dma_wait3A_29 = arith.constant 0 : i32
        %dma_wait3A_30 = tpu.memref_slice %arg6[%add3A_14, %dma_wait3A_29] : memref<800000x128xf32, #tpu.memory_space<hbm>> -> memref<1000x128xf32, #tpu.memory_space<hbm>>
        %dma_wait3A_31 = arith.constant 0 : i32
        %dma_wait3A_32 = tpu.memref_slice %arg6[%add3A_14, %dma_wait3A_31] : memref<800000x128xf32, #tpu.memory_space<hbm>> -> memref<1000x128xf32, #tpu.memory_space<hbm>>
        tpu.wait_dma2 semaphore(%run_scoped3A : memref<!tpu.dma_semaphore, #tpu.memory_space<semaphore_mem>>) src(%arg9 : memref<1000x128xf32, #tpu.memory_space<vmem>>) dst(%dma_wait3A_32 : memref<1000x128xf32, #tpu.memory_space<hbm>>)
        tpu.yield
      }) : () -> ()
    }
    %scan3A_6 = arith.constant 25 : i32
    return
  }
}

#map = affine_map<(d0, d1) -> (0, 0)>
#map1 = affine_map<(d0, d1) -> (0)>
#map2 = affine_map<(d0, d1) -> (0, 0, 0)>
module attributes {stable_mosaic.version = 14 : i64} {
  func.func @_scat_body(%arg0: i32, %arg1: i32, %arg2: memref<800000x128xf32, #tpu.memory_space<hbm>>, %arg3: memref<800000xi32, #tpu.memory_space<hbm>>, %arg4: memref<50000x32xf32, #tpu.memory_space<hbm>>, %arg5: memref<2x50000x32xf32, #tpu.memory_space<hbm>>, %arg6: memref<400xi32, #tpu.memory_space<vmem>>, %arg7: memref<400x32xf32, #tpu.memory_space<vmem>>, %arg8: memref<50000x32xf32, #tpu.memory_space<vmem_shared>>, %arg9: memref<!tpu.dma_semaphore, #tpu.memory_space<semaphore_mem>>) attributes {dimension_semantics = [#tpu.dimension_semantics<core_parallel>, #tpu.dimension_semantics<subcore_parallel>], iteration_bounds = array<i64: 2, 16>, scalar_prefetch = 0 : i64, scratch_operands = 4 : i64, tpu.core_type = #tpu.core_type<sc_vector_subcore>, window_params = [{transform_indices = #map}, {transform_indices = #map1}, {transform_indices = #map}, {transform_indices = #map2}]} {
    %mul3A = arith.constant 3125 : i32
    %mul3A_0 = arith.muli %arg1, %mul3A : i32
    "tpu.region"() ({
      %run_scoped3A = tpu.sem_alloc : memref<!tpu.dma_semaphore, #tpu.memory_space<semaphore_mem>>
      %dma_start3A = arith.constant 0 : i32
      %dma_start3A_6 = tpu.memref_slice %arg8[%mul3A_0, %dma_start3A] : memref<50000x32xf32, #tpu.memory_space<vmem_shared>> -> memref<3125x32xf32, #tpu.memory_space<vmem_shared>>
      %dma_start3A_7 = arith.constant 0 : i32
      %dma_start3A_8 = tpu.memref_slice %arg4[%mul3A_0, %dma_start3A_7] : memref<50000x32xf32, #tpu.memory_space<hbm>> -> memref<3125x32xf32, #tpu.memory_space<hbm>>
      tpu.enqueue_dma source(%dma_start3A_8 : memref<3125x32xf32, #tpu.memory_space<hbm>>) target(%dma_start3A_6 : memref<3125x32xf32, #tpu.memory_space<vmem_shared>>) target_semaphore(%run_scoped3A : memref<!tpu.dma_semaphore, #tpu.memory_space<semaphore_mem>>)
      %dma_wait3A = arith.constant 0 : i32
      %dma_wait3A_9 = tpu.memref_slice %arg8[%mul3A_0, %dma_wait3A] : memref<50000x32xf32, #tpu.memory_space<vmem_shared>> -> memref<3125x32xf32, #tpu.memory_space<vmem_shared>>
      %dma_wait3A_10 = arith.constant 0 : i32
      %dma_wait3A_11 = tpu.memref_slice %arg4[%mul3A_0, %dma_wait3A_10] : memref<50000x32xf32, #tpu.memory_space<hbm>> -> memref<3125x32xf32, #tpu.memory_space<hbm>>
      tpu.wait_dma2 semaphore(%run_scoped3A : memref<!tpu.dma_semaphore, #tpu.memory_space<semaphore_mem>>) src(%dma_wait3A_11 : memref<3125x32xf32, #tpu.memory_space<hbm>>) dst(%dma_wait3A_9 : memref<3125x32xf32, #tpu.memory_space<vmem_shared>>)
      tpu.yield
    }) : () -> ()
    %barrier3A = arith.constant 0 : index
    tpu.barrier barrier_id(%barrier3A)
    %scan3A = arith.constant 0 : i32
    %scan3A_1 = arith.constant 125 : i32
    %scan3A_2 = arith.addi %scan3A, %scan3A_1 : i32
    %scan3A_3 = arith.constant 1 : i32
    scf.for %scan3A_6 = %scan3A to %scan3A_2 step %scan3A_3  : i32 {
      %mul3A_7 = arith.constant 1 : i32
      %mul3A_8 = arith.muli %scan3A_6, %mul3A_7 : i32
      %add3A = arith.constant 0 : i32
      %add3A_9 = arith.addi %add3A, %mul3A_8 : i32
      %mul3A_10 = arith.constant 50000 : i32
      %mul3A_11 = arith.muli %arg1, %mul3A_10 : i32
      %mul3A_12 = arith.constant 400 : i32
      %mul3A_13 = arith.muli %add3A_9, %mul3A_12 : i32
      %add3A_14 = arith.addi %mul3A_11, %mul3A_13 : i32
      "tpu.region"() ({
        %run_scoped3A = tpu.sem_alloc : memref<!tpu.dma_semaphore, #tpu.memory_space<semaphore_mem>>
        %dma_start3A = tpu.memref_slice %arg3[%add3A_14] : memref<800000xi32, #tpu.memory_space<hbm>> -> memref<400xi32, #tpu.memory_space<hbm>>
        %dma_start3A_19 = tpu.memref_slice %arg3[%add3A_14] : memref<800000xi32, #tpu.memory_space<hbm>> -> memref<400xi32, #tpu.memory_space<hbm>>
        tpu.enqueue_dma source(%dma_start3A_19 : memref<400xi32, #tpu.memory_space<hbm>>) target(%arg6 : memref<400xi32, #tpu.memory_space<vmem>>) target_semaphore(%run_scoped3A : memref<!tpu.dma_semaphore, #tpu.memory_space<semaphore_mem>>)
        %dma_wait3A = tpu.memref_slice %arg3[%add3A_14] : memref<800000xi32, #tpu.memory_space<hbm>> -> memref<400xi32, #tpu.memory_space<hbm>>
        %dma_wait3A_20 = tpu.memref_slice %arg3[%add3A_14] : memref<800000xi32, #tpu.memory_space<hbm>> -> memref<400xi32, #tpu.memory_space<hbm>>
        tpu.wait_dma2 semaphore(%run_scoped3A : memref<!tpu.dma_semaphore, #tpu.memory_space<semaphore_mem>>) src(%dma_wait3A_20 : memref<400xi32, #tpu.memory_space<hbm>>) dst(%arg6 : memref<400xi32, #tpu.memory_space<vmem>>)
        tpu.yield
      }) : () -> ()
      %mul3A_15 = arith.constant 32 : i32
      %mul3A_16 = arith.muli %arg0, %mul3A_15 : i32
      %add3A_17 = arith.constant 64 : i32
      %add3A_18 = arith.addi %add3A_17, %mul3A_16 : i32
      "tpu.region"() ({
        %run_scoped3A = tpu.sem_alloc : memref<!tpu.dma_semaphore, #tpu.memory_space<semaphore_mem>>
        %dma_start3A = tpu.memref_slice %arg2[%add3A_14, %add3A_18] : memref<800000x128xf32, #tpu.memory_space<hbm>> -> memref<400x32xf32, #tpu.memory_space<hbm>>
        %dma_start3A_19 = tpu.memref_slice %arg2[%add3A_14, %add3A_18] : memref<800000x128xf32, #tpu.memory_space<hbm>> -> memref<400x32xf32, #tpu.memory_space<hbm>>
        tpu.enqueue_dma source(%dma_start3A_19 : memref<400x32xf32, #tpu.memory_space<hbm>>) target(%arg7 : memref<400x32xf32, #tpu.memory_space<vmem>>) target_semaphore(%run_scoped3A : memref<!tpu.dma_semaphore, #tpu.memory_space<semaphore_mem>>)
        %dma_wait3A = tpu.memref_slice %arg2[%add3A_14, %add3A_18] : memref<800000x128xf32, #tpu.memory_space<hbm>> -> memref<400x32xf32, #tpu.memory_space<hbm>>
        %dma_wait3A_20 = tpu.memref_slice %arg2[%add3A_14, %add3A_18] : memref<800000x128xf32, #tpu.memory_space<hbm>> -> memref<400x32xf32, #tpu.memory_space<hbm>>
        tpu.wait_dma2 semaphore(%run_scoped3A : memref<!tpu.dma_semaphore, #tpu.memory_space<semaphore_mem>>) src(%dma_wait3A_20 : memref<400x32xf32, #tpu.memory_space<hbm>>) dst(%arg7 : memref<400x32xf32, #tpu.memory_space<vmem>>)
        tpu.yield
      }) : () -> ()
      "tpu.region"() ({
        %run_scoped3A = tpu.sem_alloc : memref<!tpu.dma_semaphore, #tpu.memory_space<semaphore_mem>>
        %dma_start3A = arith.constant 0 : i32
        %dma_start3A_19 = arith.constant 0 : i32
        %dma_start3A_20 = tpu.memref_slice %arg8[%dma_start3A, %dma_start3A_19] : memref<50000x32xf32, #tpu.memory_space<vmem_shared>> -> memref<50000x32xf32, #tpu.memory_space<vmem_shared>>
        tpu.enqueue_indirect_dma source(%arg7 : memref<400x32xf32, #tpu.memory_space<vmem>>) target(%dma_start3A_20 : memref<50000x32xf32, #tpu.memory_space<vmem_shared>>) offsets(%arg6 : memref<400xi32, #tpu.memory_space<vmem>>) semaphore(%run_scoped3A : memref<!tpu.dma_semaphore, #tpu.memory_space<semaphore_mem>>) {add = true}
        %dma_wait3A = arith.constant 0 : i32
        %dma_wait3A_21 = arith.constant 0 : i32
        %dma_wait3A_22 = tpu.memref_slice %arg8[%dma_wait3A, %dma_wait3A_21] : memref<50000x32xf32, #tpu.memory_space<vmem_shared>> -> memref<50000x32xf32, #tpu.memory_space<vmem_shared>>
        tpu.wait_indirect_dma semaphore(%run_scoped3A : memref<!tpu.dma_semaphore, #tpu.memory_space<semaphore_mem>>) src(%arg7 : memref<400x32xf32, #tpu.memory_space<vmem>>) dst(%dma_wait3A_22 : memref<50000x32xf32, #tpu.memory_space<vmem_shared>>)
        tpu.yield
      }) : () -> ()
    }
    %scan3A_4 = arith.constant 125 : i32
    %barrier3A_5 = arith.constant 0 : index
    tpu.barrier barrier_id(%barrier3A_5)
    "tpu.region"() ({
      %run_scoped3A = tpu.sem_alloc : memref<!tpu.dma_semaphore, #tpu.memory_space<semaphore_mem>>
      %dma_start3A = arith.constant 0 : i32
      %dma_start3A_6 = tpu.memref_slice %arg5[%arg0, %mul3A_0, %dma_start3A] : memref<2x50000x32xf32, #tpu.memory_space<hbm>> -> memref<1x3125x32xf32, #tpu.memory_space<hbm>>
      %dma_start3A_7 = tpu.memref_squeeze %dma_start3A_6 : memref<1x3125x32xf32, #tpu.memory_space<hbm>> -> memref<3125x32xf32, #tpu.memory_space<hbm>>
      %dma_start3A_8 = arith.constant 0 : i32
      %dma_start3A_9 = tpu.memref_slice %arg8[%mul3A_0, %dma_start3A_8] : memref<50000x32xf32, #tpu.memory_space<vmem_shared>> -> memref<3125x32xf32, #tpu.memory_space<vmem_shared>>
      tpu.enqueue_dma source(%dma_start3A_9 : memref<3125x32xf32, #tpu.memory_space<vmem_shared>>) target(%dma_start3A_7 : memref<3125x32xf32, #tpu.memory_space<hbm>>) target_semaphore(%run_scoped3A : memref<!tpu.dma_semaphore, #tpu.memory_space<semaphore_mem>>)
      %dma_wait3A = arith.constant 0 : i32
      %dma_wait3A_10 = tpu.memref_slice %arg5[%arg0, %mul3A_0, %dma_wait3A] : memref<2x50000x32xf32, #tpu.memory_space<hbm>> -> memref<1x3125x32xf32, #tpu.memory_space<hbm>>
      %dma_wait3A_11 = tpu.memref_squeeze %dma_wait3A_10 : memref<1x3125x32xf32, #tpu.memory_space<hbm>> -> memref<3125x32xf32, #tpu.memory_space<hbm>>
      %dma_wait3A_12 = arith.constant 0 : i32
      %dma_wait3A_13 = tpu.memref_slice %arg8[%mul3A_0, %dma_wait3A_12] : memref<50000x32xf32, #tpu.memory_space<vmem_shared>> -> memref<3125x32xf32, #tpu.memory_space<vmem_shared>>
      tpu.wait_dma2 semaphore(%run_scoped3A : memref<!tpu.dma_semaphore, #tpu.memory_space<semaphore_mem>>) src(%dma_wait3A_13 : memref<3125x32xf32, #tpu.memory_space<vmem_shared>>) dst(%dma_wait3A_11 : memref<3125x32xf32, #tpu.memory_space<hbm>>)
      tpu.yield
    }) : () -> ()
    return
  }
}

#map = affine_map<(d0, d1) -> (0, 0)>
#map1 = affine_map<(d0, d1) -> (0)>
#map2 = affine_map<(d0, d1) -> (0, 0, 0)>
module attributes {stable_mosaic.version = 14 : i64} {
  func.func @_scat_body(%arg0: i32, %arg1: i32, %arg2: memref<800000x128xf32, #tpu.memory_space<hbm>>, %arg3: memref<800000xi32, #tpu.memory_space<hbm>>, %arg4: memref<50000x32xf32, #tpu.memory_space<hbm>>, %arg5: memref<2x50000x32xf32, #tpu.memory_space<hbm>>, %arg6: memref<400xi32, #tpu.memory_space<vmem>>, %arg7: memref<400x32xf32, #tpu.memory_space<vmem>>, %arg8: memref<50000x32xf32, #tpu.memory_space<vmem_shared>>, %arg9: memref<!tpu.dma_semaphore, #tpu.memory_space<semaphore_mem>>) attributes {dimension_semantics = [#tpu.dimension_semantics<core_parallel>, #tpu.dimension_semantics<subcore_parallel>], iteration_bounds = array<i64: 2, 16>, scalar_prefetch = 0 : i64, scratch_operands = 4 : i64, tpu.core_type = #tpu.core_type<sc_vector_subcore>, window_params = [{transform_indices = #map}, {transform_indices = #map1}, {transform_indices = #map}, {transform_indices = #map2}]} {
    %mul3A = arith.constant 3125 : i32
    %mul3A_0 = arith.muli %arg1, %mul3A : i32
    "tpu.region"() ({
      %run_scoped3A = tpu.sem_alloc : memref<!tpu.dma_semaphore, #tpu.memory_space<semaphore_mem>>
      %dma_start3A = arith.constant 0 : i32
      %dma_start3A_6 = tpu.memref_slice %arg8[%mul3A_0, %dma_start3A] : memref<50000x32xf32, #tpu.memory_space<vmem_shared>> -> memref<3125x32xf32, #tpu.memory_space<vmem_shared>>
      %dma_start3A_7 = arith.constant 0 : i32
      %dma_start3A_8 = tpu.memref_slice %arg4[%mul3A_0, %dma_start3A_7] : memref<50000x32xf32, #tpu.memory_space<hbm>> -> memref<3125x32xf32, #tpu.memory_space<hbm>>
      tpu.enqueue_dma source(%dma_start3A_8 : memref<3125x32xf32, #tpu.memory_space<hbm>>) target(%dma_start3A_6 : memref<3125x32xf32, #tpu.memory_space<vmem_shared>>) target_semaphore(%run_scoped3A : memref<!tpu.dma_semaphore, #tpu.memory_space<semaphore_mem>>)
      %dma_wait3A = arith.constant 0 : i32
      %dma_wait3A_9 = tpu.memref_slice %arg8[%mul3A_0, %dma_wait3A] : memref<50000x32xf32, #tpu.memory_space<vmem_shared>> -> memref<3125x32xf32, #tpu.memory_space<vmem_shared>>
      %dma_wait3A_10 = arith.constant 0 : i32
      %dma_wait3A_11 = tpu.memref_slice %arg4[%mul3A_0, %dma_wait3A_10] : memref<50000x32xf32, #tpu.memory_space<hbm>> -> memref<3125x32xf32, #tpu.memory_space<hbm>>
      tpu.wait_dma2 semaphore(%run_scoped3A : memref<!tpu.dma_semaphore, #tpu.memory_space<semaphore_mem>>) src(%dma_wait3A_11 : memref<3125x32xf32, #tpu.memory_space<hbm>>) dst(%dma_wait3A_9 : memref<3125x32xf32, #tpu.memory_space<vmem_shared>>)
      tpu.yield
    }) : () -> ()
    %barrier3A = arith.constant 0 : index
    tpu.barrier barrier_id(%barrier3A)
    %scan3A = arith.constant 0 : i32
    %scan3A_1 = arith.constant 125 : i32
    %scan3A_2 = arith.addi %scan3A, %scan3A_1 : i32
    %scan3A_3 = arith.constant 1 : i32
    scf.for %scan3A_6 = %scan3A to %scan3A_2 step %scan3A_3  : i32 {
      %mul3A_7 = arith.constant 1 : i32
      %mul3A_8 = arith.muli %scan3A_6, %mul3A_7 : i32
      %add3A = arith.constant 0 : i32
      %add3A_9 = arith.addi %add3A, %mul3A_8 : i32
      %mul3A_10 = arith.constant 50000 : i32
      %mul3A_11 = arith.muli %arg1, %mul3A_10 : i32
      %mul3A_12 = arith.constant 400 : i32
      %mul3A_13 = arith.muli %add3A_9, %mul3A_12 : i32
      %add3A_14 = arith.addi %mul3A_11, %mul3A_13 : i32
      "tpu.region"() ({
        %run_scoped3A = tpu.sem_alloc : memref<!tpu.dma_semaphore, #tpu.memory_space<semaphore_mem>>
        %dma_start3A = tpu.memref_slice %arg3[%add3A_14] : memref<800000xi32, #tpu.memory_space<hbm>> -> memref<400xi32, #tpu.memory_space<hbm>>
        %dma_start3A_19 = tpu.memref_slice %arg3[%add3A_14] : memref<800000xi32, #tpu.memory_space<hbm>> -> memref<400xi32, #tpu.memory_space<hbm>>
        tpu.enqueue_dma source(%dma_start3A_19 : memref<400xi32, #tpu.memory_space<hbm>>) target(%arg6 : memref<400xi32, #tpu.memory_space<vmem>>) target_semaphore(%run_scoped3A : memref<!tpu.dma_semaphore, #tpu.memory_space<semaphore_mem>>)
        %dma_wait3A = tpu.memref_slice %arg3[%add3A_14] : memref<800000xi32, #tpu.memory_space<hbm>> -> memref<400xi32, #tpu.memory_space<hbm>>
        %dma_wait3A_20 = tpu.memref_slice %arg3[%add3A_14] : memref<800000xi32, #tpu.memory_space<hbm>> -> memref<400xi32, #tpu.memory_space<hbm>>
        tpu.wait_dma2 semaphore(%run_scoped3A : memref<!tpu.dma_semaphore, #tpu.memory_space<semaphore_mem>>) src(%dma_wait3A_20 : memref<400xi32, #tpu.memory_space<hbm>>) dst(%arg6 : memref<400xi32, #tpu.memory_space<vmem>>)
        tpu.yield
      }) : () -> ()
      %mul3A_15 = arith.constant 32 : i32
      %mul3A_16 = arith.muli %arg0, %mul3A_15 : i32
      %add3A_17 = arith.constant 0 : i32
      %add3A_18 = arith.addi %add3A_17, %mul3A_16 : i32
      "tpu.region"() ({
        %run_scoped3A = tpu.sem_alloc : memref<!tpu.dma_semaphore, #tpu.memory_space<semaphore_mem>>
        %dma_start3A = tpu.memref_slice %arg2[%add3A_14, %add3A_18] : memref<800000x128xf32, #tpu.memory_space<hbm>> -> memref<400x32xf32, #tpu.memory_space<hbm>>
        %dma_start3A_19 = tpu.memref_slice %arg2[%add3A_14, %add3A_18] : memref<800000x128xf32, #tpu.memory_space<hbm>> -> memref<400x32xf32, #tpu.memory_space<hbm>>
        tpu.enqueue_dma source(%dma_start3A_19 : memref<400x32xf32, #tpu.memory_space<hbm>>) target(%arg7 : memref<400x32xf32, #tpu.memory_space<vmem>>) target_semaphore(%run_scoped3A : memref<!tpu.dma_semaphore, #tpu.memory_space<semaphore_mem>>)
        %dma_wait3A = tpu.memref_slice %arg2[%add3A_14, %add3A_18] : memref<800000x128xf32, #tpu.memory_space<hbm>> -> memref<400x32xf32, #tpu.memory_space<hbm>>
        %dma_wait3A_20 = tpu.memref_slice %arg2[%add3A_14, %add3A_18] : memref<800000x128xf32, #tpu.memory_space<hbm>> -> memref<400x32xf32, #tpu.memory_space<hbm>>
        tpu.wait_dma2 semaphore(%run_scoped3A : memref<!tpu.dma_semaphore, #tpu.memory_space<semaphore_mem>>) src(%dma_wait3A_20 : memref<400x32xf32, #tpu.memory_space<hbm>>) dst(%arg7 : memref<400x32xf32, #tpu.memory_space<vmem>>)
        tpu.yield
      }) : () -> ()
      "tpu.region"() ({
        %run_scoped3A = tpu.sem_alloc : memref<!tpu.dma_semaphore, #tpu.memory_space<semaphore_mem>>
        %dma_start3A = arith.constant 0 : i32
        %dma_start3A_19 = arith.constant 0 : i32
        %dma_start3A_20 = tpu.memref_slice %arg8[%dma_start3A, %dma_start3A_19] : memref<50000x32xf32, #tpu.memory_space<vmem_shared>> -> memref<50000x32xf32, #tpu.memory_space<vmem_shared>>
        tpu.enqueue_indirect_dma source(%arg7 : memref<400x32xf32, #tpu.memory_space<vmem>>) target(%dma_start3A_20 : memref<50000x32xf32, #tpu.memory_space<vmem_shared>>) offsets(%arg6 : memref<400xi32, #tpu.memory_space<vmem>>) semaphore(%run_scoped3A : memref<!tpu.dma_semaphore, #tpu.memory_space<semaphore_mem>>) {add = true}
        %dma_wait3A = arith.constant 0 : i32
        %dma_wait3A_21 = arith.constant 0 : i32
        %dma_wait3A_22 = tpu.memref_slice %arg8[%dma_wait3A, %dma_wait3A_21] : memref<50000x32xf32, #tpu.memory_space<vmem_shared>> -> memref<50000x32xf32, #tpu.memory_space<vmem_shared>>
        tpu.wait_indirect_dma semaphore(%run_scoped3A : memref<!tpu.dma_semaphore, #tpu.memory_space<semaphore_mem>>) src(%arg7 : memref<400x32xf32, #tpu.memory_space<vmem>>) dst(%dma_wait3A_22 : memref<50000x32xf32, #tpu.memory_space<vmem_shared>>)
        tpu.yield
      }) : () -> ()
    }
    %scan3A_4 = arith.constant 125 : i32
    %barrier3A_5 = arith.constant 0 : index
    tpu.barrier barrier_id(%barrier3A_5)
    "tpu.region"() ({
      %run_scoped3A = tpu.sem_alloc : memref<!tpu.dma_semaphore, #tpu.memory_space<semaphore_mem>>
      %dma_start3A = arith.constant 0 : i32
      %dma_start3A_6 = tpu.memref_slice %arg5[%arg0, %mul3A_0, %dma_start3A] : memref<2x50000x32xf32, #tpu.memory_space<hbm>> -> memref<1x3125x32xf32, #tpu.memory_space<hbm>>
      %dma_start3A_7 = tpu.memref_squeeze %dma_start3A_6 : memref<1x3125x32xf32, #tpu.memory_space<hbm>> -> memref<3125x32xf32, #tpu.memory_space<hbm>>
      %dma_start3A_8 = arith.constant 0 : i32
      %dma_start3A_9 = tpu.memref_slice %arg8[%mul3A_0, %dma_start3A_8] : memref<50000x32xf32, #tpu.memory_space<vmem_shared>> -> memref<3125x32xf32, #tpu.memory_space<vmem_shared>>
      tpu.enqueue_dma source(%dma_start3A_9 : memref<3125x32xf32, #tpu.memory_space<vmem_shared>>) target(%dma_start3A_7 : memref<3125x32xf32, #tpu.memory_space<hbm>>) target_semaphore(%run_scoped3A : memref<!tpu.dma_semaphore, #tpu.memory_space<semaphore_mem>>)
      %dma_wait3A = arith.constant 0 : i32
      %dma_wait3A_10 = tpu.memref_slice %arg5[%arg0, %mul3A_0, %dma_wait3A] : memref<2x50000x32xf32, #tpu.memory_space<hbm>> -> memref<1x3125x32xf32, #tpu.memory_space<hbm>>
      %dma_wait3A_11 = tpu.memref_squeeze %dma_wait3A_10 : memref<1x3125x32xf32, #tpu.memory_space<hbm>> -> memref<3125x32xf32, #tpu.memory_space<hbm>>
      %dma_wait3A_12 = arith.constant 0 : i32
      %dma_wait3A_13 = tpu.memref_slice %arg8[%mul3A_0, %dma_wait3A_12] : memref<50000x32xf32, #tpu.memory_space<vmem_shared>> -> memref<3125x32xf32, #tpu.memory_space<vmem_shared>>
      tpu.wait_dma2 semaphore(%run_scoped3A : memref<!tpu.dma_semaphore, #tpu.memory_space<semaphore_mem>>) src(%dma_wait3A_13 : memref<3125x32xf32, #tpu.memory_space<vmem_shared>>) dst(%dma_wait3A_11 : memref<3125x32xf32, #tpu.memory_space<hbm>>)
      tpu.yield
    }) : () -> ()
    return
  }
}

#map = affine_map<(d0, d1) -> (0, 0)>
#map1 = affine_map<(d0, d1) -> (0)>
module attributes {stable_mosaic.version = 14 : i64} {
  func.func @_gather_body(%arg0: i32, %arg1: i32, %arg2: memref<50000x128xf32, #tpu.memory_space<hbm>>, %arg3: memref<800000xi32, #tpu.memory_space<hbm>>, %arg4: memref<800000xi32, #tpu.memory_space<hbm>>, %arg5: memref<800000x128xf32, #tpu.memory_space<hbm>>, %arg6: memref<800000x128xf32, #tpu.memory_space<hbm>>, %arg7: memref<1000xi32, #tpu.memory_space<vmem>>, %arg8: memref<1000xi32, #tpu.memory_space<vmem>>, %arg9: memref<1000x128xf32, #tpu.memory_space<vmem>>, %arg10: memref<!tpu.dma_semaphore, #tpu.memory_space<semaphore_mem>>) attributes {dimension_semantics = [#tpu.dimension_semantics<core_parallel>, #tpu.dimension_semantics<subcore_parallel>], iteration_bounds = array<i64: 2, 16>, scalar_prefetch = 0 : i64, scratch_operands = 4 : i64, tpu.core_type = #tpu.core_type<sc_vector_subcore>, window_params = [{transform_indices = #map}, {transform_indices = #map1}, {transform_indices = #map1}, {transform_indices = #map}, {transform_indices = #map}]} {
    %mul3A = arith.constant 2 : i32
    %mul3A_0 = arith.muli %arg1, %mul3A : i32
    %add3A = arith.addi %mul3A_0, %arg0 : i32
    %mul3A_1 = arith.constant 25000 : i32
    %mul3A_2 = arith.muli %add3A, %mul3A_1 : i32
    %scan3A = arith.constant 0 : i32
    %scan3A_3 = arith.constant 25 : i32
    %scan3A_4 = arith.addi %scan3A, %scan3A_3 : i32
    %scan3A_5 = arith.constant 1 : i32
    scf.for %scan3A_7 = %scan3A to %scan3A_4 step %scan3A_5  : i32 {
      %mul3A_8 = arith.constant 1 : i32
      %mul3A_9 = arith.muli %scan3A_7, %mul3A_8 : i32
      %add3A_10 = arith.constant 0 : i32
      %add3A_11 = arith.addi %add3A_10, %mul3A_9 : i32
      %mul3A_12 = arith.constant 1000 : i32
      %mul3A_13 = arith.muli %add3A_11, %mul3A_12 : i32
      %add3A_14 = arith.addi %mul3A_2, %mul3A_13 : i32
      "tpu.region"() ({
        %run_scoped3A = tpu.sem_alloc : memref<!tpu.dma_semaphore, #tpu.memory_space<semaphore_mem>>
        %dma_start3A_25 = tpu.memref_slice %arg3[%add3A_14] : memref<800000xi32, #tpu.memory_space<hbm>> -> memref<1000xi32, #tpu.memory_space<hbm>>
        %dma_start3A_26 = tpu.memref_slice %arg3[%add3A_14] : memref<800000xi32, #tpu.memory_space<hbm>> -> memref<1000xi32, #tpu.memory_space<hbm>>
        tpu.enqueue_dma source(%dma_start3A_26 : memref<1000xi32, #tpu.memory_space<hbm>>) target(%arg7 : memref<1000xi32, #tpu.memory_space<vmem>>) target_semaphore(%run_scoped3A : memref<!tpu.dma_semaphore, #tpu.memory_space<semaphore_mem>>)
        %dma_wait3A_27 = tpu.memref_slice %arg3[%add3A_14] : memref<800000xi32, #tpu.memory_space<hbm>> -> memref<1000xi32, #tpu.memory_space<hbm>>
        %dma_wait3A_28 = tpu.memref_slice %arg3[%add3A_14] : memref<800000xi32, #tpu.memory_space<hbm>> -> memref<1000xi32, #tpu.memory_space<hbm>>
        tpu.wait_dma2 semaphore(%run_scoped3A : memref<!tpu.dma_semaphore, #tpu.memory_space<semaphore_mem>>) src(%dma_wait3A_28 : memref<1000xi32, #tpu.memory_space<hbm>>) dst(%arg7 : memref<1000xi32, #tpu.memory_space<vmem>>)
        tpu.yield
      }) : () -> ()
      "tpu.region"() ({
        %run_scoped3A = tpu.sem_alloc : memref<!tpu.dma_semaphore, #tpu.memory_space<semaphore_mem>>
        %dma_start3A_25 = tpu.memref_slice %arg4[%add3A_14] : memref<800000xi32, #tpu.memory_space<hbm>> -> memref<1000xi32, #tpu.memory_space<hbm>>
        %dma_start3A_26 = tpu.memref_slice %arg4[%add3A_14] : memref<800000xi32, #tpu.memory_space<hbm>> -> memref<1000xi32, #tpu.memory_space<hbm>>
        tpu.enqueue_dma source(%dma_start3A_26 : memref<1000xi32, #tpu.memory_space<hbm>>) target(%arg8 : memref<1000xi32, #tpu.memory_space<vmem>>) target_semaphore(%run_scoped3A : memref<!tpu.dma_semaphore, #tpu.memory_space<semaphore_mem>>)
        %dma_wait3A_27 = tpu.memref_slice %arg4[%add3A_14] : memref<800000xi32, #tpu.memory_space<hbm>> -> memref<1000xi32, #tpu.memory_space<hbm>>
        %dma_wait3A_28 = tpu.memref_slice %arg4[%add3A_14] : memref<800000xi32, #tpu.memory_space<hbm>> -> memref<1000xi32, #tpu.memory_space<hbm>>
        tpu.wait_dma2 semaphore(%run_scoped3A : memref<!tpu.dma_semaphore, #tpu.memory_space<semaphore_mem>>) src(%dma_wait3A_28 : memref<1000xi32, #tpu.memory_space<hbm>>) dst(%arg8 : memref<1000xi32, #tpu.memory_space<vmem>>)
        tpu.yield
      }) : () -> ()
      %dma_start3A = arith.constant 0 : i32
      %dma_start3A_15 = arith.constant 0 : i32
      %dma_start3A_16 = tpu.memref_slice %arg2[%dma_start3A, %dma_start3A_15] : memref<50000x128xf32, #tpu.memory_space<hbm>> -> memref<50000x128xf32, #tpu.memory_space<hbm>>
      tpu.enqueue_indirect_dma source(%dma_start3A_16 : memref<50000x128xf32, #tpu.memory_space<hbm>>) target(%arg9 : memref<1000x128xf32, #tpu.memory_space<vmem>>) offsets(%arg7 : memref<1000xi32, #tpu.memory_space<vmem>>) semaphore(%arg10 : memref<!tpu.dma_semaphore, #tpu.memory_space<semaphore_mem>>)
      %dma_wait3A = arith.constant 0 : i32
      %dma_wait3A_17 = arith.constant 0 : i32
      %dma_wait3A_18 = tpu.memref_slice %arg2[%dma_wait3A, %dma_wait3A_17] : memref<50000x128xf32, #tpu.memory_space<hbm>> -> memref<50000x128xf32, #tpu.memory_space<hbm>>
      tpu.wait_indirect_dma semaphore(%arg10 : memref<!tpu.dma_semaphore, #tpu.memory_space<semaphore_mem>>) src(%dma_wait3A_18 : memref<50000x128xf32, #tpu.memory_space<hbm>>) dst(%arg9 : memref<1000x128xf32, #tpu.memory_space<vmem>>)
      "tpu.region"() ({
        %run_scoped3A = tpu.sem_alloc : memref<!tpu.dma_semaphore, #tpu.memory_space<semaphore_mem>>
        %dma_start3A_25 = arith.constant 0 : i32
        %dma_start3A_26 = tpu.memref_slice %arg5[%add3A_14, %dma_start3A_25] : memref<800000x128xf32, #tpu.memory_space<hbm>> -> memref<1000x128xf32, #tpu.memory_space<hbm>>
        %dma_start3A_27 = arith.constant 0 : i32
        %dma_start3A_28 = tpu.memref_slice %arg5[%add3A_14, %dma_start3A_27] : memref<800000x128xf32, #tpu.memory_space<hbm>> -> memref<1000x128xf32, #tpu.memory_space<hbm>>
        tpu.enqueue_dma source(%arg9 : memref<1000x128xf32, #tpu.memory_space<vmem>>) target(%dma_start3A_28 : memref<1000x128xf32, #tpu.memory_space<hbm>>) target_semaphore(%run_scoped3A : memref<!tpu.dma_semaphore, #tpu.memory_space<semaphore_mem>>)
        %dma_wait3A_29 = arith.constant 0 : i32
        %dma_wait3A_30 = tpu.memref_slice %arg5[%add3A_14, %dma_wait3A_29] : memref<800000x128xf32, #tpu.memory_space<hbm>> -> memref<1000x128xf32, #tpu.memory_space<hbm>>
        %dma_wait3A_31 = arith.constant 0 : i32
        %dma_wait3A_32 = tpu.memref_slice %arg5[%add3A_14, %dma_wait3A_31] : memref<800000x128xf32, #tpu.memory_space<hbm>> -> memref<1000x128xf32, #tpu.memory_space<hbm>>
        tpu.wait_dma2 semaphore(%run_scoped3A : memref<!tpu.dma_semaphore, #tpu.memory_space<semaphore_mem>>) src(%arg9 : memref<1000x128xf32, #tpu.memory_space<vmem>>) dst(%dma_wait3A_32 : memref<1000x128xf32, #tpu.memory_space<hbm>>)
        tpu.yield
      }) : () -> ()
      %dma_start3A_19 = arith.constant 0 : i32
      %dma_start3A_20 = arith.constant 0 : i32
      %dma_start3A_21 = tpu.memref_slice %arg2[%dma_start3A_19, %dma_start3A_20] : memref<50000x128xf32, #tpu.memory_space<hbm>> -> memref<50000x128xf32, #tpu.memory_space<hbm>>
      tpu.enqueue_indirect_dma source(%dma_start3A_21 : memref<50000x128xf32, #tpu.memory_space<hbm>>) target(%arg9 : memref<1000x128xf32, #tpu.memory_space<vmem>>) offsets(%arg8 : memref<1000xi32, #tpu.memory_space<vmem>>) semaphore(%arg10 : memref<!tpu.dma_semaphore, #tpu.memory_space<semaphore_mem>>)
      %dma_wait3A_22 = arith.constant 0 : i32
      %dma_wait3A_23 = arith.constant 0 : i32
      %dma_wait3A_24 = tpu.memref_slice %arg2[%dma_wait3A_22, %dma_wait3A_23] : memref<50000x128xf32, #tpu.memory_space<hbm>> -> memref<50000x128xf32, #tpu.memory_space<hbm>>
      tpu.wait_indirect_dma semaphore(%arg10 : memref<!tpu.dma_semaphore, #tpu.memory_space<semaphore_mem>>) src(%dma_wait3A_24 : memref<50000x128xf32, #tpu.memory_space<hbm>>) dst(%arg9 : memref<1000x128xf32, #tpu.memory_space<vmem>>)
      "tpu.region"() ({
        %run_scoped3A = tpu.sem_alloc : memref<!tpu.dma_semaphore, #tpu.memory_space<semaphore_mem>>
        %dma_start3A_25 = arith.constant 0 : i32
        %dma_start3A_26 = tpu.memref_slice %arg6[%add3A_14, %dma_start3A_25] : memref<800000x128xf32, #tpu.memory_space<hbm>> -> memref<1000x128xf32, #tpu.memory_space<hbm>>
        %dma_start3A_27 = arith.constant 0 : i32
        %dma_start3A_28 = tpu.memref_slice %arg6[%add3A_14, %dma_start3A_27] : memref<800000x128xf32, #tpu.memory_space<hbm>> -> memref<1000x128xf32, #tpu.memory_space<hbm>>
        tpu.enqueue_dma source(%arg9 : memref<1000x128xf32, #tpu.memory_space<vmem>>) target(%dma_start3A_28 : memref<1000x128xf32, #tpu.memory_space<hbm>>) target_semaphore(%run_scoped3A : memref<!tpu.dma_semaphore, #tpu.memory_space<semaphore_mem>>)
        %dma_wait3A_29 = arith.constant 0 : i32
        %dma_wait3A_30 = tpu.memref_slice %arg6[%add3A_14, %dma_wait3A_29] : memref<800000x128xf32, #tpu.memory_space<hbm>> -> memref<1000x128xf32, #tpu.memory_space<hbm>>
        %dma_wait3A_31 = arith.constant 0 : i32
        %dma_wait3A_32 = tpu.memref_slice %arg6[%add3A_14, %dma_wait3A_31] : memref<800000x128xf32, #tpu.memory_space<hbm>> -> memref<1000x128xf32, #tpu.memory_space<hbm>>
        tpu.wait_dma2 semaphore(%run_scoped3A : memref<!tpu.dma_semaphore, #tpu.memory_space<semaphore_mem>>) src(%arg9 : memref<1000x128xf32, #tpu.memory_space<vmem>>) dst(%dma_wait3A_32 : memref<1000x128xf32, #tpu.memory_space<hbm>>)
        tpu.yield
      }) : () -> ()
    }
    %scan3A_6 = arith.constant 25 : i32
    return
  }
}

#map = affine_map<(d0, d1) -> (0, 0)>
#map1 = affine_map<(d0, d1) -> (0)>
#map2 = affine_map<(d0, d1) -> (0, 0, 0)>
module attributes {stable_mosaic.version = 14 : i64} {
  func.func @_scat_body(%arg0: i32, %arg1: i32, %arg2: memref<800000x128xf32, #tpu.memory_space<hbm>>, %arg3: memref<800000xi32, #tpu.memory_space<hbm>>, %arg4: memref<50000x32xf32, #tpu.memory_space<hbm>>, %arg5: memref<2x50000x32xf32, #tpu.memory_space<hbm>>, %arg6: memref<400xi32, #tpu.memory_space<vmem>>, %arg7: memref<400x32xf32, #tpu.memory_space<vmem>>, %arg8: memref<50000x32xf32, #tpu.memory_space<vmem_shared>>, %arg9: memref<!tpu.dma_semaphore, #tpu.memory_space<semaphore_mem>>) attributes {dimension_semantics = [#tpu.dimension_semantics<core_parallel>, #tpu.dimension_semantics<subcore_parallel>], iteration_bounds = array<i64: 2, 16>, scalar_prefetch = 0 : i64, scratch_operands = 4 : i64, tpu.core_type = #tpu.core_type<sc_vector_subcore>, window_params = [{transform_indices = #map}, {transform_indices = #map1}, {transform_indices = #map}, {transform_indices = #map2}]} {
    %mul3A = arith.constant 3125 : i32
    %mul3A_0 = arith.muli %arg1, %mul3A : i32
    "tpu.region"() ({
      %run_scoped3A = tpu.sem_alloc : memref<!tpu.dma_semaphore, #tpu.memory_space<semaphore_mem>>
      %dma_start3A = arith.constant 0 : i32
      %dma_start3A_6 = tpu.memref_slice %arg8[%mul3A_0, %dma_start3A] : memref<50000x32xf32, #tpu.memory_space<vmem_shared>> -> memref<3125x32xf32, #tpu.memory_space<vmem_shared>>
      %dma_start3A_7 = arith.constant 0 : i32
      %dma_start3A_8 = tpu.memref_slice %arg4[%mul3A_0, %dma_start3A_7] : memref<50000x32xf32, #tpu.memory_space<hbm>> -> memref<3125x32xf32, #tpu.memory_space<hbm>>
      tpu.enqueue_dma source(%dma_start3A_8 : memref<3125x32xf32, #tpu.memory_space<hbm>>) target(%dma_start3A_6 : memref<3125x32xf32, #tpu.memory_space<vmem_shared>>) target_semaphore(%run_scoped3A : memref<!tpu.dma_semaphore, #tpu.memory_space<semaphore_mem>>)
      %dma_wait3A = arith.constant 0 : i32
      %dma_wait3A_9 = tpu.memref_slice %arg8[%mul3A_0, %dma_wait3A] : memref<50000x32xf32, #tpu.memory_space<vmem_shared>> -> memref<3125x32xf32, #tpu.memory_space<vmem_shared>>
      %dma_wait3A_10 = arith.constant 0 : i32
      %dma_wait3A_11 = tpu.memref_slice %arg4[%mul3A_0, %dma_wait3A_10] : memref<50000x32xf32, #tpu.memory_space<hbm>> -> memref<3125x32xf32, #tpu.memory_space<hbm>>
      tpu.wait_dma2 semaphore(%run_scoped3A : memref<!tpu.dma_semaphore, #tpu.memory_space<semaphore_mem>>) src(%dma_wait3A_11 : memref<3125x32xf32, #tpu.memory_space<hbm>>) dst(%dma_wait3A_9 : memref<3125x32xf32, #tpu.memory_space<vmem_shared>>)
      tpu.yield
    }) : () -> ()
    %barrier3A = arith.constant 0 : index
    tpu.barrier barrier_id(%barrier3A)
    %scan3A = arith.constant 0 : i32
    %scan3A_1 = arith.constant 125 : i32
    %scan3A_2 = arith.addi %scan3A, %scan3A_1 : i32
    %scan3A_3 = arith.constant 1 : i32
    scf.for %scan3A_6 = %scan3A to %scan3A_2 step %scan3A_3  : i32 {
      %mul3A_7 = arith.constant 1 : i32
      %mul3A_8 = arith.muli %scan3A_6, %mul3A_7 : i32
      %add3A = arith.constant 0 : i32
      %add3A_9 = arith.addi %add3A, %mul3A_8 : i32
      %mul3A_10 = arith.constant 50000 : i32
      %mul3A_11 = arith.muli %arg1, %mul3A_10 : i32
      %mul3A_12 = arith.constant 400 : i32
      %mul3A_13 = arith.muli %add3A_9, %mul3A_12 : i32
      %add3A_14 = arith.addi %mul3A_11, %mul3A_13 : i32
      "tpu.region"() ({
        %run_scoped3A = tpu.sem_alloc : memref<!tpu.dma_semaphore, #tpu.memory_space<semaphore_mem>>
        %dma_start3A = tpu.memref_slice %arg3[%add3A_14] : memref<800000xi32, #tpu.memory_space<hbm>> -> memref<400xi32, #tpu.memory_space<hbm>>
        %dma_start3A_19 = tpu.memref_slice %arg3[%add3A_14] : memref<800000xi32, #tpu.memory_space<hbm>> -> memref<400xi32, #tpu.memory_space<hbm>>
        tpu.enqueue_dma source(%dma_start3A_19 : memref<400xi32, #tpu.memory_space<hbm>>) target(%arg6 : memref<400xi32, #tpu.memory_space<vmem>>) target_semaphore(%run_scoped3A : memref<!tpu.dma_semaphore, #tpu.memory_space<semaphore_mem>>)
        %dma_wait3A = tpu.memref_slice %arg3[%add3A_14] : memref<800000xi32, #tpu.memory_space<hbm>> -> memref<400xi32, #tpu.memory_space<hbm>>
        %dma_wait3A_20 = tpu.memref_slice %arg3[%add3A_14] : memref<800000xi32, #tpu.memory_space<hbm>> -> memref<400xi32, #tpu.memory_space<hbm>>
        tpu.wait_dma2 semaphore(%run_scoped3A : memref<!tpu.dma_semaphore, #tpu.memory_space<semaphore_mem>>) src(%dma_wait3A_20 : memref<400xi32, #tpu.memory_space<hbm>>) dst(%arg6 : memref<400xi32, #tpu.memory_space<vmem>>)
        tpu.yield
      }) : () -> ()
      %mul3A_15 = arith.constant 32 : i32
      %mul3A_16 = arith.muli %arg0, %mul3A_15 : i32
      %add3A_17 = arith.constant 64 : i32
      %add3A_18 = arith.addi %add3A_17, %mul3A_16 : i32
      "tpu.region"() ({
        %run_scoped3A = tpu.sem_alloc : memref<!tpu.dma_semaphore, #tpu.memory_space<semaphore_mem>>
        %dma_start3A = tpu.memref_slice %arg2[%add3A_14, %add3A_18] : memref<800000x128xf32, #tpu.memory_space<hbm>> -> memref<400x32xf32, #tpu.memory_space<hbm>>
        %dma_start3A_19 = tpu.memref_slice %arg2[%add3A_14, %add3A_18] : memref<800000x128xf32, #tpu.memory_space<hbm>> -> memref<400x32xf32, #tpu.memory_space<hbm>>
        tpu.enqueue_dma source(%dma_start3A_19 : memref<400x32xf32, #tpu.memory_space<hbm>>) target(%arg7 : memref<400x32xf32, #tpu.memory_space<vmem>>) target_semaphore(%run_scoped3A : memref<!tpu.dma_semaphore, #tpu.memory_space<semaphore_mem>>)
        %dma_wait3A = tpu.memref_slice %arg2[%add3A_14, %add3A_18] : memref<800000x128xf32, #tpu.memory_space<hbm>> -> memref<400x32xf32, #tpu.memory_space<hbm>>
        %dma_wait3A_20 = tpu.memref_slice %arg2[%add3A_14, %add3A_18] : memref<800000x128xf32, #tpu.memory_space<hbm>> -> memref<400x32xf32, #tpu.memory_space<hbm>>
        tpu.wait_dma2 semaphore(%run_scoped3A : memref<!tpu.dma_semaphore, #tpu.memory_space<semaphore_mem>>) src(%dma_wait3A_20 : memref<400x32xf32, #tpu.memory_space<hbm>>) dst(%arg7 : memref<400x32xf32, #tpu.memory_space<vmem>>)
        tpu.yield
      }) : () -> ()
      "tpu.region"() ({
        %run_scoped3A = tpu.sem_alloc : memref<!tpu.dma_semaphore, #tpu.memory_space<semaphore_mem>>
        %dma_start3A = arith.constant 0 : i32
        %dma_start3A_19 = arith.constant 0 : i32
        %dma_start3A_20 = tpu.memref_slice %arg8[%dma_start3A, %dma_start3A_19] : memref<50000x32xf32, #tpu.memory_space<vmem_shared>> -> memref<50000x32xf32, #tpu.memory_space<vmem_shared>>
        tpu.enqueue_indirect_dma source(%arg7 : memref<400x32xf32, #tpu.memory_space<vmem>>) target(%dma_start3A_20 : memref<50000x32xf32, #tpu.memory_space<vmem_shared>>) offsets(%arg6 : memref<400xi32, #tpu.memory_space<vmem>>) semaphore(%run_scoped3A : memref<!tpu.dma_semaphore, #tpu.memory_space<semaphore_mem>>) {add = true}
        %dma_wait3A = arith.constant 0 : i32
        %dma_wait3A_21 = arith.constant 0 : i32
        %dma_wait3A_22 = tpu.memref_slice %arg8[%dma_wait3A, %dma_wait3A_21] : memref<50000x32xf32, #tpu.memory_space<vmem_shared>> -> memref<50000x32xf32, #tpu.memory_space<vmem_shared>>
        tpu.wait_indirect_dma semaphore(%run_scoped3A : memref<!tpu.dma_semaphore, #tpu.memory_space<semaphore_mem>>) src(%arg7 : memref<400x32xf32, #tpu.memory_space<vmem>>) dst(%dma_wait3A_22 : memref<50000x32xf32, #tpu.memory_space<vmem_shared>>)
        tpu.yield
      }) : () -> ()
    }
    %scan3A_4 = arith.constant 125 : i32
    %barrier3A_5 = arith.constant 0 : index
    tpu.barrier barrier_id(%barrier3A_5)
    "tpu.region"() ({
      %run_scoped3A = tpu.sem_alloc : memref<!tpu.dma_semaphore, #tpu.memory_space<semaphore_mem>>
      %dma_start3A = arith.constant 0 : i32
      %dma_start3A_6 = tpu.memref_slice %arg5[%arg0, %mul3A_0, %dma_start3A] : memref<2x50000x32xf32, #tpu.memory_space<hbm>> -> memref<1x3125x32xf32, #tpu.memory_space<hbm>>
      %dma_start3A_7 = tpu.memref_squeeze %dma_start3A_6 : memref<1x3125x32xf32, #tpu.memory_space<hbm>> -> memref<3125x32xf32, #tpu.memory_space<hbm>>
      %dma_start3A_8 = arith.constant 0 : i32
      %dma_start3A_9 = tpu.memref_slice %arg8[%mul3A_0, %dma_start3A_8] : memref<50000x32xf32, #tpu.memory_space<vmem_shared>> -> memref<3125x32xf32, #tpu.memory_space<vmem_shared>>
      tpu.enqueue_dma source(%dma_start3A_9 : memref<3125x32xf32, #tpu.memory_space<vmem_shared>>) target(%dma_start3A_7 : memref<3125x32xf32, #tpu.memory_space<hbm>>) target_semaphore(%run_scoped3A : memref<!tpu.dma_semaphore, #tpu.memory_space<semaphore_mem>>)
      %dma_wait3A = arith.constant 0 : i32
      %dma_wait3A_10 = tpu.memref_slice %arg5[%arg0, %mul3A_0, %dma_wait3A] : memref<2x50000x32xf32, #tpu.memory_space<hbm>> -> memref<1x3125x32xf32, #tpu.memory_space<hbm>>
      %dma_wait3A_11 = tpu.memref_squeeze %dma_wait3A_10 : memref<1x3125x32xf32, #tpu.memory_space<hbm>> -> memref<3125x32xf32, #tpu.memory_space<hbm>>
      %dma_wait3A_12 = arith.constant 0 : i32
      %dma_wait3A_13 = tpu.memref_slice %arg8[%mul3A_0, %dma_wait3A_12] : memref<50000x32xf32, #tpu.memory_space<vmem_shared>> -> memref<3125x32xf32, #tpu.memory_space<vmem_shared>>
      tpu.wait_dma2 semaphore(%run_scoped3A : memref<!tpu.dma_semaphore, #tpu.memory_space<semaphore_mem>>) src(%dma_wait3A_13 : memref<3125x32xf32, #tpu.memory_space<vmem_shared>>) dst(%dma_wait3A_11 : memref<3125x32xf32, #tpu.memory_space<hbm>>)
      tpu.yield
    }) : () -> ()
    return
  }
}

#map = affine_map<(d0, d1) -> (0, 0)>
#map1 = affine_map<(d0, d1) -> (0)>
#map2 = affine_map<(d0, d1) -> (0, 0, 0)>
module attributes {stable_mosaic.version = 14 : i64} {
  func.func @_scat_body(%arg0: i32, %arg1: i32, %arg2: memref<800000x128xf32, #tpu.memory_space<hbm>>, %arg3: memref<800000xi32, #tpu.memory_space<hbm>>, %arg4: memref<50000x32xf32, #tpu.memory_space<hbm>>, %arg5: memref<2x50000x32xf32, #tpu.memory_space<hbm>>, %arg6: memref<400xi32, #tpu.memory_space<vmem>>, %arg7: memref<400x32xf32, #tpu.memory_space<vmem>>, %arg8: memref<50000x32xf32, #tpu.memory_space<vmem_shared>>, %arg9: memref<!tpu.dma_semaphore, #tpu.memory_space<semaphore_mem>>) attributes {dimension_semantics = [#tpu.dimension_semantics<core_parallel>, #tpu.dimension_semantics<subcore_parallel>], iteration_bounds = array<i64: 2, 16>, scalar_prefetch = 0 : i64, scratch_operands = 4 : i64, tpu.core_type = #tpu.core_type<sc_vector_subcore>, window_params = [{transform_indices = #map}, {transform_indices = #map1}, {transform_indices = #map}, {transform_indices = #map2}]} {
    %mul3A = arith.constant 3125 : i32
    %mul3A_0 = arith.muli %arg1, %mul3A : i32
    "tpu.region"() ({
      %run_scoped3A = tpu.sem_alloc : memref<!tpu.dma_semaphore, #tpu.memory_space<semaphore_mem>>
      %dma_start3A = arith.constant 0 : i32
      %dma_start3A_6 = tpu.memref_slice %arg8[%mul3A_0, %dma_start3A] : memref<50000x32xf32, #tpu.memory_space<vmem_shared>> -> memref<3125x32xf32, #tpu.memory_space<vmem_shared>>
      %dma_start3A_7 = arith.constant 0 : i32
      %dma_start3A_8 = tpu.memref_slice %arg4[%mul3A_0, %dma_start3A_7] : memref<50000x32xf32, #tpu.memory_space<hbm>> -> memref<3125x32xf32, #tpu.memory_space<hbm>>
      tpu.enqueue_dma source(%dma_start3A_8 : memref<3125x32xf32, #tpu.memory_space<hbm>>) target(%dma_start3A_6 : memref<3125x32xf32, #tpu.memory_space<vmem_shared>>) target_semaphore(%run_scoped3A : memref<!tpu.dma_semaphore, #tpu.memory_space<semaphore_mem>>)
      %dma_wait3A = arith.constant 0 : i32
      %dma_wait3A_9 = tpu.memref_slice %arg8[%mul3A_0, %dma_wait3A] : memref<50000x32xf32, #tpu.memory_space<vmem_shared>> -> memref<3125x32xf32, #tpu.memory_space<vmem_shared>>
      %dma_wait3A_10 = arith.constant 0 : i32
      %dma_wait3A_11 = tpu.memref_slice %arg4[%mul3A_0, %dma_wait3A_10] : memref<50000x32xf32, #tpu.memory_space<hbm>> -> memref<3125x32xf32, #tpu.memory_space<hbm>>
      tpu.wait_dma2 semaphore(%run_scoped3A : memref<!tpu.dma_semaphore, #tpu.memory_space<semaphore_mem>>) src(%dma_wait3A_11 : memref<3125x32xf32, #tpu.memory_space<hbm>>) dst(%dma_wait3A_9 : memref<3125x32xf32, #tpu.memory_space<vmem_shared>>)
      tpu.yield
    }) : () -> ()
    %barrier3A = arith.constant 0 : index
    tpu.barrier barrier_id(%barrier3A)
    %scan3A = arith.constant 0 : i32
    %scan3A_1 = arith.constant 125 : i32
    %scan3A_2 = arith.addi %scan3A, %scan3A_1 : i32
    %scan3A_3 = arith.constant 1 : i32
    scf.for %scan3A_6 = %scan3A to %scan3A_2 step %scan3A_3  : i32 {
      %mul3A_7 = arith.constant 1 : i32
      %mul3A_8 = arith.muli %scan3A_6, %mul3A_7 : i32
      %add3A = arith.constant 0 : i32
      %add3A_9 = arith.addi %add3A, %mul3A_8 : i32
      %mul3A_10 = arith.constant 50000 : i32
      %mul3A_11 = arith.muli %arg1, %mul3A_10 : i32
      %mul3A_12 = arith.constant 400 : i32
      %mul3A_13 = arith.muli %add3A_9, %mul3A_12 : i32
      %add3A_14 = arith.addi %mul3A_11, %mul3A_13 : i32
      "tpu.region"() ({
        %run_scoped3A = tpu.sem_alloc : memref<!tpu.dma_semaphore, #tpu.memory_space<semaphore_mem>>
        %dma_start3A = tpu.memref_slice %arg3[%add3A_14] : memref<800000xi32, #tpu.memory_space<hbm>> -> memref<400xi32, #tpu.memory_space<hbm>>
        %dma_start3A_19 = tpu.memref_slice %arg3[%add3A_14] : memref<800000xi32, #tpu.memory_space<hbm>> -> memref<400xi32, #tpu.memory_space<hbm>>
        tpu.enqueue_dma source(%dma_start3A_19 : memref<400xi32, #tpu.memory_space<hbm>>) target(%arg6 : memref<400xi32, #tpu.memory_space<vmem>>) target_semaphore(%run_scoped3A : memref<!tpu.dma_semaphore, #tpu.memory_space<semaphore_mem>>)
        %dma_wait3A = tpu.memref_slice %arg3[%add3A_14] : memref<800000xi32, #tpu.memory_space<hbm>> -> memref<400xi32, #tpu.memory_space<hbm>>
        %dma_wait3A_20 = tpu.memref_slice %arg3[%add3A_14] : memref<800000xi32, #tpu.memory_space<hbm>> -> memref<400xi32, #tpu.memory_space<hbm>>
        tpu.wait_dma2 semaphore(%run_scoped3A : memref<!tpu.dma_semaphore, #tpu.memory_space<semaphore_mem>>) src(%dma_wait3A_20 : memref<400xi32, #tpu.memory_space<hbm>>) dst(%arg6 : memref<400xi32, #tpu.memory_space<vmem>>)
        tpu.yield
      }) : () -> ()
      %mul3A_15 = arith.constant 32 : i32
      %mul3A_16 = arith.muli %arg0, %mul3A_15 : i32
      %add3A_17 = arith.constant 0 : i32
      %add3A_18 = arith.addi %add3A_17, %mul3A_16 : i32
      "tpu.region"() ({
        %run_scoped3A = tpu.sem_alloc : memref<!tpu.dma_semaphore, #tpu.memory_space<semaphore_mem>>
        %dma_start3A = tpu.memref_slice %arg2[%add3A_14, %add3A_18] : memref<800000x128xf32, #tpu.memory_space<hbm>> -> memref<400x32xf32, #tpu.memory_space<hbm>>
        %dma_start3A_19 = tpu.memref_slice %arg2[%add3A_14, %add3A_18] : memref<800000x128xf32, #tpu.memory_space<hbm>> -> memref<400x32xf32, #tpu.memory_space<hbm>>
        tpu.enqueue_dma source(%dma_start3A_19 : memref<400x32xf32, #tpu.memory_space<hbm>>) target(%arg7 : memref<400x32xf32, #tpu.memory_space<vmem>>) target_semaphore(%run_scoped3A : memref<!tpu.dma_semaphore, #tpu.memory_space<semaphore_mem>>)
        %dma_wait3A = tpu.memref_slice %arg2[%add3A_14, %add3A_18] : memref<800000x128xf32, #tpu.memory_space<hbm>> -> memref<400x32xf32, #tpu.memory_space<hbm>>
        %dma_wait3A_20 = tpu.memref_slice %arg2[%add3A_14, %add3A_18] : memref<800000x128xf32, #tpu.memory_space<hbm>> -> memref<400x32xf32, #tpu.memory_space<hbm>>
        tpu.wait_dma2 semaphore(%run_scoped3A : memref<!tpu.dma_semaphore, #tpu.memory_space<semaphore_mem>>) src(%dma_wait3A_20 : memref<400x32xf32, #tpu.memory_space<hbm>>) dst(%arg7 : memref<400x32xf32, #tpu.memory_space<vmem>>)
        tpu.yield
      }) : () -> ()
      "tpu.region"() ({
        %run_scoped3A = tpu.sem_alloc : memref<!tpu.dma_semaphore, #tpu.memory_space<semaphore_mem>>
        %dma_start3A = arith.constant 0 : i32
        %dma_start3A_19 = arith.constant 0 : i32
        %dma_start3A_20 = tpu.memref_slice %arg8[%dma_start3A, %dma_start3A_19] : memref<50000x32xf32, #tpu.memory_space<vmem_shared>> -> memref<50000x32xf32, #tpu.memory_space<vmem_shared>>
        tpu.enqueue_indirect_dma source(%arg7 : memref<400x32xf32, #tpu.memory_space<vmem>>) target(%dma_start3A_20 : memref<50000x32xf32, #tpu.memory_space<vmem_shared>>) offsets(%arg6 : memref<400xi32, #tpu.memory_space<vmem>>) semaphore(%run_scoped3A : memref<!tpu.dma_semaphore, #tpu.memory_space<semaphore_mem>>) {add = true}
        %dma_wait3A = arith.constant 0 : i32
        %dma_wait3A_21 = arith.constant 0 : i32
        %dma_wait3A_22 = tpu.memref_slice %arg8[%dma_wait3A, %dma_wait3A_21] : memref<50000x32xf32, #tpu.memory_space<vmem_shared>> -> memref<50000x32xf32, #tpu.memory_space<vmem_shared>>
        tpu.wait_indirect_dma semaphore(%run_scoped3A : memref<!tpu.dma_semaphore, #tpu.memory_space<semaphore_mem>>) src(%arg7 : memref<400x32xf32, #tpu.memory_space<vmem>>) dst(%dma_wait3A_22 : memref<50000x32xf32, #tpu.memory_space<vmem_shared>>)
        tpu.yield
      }) : () -> ()
    }
    %scan3A_4 = arith.constant 125 : i32
    %barrier3A_5 = arith.constant 0 : index
    tpu.barrier barrier_id(%barrier3A_5)
    "tpu.region"() ({
      %run_scoped3A = tpu.sem_alloc : memref<!tpu.dma_semaphore, #tpu.memory_space<semaphore_mem>>
      %dma_start3A = arith.constant 0 : i32
      %dma_start3A_6 = tpu.memref_slice %arg5[%arg0, %mul3A_0, %dma_start3A] : memref<2x50000x32xf32, #tpu.memory_space<hbm>> -> memref<1x3125x32xf32, #tpu.memory_space<hbm>>
      %dma_start3A_7 = tpu.memref_squeeze %dma_start3A_6 : memref<1x3125x32xf32, #tpu.memory_space<hbm>> -> memref<3125x32xf32, #tpu.memory_space<hbm>>
      %dma_start3A_8 = arith.constant 0 : i32
      %dma_start3A_9 = tpu.memref_slice %arg8[%mul3A_0, %dma_start3A_8] : memref<50000x32xf32, #tpu.memory_space<vmem_shared>> -> memref<3125x32xf32, #tpu.memory_space<vmem_shared>>
      tpu.enqueue_dma source(%dma_start3A_9 : memref<3125x32xf32, #tpu.memory_space<vmem_shared>>) target(%dma_start3A_7 : memref<3125x32xf32, #tpu.memory_space<hbm>>) target_semaphore(%run_scoped3A : memref<!tpu.dma_semaphore, #tpu.memory_space<semaphore_mem>>)
      %dma_wait3A = arith.constant 0 : i32
      %dma_wait3A_10 = tpu.memref_slice %arg5[%arg0, %mul3A_0, %dma_wait3A] : memref<2x50000x32xf32, #tpu.memory_space<hbm>> -> memref<1x3125x32xf32, #tpu.memory_space<hbm>>
      %dma_wait3A_11 = tpu.memref_squeeze %dma_wait3A_10 : memref<1x3125x32xf32, #tpu.memory_space<hbm>> -> memref<3125x32xf32, #tpu.memory_space<hbm>>
      %dma_wait3A_12 = arith.constant 0 : i32
      %dma_wait3A_13 = tpu.memref_slice %arg8[%mul3A_0, %dma_wait3A_12] : memref<50000x32xf32, #tpu.memory_space<vmem_shared>> -> memref<3125x32xf32, #tpu.memory_space<vmem_shared>>
      tpu.wait_dma2 semaphore(%run_scoped3A : memref<!tpu.dma_semaphore, #tpu.memory_space<semaphore_mem>>) src(%dma_wait3A_13 : memref<3125x32xf32, #tpu.memory_space<vmem_shared>>) dst(%dma_wait3A_11 : memref<3125x32xf32, #tpu.memory_space<hbm>>)
      tpu.yield
    }) : () -> ()
    return
  }
}

module attributes {stable_mosaic.version = 14 : i64} {
  func.func @_pack0_body(%arg0: i32, %arg1: memref<1000x64xf32, #tpu.memory_space<vmem>>, %arg2: memref<1000x48xf32, #tpu.memory_space<vmem>>, %arg3: memref<1000x8xf32, #tpu.memory_space<vmem>>, %arg4: memref<1x64xf32, #tpu.memory_space<vmem>>, %arg5: memref<1x64xf32, #tpu.memory_space<vmem>>, %arg6: memref<1000x128xf32, #tpu.memory_space<vmem>>) attributes {dimension_semantics = [#tpu.dimension_semantics<arbitrary>], iteration_bounds = array<i64: 50>, scalar_prefetch = 0 : i64, scratch_operands = 0 : i64, tpu.core_type = #tpu.core_type<tc>, window_params = [{transform_indices = @transform_0, window_bounds = array<i64: 1000, 64>}, {transform_indices = @transform_1, window_bounds = array<i64: 1000, 48>}, {transform_indices = @transform_2, window_bounds = array<i64: 1000, 8>}, {pipeline_mode = #tpu.pipeline_mode<synchronous>, transform_indices = @transform_3, window_bounds = array<i64: 1, 64>}, {pipeline_mode = #tpu.pipeline_mode<synchronous>, transform_indices = @transform_4, window_bounds = array<i64: 1, 64>}, {transform_indices = @transform_5, window_bounds = array<i64: 1000, 128>}]} {
    %get3A = arith.constant 0 : index
    %get3A_0 = arith.constant 0 : index
    %get3A_1 = vector.load %arg1[%get3A, %get3A_0] : memref<1000x64xf32, #tpu.memory_space<vmem>>, vector<1000x64xf32>
    %get3A_2 = arith.constant 0 : index
    %get3A_3 = arith.constant 0 : index
    %get3A_4 = vector.load %arg2[%get3A_2, %get3A_3] : memref<1000x48xf32, #tpu.memory_space<vmem>>, vector<1000x48xf32>
    %get3A_5 = arith.constant 0 : index
    %get3A_6 = arith.constant 0 : index
    %get3A_7 = vector.load %arg4[%get3A_5, %get3A_6] : memref<1x64xf32, #tpu.memory_space<vmem>>, vector<1x64xf32>
    %get3A_8 = arith.constant 0 : index
    %get3A_9 = arith.constant 0 : index
    %get3A_10 = vector.load %arg5[%get3A_8, %get3A_9] : memref<1x64xf32, #tpu.memory_space<vmem>>, vector<1x64xf32>
    %reduce_sum3A = arith.constant dense<0.000000e+00> : vector<1000xf32>
    %reduce_sum3A_11 = vector.multi_reduction <add>, %get3A_1, %reduce_sum3A [1] : vector<1000x64xf32> to vector<1000xf32>
    %broadcast_in_dim3A = vector.shape_cast %reduce_sum3A_11 : vector<1000xf32> to vector<1000x1xf32>
    %div3A = arith.constant 6.400000e+01 : f32
    %div3A_12 = vector.broadcast %div3A : f32 to vector<1000x1xf32>
    %div3A_13 = arith.divf %broadcast_in_dim3A, %div3A_12 : vector<1000x1xf32>
    %sub3A = vector.broadcast %div3A_13 : vector<1000x1xf32> to vector<1000x64xf32>
    %sub3A_14 = arith.subf %get3A_1, %sub3A : vector<1000x64xf32>
    %mul3A = vector.broadcast %get3A_7 : vector<1x64xf32> to vector<1000x64xf32>
    %mul3A_15 = arith.mulf %mul3A, %sub3A_14 : vector<1000x64xf32>
    %reduce_sum3A_16 = arith.constant dense<0.000000e+00> : vector<1000xf32>
    %reduce_sum3A_17 = vector.multi_reduction <add>, %get3A_1, %reduce_sum3A_16 [1] : vector<1000x64xf32> to vector<1000xf32>
    %broadcast_in_dim3A_18 = vector.shape_cast %reduce_sum3A_17 : vector<1000xf32> to vector<1000x1xf32>
    %div3A_19 = arith.constant 6.400000e+01 : f32
    %div3A_20 = vector.broadcast %div3A_19 : f32 to vector<1000x1xf32>
    %div3A_21 = arith.divf %broadcast_in_dim3A_18, %div3A_20 : vector<1000x1xf32>
    %sub3A_22 = vector.broadcast %div3A_21 : vector<1000x1xf32> to vector<1000x64xf32>
    %sub3A_23 = arith.subf %get3A_1, %sub3A_22 : vector<1000x64xf32>
    %integer_pow3A = arith.mulf %sub3A_23, %sub3A_23 : vector<1000x64xf32>
    %reduce_sum3A_24 = arith.constant dense<0.000000e+00> : vector<1000xf32>
    %reduce_sum3A_25 = vector.multi_reduction <add>, %integer_pow3A, %reduce_sum3A_24 [1] : vector<1000x64xf32> to vector<1000xf32>
    %broadcast_in_dim3A_26 = vector.shape_cast %reduce_sum3A_25 : vector<1000xf32> to vector<1000x1xf32>
    %div3A_27 = arith.constant 6.400000e+01 : f32
    %div3A_28 = vector.broadcast %div3A_27 : f32 to vector<1000x1xf32>
    %div3A_29 = arith.divf %broadcast_in_dim3A_26, %div3A_28 : vector<1000x1xf32>
    %add3A = arith.constant 9.99999997E-7 : f32
    %add3A_30 = vector.broadcast %add3A : f32 to vector<1000x1xf32>
    %add3A_31 = arith.addf %div3A_29, %add3A_30 : vector<1000x1xf32>
    %sqrt3A = math.sqrt %add3A_31 : vector<1000x1xf32>
    %div3A_32 = vector.broadcast %sqrt3A : vector<1000x1xf32> to vector<1000x64xf32>
    %div3A_33 = arith.divf %mul3A_15, %div3A_32 : vector<1000x64xf32>
    %add3A_34 = vector.broadcast %get3A_10 : vector<1x64xf32> to vector<1000x64xf32>
    %add3A_35 = arith.addf %div3A_33, %add3A_34 : vector<1000x64xf32>
    %mul3A_36 = arith.mulf %get3A_4, %get3A_4 : vector<1000x48xf32>
    %reduce_sum3A_37 = arith.constant dense<0.000000e+00> : vector<1000xf32>
    %reduce_sum3A_38 = vector.multi_reduction <add>, %mul3A_36, %reduce_sum3A_37 [1] : vector<1000x48xf32> to vector<1000xf32>
    %broadcast_in_dim3A_39 = vector.shape_cast %reduce_sum3A_38 : vector<1000xf32> to vector<1000x1xf32>
    %div3A_40 = arith.constant 1.600000e+01 : f32
    %div3A_41 = vector.broadcast %div3A_40 : f32 to vector<1000x1xf32>
    %div3A_42 = arith.divf %broadcast_in_dim3A_39, %div3A_41 : vector<1000x1xf32>
    %add3A_43 = arith.constant 9.99999997E-7 : f32
    %add3A_44 = vector.broadcast %add3A_43 : f32 to vector<1000x1xf32>
    %add3A_45 = arith.addf %div3A_42, %add3A_44 : vector<1000x1xf32>
    %sqrt3A_46 = math.sqrt %add3A_45 : vector<1000x1xf32>
    %div3A_47 = vector.broadcast %sqrt3A_46 : vector<1000x1xf32> to vector<1000x48xf32>
    %div3A_48 = arith.divf %get3A_4, %div3A_47 : vector<1000x48xf32>
    %broadcast_in_dim3A_49 = arith.constant 0.000000e+00 : f32
    %broadcast_in_dim3A_50 = vector.broadcast %broadcast_in_dim3A_49 : f32 to vector<1000x8xf32>
    %get3A_51 = arith.constant 0 : index
    %get3A_52 = arith.constant 0 : index
    %get3A_53 = vector.load %arg3[%get3A_51, %get3A_52] : memref<1000x8xf32, #tpu.memory_space<vmem>>, vector<1000x8xf32>
    %concatenate3A = tpu.concatenate %add3A_35, %div3A_48, %get3A_53, %broadcast_in_dim3A_50 in 1 : vector<1000x64xf32>, vector<1000x48xf32>, vector<1000x8xf32>, vector<1000x8xf32> -> vector<1000x128xf32>
    %swap3A = arith.constant 0 : index
    %swap3A_54 = arith.constant 0 : index
    %swap3A_55 = vector.load %arg6[%swap3A, %swap3A_54] : memref<1000x128xf32, #tpu.memory_space<vmem>>, vector<1000x128xf32>
    tpu.vector_store %arg6[%swap3A, %swap3A_54], %concatenate3A {strides = array<i32>} : memref<1000x128xf32, #tpu.memory_space<vmem>>, vector<1000x128xf32>,
    return
  }
  func.func @transform_0(%arg0: i32) -> (i32, i32) {
    %c0_i32 = arith.constant 0 : i32
    %c0_i32_0 = arith.constant 0 : i32
    return %arg0, %c0_i32 : i32, i32
  }
  func.func @transform_1(%arg0: i32) -> (i32, i32) {
    %c0_i32 = arith.constant 0 : i32
    %c0_i32_0 = arith.constant 0 : i32
    return %arg0, %c0_i32 : i32, i32
  }
  func.func @transform_2(%arg0: i32) -> (i32, i32) {
    %c0_i32 = arith.constant 0 : i32
    %c0_i32_0 = arith.constant 0 : i32
    return %arg0, %c0_i32 : i32, i32
  }
  func.func @transform_3(%arg0: i32) -> (i32, i32) {
    %c0_i32 = arith.constant 0 : i32
    %c0_i32_0 = arith.constant 0 : i32
    %c0_i32_1 = arith.constant 0 : i32
    return %c0_i32, %c0_i32_0 : i32, i32
  }
  func.func @transform_4(%arg0: i32) -> (i32, i32) {
    %c0_i32 = arith.constant 0 : i32
    %c0_i32_0 = arith.constant 0 : i32
    %c0_i32_1 = arith.constant 0 : i32
    return %c0_i32, %c0_i32_0 : i32, i32
  }
  func.func @transform_5(%arg0: i32) -> (i32, i32) {
    %c0_i32 = arith.constant 0 : i32
    %c0_i32_0 = arith.constant 0 : i32
    return %arg0, %c0_i32 : i32, i32
  }
}

module attributes {stable_mosaic.version = 14 : i64} {
  func.func @_edge_body(%arg0: i32, %arg1: memref<2000x128xf32, #tpu.memory_space<vmem>>, %arg2: memref<2000x128xf32, #tpu.memory_space<vmem>>, %arg3: memref<2000x16xf32, #tpu.memory_space<vmem>>, %arg4: memref<2000x8xf32, #tpu.memory_space<vmem>>, %arg5: memref<128x64xf32, #tpu.memory_space<vmem>>, %arg6: memref<128x64xf32, #tpu.memory_space<vmem>>, %arg7: memref<16x64xf32, #tpu.memory_space<vmem>>, %arg8: memref<8x64xf32, #tpu.memory_space<vmem>>, %arg9: memref<8x64xf32, #tpu.memory_space<vmem>>, %arg10: memref<8x64xf32, #tpu.memory_space<vmem>>, %arg11: memref<1x64xf32, #tpu.memory_space<vmem>>, %arg12: memref<64x128xf32, #tpu.memory_space<vmem>>, %arg13: memref<1x128xf32, #tpu.memory_space<vmem>>, %arg14: memref<16x48xf32, #tpu.memory_space<vmem>>, %arg15: memref<8x48xf32, #tpu.memory_space<vmem>>, %arg16: memref<8x8xf32, #tpu.memory_space<vmem>>, %arg17: memref<2000x128xf32, #tpu.memory_space<vmem>>, %arg18: memref<2000x16xf32, #tpu.memory_space<vmem>>) attributes {dimension_semantics = [#tpu.dimension_semantics<arbitrary>], iteration_bounds = array<i64: 400>, scalar_prefetch = 0 : i64, scratch_operands = 0 : i64, tpu.core_type = #tpu.core_type<tc>, window_params = [{transform_indices = @transform_0, window_bounds = array<i64: 2000, 128>}, {transform_indices = @transform_1, window_bounds = array<i64: 2000, 128>}, {transform_indices = @transform_2, window_bounds = array<i64: 2000, 16>}, {transform_indices = @transform_3, window_bounds = array<i64: 2000, 8>}, {pipeline_mode = #tpu.pipeline_mode<synchronous>, transform_indices = @transform_4, window_bounds = array<i64: 128, 64>}, {pipeline_mode = #tpu.pipeline_mode<synchronous>, transform_indices = @transform_5, window_bounds = array<i64: 128, 64>}, {pipeline_mode = #tpu.pipeline_mode<synchronous>, transform_indices = @transform_6, window_bounds = array<i64: 16, 64>}, {pipeline_mode = #tpu.pipeline_mode<synchronous>, transform_indices = @transform_7, window_bounds = array<i64: 8, 64>}, {pipeline_mode = #tpu.pipeline_mode<synchronous>, transform_indices = @transform_8, window_bounds = array<i64: 8, 64>}, {pipeline_mode = #tpu.pipeline_mode<synchronous>, transform_indices = @transform_9, window_bounds = array<i64: 8, 64>}, {pipeline_mode = #tpu.pipeline_mode<synchronous>, transform_indices = @transform_10, window_bounds = array<i64: 1, 64>}, {pipeline_mode = #tpu.pipeline_mode<synchronous>, transform_indices = @transform_11, window_bounds = array<i64: 64, 128>}, {pipeline_mode = #tpu.pipeline_mode<synchronous>, transform_indices = @transform_12, window_bounds = array<i64: 1, 128>}, {pipeline_mode = #tpu.pipeline_mode<synchronous>, transform_indices = @transform_13, window_bounds = array<i64: 16, 48>}, {pipeline_mode = #tpu.pipeline_mode<synchronous>, transform_indices = @transform_14, window_bounds = array<i64: 8, 48>}, {pipeline_mode = #tpu.pipeline_mode<synchronous>, transform_indices = @transform_15, window_bounds = array<i64: 8, 8>}, {transform_indices = @transform_16, window_bounds = array<i64: 2000, 128>}, {transform_indices = @transform_17, window_bounds = array<i64: 2000, 16>}]} {
    %get3A = arith.constant 0 : index
    %get3A_0 = arith.constant 0 : index
    %get3A_1 = vector.load %arg1[%get3A, %get3A_0] : memref<2000x128xf32, #tpu.memory_space<vmem>>, vector<2000x128xf32>
    %get3A_2 = arith.constant 0 : index
    %get3A_3 = arith.constant 0 : index
    %get3A_4 = vector.load %arg2[%get3A_2, %get3A_3] : memref<2000x128xf32, #tpu.memory_space<vmem>>, vector<2000x128xf32>
    %get3A_5 = arith.constant 0 : index
    %get3A_6 = arith.constant 0 : index
    %get3A_7 = vector.load %arg5[%get3A_5, %get3A_6] : memref<128x64xf32, #tpu.memory_space<vmem>>, vector<128x64xf32>
    %dot_general3A = arith.constant dense<0.000000e+00> : vector<2000x64xf32>
    %dot_general3A_8 = tpu.matmul %get3A_1, %get3A_7, %dot_general3A {dimension_numbers = #tpu.dot_dimension_numbers<[1], [0], [0], [1], [0, 0, 1, 1], [], []>, transpose_lhs_hint = false} : vector<2000x128xf32>, vector<128x64xf32>, vector<2000x64xf32> -> vector<2000x64xf32>
    %get3A_9 = arith.constant 0 : index
    %get3A_10 = arith.constant 0 : index
    %get3A_11 = vector.load %arg6[%get3A_9, %get3A_10] : memref<128x64xf32, #tpu.memory_space<vmem>>, vector<128x64xf32>
    %dot_general3A_12 = arith.constant dense<0.000000e+00> : vector<2000x64xf32>
    %dot_general3A_13 = tpu.matmul %get3A_4, %get3A_11, %dot_general3A_12 {dimension_numbers = #tpu.dot_dimension_numbers<[1], [0], [0], [1], [0, 0, 1, 1], [], []>, transpose_lhs_hint = false} : vector<2000x128xf32>, vector<128x64xf32>, vector<2000x64xf32> -> vector<2000x64xf32>
    %add3A = arith.addf %dot_general3A_8, %dot_general3A_13 : vector<2000x64xf32>
    %get3A_14 = arith.constant 0 : index
    %get3A_15 = arith.constant 0 : index
    %get3A_16 = vector.load %arg3[%get3A_14, %get3A_15] : memref<2000x16xf32, #tpu.memory_space<vmem>>, vector<2000x16xf32>
    %get3A_17 = arith.constant 0 : index
    %get3A_18 = arith.constant 0 : index
    %get3A_19 = vector.load %arg7[%get3A_17, %get3A_18] : memref<16x64xf32, #tpu.memory_space<vmem>>, vector<16x64xf32>
    %dot_general3A_20 = arith.constant dense<0.000000e+00> : vector<2000x64xf32>
    %dot_general3A_21 = tpu.matmul %get3A_16, %get3A_19, %dot_general3A_20 {dimension_numbers = #tpu.dot_dimension_numbers<[1], [0], [0], [1], [0, 0, 1, 1], [], []>, transpose_lhs_hint = false} : vector<2000x16xf32>, vector<16x64xf32>, vector<2000x64xf32> -> vector<2000x64xf32>
    %add3A_22 = arith.addf %add3A, %dot_general3A_21 : vector<2000x64xf32>
    %get3A_23 = arith.constant 0 : index
    %get3A_24 = arith.constant 0 : index
    %get3A_25 = vector.load %arg4[%get3A_23, %get3A_24] : memref<2000x8xf32, #tpu.memory_space<vmem>>, vector<2000x8xf32>
    %get3A_26 = arith.constant 0 : index
    %get3A_27 = arith.constant 0 : index
    %get3A_28 = vector.load %arg8[%get3A_26, %get3A_27] : memref<8x64xf32, #tpu.memory_space<vmem>>, vector<8x64xf32>
    %dot_general3A_29 = arith.constant dense<0.000000e+00> : vector<2000x64xf32>
    %dot_general3A_30 = tpu.matmul %get3A_25, %get3A_28, %dot_general3A_29 {dimension_numbers = #tpu.dot_dimension_numbers<[1], [0], [0], [1], [0, 0, 1, 1], [], []>, transpose_lhs_hint = false} : vector<2000x8xf32>, vector<8x64xf32>, vector<2000x64xf32> -> vector<2000x64xf32>
    %add3A_31 = arith.addf %add3A_22, %dot_general3A_30 : vector<2000x64xf32>
    %get3A_32 = arith.constant 0 : index
    %get3A_33 = arith.constant 0 : index
    %get3A_34 = vector.load %arg16[%get3A_32, %get3A_33] : memref<8x8xf32, #tpu.memory_space<vmem>>, vector<8x8xf32>
    %dot_general3A_35 = arith.constant dense<0.000000e+00> : vector<2000x8xf32>
    %dot_general3A_36 = tpu.matmul %get3A_25, %get3A_34, %dot_general3A_35 {dimension_numbers = #tpu.dot_dimension_numbers<[1], [0], [0], [1], [0, 0, 1, 1], [], []>, transpose_lhs_hint = false} : vector<2000x8xf32>, vector<8x8xf32>, vector<2000x8xf32> -> vector<2000x8xf32>
    %get3A_37 = arith.constant 0 : index
    %get3A_38 = arith.constant 0 : index
    %get3A_39 = vector.load %arg11[%get3A_37, %get3A_38] : memref<1x64xf32, #tpu.memory_space<vmem>>, vector<1x64xf32>
    %add3A_40 = vector.broadcast %get3A_39 : vector<1x64xf32> to vector<2000x64xf32>
    %add3A_41 = arith.addf %add3A_31, %add3A_40 : vector<2000x64xf32>
    %logistic3A = arith.negf %add3A_41 : vector<2000x64xf32>
    %logistic3A_42 = math.exp %logistic3A : vector<2000x64xf32>
    %logistic3A_43 = arith.constant 1.000000e+00 : f32
    %logistic3A_44 = vector.broadcast %logistic3A_43 : f32 to vector<2000x64xf32>
    %logistic3A_45 = arith.addf %logistic3A_44, %logistic3A_42 : vector<2000x64xf32>
    %logistic3A_46 = arith.divf %logistic3A_44, %logistic3A_45 : vector<2000x64xf32>
    %mul3A = arith.mulf %add3A_41, %logistic3A_46 : vector<2000x64xf32>
    %get3A_47 = arith.constant 0 : index
    %get3A_48 = arith.constant 0 : index
    %get3A_49 = vector.load %arg12[%get3A_47, %get3A_48] : memref<64x128xf32, #tpu.memory_space<vmem>>, vector<64x128xf32>
    %dot_general3A_50 = arith.constant dense<0.000000e+00> : vector<2000x128xf32>
    %dot_general3A_51 = tpu.matmul %mul3A, %get3A_49, %dot_general3A_50 {dimension_numbers = #tpu.dot_dimension_numbers<[1], [0], [0], [1], [0, 0, 1, 1], [], []>, transpose_lhs_hint = false} : vector<2000x64xf32>, vector<64x128xf32>, vector<2000x128xf32> -> vector<2000x128xf32>
    %get3A_52 = arith.constant 0 : index
    %get3A_53 = arith.constant 0 : index
    %get3A_54 = vector.load %arg13[%get3A_52, %get3A_53] : memref<1x128xf32, #tpu.memory_space<vmem>>, vector<1x128xf32>
    %add3A_55 = vector.broadcast %get3A_54 : vector<1x128xf32> to vector<2000x128xf32>
    %add3A_56 = arith.addf %dot_general3A_51, %add3A_55 : vector<2000x128xf32>
    %slice3A = vector.extract_strided_slice %add3A_56 {offsets = [0, 0], sizes = [2000, 64], strides = [1, 1]} : vector<2000x128xf32> to vector<2000x64xf32>
    %slice3A_57 = vector.extract_strided_slice %add3A_56 {offsets = [0, 64], sizes = [2000, 16], strides = [1, 1]} : vector<2000x128xf32> to vector<2000x16xf32>
    %slice3A_58 = vector.extract_strided_slice %add3A_56 {offsets = [0, 80], sizes = [2000, 16], strides = [1, 1]} : vector<2000x128xf32> to vector<2000x16xf32>
    %slice3A_59 = vector.extract_strided_slice %add3A_56 {offsets = [0, 96], sizes = [2000, 16], strides = [1, 1]} : vector<2000x128xf32> to vector<2000x16xf32>
    %slice3A_60 = vector.extract_strided_slice %add3A_56 {offsets = [0, 112], sizes = [2000, 8], strides = [1, 1]} : vector<2000x128xf32> to vector<2000x8xf32>
    %get3A_61 = arith.constant 0 : index
    %get3A_62 = arith.constant 0 : index
    %get3A_63 = vector.load %arg14[%get3A_61, %get3A_62] : memref<16x48xf32, #tpu.memory_space<vmem>>, vector<16x48xf32>
    %dot_general3A_64 = arith.constant dense<0.000000e+00> : vector<2000x48xf32>
    %dot_general3A_65 = tpu.matmul %slice3A_57, %get3A_63, %dot_general3A_64 {dimension_numbers = #tpu.dot_dimension_numbers<[1], [0], [0], [1], [0, 0, 1, 1], [], []>, transpose_lhs_hint = false} : vector<2000x16xf32>, vector<16x48xf32>, vector<2000x48xf32> -> vector<2000x48xf32>
    %get3A_66 = arith.constant 0 : index
    %get3A_67 = arith.constant 0 : index
    %get3A_68 = vector.load %arg14[%get3A_66, %get3A_67] : memref<16x48xf32, #tpu.memory_space<vmem>>, vector<16x48xf32>
    %dot_general3A_69 = arith.constant dense<0.000000e+00> : vector<2000x48xf32>
    %dot_general3A_70 = tpu.matmul %slice3A_58, %get3A_68, %dot_general3A_69 {dimension_numbers = #tpu.dot_dimension_numbers<[1], [0], [0], [1], [0, 0, 1, 1], [], []>, transpose_lhs_hint = false} : vector<2000x16xf32>, vector<16x48xf32>, vector<2000x48xf32> -> vector<2000x48xf32>
    %get3A_71 = arith.constant 0 : index
    %get3A_72 = arith.constant 0 : index
    %get3A_73 = vector.load %arg15[%get3A_71, %get3A_72] : memref<8x48xf32, #tpu.memory_space<vmem>>, vector<8x48xf32>
    %dot_general3A_74 = arith.constant dense<0.000000e+00> : vector<2000x48xf32>
    %dot_general3A_75 = tpu.matmul %dot_general3A_36, %get3A_73, %dot_general3A_74 {dimension_numbers = #tpu.dot_dimension_numbers<[1], [0], [0], [1], [0, 0, 1, 1], [], []>, transpose_lhs_hint = false} : vector<2000x8xf32>, vector<8x48xf32>, vector<2000x48xf32> -> vector<2000x48xf32>
    %slice3A_76 = vector.extract_strided_slice %get3A_1 {offsets = [0, 64], sizes = [2000, 48], strides = [1, 1]} : vector<2000x128xf32> to vector<2000x48xf32>
    %mul3A_77 = arith.mulf %slice3A_76, %dot_general3A_65 : vector<2000x48xf32>
    %mul3A_78 = arith.mulf %dot_general3A_75, %dot_general3A_70 : vector<2000x48xf32>
    %add3A_79 = arith.addf %mul3A_77, %mul3A_78 : vector<2000x48xf32>
    %tanh3A = math.tanh %slice3A_60 : vector<2000x8xf32>
    %mul3A_80 = arith.mulf %dot_general3A_36, %tanh3A : vector<2000x8xf32>
    %broadcast_in_dim3A = arith.constant 1.000000e+00 : f32
    %broadcast_in_dim3A_81 = vector.broadcast %broadcast_in_dim3A : f32 to vector<2000x1xf32>
    %broadcast_in_dim3A_82 = arith.constant 0.000000e+00 : f32
    %broadcast_in_dim3A_83 = vector.broadcast %broadcast_in_dim3A_82 : f32 to vector<2000x4xf32>
    %broadcast_in_dim3A_84 = arith.constant 0.000000e+00 : f32
    %broadcast_in_dim3A_85 = vector.broadcast %broadcast_in_dim3A_84 : f32 to vector<2000x8xf32>
    %slice3A_86 = vector.extract_strided_slice %add3A_79 {offsets = [0, 0], sizes = [2000, 24], strides = [1, 1]} : vector<2000x48xf32> to vector<2000x24xf32>
    %slice3A_87 = vector.extract_strided_slice %mul3A_80 {offsets = [0, 0], sizes = [2000, 3], strides = [1, 1]} : vector<2000x8xf32> to vector<2000x3xf32>
    %slice3A_88 = vector.extract_strided_slice %add3A_79 {offsets = [0, 24], sizes = [2000, 24], strides = [1, 1]} : vector<2000x48xf32> to vector<2000x24xf32>
    %concatenate3A = tpu.concatenate %slice3A, %slice3A_86, %slice3A_87, %broadcast_in_dim3A_81, %broadcast_in_dim3A_83, %slice3A_88, %broadcast_in_dim3A_85 in 1 : vector<2000x64xf32>, vector<2000x24xf32>, vector<2000x3xf32>, vector<2000x1xf32>, vector<2000x4xf32>, vector<2000x24xf32>, vector<2000x8xf32> -> vector<2000x128xf32>
    %swap3A = arith.constant 0 : index
    %swap3A_89 = arith.constant 0 : index
    %swap3A_90 = vector.load %arg17[%swap3A, %swap3A_89] : memref<2000x128xf32, #tpu.memory_space<vmem>>, vector<2000x128xf32>
    tpu.vector_store %arg17[%swap3A, %swap3A_89], %concatenate3A {strides = array<i32>} : memref<2000x128xf32, #tpu.memory_space<vmem>>, vector<2000x128xf32>,
    %swap3A_91 = arith.constant 0 : index
    %swap3A_92 = arith.constant 0 : index
    %swap3A_93 = vector.load %arg18[%swap3A_91, %swap3A_92] : memref<2000x16xf32, #tpu.memory_space<vmem>>, vector<2000x16xf32>
    tpu.vector_store %arg18[%swap3A_91, %swap3A_92], %slice3A_59 {strides = array<i32>} : memref<2000x16xf32, #tpu.memory_space<vmem>>, vector<2000x16xf32>,
    return
  }
  func.func @transform_0(%arg0: i32) -> (i32, i32) {
    %c0_i32 = arith.constant 0 : i32
    %c0_i32_0 = arith.constant 0 : i32
    return %arg0, %c0_i32 : i32, i32
  }
  func.func @transform_1(%arg0: i32) -> (i32, i32) {
    %c0_i32 = arith.constant 0 : i32
    %c0_i32_0 = arith.constant 0 : i32
    return %arg0, %c0_i32 : i32, i32
  }
  func.func @transform_2(%arg0: i32) -> (i32, i32) {
    %c0_i32 = arith.constant 0 : i32
    %c0_i32_0 = arith.constant 0 : i32
    return %arg0, %c0_i32 : i32, i32
  }
  func.func @transform_3(%arg0: i32) -> (i32, i32) {
    %c0_i32 = arith.constant 0 : i32
    %c0_i32_0 = arith.constant 0 : i32
    return %arg0, %c0_i32 : i32, i32
  }
  func.func @transform_4(%arg0: i32) -> (i32, i32) {
    %c0_i32 = arith.constant 0 : i32
    %c0_i32_0 = arith.constant 0 : i32
    %c0_i32_1 = arith.constant 0 : i32
    return %c0_i32, %c0_i32_0 : i32, i32
  }
  func.func @transform_5(%arg0: i32) -> (i32, i32) {
    %c0_i32 = arith.constant 0 : i32
    %c0_i32_0 = arith.constant 0 : i32
    %c0_i32_1 = arith.constant 0 : i32
    return %c0_i32, %c0_i32_0 : i32, i32
  }
  func.func @transform_6(%arg0: i32) -> (i32, i32) {
    %c0_i32 = arith.constant 0 : i32
    %c0_i32_0 = arith.constant 0 : i32
    %c0_i32_1 = arith.constant 0 : i32
    return %c0_i32, %c0_i32_0 : i32, i32
  }
  func.func @transform_7(%arg0: i32) -> (i32, i32) {
    %c0_i32 = arith.constant 0 : i32
    %c0_i32_0 = arith.constant 0 : i32
    %c0_i32_1 = arith.constant 0 : i32
    return %c0_i32, %c0_i32_0 : i32, i32
  }
  func.func @transform_8(%arg0: i32) -> (i32, i32) {
    %c0_i32 = arith.constant 0 : i32
    %c0_i32_0 = arith.constant 0 : i32
    %c0_i32_1 = arith.constant 0 : i32
    return %c0_i32, %c0_i32_0 : i32, i32
  }
  func.func @transform_9(%arg0: i32) -> (i32, i32) {
    %c0_i32 = arith.constant 0 : i32
    %c0_i32_0 = arith.constant 0 : i32
    %c0_i32_1 = arith.constant 0 : i32
    return %c0_i32, %c0_i32_0 : i32, i32
  }
  func.func @transform_10(%arg0: i32) -> (i32, i32) {
    %c0_i32 = arith.constant 0 : i32
    %c0_i32_0 = arith.constant 0 : i32
    %c0_i32_1 = arith.constant 0 : i32
    return %c0_i32, %c0_i32_0 : i32, i32
  }
  func.func @transform_11(%arg0: i32) -> (i32, i32) {
    %c0_i32 = arith.constant 0 : i32
    %c0_i32_0 = arith.constant 0 : i32
    %c0_i32_1 = arith.constant 0 : i32
    return %c0_i32, %c0_i32_0 : i32, i32
  }
  func.func @transform_12(%arg0: i32) -> (i32, i32) {
    %c0_i32 = arith.constant 0 : i32
    %c0_i32_0 = arith.constant 0 : i32
    %c0_i32_1 = arith.constant 0 : i32
    return %c0_i32, %c0_i32_0 : i32, i32
  }
  func.func @transform_13(%arg0: i32) -> (i32, i32) {
    %c0_i32 = arith.constant 0 : i32
    %c0_i32_0 = arith.constant 0 : i32
    %c0_i32_1 = arith.constant 0 : i32
    return %c0_i32, %c0_i32_0 : i32, i32
  }
  func.func @transform_14(%arg0: i32) -> (i32, i32) {
    %c0_i32 = arith.constant 0 : i32
    %c0_i32_0 = arith.constant 0 : i32
    %c0_i32_1 = arith.constant 0 : i32
    return %c0_i32, %c0_i32_0 : i32, i32
  }
  func.func @transform_15(%arg0: i32) -> (i32, i32) {
    %c0_i32 = arith.constant 0 : i32
    %c0_i32_0 = arith.constant 0 : i32
    %c0_i32_1 = arith.constant 0 : i32
    return %c0_i32, %c0_i32_0 : i32, i32
  }
  func.func @transform_16(%arg0: i32) -> (i32, i32) {
    %c0_i32 = arith.constant 0 : i32
    %c0_i32_0 = arith.constant 0 : i32
    return %arg0, %c0_i32 : i32, i32
  }
  func.func @transform_17(%arg0: i32) -> (i32, i32) {
    %c0_i32 = arith.constant 0 : i32
    %c0_i32_0 = arith.constant 0 : i32
    return %arg0, %c0_i32 : i32, i32
  }
}

module attributes {stable_mosaic.version = 14 : i64} {
  func.func @_combine_body(%arg0: i32, %arg1: memref<1000x128xf32, #tpu.memory_space<vmem>>, %arg2: memref<2x1000x32xf32, #tpu.memory_space<vmem>>, %arg3: memref<2x1000x32xf32, #tpu.memory_space<vmem>>, %arg4: memref<64x64xf32, #tpu.memory_space<vmem>>, %arg5: memref<1x64xf32, #tpu.memory_space<vmem>>, %arg6: memref<64x64xf32, #tpu.memory_space<vmem>>, %arg7: memref<1x64xf32, #tpu.memory_space<vmem>>, %arg8: memref<1x64xf32, #tpu.memory_space<vmem>>, %arg9: memref<1x64xf32, #tpu.memory_space<vmem>>, %arg10: memref<1000x64xf32, #tpu.memory_space<vmem>>, %arg11: memref<1000x48xf32, #tpu.memory_space<vmem>>, %arg12: memref<1000x128xf32, #tpu.memory_space<vmem>>) attributes {dimension_semantics = [#tpu.dimension_semantics<arbitrary>], iteration_bounds = array<i64: 50>, scalar_prefetch = 0 : i64, scratch_operands = 0 : i64, tpu.core_type = #tpu.core_type<tc>, window_params = [{transform_indices = @transform_0, window_bounds = array<i64: 1000, 128>}, {transform_indices = @transform_1, window_bounds = array<i64: 2, 1000, 32>}, {transform_indices = @transform_2, window_bounds = array<i64: 2, 1000, 32>}, {pipeline_mode = #tpu.pipeline_mode<synchronous>, transform_indices = @transform_3, window_bounds = array<i64: 64, 64>}, {pipeline_mode = #tpu.pipeline_mode<synchronous>, transform_indices = @transform_4, window_bounds = array<i64: 1, 64>}, {pipeline_mode = #tpu.pipeline_mode<synchronous>, transform_indices = @transform_5, window_bounds = array<i64: 64, 64>}, {pipeline_mode = #tpu.pipeline_mode<synchronous>, transform_indices = @transform_6, window_bounds = array<i64: 1, 64>}, {pipeline_mode = #tpu.pipeline_mode<synchronous>, transform_indices = @transform_7, window_bounds = array<i64: 1, 64>}, {pipeline_mode = #tpu.pipeline_mode<synchronous>, transform_indices = @transform_8, window_bounds = array<i64: 1, 64>}, {transform_indices = @transform_9, window_bounds = array<i64: 1000, 64>}, {transform_indices = @transform_10, window_bounds = array<i64: 1000, 48>}, {transform_indices = @transform_11, window_bounds = array<i64: 1000, 128>}]} {
    %get3A = arith.constant 0 : index
    %get3A_0 = arith.constant 0 : index
    %get3A_1 = vector.load %arg1[%get3A, %get3A_0] : memref<1000x128xf32, #tpu.memory_space<vmem>>, vector<1000x128xf32>
    %get3A_2 = arith.constant 0 : index
    %get3A_3 = arith.constant 0 : index
    %get3A_4 = arith.constant 0 : index
    %get3A_5 = vector.load %arg3[%get3A_2, %get3A_3, %get3A_4] : memref<2x1000x32xf32, #tpu.memory_space<vmem>>, vector<1x1000x32xf32>
    %get3A_6 = vector.shape_cast %get3A_5 : vector<1x1000x32xf32> to vector<1000x32xf32>
    %get3A_7 = arith.constant 1 : index
    %get3A_8 = arith.constant 0 : index
    %get3A_9 = arith.constant 0 : index
    %get3A_10 = vector.load %arg3[%get3A_7, %get3A_8, %get3A_9] : memref<2x1000x32xf32, #tpu.memory_space<vmem>>, vector<1x1000x32xf32>
    %get3A_11 = vector.shape_cast %get3A_10 : vector<1x1000x32xf32> to vector<1000x32xf32>
    %slice3A = vector.extract_strided_slice %get3A_6 {offsets = [0, 27], sizes = [1000, 1], strides = [1, 1]} : vector<1000x32xf32> to vector<1000x1xf32>
    %max3A = arith.constant 1.000000e+00 : f32
    %max3A_12 = vector.broadcast %max3A : f32 to vector<1000x1xf32>
    %max3A_13 = arith.maximumf %slice3A, %max3A_12 : vector<1000x1xf32>
    %slice3A_14 = vector.extract_strided_slice %get3A_6 {offsets = [0, 0], sizes = [1000, 24], strides = [1, 1]} : vector<1000x32xf32> to vector<1000x24xf32>
    %slice3A_15 = vector.extract_strided_slice %get3A_11 {offsets = [0, 0], sizes = [1000, 24], strides = [1, 1]} : vector<1000x32xf32> to vector<1000x24xf32>
    %concatenate3A = tpu.concatenate %slice3A_14, %slice3A_15 in 1 : vector<1000x24xf32>, vector<1000x24xf32> -> vector<1000x48xf32>
    %slice3A_16 = vector.extract_strided_slice %get3A_1 {offsets = [0, 64], sizes = [1000, 48], strides = [1, 1]} : vector<1000x128xf32> to vector<1000x48xf32>
    %div3A = vector.broadcast %max3A_13 : vector<1000x1xf32> to vector<1000x48xf32>
    %div3A_17 = arith.divf %concatenate3A, %div3A : vector<1000x48xf32>
    %add3A = arith.addf %slice3A_16, %div3A_17 : vector<1000x48xf32>
    %slice3A_18 = vector.extract_strided_slice %get3A_1 {offsets = [0, 112], sizes = [1000, 3], strides = [1, 1]} : vector<1000x128xf32> to vector<1000x3xf32>
    %slice3A_19 = vector.extract_strided_slice %get3A_6 {offsets = [0, 24], sizes = [1000, 3], strides = [1, 1]} : vector<1000x32xf32> to vector<1000x3xf32>
    %div3A_20 = vector.broadcast %max3A_13 : vector<1000x1xf32> to vector<1000x3xf32>
    %div3A_21 = arith.divf %slice3A_19, %div3A_20 : vector<1000x3xf32>
    %add3A_22 = arith.addf %slice3A_18, %div3A_21 : vector<1000x3xf32>
    %broadcast_in_dim3A = arith.constant 0.000000e+00 : f32
    %broadcast_in_dim3A_23 = vector.broadcast %broadcast_in_dim3A : f32 to vector<1000x5xf32>
    %concatenate3A_24 = tpu.concatenate %add3A_22, %broadcast_in_dim3A_23 in 1 : vector<1000x3xf32>, vector<1000x5xf32> -> vector<1000x8xf32>
    %slice3A_25 = vector.extract_strided_slice %get3A_1 {offsets = [0, 0], sizes = [1000, 64], strides = [1, 1]} : vector<1000x128xf32> to vector<1000x64xf32>
    %get3A_26 = arith.constant 0 : index
    %get3A_27 = arith.constant 0 : index
    %get3A_28 = arith.constant 0 : index
    %get3A_29 = vector.load %arg2[%get3A_26, %get3A_27, %get3A_28] : memref<2x1000x32xf32, #tpu.memory_space<vmem>>, vector<1x1000x32xf32>
    %get3A_30 = vector.shape_cast %get3A_29 : vector<1x1000x32xf32> to vector<1000x32xf32>
    %get3A_31 = arith.constant 1 : index
    %get3A_32 = arith.constant 0 : index
    %get3A_33 = arith.constant 0 : index
    %get3A_34 = vector.load %arg2[%get3A_31, %get3A_32, %get3A_33] : memref<2x1000x32xf32, #tpu.memory_space<vmem>>, vector<1x1000x32xf32>
    %get3A_35 = vector.shape_cast %get3A_34 : vector<1x1000x32xf32> to vector<1000x32xf32>
    %concatenate3A_36 = tpu.concatenate %get3A_30, %get3A_35 in 1 : vector<1000x32xf32>, vector<1000x32xf32> -> vector<1000x64xf32>
    %add3A_37 = arith.addf %slice3A_25, %concatenate3A_36 : vector<1000x64xf32>
    %get3A_38 = arith.constant 0 : index
    %get3A_39 = arith.constant 0 : index
    %get3A_40 = vector.load %arg4[%get3A_38, %get3A_39] : memref<64x64xf32, #tpu.memory_space<vmem>>, vector<64x64xf32>
    %dot_general3A = arith.constant dense<0.000000e+00> : vector<1000x64xf32>
    %dot_general3A_41 = tpu.matmul %add3A_37, %get3A_40, %dot_general3A {dimension_numbers = #tpu.dot_dimension_numbers<[1], [0], [0], [1], [0, 0, 1, 1], [], []>, transpose_lhs_hint = false} : vector<1000x64xf32>, vector<64x64xf32>, vector<1000x64xf32> -> vector<1000x64xf32>
    %get3A_42 = arith.constant 0 : index
    %get3A_43 = arith.constant 0 : index
    %get3A_44 = vector.load %arg5[%get3A_42, %get3A_43] : memref<1x64xf32, #tpu.memory_space<vmem>>, vector<1x64xf32>
    %add3A_45 = vector.broadcast %get3A_44 : vector<1x64xf32> to vector<1000x64xf32>
    %add3A_46 = arith.addf %dot_general3A_41, %add3A_45 : vector<1000x64xf32>
    %logistic3A = arith.negf %add3A_46 : vector<1000x64xf32>
    %logistic3A_47 = math.exp %logistic3A : vector<1000x64xf32>
    %logistic3A_48 = arith.constant 1.000000e+00 : f32
    %logistic3A_49 = vector.broadcast %logistic3A_48 : f32 to vector<1000x64xf32>
    %logistic3A_50 = arith.addf %logistic3A_49, %logistic3A_47 : vector<1000x64xf32>
    %logistic3A_51 = arith.divf %logistic3A_49, %logistic3A_50 : vector<1000x64xf32>
    %mul3A = arith.mulf %add3A_46, %logistic3A_51 : vector<1000x64xf32>
    %get3A_52 = arith.constant 0 : index
    %get3A_53 = arith.constant 0 : index
    %get3A_54 = vector.load %arg6[%get3A_52, %get3A_53] : memref<64x64xf32, #tpu.memory_space<vmem>>, vector<64x64xf32>
    %dot_general3A_55 = arith.constant dense<0.000000e+00> : vector<1000x64xf32>
    %dot_general3A_56 = tpu.matmul %mul3A, %get3A_54, %dot_general3A_55 {dimension_numbers = #tpu.dot_dimension_numbers<[1], [0], [0], [1], [0, 0, 1, 1], [], []>, transpose_lhs_hint = false} : vector<1000x64xf32>, vector<64x64xf32>, vector<1000x64xf32> -> vector<1000x64xf32>
    %add3A_57 = arith.addf %add3A_37, %dot_general3A_56 : vector<1000x64xf32>
    %get3A_58 = arith.constant 0 : index
    %get3A_59 = arith.constant 0 : index
    %get3A_60 = vector.load %arg7[%get3A_58, %get3A_59] : memref<1x64xf32, #tpu.memory_space<vmem>>, vector<1x64xf32>
    %add3A_61 = vector.broadcast %get3A_60 : vector<1x64xf32> to vector<1000x64xf32>
    %add3A_62 = arith.addf %add3A_57, %add3A_61 : vector<1000x64xf32>
    %swap3A = arith.constant 0 : index
    %swap3A_63 = arith.constant 0 : index
    %swap3A_64 = vector.load %arg10[%swap3A, %swap3A_63] : memref<1000x64xf32, #tpu.memory_space<vmem>>, vector<1000x64xf32>
    tpu.vector_store %arg10[%swap3A, %swap3A_63], %add3A_62 {strides = array<i32>} : memref<1000x64xf32, #tpu.memory_space<vmem>>, vector<1000x64xf32>,
    %swap3A_65 = arith.constant 0 : index
    %swap3A_66 = arith.constant 0 : index
    %swap3A_67 = vector.load %arg11[%swap3A_65, %swap3A_66] : memref<1000x48xf32, #tpu.memory_space<vmem>>, vector<1000x48xf32>
    tpu.vector_store %arg11[%swap3A_65, %swap3A_66], %add3A {strides = array<i32>} : memref<1000x48xf32, #tpu.memory_space<vmem>>, vector<1000x48xf32>,
    %get3A_68 = arith.constant 0 : index
    %get3A_69 = arith.constant 0 : index
    %get3A_70 = vector.load %arg8[%get3A_68, %get3A_69] : memref<1x64xf32, #tpu.memory_space<vmem>>, vector<1x64xf32>
    %get3A_71 = arith.constant 0 : index
    %get3A_72 = arith.constant 0 : index
    %get3A_73 = vector.load %arg9[%get3A_71, %get3A_72] : memref<1x64xf32, #tpu.memory_space<vmem>>, vector<1x64xf32>
    %reduce_sum3A = arith.constant dense<0.000000e+00> : vector<1000xf32>
    %reduce_sum3A_74 = vector.multi_reduction <add>, %add3A_62, %reduce_sum3A [1] : vector<1000x64xf32> to vector<1000xf32>
    %broadcast_in_dim3A_75 = vector.shape_cast %reduce_sum3A_74 : vector<1000xf32> to vector<1000x1xf32>
    %div3A_76 = arith.constant 6.400000e+01 : f32
    %div3A_77 = vector.broadcast %div3A_76 : f32 to vector<1000x1xf32>
    %div3A_78 = arith.divf %broadcast_in_dim3A_75, %div3A_77 : vector<1000x1xf32>
    %sub3A = vector.broadcast %div3A_78 : vector<1000x1xf32> to vector<1000x64xf32>
    %sub3A_79 = arith.subf %add3A_62, %sub3A : vector<1000x64xf32>
    %mul3A_80 = vector.broadcast %get3A_70 : vector<1x64xf32> to vector<1000x64xf32>
    %mul3A_81 = arith.mulf %mul3A_80, %sub3A_79 : vector<1000x64xf32>
    %reduce_sum3A_82 = arith.constant dense<0.000000e+00> : vector<1000xf32>
    %reduce_sum3A_83 = vector.multi_reduction <add>, %add3A_62, %reduce_sum3A_82 [1] : vector<1000x64xf32> to vector<1000xf32>
    %broadcast_in_dim3A_84 = vector.shape_cast %reduce_sum3A_83 : vector<1000xf32> to vector<1000x1xf32>
    %div3A_85 = arith.constant 6.400000e+01 : f32
    %div3A_86 = vector.broadcast %div3A_85 : f32 to vector<1000x1xf32>
    %div3A_87 = arith.divf %broadcast_in_dim3A_84, %div3A_86 : vector<1000x1xf32>
    %sub3A_88 = vector.broadcast %div3A_87 : vector<1000x1xf32> to vector<1000x64xf32>
    %sub3A_89 = arith.subf %add3A_62, %sub3A_88 : vector<1000x64xf32>
    %integer_pow3A = arith.mulf %sub3A_89, %sub3A_89 : vector<1000x64xf32>
    %reduce_sum3A_90 = arith.constant dense<0.000000e+00> : vector<1000xf32>
    %reduce_sum3A_91 = vector.multi_reduction <add>, %integer_pow3A, %reduce_sum3A_90 [1] : vector<1000x64xf32> to vector<1000xf32>
    %broadcast_in_dim3A_92 = vector.shape_cast %reduce_sum3A_91 : vector<1000xf32> to vector<1000x1xf32>
    %div3A_93 = arith.constant 6.400000e+01 : f32
    %div3A_94 = vector.broadcast %div3A_93 : f32 to vector<1000x1xf32>
    %div3A_95 = arith.divf %broadcast_in_dim3A_92, %div3A_94 : vector<1000x1xf32>
    %add3A_96 = arith.constant 9.99999997E-7 : f32
    %add3A_97 = vector.broadcast %add3A_96 : f32 to vector<1000x1xf32>
    %add3A_98 = arith.addf %div3A_95, %add3A_97 : vector<1000x1xf32>
    %sqrt3A = math.sqrt %add3A_98 : vector<1000x1xf32>
    %div3A_99 = vector.broadcast %sqrt3A : vector<1000x1xf32> to vector<1000x64xf32>
    %div3A_100 = arith.divf %mul3A_81, %div3A_99 : vector<1000x64xf32>
    %add3A_101 = vector.broadcast %get3A_73 : vector<1x64xf32> to vector<1000x64xf32>
    %add3A_102 = arith.addf %div3A_100, %add3A_101 : vector<1000x64xf32>
    %mul3A_103 = arith.mulf %add3A, %add3A : vector<1000x48xf32>
    %reduce_sum3A_104 = arith.constant dense<0.000000e+00> : vector<1000xf32>
    %reduce_sum3A_105 = vector.multi_reduction <add>, %mul3A_103, %reduce_sum3A_104 [1] : vector<1000x48xf32> to vector<1000xf32>
    %broadcast_in_dim3A_106 = vector.shape_cast %reduce_sum3A_105 : vector<1000xf32> to vector<1000x1xf32>
    %div3A_107 = arith.constant 1.600000e+01 : f32
    %div3A_108 = vector.broadcast %div3A_107 : f32 to vector<1000x1xf32>
    %div3A_109 = arith.divf %broadcast_in_dim3A_106, %div3A_108 : vector<1000x1xf32>
    %add3A_110 = arith.constant 9.99999997E-7 : f32
    %add3A_111 = vector.broadcast %add3A_110 : f32 to vector<1000x1xf32>
    %add3A_112 = arith.addf %div3A_109, %add3A_111 : vector<1000x1xf32>
    %sqrt3A_113 = math.sqrt %add3A_112 : vector<1000x1xf32>
    %div3A_114 = vector.broadcast %sqrt3A_113 : vector<1000x1xf32> to vector<1000x48xf32>
    %div3A_115 = arith.divf %add3A, %div3A_114 : vector<1000x48xf32>
    %broadcast_in_dim3A_116 = arith.constant 0.000000e+00 : f32
    %broadcast_in_dim3A_117 = vector.broadcast %broadcast_in_dim3A_116 : f32 to vector<1000x8xf32>
    %concatenate3A_118 = tpu.concatenate %add3A_102, %div3A_115, %concatenate3A_24, %broadcast_in_dim3A_117 in 1 : vector<1000x64xf32>, vector<1000x48xf32>, vector<1000x8xf32>, vector<1000x8xf32> -> vector<1000x128xf32>
    %swap3A_119 = arith.constant 0 : index
    %swap3A_120 = arith.constant 0 : index
    %swap3A_121 = vector.load %arg12[%swap3A_119, %swap3A_120] : memref<1000x128xf32, #tpu.memory_space<vmem>>, vector<1000x128xf32>
    tpu.vector_store %arg12[%swap3A_119, %swap3A_120], %concatenate3A_118 {strides = array<i32>} : memref<1000x128xf32, #tpu.memory_space<vmem>>, vector<1000x128xf32>,
    return
  }
  func.func @transform_0(%arg0: i32) -> (i32, i32) {
    %c0_i32 = arith.constant 0 : i32
    %c0_i32_0 = arith.constant 0 : i32
    return %arg0, %c0_i32 : i32, i32
  }
  func.func @transform_1(%arg0: i32) -> (i32, i32, i32) {
    %c0_i32 = arith.constant 0 : i32
    %c0_i32_0 = arith.constant 0 : i32
    %c0_i32_1 = arith.constant 0 : i32
    return %c0_i32, %arg0, %c0_i32_0 : i32, i32, i32
  }
  func.func @transform_2(%arg0: i32) -> (i32, i32, i32) {
    %c0_i32 = arith.constant 0 : i32
    %c0_i32_0 = arith.constant 0 : i32
    %c0_i32_1 = arith.constant 0 : i32
    return %c0_i32, %arg0, %c0_i32_0 : i32, i32, i32
  }
  func.func @transform_3(%arg0: i32) -> (i32, i32) {
    %c0_i32 = arith.constant 0 : i32
    %c0_i32_0 = arith.constant 0 : i32
    %c0_i32_1 = arith.constant 0 : i32
    return %c0_i32, %c0_i32_0 : i32, i32
  }
  func.func @transform_4(%arg0: i32) -> (i32, i32) {
    %c0_i32 = arith.constant 0 : i32
    %c0_i32_0 = arith.constant 0 : i32
    %c0_i32_1 = arith.constant 0 : i32
    return %c0_i32, %c0_i32_0 : i32, i32
  }
  func.func @transform_5(%arg0: i32) -> (i32, i32) {
    %c0_i32 = arith.constant 0 : i32
    %c0_i32_0 = arith.constant 0 : i32
    %c0_i32_1 = arith.constant 0 : i32
    return %c0_i32, %c0_i32_0 : i32, i32
  }
  func.func @transform_6(%arg0: i32) -> (i32, i32) {
    %c0_i32 = arith.constant 0 : i32
    %c0_i32_0 = arith.constant 0 : i32
    %c0_i32_1 = arith.constant 0 : i32
    return %c0_i32, %c0_i32_0 : i32, i32
  }
  func.func @transform_7(%arg0: i32) -> (i32, i32) {
    %c0_i32 = arith.constant 0 : i32
    %c0_i32_0 = arith.constant 0 : i32
    %c0_i32_1 = arith.constant 0 : i32
    return %c0_i32, %c0_i32_0 : i32, i32
  }
  func.func @transform_8(%arg0: i32) -> (i32, i32) {
    %c0_i32 = arith.constant 0 : i32
    %c0_i32_0 = arith.constant 0 : i32
    %c0_i32_1 = arith.constant 0 : i32
    return %c0_i32, %c0_i32_0 : i32, i32
  }
  func.func @transform_9(%arg0: i32) -> (i32, i32) {
    %c0_i32 = arith.constant 0 : i32
    %c0_i32_0 = arith.constant 0 : i32
    return %arg0, %c0_i32 : i32, i32
  }
  func.func @transform_10(%arg0: i32) -> (i32, i32) {
    %c0_i32 = arith.constant 0 : i32
    %c0_i32_0 = arith.constant 0 : i32
    return %arg0, %c0_i32 : i32, i32
  }
  func.func @transform_11(%arg0: i32) -> (i32, i32) {
    %c0_i32 = arith.constant 0 : i32
    %c0_i32_0 = arith.constant 0 : i32
    return %arg0, %c0_i32 : i32, i32
  }
}

module attributes {stable_mosaic.version = 14 : i64} {
  func.func @_edge_body(%arg0: i32, %arg1: memref<2000x128xf32, #tpu.memory_space<vmem>>, %arg2: memref<2000x128xf32, #tpu.memory_space<vmem>>, %arg3: memref<2000x16xf32, #tpu.memory_space<vmem>>, %arg4: memref<2000x8xf32, #tpu.memory_space<vmem>>, %arg5: memref<128x64xf32, #tpu.memory_space<vmem>>, %arg6: memref<128x64xf32, #tpu.memory_space<vmem>>, %arg7: memref<16x64xf32, #tpu.memory_space<vmem>>, %arg8: memref<8x64xf32, #tpu.memory_space<vmem>>, %arg9: memref<8x64xf32, #tpu.memory_space<vmem>>, %arg10: memref<8x64xf32, #tpu.memory_space<vmem>>, %arg11: memref<1x64xf32, #tpu.memory_space<vmem>>, %arg12: memref<64x128xf32, #tpu.memory_space<vmem>>, %arg13: memref<1x128xf32, #tpu.memory_space<vmem>>, %arg14: memref<16x48xf32, #tpu.memory_space<vmem>>, %arg15: memref<8x48xf32, #tpu.memory_space<vmem>>, %arg16: memref<8x8xf32, #tpu.memory_space<vmem>>, %arg17: memref<2000x128xf32, #tpu.memory_space<vmem>>, %arg18: memref<2000x16xf32, #tpu.memory_space<vmem>>) attributes {dimension_semantics = [#tpu.dimension_semantics<arbitrary>], iteration_bounds = array<i64: 400>, scalar_prefetch = 0 : i64, scratch_operands = 0 : i64, tpu.core_type = #tpu.core_type<tc>, window_params = [{transform_indices = @transform_0, window_bounds = array<i64: 2000, 128>}, {transform_indices = @transform_1, window_bounds = array<i64: 2000, 128>}, {transform_indices = @transform_2, window_bounds = array<i64: 2000, 16>}, {transform_indices = @transform_3, window_bounds = array<i64: 2000, 8>}, {pipeline_mode = #tpu.pipeline_mode<synchronous>, transform_indices = @transform_4, window_bounds = array<i64: 128, 64>}, {pipeline_mode = #tpu.pipeline_mode<synchronous>, transform_indices = @transform_5, window_bounds = array<i64: 128, 64>}, {pipeline_mode = #tpu.pipeline_mode<synchronous>, transform_indices = @transform_6, window_bounds = array<i64: 16, 64>}, {pipeline_mode = #tpu.pipeline_mode<synchronous>, transform_indices = @transform_7, window_bounds = array<i64: 8, 64>}, {pipeline_mode = #tpu.pipeline_mode<synchronous>, transform_indices = @transform_8, window_bounds = array<i64: 8, 64>}, {pipeline_mode = #tpu.pipeline_mode<synchronous>, transform_indices = @transform_9, window_bounds = array<i64: 8, 64>}, {pipeline_mode = #tpu.pipeline_mode<synchronous>, transform_indices = @transform_10, window_bounds = array<i64: 1, 64>}, {pipeline_mode = #tpu.pipeline_mode<synchronous>, transform_indices = @transform_11, window_bounds = array<i64: 64, 128>}, {pipeline_mode = #tpu.pipeline_mode<synchronous>, transform_indices = @transform_12, window_bounds = array<i64: 1, 128>}, {pipeline_mode = #tpu.pipeline_mode<synchronous>, transform_indices = @transform_13, window_bounds = array<i64: 16, 48>}, {pipeline_mode = #tpu.pipeline_mode<synchronous>, transform_indices = @transform_14, window_bounds = array<i64: 8, 48>}, {pipeline_mode = #tpu.pipeline_mode<synchronous>, transform_indices = @transform_15, window_bounds = array<i64: 8, 8>}, {transform_indices = @transform_16, window_bounds = array<i64: 2000, 128>}, {transform_indices = @transform_17, window_bounds = array<i64: 2000, 16>}]} {
    %get3A = arith.constant 0 : index
    %get3A_0 = arith.constant 0 : index
    %get3A_1 = vector.load %arg1[%get3A, %get3A_0] : memref<2000x128xf32, #tpu.memory_space<vmem>>, vector<2000x128xf32>
    %get3A_2 = arith.constant 0 : index
    %get3A_3 = arith.constant 0 : index
    %get3A_4 = vector.load %arg2[%get3A_2, %get3A_3] : memref<2000x128xf32, #tpu.memory_space<vmem>>, vector<2000x128xf32>
    %get3A_5 = arith.constant 0 : index
    %get3A_6 = arith.constant 0 : index
    %get3A_7 = vector.load %arg5[%get3A_5, %get3A_6] : memref<128x64xf32, #tpu.memory_space<vmem>>, vector<128x64xf32>
    %dot_general3A = arith.constant dense<0.000000e+00> : vector<2000x64xf32>
    %dot_general3A_8 = tpu.matmul %get3A_1, %get3A_7, %dot_general3A {dimension_numbers = #tpu.dot_dimension_numbers<[1], [0], [0], [1], [0, 0, 1, 1], [], []>, transpose_lhs_hint = false} : vector<2000x128xf32>, vector<128x64xf32>, vector<2000x64xf32> -> vector<2000x64xf32>
    %get3A_9 = arith.constant 0 : index
    %get3A_10 = arith.constant 0 : index
    %get3A_11 = vector.load %arg6[%get3A_9, %get3A_10] : memref<128x64xf32, #tpu.memory_space<vmem>>, vector<128x64xf32>
    %dot_general3A_12 = arith.constant dense<0.000000e+00> : vector<2000x64xf32>
    %dot_general3A_13 = tpu.matmul %get3A_4, %get3A_11, %dot_general3A_12 {dimension_numbers = #tpu.dot_dimension_numbers<[1], [0], [0], [1], [0, 0, 1, 1], [], []>, transpose_lhs_hint = false} : vector<2000x128xf32>, vector<128x64xf32>, vector<2000x64xf32> -> vector<2000x64xf32>
    %add3A = arith.addf %dot_general3A_8, %dot_general3A_13 : vector<2000x64xf32>
    %get3A_14 = arith.constant 0 : index
    %get3A_15 = arith.constant 0 : index
    %get3A_16 = vector.load %arg3[%get3A_14, %get3A_15] : memref<2000x16xf32, #tpu.memory_space<vmem>>, vector<2000x16xf32>
    %get3A_17 = arith.constant 0 : index
    %get3A_18 = arith.constant 0 : index
    %get3A_19 = vector.load %arg7[%get3A_17, %get3A_18] : memref<16x64xf32, #tpu.memory_space<vmem>>, vector<16x64xf32>
    %dot_general3A_20 = arith.constant dense<0.000000e+00> : vector<2000x64xf32>
    %dot_general3A_21 = tpu.matmul %get3A_16, %get3A_19, %dot_general3A_20 {dimension_numbers = #tpu.dot_dimension_numbers<[1], [0], [0], [1], [0, 0, 1, 1], [], []>, transpose_lhs_hint = false} : vector<2000x16xf32>, vector<16x64xf32>, vector<2000x64xf32> -> vector<2000x64xf32>
    %add3A_22 = arith.addf %add3A, %dot_general3A_21 : vector<2000x64xf32>
    %slice3A = vector.extract_strided_slice %get3A_1 {offsets = [0, 112], sizes = [2000, 8], strides = [1, 1]} : vector<2000x128xf32> to vector<2000x8xf32>
    %slice3A_23 = vector.extract_strided_slice %get3A_4 {offsets = [0, 112], sizes = [2000, 8], strides = [1, 1]} : vector<2000x128xf32> to vector<2000x8xf32>
    %sub3A = arith.subf %slice3A_23, %slice3A : vector<2000x8xf32>
    %mul3A = arith.mulf %slice3A_23, %slice3A : vector<2000x8xf32>
    %get3A_24 = arith.constant 0 : index
    %get3A_25 = arith.constant 0 : index
    %get3A_26 = vector.load %arg9[%get3A_24, %get3A_25] : memref<8x64xf32, #tpu.memory_space<vmem>>, vector<8x64xf32>
    %dot_general3A_27 = arith.constant dense<0.000000e+00> : vector<2000x64xf32>
    %dot_general3A_28 = tpu.matmul %mul3A, %get3A_26, %dot_general3A_27 {dimension_numbers = #tpu.dot_dimension_numbers<[1], [0], [0], [1], [0, 0, 1, 1], [], []>, transpose_lhs_hint = false} : vector<2000x8xf32>, vector<8x64xf32>, vector<2000x64xf32> -> vector<2000x64xf32>
    %add3A_29 = arith.addf %add3A_22, %dot_general3A_28 : vector<2000x64xf32>
    %mul3A_30 = arith.mulf %sub3A, %sub3A : vector<2000x8xf32>
    %broadcast_in_dim3A = arith.constant 1.000000e+00 : f32
    %broadcast_in_dim3A_31 = vector.broadcast %broadcast_in_dim3A : f32 to vector<8x8xf32>
    %dot_general3A_32 = arith.constant dense<0.000000e+00> : vector<2000x8xf32>
    %dot_general3A_33 = tpu.matmul %mul3A_30, %broadcast_in_dim3A_31, %dot_general3A_32 {dimension_numbers = #tpu.dot_dimension_numbers<[1], [0], [0], [1], [0, 0, 1, 1], [], []>, transpose_lhs_hint = false} : vector<2000x8xf32>, vector<8x8xf32>, vector<2000x8xf32> -> vector<2000x8xf32>
    %max3A = arith.constant 9.99999997E-7 : f32
    %max3A_34 = vector.broadcast %max3A : f32 to vector<2000x8xf32>
    %max3A_35 = arith.maximumf %dot_general3A_33, %max3A_34 : vector<2000x8xf32>
    %sqrt3A = math.sqrt %max3A_35 : vector<2000x8xf32>
    %get3A_36 = arith.constant 0 : index
    %get3A_37 = arith.constant 0 : index
    %get3A_38 = vector.load %arg10[%get3A_36, %get3A_37] : memref<8x64xf32, #tpu.memory_space<vmem>>, vector<8x64xf32>
    %dot_general3A_39 = arith.constant dense<0.000000e+00> : vector<2000x64xf32>
    %dot_general3A_40 = tpu.matmul %sqrt3A, %get3A_38, %dot_general3A_39 {dimension_numbers = #tpu.dot_dimension_numbers<[1], [0], [0], [1], [0, 0, 1, 1], [], []>, transpose_lhs_hint = false} : vector<2000x8xf32>, vector<8x64xf32>, vector<2000x64xf32> -> vector<2000x64xf32>
    %add3A_41 = arith.addf %add3A_29, %dot_general3A_40 : vector<2000x64xf32>
    %add3A_42 = arith.constant 1.000000e+00 : f32
    %add3A_43 = vector.broadcast %add3A_42 : f32 to vector<2000x8xf32>
    %add3A_44 = arith.addf %add3A_43, %sqrt3A : vector<2000x8xf32>
    %div3A = arith.divf %sub3A, %add3A_44 : vector<2000x8xf32>
    %get3A_45 = arith.constant 0 : index
    %get3A_46 = arith.constant 0 : index
    %get3A_47 = vector.load %arg11[%get3A_45, %get3A_46] : memref<1x64xf32, #tpu.memory_space<vmem>>, vector<1x64xf32>
    %add3A_48 = vector.broadcast %get3A_47 : vector<1x64xf32> to vector<2000x64xf32>
    %add3A_49 = arith.addf %add3A_41, %add3A_48 : vector<2000x64xf32>
    %logistic3A = arith.negf %add3A_49 : vector<2000x64xf32>
    %logistic3A_50 = math.exp %logistic3A : vector<2000x64xf32>
    %logistic3A_51 = arith.constant 1.000000e+00 : f32
    %logistic3A_52 = vector.broadcast %logistic3A_51 : f32 to vector<2000x64xf32>
    %logistic3A_53 = arith.addf %logistic3A_52, %logistic3A_50 : vector<2000x64xf32>
    %logistic3A_54 = arith.divf %logistic3A_52, %logistic3A_53 : vector<2000x64xf32>
    %mul3A_55 = arith.mulf %add3A_49, %logistic3A_54 : vector<2000x64xf32>
    %get3A_56 = arith.constant 0 : index
    %get3A_57 = arith.constant 0 : index
    %get3A_58 = vector.load %arg12[%get3A_56, %get3A_57] : memref<64x128xf32, #tpu.memory_space<vmem>>, vector<64x128xf32>
    %dot_general3A_59 = arith.constant dense<0.000000e+00> : vector<2000x128xf32>
    %dot_general3A_60 = tpu.matmul %mul3A_55, %get3A_58, %dot_general3A_59 {dimension_numbers = #tpu.dot_dimension_numbers<[1], [0], [0], [1], [0, 0, 1, 1], [], []>, transpose_lhs_hint = false} : vector<2000x64xf32>, vector<64x128xf32>, vector<2000x128xf32> -> vector<2000x128xf32>
    %get3A_61 = arith.constant 0 : index
    %get3A_62 = arith.constant 0 : index
    %get3A_63 = vector.load %arg13[%get3A_61, %get3A_62] : memref<1x128xf32, #tpu.memory_space<vmem>>, vector<1x128xf32>
    %add3A_64 = vector.broadcast %get3A_63 : vector<1x128xf32> to vector<2000x128xf32>
    %add3A_65 = arith.addf %dot_general3A_60, %add3A_64 : vector<2000x128xf32>
    %slice3A_66 = vector.extract_strided_slice %add3A_65 {offsets = [0, 0], sizes = [2000, 64], strides = [1, 1]} : vector<2000x128xf32> to vector<2000x64xf32>
    %slice3A_67 = vector.extract_strided_slice %add3A_65 {offsets = [0, 64], sizes = [2000, 16], strides = [1, 1]} : vector<2000x128xf32> to vector<2000x16xf32>
    %slice3A_68 = vector.extract_strided_slice %add3A_65 {offsets = [0, 80], sizes = [2000, 16], strides = [1, 1]} : vector<2000x128xf32> to vector<2000x16xf32>
    %slice3A_69 = vector.extract_strided_slice %add3A_65 {offsets = [0, 96], sizes = [2000, 16], strides = [1, 1]} : vector<2000x128xf32> to vector<2000x16xf32>
    %slice3A_70 = vector.extract_strided_slice %add3A_65 {offsets = [0, 112], sizes = [2000, 8], strides = [1, 1]} : vector<2000x128xf32> to vector<2000x8xf32>
    %get3A_71 = arith.constant 0 : index
    %get3A_72 = arith.constant 0 : index
    %get3A_73 = vector.load %arg14[%get3A_71, %get3A_72] : memref<16x48xf32, #tpu.memory_space<vmem>>, vector<16x48xf32>
    %dot_general3A_74 = arith.constant dense<0.000000e+00> : vector<2000x48xf32>
    %dot_general3A_75 = tpu.matmul %slice3A_67, %get3A_73, %dot_general3A_74 {dimension_numbers = #tpu.dot_dimension_numbers<[1], [0], [0], [1], [0, 0, 1, 1], [], []>, transpose_lhs_hint = false} : vector<2000x16xf32>, vector<16x48xf32>, vector<2000x48xf32> -> vector<2000x48xf32>
    %get3A_76 = arith.constant 0 : index
    %get3A_77 = arith.constant 0 : index
    %get3A_78 = vector.load %arg14[%get3A_76, %get3A_77] : memref<16x48xf32, #tpu.memory_space<vmem>>, vector<16x48xf32>
    %dot_general3A_79 = arith.constant dense<0.000000e+00> : vector<2000x48xf32>
    %dot_general3A_80 = tpu.matmul %slice3A_68, %get3A_78, %dot_general3A_79 {dimension_numbers = #tpu.dot_dimension_numbers<[1], [0], [0], [1], [0, 0, 1, 1], [], []>, transpose_lhs_hint = false} : vector<2000x16xf32>, vector<16x48xf32>, vector<2000x48xf32> -> vector<2000x48xf32>
    %get3A_81 = arith.constant 0 : index
    %get3A_82 = arith.constant 0 : index
    %get3A_83 = vector.load %arg15[%get3A_81, %get3A_82] : memref<8x48xf32, #tpu.memory_space<vmem>>, vector<8x48xf32>
    %dot_general3A_84 = arith.constant dense<0.000000e+00> : vector<2000x48xf32>
    %dot_general3A_85 = tpu.matmul %div3A, %get3A_83, %dot_general3A_84 {dimension_numbers = #tpu.dot_dimension_numbers<[1], [0], [0], [1], [0, 0, 1, 1], [], []>, transpose_lhs_hint = false} : vector<2000x8xf32>, vector<8x48xf32>, vector<2000x48xf32> -> vector<2000x48xf32>
    %slice3A_86 = vector.extract_strided_slice %get3A_1 {offsets = [0, 64], sizes = [2000, 48], strides = [1, 1]} : vector<2000x128xf32> to vector<2000x48xf32>
    %mul3A_87 = arith.mulf %slice3A_86, %dot_general3A_75 : vector<2000x48xf32>
    %mul3A_88 = arith.mulf %dot_general3A_85, %dot_general3A_80 : vector<2000x48xf32>
    %add3A_89 = arith.addf %mul3A_87, %mul3A_88 : vector<2000x48xf32>
    %tanh3A = math.tanh %slice3A_70 : vector<2000x8xf32>
    %mul3A_90 = arith.mulf %div3A, %tanh3A : vector<2000x8xf32>
    %broadcast_in_dim3A_91 = arith.constant 1.000000e+00 : f32
    %broadcast_in_dim3A_92 = vector.broadcast %broadcast_in_dim3A_91 : f32 to vector<2000x1xf32>
    %broadcast_in_dim3A_93 = arith.constant 0.000000e+00 : f32
    %broadcast_in_dim3A_94 = vector.broadcast %broadcast_in_dim3A_93 : f32 to vector<2000x4xf32>
    %broadcast_in_dim3A_95 = arith.constant 0.000000e+00 : f32
    %broadcast_in_dim3A_96 = vector.broadcast %broadcast_in_dim3A_95 : f32 to vector<2000x8xf32>
    %slice3A_97 = vector.extract_strided_slice %add3A_89 {offsets = [0, 0], sizes = [2000, 24], strides = [1, 1]} : vector<2000x48xf32> to vector<2000x24xf32>
    %slice3A_98 = vector.extract_strided_slice %mul3A_90 {offsets = [0, 0], sizes = [2000, 3], strides = [1, 1]} : vector<2000x8xf32> to vector<2000x3xf32>
    %slice3A_99 = vector.extract_strided_slice %add3A_89 {offsets = [0, 24], sizes = [2000, 24], strides = [1, 1]} : vector<2000x48xf32> to vector<2000x24xf32>
    %concatenate3A = tpu.concatenate %slice3A_66, %slice3A_97, %slice3A_98, %broadcast_in_dim3A_92, %broadcast_in_dim3A_94, %slice3A_99, %broadcast_in_dim3A_96 in 1 : vector<2000x64xf32>, vector<2000x24xf32>, vector<2000x3xf32>, vector<2000x1xf32>, vector<2000x4xf32>, vector<2000x24xf32>, vector<2000x8xf32> -> vector<2000x128xf32>
    %swap3A = arith.constant 0 : index
    %swap3A_100 = arith.constant 0 : index
    %swap3A_101 = vector.load %arg17[%swap3A, %swap3A_100] : memref<2000x128xf32, #tpu.memory_space<vmem>>, vector<2000x128xf32>
    tpu.vector_store %arg17[%swap3A, %swap3A_100], %concatenate3A {strides = array<i32>} : memref<2000x128xf32, #tpu.memory_space<vmem>>, vector<2000x128xf32>,
    %swap3A_102 = arith.constant 0 : index
    %swap3A_103 = arith.constant 0 : index
    %swap3A_104 = vector.load %arg18[%swap3A_102, %swap3A_103] : memref<2000x16xf32, #tpu.memory_space<vmem>>, vector<2000x16xf32>
    tpu.vector_store %arg18[%swap3A_102, %swap3A_103], %slice3A_69 {strides = array<i32>} : memref<2000x16xf32, #tpu.memory_space<vmem>>, vector<2000x16xf32>,
    return
  }
  func.func @transform_0(%arg0: i32) -> (i32, i32) {
    %c0_i32 = arith.constant 0 : i32
    %c0_i32_0 = arith.constant 0 : i32
    return %arg0, %c0_i32 : i32, i32
  }
  func.func @transform_1(%arg0: i32) -> (i32, i32) {
    %c0_i32 = arith.constant 0 : i32
    %c0_i32_0 = arith.constant 0 : i32
    return %arg0, %c0_i32 : i32, i32
  }
  func.func @transform_2(%arg0: i32) -> (i32, i32) {
    %c0_i32 = arith.constant 0 : i32
    %c0_i32_0 = arith.constant 0 : i32
    return %arg0, %c0_i32 : i32, i32
  }
  func.func @transform_3(%arg0: i32) -> (i32, i32) {
    %c0_i32 = arith.constant 0 : i32
    %c0_i32_0 = arith.constant 0 : i32
    return %arg0, %c0_i32 : i32, i32
  }
  func.func @transform_4(%arg0: i32) -> (i32, i32) {
    %c0_i32 = arith.constant 0 : i32
    %c0_i32_0 = arith.constant 0 : i32
    %c0_i32_1 = arith.constant 0 : i32
    return %c0_i32, %c0_i32_0 : i32, i32
  }
  func.func @transform_5(%arg0: i32) -> (i32, i32) {
    %c0_i32 = arith.constant 0 : i32
    %c0_i32_0 = arith.constant 0 : i32
    %c0_i32_1 = arith.constant 0 : i32
    return %c0_i32, %c0_i32_0 : i32, i32
  }
  func.func @transform_6(%arg0: i32) -> (i32, i32) {
    %c0_i32 = arith.constant 0 : i32
    %c0_i32_0 = arith.constant 0 : i32
    %c0_i32_1 = arith.constant 0 : i32
    return %c0_i32, %c0_i32_0 : i32, i32
  }
  func.func @transform_7(%arg0: i32) -> (i32, i32) {
    %c0_i32 = arith.constant 0 : i32
    %c0_i32_0 = arith.constant 0 : i32
    %c0_i32_1 = arith.constant 0 : i32
    return %c0_i32, %c0_i32_0 : i32, i32
  }
  func.func @transform_8(%arg0: i32) -> (i32, i32) {
    %c0_i32 = arith.constant 0 : i32
    %c0_i32_0 = arith.constant 0 : i32
    %c0_i32_1 = arith.constant 0 : i32
    return %c0_i32, %c0_i32_0 : i32, i32
  }
  func.func @transform_9(%arg0: i32) -> (i32, i32) {
    %c0_i32 = arith.constant 0 : i32
    %c0_i32_0 = arith.constant 0 : i32
    %c0_i32_1 = arith.constant 0 : i32
    return %c0_i32, %c0_i32_0 : i32, i32
  }
  func.func @transform_10(%arg0: i32) -> (i32, i32) {
    %c0_i32 = arith.constant 0 : i32
    %c0_i32_0 = arith.constant 0 : i32
    %c0_i32_1 = arith.constant 0 : i32
    return %c0_i32, %c0_i32_0 : i32, i32
  }
  func.func @transform_11(%arg0: i32) -> (i32, i32) {
    %c0_i32 = arith.constant 0 : i32
    %c0_i32_0 = arith.constant 0 : i32
    %c0_i32_1 = arith.constant 0 : i32
    return %c0_i32, %c0_i32_0 : i32, i32
  }
  func.func @transform_12(%arg0: i32) -> (i32, i32) {
    %c0_i32 = arith.constant 0 : i32
    %c0_i32_0 = arith.constant 0 : i32
    %c0_i32_1 = arith.constant 0 : i32
    return %c0_i32, %c0_i32_0 : i32, i32
  }
  func.func @transform_13(%arg0: i32) -> (i32, i32) {
    %c0_i32 = arith.constant 0 : i32
    %c0_i32_0 = arith.constant 0 : i32
    %c0_i32_1 = arith.constant 0 : i32
    return %c0_i32, %c0_i32_0 : i32, i32
  }
  func.func @transform_14(%arg0: i32) -> (i32, i32) {
    %c0_i32 = arith.constant 0 : i32
    %c0_i32_0 = arith.constant 0 : i32
    %c0_i32_1 = arith.constant 0 : i32
    return %c0_i32, %c0_i32_0 : i32, i32
  }
  func.func @transform_15(%arg0: i32) -> (i32, i32) {
    %c0_i32 = arith.constant 0 : i32
    %c0_i32_0 = arith.constant 0 : i32
    %c0_i32_1 = arith.constant 0 : i32
    return %c0_i32, %c0_i32_0 : i32, i32
  }
  func.func @transform_16(%arg0: i32) -> (i32, i32) {
    %c0_i32 = arith.constant 0 : i32
    %c0_i32_0 = arith.constant 0 : i32
    return %arg0, %c0_i32 : i32, i32
  }
  func.func @transform_17(%arg0: i32) -> (i32, i32) {
    %c0_i32 = arith.constant 0 : i32
    %c0_i32_0 = arith.constant 0 : i32
    return %arg0, %c0_i32 : i32, i32
  }
}

module attributes {stable_mosaic.version = 14 : i64} {
  func.func @_combine_body(%arg0: i32, %arg1: memref<1000x128xf32, #tpu.memory_space<vmem>>, %arg2: memref<2x1000x32xf32, #tpu.memory_space<vmem>>, %arg3: memref<2x1000x32xf32, #tpu.memory_space<vmem>>, %arg4: memref<64x64xf32, #tpu.memory_space<vmem>>, %arg5: memref<1x64xf32, #tpu.memory_space<vmem>>, %arg6: memref<64x64xf32, #tpu.memory_space<vmem>>, %arg7: memref<1x64xf32, #tpu.memory_space<vmem>>, %arg8: memref<1x64xf32, #tpu.memory_space<vmem>>, %arg9: memref<1x64xf32, #tpu.memory_space<vmem>>, %arg10: memref<1000x64xf32, #tpu.memory_space<vmem>>, %arg11: memref<1000x48xf32, #tpu.memory_space<vmem>>, %arg12: memref<1000x8xf32, #tpu.memory_space<vmem>>) attributes {dimension_semantics = [#tpu.dimension_semantics<arbitrary>], iteration_bounds = array<i64: 50>, scalar_prefetch = 0 : i64, scratch_operands = 0 : i64, tpu.core_type = #tpu.core_type<tc>, window_params = [{transform_indices = @transform_0, window_bounds = array<i64: 1000, 128>}, {transform_indices = @transform_1, window_bounds = array<i64: 2, 1000, 32>}, {transform_indices = @transform_2, window_bounds = array<i64: 2, 1000, 32>}, {pipeline_mode = #tpu.pipeline_mode<synchronous>, transform_indices = @transform_3, window_bounds = array<i64: 64, 64>}, {pipeline_mode = #tpu.pipeline_mode<synchronous>, transform_indices = @transform_4, window_bounds = array<i64: 1, 64>}, {pipeline_mode = #tpu.pipeline_mode<synchronous>, transform_indices = @transform_5, window_bounds = array<i64: 64, 64>}, {pipeline_mode = #tpu.pipeline_mode<synchronous>, transform_indices = @transform_6, window_bounds = array<i64: 1, 64>}, {pipeline_mode = #tpu.pipeline_mode<synchronous>, transform_indices = @transform_7, window_bounds = array<i64: 1, 64>}, {pipeline_mode = #tpu.pipeline_mode<synchronous>, transform_indices = @transform_8, window_bounds = array<i64: 1, 64>}, {transform_indices = @transform_9, window_bounds = array<i64: 1000, 64>}, {transform_indices = @transform_10, window_bounds = array<i64: 1000, 48>}, {transform_indices = @transform_11, window_bounds = array<i64: 1000, 8>}]} {
    %get3A = arith.constant 0 : index
    %get3A_0 = arith.constant 0 : index
    %get3A_1 = vector.load %arg1[%get3A, %get3A_0] : memref<1000x128xf32, #tpu.memory_space<vmem>>, vector<1000x128xf32>
    %get3A_2 = arith.constant 0 : index
    %get3A_3 = arith.constant 0 : index
    %get3A_4 = arith.constant 0 : index
    %get3A_5 = vector.load %arg3[%get3A_2, %get3A_3, %get3A_4] : memref<2x1000x32xf32, #tpu.memory_space<vmem>>, vector<1x1000x32xf32>
    %get3A_6 = vector.shape_cast %get3A_5 : vector<1x1000x32xf32> to vector<1000x32xf32>
    %get3A_7 = arith.constant 1 : index
    %get3A_8 = arith.constant 0 : index
    %get3A_9 = arith.constant 0 : index
    %get3A_10 = vector.load %arg3[%get3A_7, %get3A_8, %get3A_9] : memref<2x1000x32xf32, #tpu.memory_space<vmem>>, vector<1x1000x32xf32>
    %get3A_11 = vector.shape_cast %get3A_10 : vector<1x1000x32xf32> to vector<1000x32xf32>
    %slice3A = vector.extract_strided_slice %get3A_6 {offsets = [0, 27], sizes = [1000, 1], strides = [1, 1]} : vector<1000x32xf32> to vector<1000x1xf32>
    %max3A = arith.constant 1.000000e+00 : f32
    %max3A_12 = vector.broadcast %max3A : f32 to vector<1000x1xf32>
    %max3A_13 = arith.maximumf %slice3A, %max3A_12 : vector<1000x1xf32>
    %slice3A_14 = vector.extract_strided_slice %get3A_6 {offsets = [0, 0], sizes = [1000, 24], strides = [1, 1]} : vector<1000x32xf32> to vector<1000x24xf32>
    %slice3A_15 = vector.extract_strided_slice %get3A_11 {offsets = [0, 0], sizes = [1000, 24], strides = [1, 1]} : vector<1000x32xf32> to vector<1000x24xf32>
    %concatenate3A = tpu.concatenate %slice3A_14, %slice3A_15 in 1 : vector<1000x24xf32>, vector<1000x24xf32> -> vector<1000x48xf32>
    %slice3A_16 = vector.extract_strided_slice %get3A_1 {offsets = [0, 64], sizes = [1000, 48], strides = [1, 1]} : vector<1000x128xf32> to vector<1000x48xf32>
    %div3A = vector.broadcast %max3A_13 : vector<1000x1xf32> to vector<1000x48xf32>
    %div3A_17 = arith.divf %concatenate3A, %div3A : vector<1000x48xf32>
    %add3A = arith.addf %slice3A_16, %div3A_17 : vector<1000x48xf32>
    %slice3A_18 = vector.extract_strided_slice %get3A_1 {offsets = [0, 112], sizes = [1000, 3], strides = [1, 1]} : vector<1000x128xf32> to vector<1000x3xf32>
    %slice3A_19 = vector.extract_strided_slice %get3A_6 {offsets = [0, 24], sizes = [1000, 3], strides = [1, 1]} : vector<1000x32xf32> to vector<1000x3xf32>
    %div3A_20 = vector.broadcast %max3A_13 : vector<1000x1xf32> to vector<1000x3xf32>
    %div3A_21 = arith.divf %slice3A_19, %div3A_20 : vector<1000x3xf32>
    %add3A_22 = arith.addf %slice3A_18, %div3A_21 : vector<1000x3xf32>
    %broadcast_in_dim3A = arith.constant 0.000000e+00 : f32
    %broadcast_in_dim3A_23 = vector.broadcast %broadcast_in_dim3A : f32 to vector<1000x5xf32>
    %concatenate3A_24 = tpu.concatenate %add3A_22, %broadcast_in_dim3A_23 in 1 : vector<1000x3xf32>, vector<1000x5xf32> -> vector<1000x8xf32>
    %slice3A_25 = vector.extract_strided_slice %get3A_1 {offsets = [0, 0], sizes = [1000, 64], strides = [1, 1]} : vector<1000x128xf32> to vector<1000x64xf32>
    %get3A_26 = arith.constant 0 : index
    %get3A_27 = arith.constant 0 : index
    %get3A_28 = arith.constant 0 : index
    %get3A_29 = vector.load %arg2[%get3A_26, %get3A_27, %get3A_28] : memref<2x1000x32xf32, #tpu.memory_space<vmem>>, vector<1x1000x32xf32>
    %get3A_30 = vector.shape_cast %get3A_29 : vector<1x1000x32xf32> to vector<1000x32xf32>
    %get3A_31 = arith.constant 1 : index
    %get3A_32 = arith.constant 0 : index
    %get3A_33 = arith.constant 0 : index
    %get3A_34 = vector.load %arg2[%get3A_31, %get3A_32, %get3A_33] : memref<2x1000x32xf32, #tpu.memory_space<vmem>>, vector<1x1000x32xf32>
    %get3A_35 = vector.shape_cast %get3A_34 : vector<1x1000x32xf32> to vector<1000x32xf32>
    %concatenate3A_36 = tpu.concatenate %get3A_30, %get3A_35 in 1 : vector<1000x32xf32>, vector<1000x32xf32> -> vector<1000x64xf32>
    %add3A_37 = arith.addf %slice3A_25, %concatenate3A_36 : vector<1000x64xf32>
    %swap3A = arith.constant 0 : index
    %swap3A_38 = arith.constant 0 : index
    %swap3A_39 = vector.load %arg10[%swap3A, %swap3A_38] : memref<1000x64xf32, #tpu.memory_space<vmem>>, vector<1000x64xf32>
    tpu.vector_store %arg10[%swap3A, %swap3A_38], %add3A_37 {strides = array<i32>} : memref<1000x64xf32, #tpu.memory_space<vmem>>, vector<1000x64xf32>,
    %swap3A_40 = arith.constant 0 : index
    %swap3A_41 = arith.constant 0 : index
    %swap3A_42 = vector.load %arg11[%swap3A_40, %swap3A_41] : memref<1000x48xf32, #tpu.memory_space<vmem>>, vector<1000x48xf32>
    tpu.vector_store %arg11[%swap3A_40, %swap3A_41], %add3A {strides = array<i32>} : memref<1000x48xf32, #tpu.memory_space<vmem>>, vector<1000x48xf32>,
    %swap3A_43 = arith.constant 0 : index
    %swap3A_44 = arith.constant 0 : index
    %swap3A_45 = vector.load %arg12[%swap3A_43, %swap3A_44] : memref<1000x8xf32, #tpu.memory_space<vmem>>, vector<1000x8xf32>
    tpu.vector_store %arg12[%swap3A_43, %swap3A_44], %concatenate3A_24 {strides = array<i32>} : memref<1000x8xf32, #tpu.memory_space<vmem>>, vector<1000x8xf32>,
    return
  }
  func.func @transform_0(%arg0: i32) -> (i32, i32) {
    %c0_i32 = arith.constant 0 : i32
    %c0_i32_0 = arith.constant 0 : i32
    return %arg0, %c0_i32 : i32, i32
  }
  func.func @transform_1(%arg0: i32) -> (i32, i32, i32) {
    %c0_i32 = arith.constant 0 : i32
    %c0_i32_0 = arith.constant 0 : i32
    %c0_i32_1 = arith.constant 0 : i32
    return %c0_i32, %arg0, %c0_i32_0 : i32, i32, i32
  }
  func.func @transform_2(%arg0: i32) -> (i32, i32, i32) {
    %c0_i32 = arith.constant 0 : i32
    %c0_i32_0 = arith.constant 0 : i32
    %c0_i32_1 = arith.constant 0 : i32
    return %c0_i32, %arg0, %c0_i32_0 : i32, i32, i32
  }
  func.func @transform_3(%arg0: i32) -> (i32, i32) {
    %c0_i32 = arith.constant 0 : i32
    %c0_i32_0 = arith.constant 0 : i32
    %c0_i32_1 = arith.constant 0 : i32
    return %c0_i32, %c0_i32_0 : i32, i32
  }
  func.func @transform_4(%arg0: i32) -> (i32, i32) {
    %c0_i32 = arith.constant 0 : i32
    %c0_i32_0 = arith.constant 0 : i32
    %c0_i32_1 = arith.constant 0 : i32
    return %c0_i32, %c0_i32_0 : i32, i32
  }
  func.func @transform_5(%arg0: i32) -> (i32, i32) {
    %c0_i32 = arith.constant 0 : i32
    %c0_i32_0 = arith.constant 0 : i32
    %c0_i32_1 = arith.constant 0 : i32
    return %c0_i32, %c0_i32_0 : i32, i32
  }
  func.func @transform_6(%arg0: i32) -> (i32, i32) {
    %c0_i32 = arith.constant 0 : i32
    %c0_i32_0 = arith.constant 0 : i32
    %c0_i32_1 = arith.constant 0 : i32
    return %c0_i32, %c0_i32_0 : i32, i32
  }
  func.func @transform_7(%arg0: i32) -> (i32, i32) {
    %c0_i32 = arith.constant 0 : i32
    %c0_i32_0 = arith.constant 0 : i32
    %c0_i32_1 = arith.constant 0 : i32
    return %c0_i32, %c0_i32_0 : i32, i32
  }
  func.func @transform_8(%arg0: i32) -> (i32, i32) {
    %c0_i32 = arith.constant 0 : i32
    %c0_i32_0 = arith.constant 0 : i32
    %c0_i32_1 = arith.constant 0 : i32
    return %c0_i32, %c0_i32_0 : i32, i32
  }
  func.func @transform_9(%arg0: i32) -> (i32, i32) {
    %c0_i32 = arith.constant 0 : i32
    %c0_i32_0 = arith.constant 0 : i32
    return %arg0, %c0_i32 : i32, i32
  }
  func.func @transform_10(%arg0: i32) -> (i32, i32) {
    %c0_i32 = arith.constant 0 : i32
    %c0_i32_0 = arith.constant 0 : i32
    return %arg0, %c0_i32 : i32, i32
  }
  func.func @transform_11(%arg0: i32) -> (i32, i32) {
    %c0_i32 = arith.constant 0 : i32
    %c0_i32_0 = arith.constant 0 : i32
    return %arg0, %c0_i32 : i32, i32
  }
}

</mosaic_0001>

<sc_bundles>
// kernel: kernel.28.cloned.1.call-start
scs
__scs_entry_jumppad:
0x0: {  	(pc) =	sbr.rel $0x88, $3  }
0x1: {  	(tag) =	ssettag $0x0;
	lr =	simm.s32 $0x1  }
0x2: {  	[smem:$0x3F8F] =	sst lr;
	_ =	strace $0xD0000000  }
0x3: {  	_ = 	snop  }
0x4: {  	_ = 	snop  }
0x5: {  	_ = 	snop  }
0x6: {  	_ = 	snop  }
0x7: {  	_ = 	snop  }
__scs_overlays_trampoline_lowered:
0x8: {  	[smem:$0x3F9E] =	sst s0  }
0x9: {  	[smem:$0x3F9F] =	sst s1  }
0xa: {  	[smem:$0x3FA0] =	sst s2  }
0xb: {  	[smem:$0x3FA1] =	sst s3  }
0xc: {  	[smem:$0x3FA2] =	sst s4  }
0xd: {  	[smem:$0x3FA3] =	sst s5  }
0xe: {  	[smem:$0x3FA4] =	sst s6  }
0xf: {  	[smem:$0x3FA5] =	sst s7  }
0x10: {  	[smem:$0x3FA6] =	sst s8  }
0x11: {  	[smem:$0x3FA7] =	sst s9;
	s0 =	simm.s32 @!p0 $0x0  }
0x12: {  	s1 =	sld [smem:$0x3F8D];
	s0 =	simm.s32 @p0 $0x1  }
0x13: {  	[smem:$0x3FA8] =	sst s0;
	s0 =	simm.s32 @!p1 $0x0  }
0x14: {  	s2 =	sld [smem:$0x3F8C];
	s0 =	simm.s32 @p1 $0x1  }
0x15: {  	[smem:$0x3FA9] =	sst s0;
	s0 =	simm.s32 @!p2 $0x0  }
0x16: {  	s3 =	sld [smem:$0x3FDB];
	s0 =	simm.s32 @p2 $0x1  }
0x17: {  	s4 =	simm.s32 $0x1BF5;
	[smem:$0x3FAB] =	sst s0  }
0x18: {  	s0 =	sld [smem:$0x3F8E];
	_ =	swait.ge [sflag:s4], $0x0  }
0x19: {  	s7 =	sld [smem:$0x3F8F]  }
0x1a: {  	s8 =	sadd.s32 $0xFFFFE003, lr  }
0x1b: {  	s9 =	sadd.s32 $0xFFFFFEF7, lr;
	s5 =	simm.s32 $0xFFFFFFFF;
	p2 =	slt.u32 s8, $0xFFFFF086  }
0x1c: {  	p1 =	slt.u32 s9, $0xF7A;
	s5 =	simm.s32 @!p2 $0x0  }
0x1d: {  	s5 =	simm.s32 @p1 $0x1;
	p0 =	seq.s32 s7, s2  }
0x1e: {  	s7 =	smul.u32 @!p0 $0xF7A, s2;
	p2 =	seq.s32 @!p0 s5, $0x0  }
0x1f: {  	s9 =	smul.u32 $0xF7A, s1;
	s8 =	simm.s32 @!p0 $0x1BF5;
	p2 =	por !p2, p0  }
0x20: {  	[sflag:s8] =	ssyncset.s32 @!p0 $0xFFFFF086;
	s6 =	sadd.s32 @!p0 s3, s7;
	s7 =	simm.s32 @!p0 $0x108  }
0x21: {  	s3 =	sadd.s32 s3, s9;
	s6 =	sadd.s32 @!p0 $0x88, s6;
	s7 =	simm.s32 @p2 $0x1082  }
0x22: {  	[simem:s7], [sflag:s8] =	dma.local @!p0 [hbm:s6], $0xF7A  }
0x23: {  	s9 =	sor.u32 $0xD0000000, s2;
	s6 =	simm.s32 $0x108;
	_ =	swait.ge @!p0 [sflag:s8], $0x0  }
0x24: {  	s3 =	sadd.s32 $0x88, s3;
	s6 =	simm.s32 @!p1 $0x1082;
	[sflag:s4] =	ssyncset.s32 $0xFFFFF086  }
0x25: {  	[simem:s6], [sflag:s4] =	dma.local [hbm:s3], $0xF7A  }
0x26: {  	[smem:$0x3F8F] =	sst s1;
	(tag) =	ssettag s2;
	_ =	strace s9  }
0x27: {  	s1 =	sld [smem:$0x3F9F]  }
0x28: {  	s2 =	sld [smem:$0x3FA0]  }
0x29: {  	s4 =	sld [smem:$0x3FA2]  }
0x2a: {  	p0 =	seq.s32 s5, $0x0;
	s5 =	sld [smem:$0x3FA3]  }
0x2b: {  	s6 =	sld [smem:$0x3FA4]  }
0x2c: {  	s7 =	sld [smem:$0x3FA5]  }
0x2d: {  	s3 =	simm.s32 $0x108;
	s8 =	sld [smem:$0x3FA6]  }
0x2e: {  	s3 =	simm.s32 @!p0 $0x1082;
	s9 =	sld [smem:$0x3FA7]  }
0x2f: {  	lr =	sadd.s32 s0, s3;
	s0 =	sld [smem:$0x3F9E]  }
0x30: {  	s3 =	sld [smem:$0x3FA1]  }
0x31: {  	[smem:$0x3FAA] =	sst s10  }
0x32: {  	s10 =	sld [smem:$0x3FA8];
	_ =	sdelay $0x3  }
0x33: {  	p0 =	seq.s32 s10, $0x1;
	s10 =	sld [smem:$0x3FAA];
	_ =	sdelay $0x3  }
0x34: {  	[smem:$0x3FAA] =	sst s10  }
0x35: {  	s10 =	sld [smem:$0x3FA9];
	_ =	sdelay $0x3  }
0x36: {  	p1 =	seq.s32 s10, $0x1;
	s10 =	sld [smem:$0x3FAA];
	_ =	sdelay $0x3  }
0x37: {  	[smem:$0x3FAA] =	sst s10  }
0x38: {  	s10 =	sld [smem:$0x3FAB]  }
0x39: {  	_ = 	snop;
	(pc) =	sbr.ind lr, $3  }
0x3a: {  	_ = 	snop  }
0x3b: {  	_ = 	snop  }
0x3c: {  	p2 =	seq.s32 s10, $0x1;
	s10 =	sld [smem:$0x3FAA]  }
0x3d: {  	_ =	shalt  }
0x3e: {  	_ =	shalt  }
0x3f: {  	_ =	shalt  }
0x40: {  	_ =	shalt  }
0x41: {  	_ =	shalt  }
0x42: {  	_ =	shalt  }
0x43: {  	_ =	shalt  }
0x44: {  	_ =	shalt  }
0x45: {  	_ =	shalt  }
0x46: {  	_ =	shalt  }
0x47: {  	_ =	shalt  }
0x48: {  	_ =	shalt  }
0x49: {  	_ =	shalt  }
0x4a: {  	_ =	shalt  }
0x4b: {  	_ =	shalt  }
0x4c: {  	_ =	shalt  }
0x4d: {  	_ =	shalt  }
0x4e: {  	_ =	shalt  }
0x4f: {  	_ =	shalt  }
0x50: {  	_ =	shalt  }
0x51: {  	_ =	shalt  }
0x52: {  	_ =	shalt  }
0x53: {  	_ =	shalt  }
0x54: {  	_ =	shalt  }
0x55: {  	_ =	shalt  }
0x56: {  	_ =	shalt  }
0x57: {  	_ =	shalt  }
0x58: {  	_ =	shalt  }
0x59: {  	_ =	shalt  }
0x5a: {  	_ =	shalt  }
0x5b: {  	_ =	shalt  }
0x5c: {  	_ =	shalt  }
0x5d: {  	_ =	shalt  }
0x5e: {  	_ =	shalt  }
0x5f: {  	_ =	shalt  }
0x60: {  	_ =	shalt  }
0x61: {  	_ =	shalt  }
0x62: {  	_ =	shalt  }
0x63: {  	_ =	shalt  }
0x64: {  	_ =	shalt  }
0x65: {  	_ =	shalt  }
0x66: {  	_ =	shalt  }
0x67: {  	_ =	shalt  }
0x68: {  	_ =	shalt  }
0x69: {  	_ =	shalt  }
0x6a: {  	_ =	shalt  }
0x6b: {  	_ =	shalt  }
0x6c: {  	_ =	shalt  }
0x6d: {  	_ =	shalt  }
0x6e: {  	_ =	shalt  }
0x6f: {  	_ =	shalt  }
0x70: {  	_ =	shalt  }
0x71: {  	_ =	shalt  }
0x72: {  	_ =	shalt  }
0x73: {  	_ =	shalt  }
0x74: {  	_ =	shalt  }
0x75: {  	_ =	shalt  }
0x76: {  	_ =	shalt  }
0x77: {  	_ =	shalt  }
0x78: {  	_ =	shalt  }
0x79: {  	_ =	shalt  }
0x7a: {  	_ =	shalt  }
0x7b: {  	_ =	shalt  }
0x7c: {  	_ =	shalt  }
0x7d: {  	_ =	shalt  }
0x7e: {  	_ =	shalt  }
0x7f: {  	_ =	shalt  }
0x80: {  	_ =	shalt  }
0x81: {  	_ =	shalt  }
0x82: {  	_ =	shalt  }
0x83: {  	_ =	shalt  }
0x84: {  	_ =	shalt  }
0x85: {  	_ =	shalt  }
0x86: {  	_ =	shalt  }
0x87: {  	_ =	shalt  }
.Lfunc_end0:
.L_simem_size_0:
called_computation_lowered:
.L_overlay_start_0:
0x88: {  	s2 =	sld [smem:$0x3FD9]  }
0x89: {  	s3 =	sld [smem:$0x3FFE];
	_ =	sdelay $0x1  }
0x8a: {  	s1 =	srdreg.scid  }
0x8b: {  	s0 =	sand.u32 $0x1, s1  }
0x8c: {  	s16 =	sshll.u32 s0, $0xA;
	s2 =	sadd.s32 s3, s2  }
0x8d: {  	s2 =	sadd.s32 s2, s16  }
0x8e: {  	[smem:$0x3FB6] =	sst s2  }
0x8f: {  	_ = 	snop  }
0x90: {  	(tm) =	ssettm $0x1  }
0x91: {  	s17 =	sld [smem:$0x3FFB];
	_ =	sdelay $0x3  }
0x92: {  	_ =	strace s17  }
0x93: {  	s2 =	sld [smem:$0x3FFC];
	_ =	sdelay $0x3  }
0x94: {  	_ =	strace s2  }
0x95: {  	s2 =	sld [smem:$0x3FFD];
	_ =	sdelay $0x3  }
0x96: {  	_ =	strace s2  }
0x97: {  	_ =	strace $0x8FFFFFFF  }
0x98: {  	s18 =	sld [smem:$0x3FDB];
	_ =	sdelay $0x1  }
0x99: {  	s19 =	simm.s32 $_scs_section_size  }
0x9a: {  	s4 =	simm.s32 $_size__tile_overlayer_lowered;
	s5 =	simm.s32 $_tile_overlayer_lowered  }
0x9b: {  	s22 =	simm.s32 $0x1BFF;
	s21 =	sshll.u32 s5, $0x1;
	s2 =	sadd.s32 s19, s18  }
0x9c: {  	s6 =	simm.s32 $0x0;
	s20 =	sshll.u32 s4, $0x1;
	s4 =	sadd.s32 s21, s2  }
0x9d: {  	[timem:s6], [sflag:s22] =	dma.local [hbm:s4], s20  }
0x9e: {  	_ =	swait.ge [sflag:s22], s20  }
0x9f: {  	s3 =	ssub.s32 $0x0, s20;
	[sflag:s22] =	ssyncset.done $0x0  }
0xa0: {  	[sflag:s22] =	ssyncadd.s32 s3;
	_ =	sdelay $0x1  }
0xa1: {  	s23 =	simm.s32 $0x1B8B  }
0xa2: {  	_ =	swait.ge [sflag:s23], $0x1  }
0xa3: {  	[sflag:s23] =	ssyncset.done $0x0  }
0xa4: {  	s25 =	simm.s32 $0x1B8E;
	s24 =	sld [smem:$0x3FFE];
	[sflag:s23] =	ssyncadd.s32 $0xFFFFFFFF  }
0xa5: {  	s26 =	simm.s32 $execute0_lowered;
	[smem:$0x3FD2] =	sst s25  }
0xa6: {  	s4 =	sshll.u32 s26, $0x1;
	_ =	strace $0x80000046;
	[dreg:$0x1] =	wrdreg $0xFFFFFFFF  }
0xa7: {  	s28 =	simm.s32 $_size_execute0_lowered;
	s2 =	sadd.s32 s2, s4;
	[dreg:$0x0] =	wrdreg $0x0  }
0xa8: {  	s4 =	sshll.u32 s28, $0x1;
	[dreg:$0x2] =	wrdreg s2  }
0xa9: {  	[dreg:$0x3] =	wrdreg s4  }
0xaa: {  	[dreg:$0x4] =	wrdreg $0xC0  }
0xab: {  	_ =	task [dreg:s6], $0x5FFFF  }
0xac: {  	[dreg:$0x1] =	wrdreg $0xFFFFFFFF  }
0xad: {  	[dreg:$0x0] =	wrdreg $0x60  }
0xae: {  	[dreg:$0x2] =	wrdreg s24  }
0xaf: {  	[dreg:$0x3] =	wrdreg $0x9  }
0xb0: {  	_ =	task.clear_ibuf [dreg:s6], $0x4FFFF;
	_ =	strace $0x90000046  }
0xb1: {  	s29 =	simm.s32 $0x9;
	_ =	strace $0x80000048  }
0xb2: {  	_ =	swait.ge [sflag:s29], $0x1  }
0xb3: {  	[sflag:s29] =	ssyncadd.s32 $0xFFFFFFFF  }
0xb4: {  	_ =	strace $0x90000048  }
0xb5: {  	_ =	sfence  }
0xb6: {  	s30 =	sld [smem:$0x0];
	_ =	sdelay $0x2  }
0xb7: {  	s31 =	sshll.u32 s1, $0xD;
	s1 =	sshrl.u32 s1, $0x2  }
0xb8: {  	s3 =	sand.u32 $0x4000, s31;
	s1 =	sadd.s32 s1, s30  }
0xb9: {  	s0 =	sor.u32 s3, s0;
	s1 =	sshll.u32 s1, $0x11  }
0xba: {  	s0 =	sor.u32 s1, s0  }
0xbb: {  	s0 =	sadd.s32 $0x8F2B, s0  }
0xbc: {  	[sflag:s0] =	ssyncadd.remote.s32 $0x1  }
0xbd: {  	_ =	sfence.sel $0xFFFF  }
0xbe: {  	[dreg:$0x0] =	wrdreg $0xFFFFFFFF;
	(pc) =	sbr.abs _section_cstart, $3  }
0xbf: {  	[dreg:$0x1] =	wrdreg $0xFFFFFFFF  }
0xc0: {  	_ =	task.clear_ibuf [dreg:s6], $0x2FFFF;
	_ =	strace $0x9FFFFFFF  }
0xc1: {  	(tm) =	ssettm $0x7FFFFFFF  }
tec
execute0_lowered:
.L_overlay_start_1:
0x0: {  	(tag) =	ssettag $0x1  }
0x1: {  	s4 =	rddreg [dreg:$0x0]  }
0x2: {  	s0 =	rddreg [dreg:$0x1]  }
0x3: {  	s3 =	srdreg.scid;
	s1 =	stileid.u32;
	s2 =	simm.s32 $0x0  }
0x4: {  	s10 =	simm.s32 $0x400;
	s11 =	simm.s32 $0x3E8;
	s12 =	simm.s32 $0x800  }
0x5: {  	s13 =	simm.s32 $0x1;
	s14 =	simm.s32 $0x0;
	s6 =	smul.u32 $0xC350, s1  }
0x6: {  	s5 =	sand.u32 $0x1, s3;
	[smem:$0x7FF] =	sst s2;
	s8 =	smul.u32 $0xC3500, s1  }
0x7: {  	s3 =	sadd.s32 $0x1CE200, s4;
	s7 =	smul.u32 $0x61A8, s5;
	s9 =	ssub.s32 $0x2, s5  }
0x8: {  	_ =	strace $0x80000047;
	s5 =	smul.u32 $0x61A80, s5;
	s30 =	sshrl.u32 s9, $0x1  }
0x9: {  	s29 =	sadd.s32 s8, s4;
	s6 =	sadd.s32 s7, s6;
	s8 =	ssub.s32 s9, s30  }
0xa: {  	s7 =	sadd.s32 s5, s29;
	s9 =	simm.s32 $0x2;
	s6 =	sshrl.u32 s6, $0x3  }
0xb: {  	s5 =	sadd.s32 $0x291800, s7;
	s31 =	sadd.s32 s6, s4;
	s4 =	smax.u32 s8, $0x1  }
0xc: {  	s6 =	sadd.s32 $0xEC6800, s7;
	s7 =	sadd.s32 $0xF1400, s31;
	s8 =	sadd.s32 $0xD8C00, s31  }
.LBB2_1:
0xd: {  	s15 =	sadd.s32 $0x0, s8  }
0xe: {  	[tilespmem:s2], [sflag:$0x2] =	stream.linear.gather [hbm4b:s15+s2], $0x3E8, $0x38;
	[tilespmem:$0x1FC00] =	vst v63  }
0xf: {  	_ =	swait.ge [sflag:s9], $0x3E8  }
0x10: {  	[sflag:s9] =	ssyncset.done $0x0  }
0x11: {  	s31 =	sadd.s32 $0x0, s7;
	[sflag:s9] =	ssyncadd.s32 $0xFFFFFC18  }
0x12: {  	[tilespmem:s10], [sflag:$0x2] =	stream.linear.gather [hbm4b:s31+s2], $0x3E8, $0x38;
	[tilespmem:$0x1FC00] =	vst v63  }
0x13: {  	_ =	swait.ge [sflag:s9], $0x3E8  }
0x14: {  	[sflag:s9] =	ssyncset.done $0x0  }
0x15: {  	[sflag:s9] =	ssyncadd.s32 $0xFFFFFC18  }
0x16: {  	[tilespmem:s12], [sflag:$0x1] =	stream.indirect.gather [hbm4b:s3+s11], $0x80, s2, s11, $0xb8;
	[tilespmem:$0x1FC00] =	vst v63  }
0x17: {  	_ =	swait.ge [sflag:s13], $0x1F400  }
0x18: {  	[sflag:s13] =	ssyncset.done $0x0  }
0x19: {  	[sflag:s13] =	ssyncadd.s32 $0xFFFE0C00  }
0x1a: {  	[hbm4b:s5+s2] =	stream.linear.scatter [tilespmem:s12], [sflag:$0x2], $0x1F400, $0x38;
	[tilespmem:$0x1FC00] =	vst v63  }
0x1b: {  	_ =	swait.ge [sflag:s9], $0x1F400  }
0x1c: {  	[sflag:s9] =	ssyncset.done $0x0  }
0x1d: {  	[sflag:s9] =	ssyncadd.s32 $0xFFFE0C00  }
0x1e: {  	[tilespmem:s12], [sflag:$0x1] =	stream.indirect.gather [hbm4b:s3+s11], $0x80, s10, s11, $0xb8;
	[tilespmem:$0x1FC00] =	vst v63  }
0x1f: {  	_ =	swait.ge [sflag:s13], $0x1F400  }
0x20: {  	[sflag:s13] =	ssyncset.done $0x0  }
0x21: {  	[sflag:s13] =	ssyncadd.s32 $0xFFFE0C00  }
0x22: {  	[hbm4b:s6+s2] =	stream.linear.scatter [tilespmem:s12], [sflag:$0x2], $0x1F400, $0x38;
	[tilespmem:$0x1FC00] =	vst v63  }
0x23: {  	s17 =	simm.s32 $0x7D;
	s18 =	simm.s32 $0xFA;
	_ =	swait.ge [sflag:s9], $0x1F400  }
0x24: {  	s16 =	sadd.s32 $0x3E80, s5;
	s15 =	sadd.s32 $0x3E80, s6;
	[sflag:s9] =	ssyncset.done $0x0  }
.LBB2_2:
0x25: {  	s19 =	sadd.s32 s17, s8  }
0x26: {  	[sflag:s9] =	ssyncadd.s32 $0xFFFE0C00;
	s20 =	smov.u32 s18;
	s21 =	sadd.s32 $0x7D, s18  }
0x27: {  	[tilespmem:s2], [sflag:$0x2] =	stream.linear.gather [hbm4b:s19+s2], $0x3E8, $0x38;
	[tilespmem:$0x1FC00] =	vst v63  }
0x28: {  	p0 =	sne.s32 s18, $0xBB8;
	_ =	swait.ge [sflag:s9], $0x3E8  }
0x29: {  	[sflag:s9] =	ssyncset.done $0x0  }
0x2a: {  	s18 =	sadd.s32 s17, s7;
	s17 =	smov.u32 s20;
	[sflag:s9] =	ssyncadd.s32 $0xFFFFFC18  }
0x2b: {  	[tilespmem:s10], [sflag:$0x2] =	stream.linear.gather [hbm4b:s18+s2], $0x3E8, $0x38;
	[tilespmem:$0x1FC00] =	vst v63  }
0x2c: {  	_ =	swait.ge [sflag:s9], $0x3E8  }
0x2d: {  	[sflag:s9] =	ssyncset.done $0x0  }
0x2e: {  	[sflag:s9] =	ssyncadd.s32 $0xFFFFFC18  }
0x2f: {  	[tilespmem:s12], [sflag:$0x1] =	stream.indirect.gather [hbm4b:s3+s11], $0x80, s2, s11, $0xb8;
	[tilespmem:$0x1FC00] =	vst v63  }
0x30: {  	_ =	swait.ge [sflag:s13], $0x1F400  }
0x31: {  	[sflag:s13] =	ssyncset.done $0x0  }
0x32: {  	[sflag:s13] =	ssyncadd.s32 $0xFFFE0C00  }
0x33: {  	[hbm4b:s16+s2] =	stream.linear.scatter [tilespmem:s12], [sflag:$0x2], $0x1F400, $0x38;
	[tilespmem:$0x1FC00] =	vst v63  }
0x34: {  	_ =	swait.ge [sflag:s9], $0x1F400  }
0x35: {  	[sflag:s9] =	ssyncset.done $0x0  }
0x36: {  	[sflag:s9] =	ssyncadd.s32 $0xFFFE0C00  }
0x37: {  	[tilespmem:s12], [sflag:$0x1] =	stream.indirect.gather [hbm4b:s3+s11], $0x80, s10, s11, $0xb8;
	[tilespmem:$0x1FC00] =	vst v63  }
0x38: {  	_ =	swait.ge [sflag:s13], $0x1F400  }
.Ltmp0:
0x39: {  	[sflag:s13] =	ssyncset.done $0x0;
	(pc) =	sbr.rel @p0 .LBB2_2-.Ltmp0, $4  }
0x3a: {  	[sflag:s13] =	ssyncadd.s32 $0xFFFE0C00  }
0x3b: {  	[hbm4b:s15+s2] =	stream.linear.scatter [tilespmem:s12], [sflag:$0x2], $0x1F400, $0x38;
	[tilespmem:$0x1FC00] =	vst v63  }
0x3c: {  	s18 =	smov.u32 s21;
	_ =	swait.ge [sflag:s9], $0x1F400  }
0x3d: {  	s16 =	sadd.s32 $0x3E80, s16;
	s15 =	sadd.s32 $0x3E80, s15;
	[sflag:s9] =	ssyncset.done $0x0  }
0x3e: {  	s18 =	sadd.s32 s17, s8;
	[sflag:s9] =	ssyncadd.s32 $0xFFFE0C00  }
0x3f: {  	[tilespmem:s2], [sflag:$0x2] =	stream.linear.gather [hbm4b:s18+s2], $0x3E8, $0x38;
	[tilespmem:$0x1FC00] =	vst v63  }
0x40: {  	_ =	swait.ge [sflag:s9], $0x3E8  }
0x41: {  	[sflag:s9] =	ssyncset.done $0x0  }
0x42: {  	s31 =	sadd.s32 s17, s7;
	[sflag:s9] =	ssyncadd.s32 $0xFFFFFC18  }
0x43: {  	[tilespmem:s10], [sflag:$0x2] =	stream.linear.gather [hbm4b:s31+s2], $0x3E8, $0x38;
	[tilespmem:$0x1FC00] =	vst v63  }
0x44: {  	_ =	swait.ge [sflag:s9], $0x3E8  }
0x45: {  	[sflag:s9] =	ssyncset.done $0x0  }
0x46: {  	[sflag:s9] =	ssyncadd.s32 $0xFFFFFC18  }
0x47: {  	[tilespmem:s12], [sflag:$0x1] =	stream.indirect.gather [hbm4b:s3+s11], $0x80, s2, s11, $0xb8;
	[tilespmem:$0x1FC00] =	vst v63  }
0x48: {  	_ =	swait.ge [sflag:s13], $0x1F400  }
0x49: {  	[sflag:s13] =	ssyncset.done $0x0  }
0x4a: {  	[sflag:s13] =	ssyncadd.s32 $0xFFFE0C00  }
0x4b: {  	[hbm4b:s16+s2] =	stream.linear.scatter [tilespmem:s12], [sflag:$0x2], $0x1F400, $0x38;
	[tilespmem:$0x1FC00] =	vst v63  }
0x4c: {  	_ =	swait.ge [sflag:s9], $0x1F400  }
0x4d: {  	[sflag:s9] =	ssyncset.done $0x0  }
0x4e: {  	[sflag:s9] =	ssyncadd.s32 $0xFFFE0C00  }
0x4f: {  	[tilespmem:s12], [sflag:$0x1] =	stream.indirect.gather [hbm4b:s3+s11], $0x80, s10, s11, $0xb8;
	[tilespmem:$0x1FC00] =	vst v63  }
0x50: {  	s14 =	sadd.s32 $0x1, s14;
	_ =	swait.ge [sflag:s13], $0x1F400  }
0x51: {  	p0 =	sne.s32 s14, s4;
	[sflag:s13] =	ssyncset.done $0x0  }
.Ltmp1:
0x52: {  	[sflag:s13] =	ssyncadd.s32 $0xFFFE0C00;
	(pc) =	sbr.rel @p0 .LBB2_1-.Ltmp1, $4  }
0x53: {  	[hbm4b:s15+s2] =	stream.linear.scatter [tilespmem:s12], [sflag:$0x2], $0x1F400, $0x38;
	[tilespmem:$0x1FC00] =	vst v63  }
0x54: {  	_ =	swait.ge [sflag:s9], $0x1F400  }
0x55: {  	[sflag:s9] =	ssyncset.done $0x0  }
0x56: {  	[sflag:s9] =	ssyncadd.s32 $0xFFFE0C00  }
0x57: {  	_ =	sfence.sel $0x180000  }
0x58: {  	[bflag:$0x0] =	sbarrier.arrive $0xFFFF  }
0x59: {  	p0 =	sne.s32 s1, $0x0;
	_ =	strace $0x90000047  }
0x5a: {  	s0 =	sadd.s32 @!p0 $0x100000, s0;
	[bflag:$0x2] =	sbarrier.arrive $0xFFFF  }
0x5b: {  	[sflag:s0] =	ssyncadd.tile.s32 @!p0 $0x1;
	_ =	shalt  }
.Lfunc_end2:
_tile_overlayer_lowered:
.L_overlay_start_2:
0x5c: {  	(tag) =	ssettag $0x2  }
0x5d: {  	s0 =	rddreg [dreg:$0x0];
	s2 =	stileid.u32  }
0x5e: {  	s1 =	rddreg [dreg:$0x1];
	p0 =	sne.s32 s2, $0x0  }
0x5f: {  	s3 =	rddreg [dreg:$0x2];
	[bflag:$0x3] =	sbarrier.arrive $0xFFFF;
	s2 =	simm.s32 @!p0 $0x1C02  }
0x60: {  	[timem:s3], [sflag:s2] =	dma.local @!p0 [hbm:s0], s1  }
0x61: {  	s0 =	simm.s32 @!p0 $0x2  }
0x62: {  	_ =	swait.ge @!p0 [sflag:s0], s1  }
0x63: {  	s1 =	ssub.s32 @!p0 $0x0, s1;
	[sflag:s0] =	ssyncset.done @!p0 $0x0  }
0x64: {  	[sflag:s0] =	ssyncadd.s32 @!p0 s1  }
0x65: {  	[bflag:$0x3] =	sbarrier.arrive $0xFFFF  }
0x66: {  	_ =	shalt  }

// kernel: kernel.31.cloned.1.call-start
scs
__scs_entry_jumppad:
0x0: {  	(pc) =	sbr.rel $0x88, $3  }
0x1: {  	(tag) =	ssettag $0x0;
	lr =	simm.s32 $0x1  }
0x2: {  	[smem:$0x3F8F] =	sst lr;
	_ =	strace $0xD0000000  }
0x3: {  	_ = 	snop  }
0x4: {  	_ = 	snop  }
0x5: {  	_ = 	snop  }
0x6: {  	_ = 	snop  }
0x7: {  	_ = 	snop  }
__scs_overlays_trampoline_lowered:
0x8: {  	[smem:$0x3F9E] =	sst s0  }
0x9: {  	[smem:$0x3F9F] =	sst s1  }
0xa: {  	[smem:$0x3FA0] =	sst s2  }
0xb: {  	[smem:$0x3FA1] =	sst s3  }
0xc: {  	[smem:$0x3FA2] =	sst s4  }
0xd: {  	[smem:$0x3FA3] =	sst s5  }
0xe: {  	[smem:$0x3FA4] =	sst s6  }
0xf: {  	[smem:$0x3FA5] =	sst s7  }
0x10: {  	[smem:$0x3FA6] =	sst s8  }
0x11: {  	[smem:$0x3FA7] =	sst s9;
	s0 =	simm.s32 @!p0 $0x0  }
0x12: {  	s1 =	sld [smem:$0x3F8D];
	s0 =	simm.s32 @p0 $0x1  }
0x13: {  	[smem:$0x3FA8] =	sst s0;
	s0 =	simm.s32 @!p1 $0x0  }
0x14: {  	s2 =	sld [smem:$0x3F8C];
	s0 =	simm.s32 @p1 $0x1  }
0x15: {  	[smem:$0x3FA9] =	sst s0;
	s0 =	simm.s32 @!p2 $0x0  }
0x16: {  	s3 =	sld [smem:$0x3FDB];
	s0 =	simm.s32 @p2 $0x1  }
0x17: {  	s4 =	simm.s32 $0x1BF5;
	[smem:$0x3FAB] =	sst s0  }
0x18: {  	s0 =	sld [smem:$0x3F8E];
	_ =	swait.ge [sflag:s4], $0x0  }
0x19: {  	s7 =	sld [smem:$0x3F8F]  }
0x1a: {  	s8 =	sadd.s32 $0xFFFFE003, lr  }
0x1b: {  	s9 =	sadd.s32 $0xFFFFFEF7, lr;
	s5 =	simm.s32 $0xFFFFFFFF;
	p2 =	slt.u32 s8, $0xFFFFF086  }
0x1c: {  	p1 =	slt.u32 s9, $0xF7A;
	s5 =	simm.s32 @!p2 $0x0  }
0x1d: {  	s5 =	simm.s32 @p1 $0x1;
	p0 =	seq.s32 s7, s2  }
0x1e: {  	s7 =	smul.u32 @!p0 $0xF7A, s2;
	p2 =	seq.s32 @!p0 s5, $0x0  }
0x1f: {  	s9 =	smul.u32 $0xF7A, s1;
	s8 =	simm.s32 @!p0 $0x1BF5;
	p2 =	por !p2, p0  }
0x20: {  	[sflag:s8] =	ssyncset.s32 @!p0 $0xFFFFF086;
	s6 =	sadd.s32 @!p0 s3, s7;
	s7 =	simm.s32 @!p0 $0x108  }
0x21: {  	s3 =	sadd.s32 s3, s9;
	s6 =	sadd.s32 @!p0 $0x88, s6;
	s7 =	simm.s32 @p2 $0x1082  }
0x22: {  	[simem:s7], [sflag:s8] =	dma.local @!p0 [hbm:s6], $0xF7A  }
0x23: {  	s9 =	sor.u32 $0xD0000000, s2;
	s6 =	simm.s32 $0x108;
	_ =	swait.ge @!p0 [sflag:s8], $0x0  }
0x24: {  	s3 =	sadd.s32 $0x88, s3;
	s6 =	simm.s32 @!p1 $0x1082;
	[sflag:s4] =	ssyncset.s32 $0xFFFFF086  }
0x25: {  	[simem:s6], [sflag:s4] =	dma.local [hbm:s3], $0xF7A  }
0x26: {  	[smem:$0x3F8F] =	sst s1;
	(tag) =	ssettag s2;
	_ =	strace s9  }
0x27: {  	s1 =	sld [smem:$0x3F9F]  }
0x28: {  	s2 =	sld [smem:$0x3FA0]  }
0x29: {  	s4 =	sld [smem:$0x3FA2]  }
0x2a: {  	p0 =	seq.s32 s5, $0x0;
	s5 =	sld [smem:$0x3FA3]  }
0x2b: {  	s6 =	sld [smem:$0x3FA4]  }
0x2c: {  	s7 =	sld [smem:$0x3FA5]  }
0x2d: {  	s3 =	simm.s32 $0x108;
	s8 =	sld [smem:$0x3FA6]  }
0x2e: {  	s3 =	simm.s32 @!p0 $0x1082;
	s9 =	sld [smem:$0x3FA7]  }
0x2f: {  	lr =	sadd.s32 s0, s3;
	s0 =	sld [smem:$0x3F9E]  }
0x30: {  	s3 =	sld [smem:$0x3FA1]  }
0x31: {  	[smem:$0x3FAA] =	sst s10  }
0x32: {  	s10 =	sld [smem:$0x3FA8];
	_ =	sdelay $0x3  }
0x33: {  	p0 =	seq.s32 s10, $0x1;
	s10 =	sld [smem:$0x3FAA];
	_ =	sdelay $0x3  }
0x34: {  	[smem:$0x3FAA] =	sst s10  }
0x35: {  	s10 =	sld [smem:$0x3FA9];
	_ =	sdelay $0x3  }
0x36: {  	p1 =	seq.s32 s10, $0x1;
	s10 =	sld [smem:$0x3FAA];
	_ =	sdelay $0x3  }
0x37: {  	[smem:$0x3FAA] =	sst s10  }
0x38: {  	s10 =	sld [smem:$0x3FAB]  }
0x39: {  	_ = 	snop;
	(pc) =	sbr.ind lr, $3  }
0x3a: {  	_ = 	snop  }
0x3b: {  	_ = 	snop  }
0x3c: {  	p2 =	seq.s32 s10, $0x1;
	s10 =	sld [smem:$0x3FAA]  }
0x3d: {  	_ =	shalt  }
0x3e: {  	_ =	shalt  }
0x3f: {  	_ =	shalt  }
0x40: {  	_ =	shalt  }
0x41: {  	_ =	shalt  }
0x42: {  	_ =	shalt  }
0x43: {  	_ =	shalt  }
0x44: {  	_ =	shalt  }
0x45: {  	_ =	shalt  }
0x46: {  	_ =	shalt  }
0x47: {  	_ =	shalt  }
0x48: {  	_ =	shalt  }
0x49: {  	_ =	shalt  }
0x4a: {  	_ =	shalt  }
0x4b: {  	_ =	shalt  }
0x4c: {  	_ =	shalt  }
0x4d: {  	_ =	shalt  }
0x4e: {  	_ =	shalt  }
0x4f: {  	_ =	shalt  }
0x50: {  	_ =	shalt  }
0x51: {  	_ =	shalt  }
0x52: {  	_ =	shalt  }
0x53: {  	_ =	shalt  }
0x54: {  	_ =	shalt  }
0x55: {  	_ =	shalt  }
0x56: {  	_ =	shalt  }
0x57: {  	_ =	shalt  }
0x58: {  	_ =	shalt  }
0x59: {  	_ =	shalt  }
0x5a: {  	_ =	shalt  }
0x5b: {  	_ =	shalt  }
0x5c: {  	_ =	shalt  }
0x5d: {  	_ =	shalt  }
0x5e: {  	_ =	shalt  }
0x5f: {  	_ =	shalt  }
0x60: {  	_ =	shalt  }
0x61: {  	_ =	shalt  }
0x62: {  	_ =	shalt  }
0x63: {  	_ =	shalt  }
0x64: {  	_ =	shalt  }
0x65: {  	_ =	shalt  }
0x66: {  	_ =	shalt  }
0x67: {  	_ =	shalt  }
0x68: {  	_ =	shalt  }
0x69: {  	_ =	shalt  }
0x6a: {  	_ =	shalt  }
0x6b: {  	_ =	shalt  }
0x6c: {  	_ =	shalt  }
0x6d: {  	_ =	shalt  }
0x6e: {  	_ =	shalt  }
0x6f: {  	_ =	shalt  }
0x70: {  	_ =	shalt  }
0x71: {  	_ =	shalt  }
0x72: {  	_ =	shalt  }
0x73: {  	_ =	shalt  }
0x74: {  	_ =	shalt  }
0x75: {  	_ =	shalt  }
0x76: {  	_ =	shalt  }
0x77: {  	_ =	shalt  }
0x78: {  	_ =	shalt  }
0x79: {  	_ =	shalt  }
0x7a: {  	_ =	shalt  }
0x7b: {  	_ =	shalt  }
0x7c: {  	_ =	shalt  }
0x7d: {  	_ =	shalt  }
0x7e: {  	_ =	shalt  }
0x7f: {  	_ =	shalt  }
0x80: {  	_ =	shalt  }
0x81: {  	_ =	shalt  }
0x82: {  	_ =	shalt  }
0x83: {  	_ =	shalt  }
0x84: {  	_ =	shalt  }
0x85: {  	_ =	shalt  }
0x86: {  	_ =	shalt  }
0x87: {  	_ =	shalt  }
.Lfunc_end0:
.L_simem_size_0:
called_computation.1_lowered:
.L_overlay_start_0:
0x88: {  	s2 =	sld [smem:$0x3FD9]  }
0x89: {  	s3 =	sld [smem:$0x3FFE];
	_ =	sdelay $0x1  }
0x8a: {  	s1 =	srdreg.scid  }
0x8b: {  	s0 =	sand.u32 $0x1, s1  }
0x8c: {  	s15 =	sshll.u32 s0, $0xA;
	s2 =	sadd.s32 s3, s2  }
0x8d: {  	s2 =	sadd.s32 s2, s15  }
0x8e: {  	[smem:$0x3FB6] =	sst s2  }
0x8f: {  	_ = 	snop  }
0x90: {  	s2 =	sld [smem:$0x3FD0];
	_ =	sdelay $0x2  }
0x91: {  	s4 =	simm.s32 $0xB;
	s16 =	simm.s32 $0x10  }
0x92: {  	[smem:s16], [sflag:s4] =	dma.local [hbm:s2], $0x1  }
0x93: {  	_ =	swait.eq [sflag:s4], $0x1  }
0x94: {  	[sflag:s4] =	ssyncset.done $0x0  }
0x95: {  	s17 =	sld [smem:$0x10];
	[sflag:s4] =	ssyncadd.s32 $0xFFFFFFFF  }
0x96: {  	s18 =	sld [smem:$0x11];
	(tm) =	ssettm $0x1  }
0x97: {  	s19 =	sld [smem:$0x3FFB];
	_ =	sdelay $0x3  }
0x98: {  	_ =	strace s19  }
0x99: {  	s2 =	sld [smem:$0x3FFC];
	_ =	sdelay $0x3  }
0x9a: {  	_ =	strace s2  }
0x9b: {  	s2 =	sld [smem:$0x3FFD];
	_ =	sdelay $0x3  }
0x9c: {  	_ =	strace s2  }
0x9d: {  	_ =	strace $0x8FFFFFFF  }
0x9e: {  	s20 =	sld [smem:$0x3FDB];
	_ =	sdelay $0x1  }
0x9f: {  	s5 =	simm.s32 $_scs_section_size  }
0xa0: {  	s6 =	simm.s32 $_size__tile_overlayer_lowered;
	s7 =	simm.s32 $_tile_overlayer_lowered  }
0xa1: {  	s8 =	simm.s32 $0x1BFF;
	s21 =	sshll.u32 s7, $0x1;
	s5 =	sadd.s32 s5, s20  }
0xa2: {  	s22 =	simm.s32 $0x0;
	s6 =	sshll.u32 s6, $0x1;
	s7 =	sadd.s32 s21, s5  }
0xa3: {  	[timem:s22], [sflag:s8] =	dma.local [hbm:s7], s6  }
0xa4: {  	_ =	swait.ge [sflag:s8], s6  }
0xa5: {  	s6 =	ssub.s32 $0x0, s6;
	[sflag:s8] =	ssyncset.done $0x0  }
0xa6: {  	[sflag:s8] =	ssyncadd.s32 s6;
	_ =	sdelay $0x1  }
0xa7: {  	s23 =	simm.s32 $0x1B8B  }
0xa8: {  	_ =	swait.ge [sflag:s23], $0x1  }
0xa9: {  	[sflag:s23] =	ssyncset.done $0x0  }
0xaa: {  	[sflag:s23] =	ssyncadd.s32 $0xFFFFFFFF  }
0xab: {  	s6 =	sld [smem:$0x0]  }
0xac: {  	s7 =	sand.u32 $0xFFFFFFFE, s1  }
0xad: {  	p0 =	sne.s32 s1, s7  }
0xae: {  	s7 =	sshll.u32 @p0 s7, $0xE  }
0xaf: {  	s7 =	sadd.s32 @p0 $0x11B8D, s7;
	s8 =	sshll.u32 @p0 s6, $0x11  }
0xb0: {  	s7 =	sor.u32 @p0 s8, s7  }
0xb1: {  	[sflag:s7] =	ssyncadd.remote.s32 @p0 $0x1;
	_ =	sdelay $0x1  }
0xb2: {  	s7 =	simm.s32 @p0 $0x1B8D  }
0xb3: {  	_ =	swait.eq @p0 [sflag:s7], $0x1  }
0xb4: {  	[sflag:s7] =	ssyncadd.s32 @p0 $0xFFFFFFFF  }
0xb5: {  	s8 =	sshll.u32 @!p0 s1, $0xE  }
0xb6: {  	s8 =	sor.u32 @!p0 $0x4000, s8;
	s7 =	simm.s32 @!p0 $0x1B8D  }
0xb7: {  	s6 =	sshll.u32 @!p0 s6, $0x11;
	s8 =	sadd.s32 @!p0 $0x11B8D, s8;
	_ =	swait.eq @!p0 [sflag:s7], $0x1  }
0xb8: {  	s6 =	sor.u32 @!p0 s6, s8;
	[sflag:s7] =	ssyncadd.s32 @!p0 $0xFFFFFFFF  }
0xb9: {  	s25 =	simm.s32 $0x1B8E;
	s24 =	sld [smem:$0x3FFE];
	[sflag:s6] =	ssyncadd.remote.s32 @!p0 $0x1  }
0xba: {  	s26 =	simm.s32 $execute0_lowered;
	[smem:$0x3FD2] =	sst s25  }
0xbb: {  	s7 =	sshll.u32 s26, $0x1;
	_ =	strace $0x8000004C;
	[dreg:$0x1] =	wrdreg $0xFFFFFFFF  }
0xbc: {  	s28 =	simm.s32 $_size_execute0_lowered;
	s5 =	sadd.s32 s5, s7;
	[dreg:$0x0] =	wrdreg $0x0  }
0xbd: {  	s7 =	sshll.u32 s28, $0x1;
	[dreg:$0x2] =	wrdreg s5  }
0xbe: {  	[dreg:$0x3] =	wrdreg s7  }
0xbf: {  	[dreg:$0x4] =	wrdreg $0xC0  }
0xc0: {  	_ =	task [dreg:s22], $0x5FFFF  }
0xc1: {  	[dreg:$0x1] =	wrdreg $0xFFFFFFFF  }
0xc2: {  	[dreg:$0x0] =	wrdreg $0x60  }
0xc3: {  	[dreg:$0x2] =	wrdreg s24  }
0xc4: {  	[dreg:$0x3] =	wrdreg s18  }
0xc5: {  	[dreg:$0x4] =	wrdreg s17  }
0xc6: {  	[dreg:$0x5] =	wrdreg $0x33900  }
0xc7: {  	[dreg:$0x6] =	wrdreg $0x9  }
0xc8: {  	_ =	task.clear_ibuf [dreg:s22], $0x7FFFF;
	_ =	strace $0x9000004C  }
0xc9: {  	s29 =	simm.s32 $0x9;
	_ =	strace $0x8000004E  }
0xca: {  	_ =	swait.ge [sflag:s29], $0x1  }
0xcb: {  	[sflag:s29] =	ssyncadd.s32 $0xFFFFFFFF  }
0xcc: {  	_ =	strace $0x9000004E  }
0xcd: {  	_ =	sfence  }
0xce: {  	s30 =	sld [smem:$0x0];
	_ =	sdelay $0x2  }
0xcf: {  	s31 =	sshll.u32 s1, $0xD;
	s1 =	sshrl.u32 s1, $0x2  }
0xd0: {  	s4 =	sand.u32 $0x4000, s31;
	s1 =	sadd.s32 s1, s30  }
0xd1: {  	s0 =	sor.u32 s4, s0;
	s1 =	sshll.u32 s1, $0x11  }
0xd2: {  	s0 =	sor.u32 s1, s0  }
0xd3: {  	s0 =	sadd.s32 $0x8F2B, s0  }
0xd4: {  	[sflag:s0] =	ssyncadd.remote.s32 $0x1  }
0xd5: {  	_ =	sfence.sel $0xFFFF  }
0xd6: {  	[dreg:$0x0] =	wrdreg $0xFFFFFFFF;
	(pc) =	sbr.abs _section_cstart, $3  }
0xd7: {  	[dreg:$0x1] =	wrdreg $0xFFFFFFFF  }
0xd8: {  	_ =	task.clear_ibuf [dreg:s22], $0x2FFFF;
	_ =	strace $0x9FFFFFFF  }
0xd9: {  	(tm) =	ssettm $0x7FFFFFFF  }
tec
execute0_lowered:
.L_overlay_start_1:
0x0: {  	(tag) =	ssettag $0x1  }
0x1: {  	s4 =	rddreg [dreg:$0x0]  }
0x2: {  	s5 =	rddreg [dreg:$0x1]  }
0x3: {  	s6 =	rddreg [dreg:$0x2]  }
0x4: {  	s2 =	rddreg [dreg:$0x3]  }
0x5: {  	s0 =	rddreg [dreg:$0x4];
	s1 =	stileid.u32  }
0x6: {  	s3 =	simm.s32 $0x0;
	s8 =	srdreg.scid;
	s7 =	smul.u32 $0xC3500, s1  }
0x7: {  	s14 =	simm.s32 $0x190;
	s15 =	simm.s32 $0x0;
	s9 =	smul.u32 $0x186A, s1  }
0x8: {  	[smem:$0x7FF] =	sst s3;
	s8 =	sand.u32 $0x1, s8;
	s11 =	smul.u32 $0x186A0, s1  }
0x9: {  	s31 =	sshll.u32 s1, $0x6;
	_ =	strace $0x8000004D;
	s10 =	ssub.s32 $0x2, s8  }
0xa: {  	s13 =	smul.u32 $0x186A00, s8;
	s8 =	sshll.u32 s8, $0x2;
	s7 =	sadd.s32 s7, s4  }
0xb: {  	s12 =	sshrl.u32 s10, $0x1;
	s9 =	sadd.s32 s9, s4;
	s28 =	sshrl.u32 s11, $0x3  }
0xc: {  	s29 =	sadd.s32 s11, s2;
	s10 =	ssub.s32 s10, s12;
	s4 =	sadd.s32 s5, s28  }
0xd: {  	s30 =	sadd.s32 s11, s13;
	s5 =	sor.u32 $0x1C01, s31;
	s8 =	sadd.s32 s8, s7  }
0xe: {  	s9 =	sadd.s32 $0xF1400, s9;
	s11 =	simm.s32 $0x1;
	s12 =	simm.s32 $0x20  }
0xf: {  	s13 =	sshrl.u32 s30, $0x3;
	s7 =	smax.u32 s10, $0x1;
	s8 =	sadd.s32 $0x3365800, s8  }
0x10: {  	s10 =	sshrl.u32 s29, $0x3;
	s6 =	sadd.s32 s6, s13;
	s13 =	simm.s32 $0x80  }
.LBB2_1:
0x11: {  	[spmem:s10], [sflag:s5] =	dma.local [hbm:s4], $0x30D4  }
0x12: {  	_ =	swait.ge [sflag:s11], $0x30D4  }
0x13: {  	[sflag:s11] =	ssyncset.done $0x0  }
0x14: {  	[sflag:s11] =	ssyncadd.s32 $0xFFFFCF2C  }
0x15: {  	s16 =	sadd.s32 $0x0, s9;
	[bflag:$0x0] =	sbarrier.arrive $0xFFFF  }
0x16: {  	[tilespmem:s3], [sflag:$0x1] =	stream.linear.gather [hbm4b:s16+s3], $0x190, $0x38;
	[tilespmem:$0x1BA30] =	vst v63  }
0x17: {  	_ =	swait.ge [sflag:s11], $0x190  }
0x18: {  	[sflag:s11] =	ssyncset.done $0x0  }
0x19: {  	[sflag:s11] =	ssyncadd.s32 $0xFFFFFE70  }
0x1a: {  	[tilespmem:s14], [sflag:$0x1] =	stream.strided.gather [hbm4b:s8+s12], $0x3200, s13, s12, $0x38;
	[tilespmem:$0x1BA30] =	vst v63  }
0x1b: {  	_ =	swait.ge [sflag:s11], $0x3200  }
0x1c: {  	[sflag:s11] =	ssyncset.done $0x0  }
0x1d: {  	[sflag:s11] =	ssyncadd.s32 $0xFFFFCE00  }
0x1e: {  	[spmem:s2] =	stream.indirect.scatter.add.f32 [tilespmem:s14], [sflag:$0x1], $0x20, s3, s14, $0xb8;
	[tilespmem:$0x1BA30] =	vst v63  }
0x1f: {  	s17 =	simm.s32 $0x32;
	_ =	swait.ge [sflag:s11], $0x3200  }
0x20: {  	s18 =	simm.s32 $0x64;
	s16 =	sadd.s32 $0x1900, s8;
	[sflag:s11] =	ssyncset.done $0x0  }
.LBB2_2:
0x21: {  	s19 =	sadd.s32 s17, s9  }
0x22: {  	[sflag:s11] =	ssyncadd.s32 $0xFFFFCE00;
	s17 =	smov.u32 s18;
	s20 =	sadd.s32 $0x32, s18  }
0x23: {  	[tilespmem:s3], [sflag:$0x1] =	stream.linear.gather [hbm4b:s19+s3], $0x190, $0x38;
	[tilespmem:$0x1BA30] =	vst v63  }
0x24: {  	p0 =	sne.s32 s18, $0x1838;
	_ =	swait.ge [sflag:s11], $0x190  }
0x25: {  	[sflag:s11] =	ssyncset.done $0x0  }
0x26: {  	[sflag:s11] =	ssyncadd.s32 $0xFFFFFE70  }
0x27: {  	[tilespmem:s14], [sflag:$0x1] =	stream.strided.gather [hbm4b:s16+s12], $0x3200, s13, s12, $0x38;
	[tilespmem:$0x1BA30] =	vst v63  }
0x28: {  	_ =	swait.ge [sflag:s11], $0x3200  }
.Ltmp0:
0x29: {  	[sflag:s11] =	ssyncset.done $0x0;
	(pc) =	sbr.rel @p0 .LBB2_2-.Ltmp0, $4  }
0x2a: {  	[sflag:s11] =	ssyncadd.s32 $0xFFFFCE00  }
0x2b: {  	[spmem:s2] =	stream.indirect.scatter.add.f32 [tilespmem:s14], [sflag:$0x1], $0x20, s3, s14, $0xb8;
	[tilespmem:$0x1BA30] =	vst v63  }
0x2c: {  	_ =	swait.ge [sflag:s11], $0x3200  }
0x2d: {  	s18 =	smov.u32 s20;
	s16 =	sadd.s32 $0x1900, s16;
	[sflag:s11] =	ssyncset.done $0x0  }
0x2e: {  	s17 =	sadd.s32 s17, s9;
	[sflag:s11] =	ssyncadd.s32 $0xFFFFCE00  }
0x2f: {  	[tilespmem:s3], [sflag:$0x1] =	stream.linear.gather [hbm4b:s17+s3], $0x190, $0x38;
	[tilespmem:$0x1BA30] =	vst v63  }
0x30: {  	_ =	swait.ge [sflag:s11], $0x190  }
0x31: {  	[sflag:s11] =	ssyncset.done $0x0  }
0x32: {  	[sflag:s11] =	ssyncadd.s32 $0xFFFFFE70  }
0x33: {  	[tilespmem:s14], [sflag:$0x1] =	stream.strided.gather [hbm4b:s16+s12], $0x3200, s13, s12, $0x38;
	[tilespmem:$0x1BA30] =	vst v63  }
0x34: {  	_ =	swait.ge [sflag:s11], $0x3200  }
0x35: {  	[sflag:s11] =	ssyncset.done $0x0  }
0x36: {  	[sflag:s11] =	ssyncadd.s32 $0xFFFFCE00  }
0x37: {  	[spmem:s2] =	stream.indirect.scatter.add.f32 [tilespmem:s14], [sflag:$0x1], $0x20, s3, s14, $0xb8;
	[tilespmem:$0x1BA30] =	vst v63  }
0x38: {  	_ =	swait.ge [sflag:s11], $0x3200  }
0x39: {  	s15 =	sadd.s32 $0x1, s15;
	[sflag:s11] =	ssyncset.done $0x0  }
0x3a: {  	p0 =	sne.s32 s15, s7;
	[sflag:s11] =	ssyncadd.s32 $0xFFFFCE00  }
.Ltmp1:
0x3b: {  	[bflag:$0x0] =	sbarrier.arrive $0xFFFF;
	(pc) =	sbr.rel @p0 .LBB2_1-.Ltmp1, $4  }
0x3c: {  	[hbm:s6], [sflag:s5] =	dma.local [spmem:s10], $0x30D4  }
0x3d: {  	_ =	swait.ge [sflag:s11], $0x30D4  }
0x3e: {  	[sflag:s11] =	ssyncset.done $0x0  }
0x3f: {  	[sflag:s11] =	ssyncadd.s32 $0xFFFFCF2C  }
0x40: {  	_ =	sfence.sel $0x180000  }
0x41: {  	[bflag:$0x0] =	sbarrier.arrive $0xFFFF  }
0x42: {  	p0 =	sne.s32 s1, $0x0;
	_ =	strace $0x9000004D  }
0x43: {  	s0 =	sadd.s32 @!p0 $0x100000, s0;
	[bflag:$0x2] =	sbarrier.arrive $0xFFFF  }
0x44: {  	[sflag:s0] =	ssyncadd.tile.s32 @!p0 $0x1;
	_ =	shalt  }
.Lfunc_end2:
_tile_overlayer_lowered:
.L_overlay_start_2:
0x45: {  	(tag) =	ssettag $0x2  }
0x46: {  	s0 =	rddreg [dreg:$0x0];
	s2 =	stileid.u32  }
0x47: {  	s1 =	rddreg [dreg:$0x1];
	p0 =	sne.s32 s2, $0x0  }
0x48: {  	s3 =	rddreg [dreg:$0x2];
	[bflag:$0x3] =	sbarrier.arrive $0xFFFF;
	s2 =	simm.s32 @!p0 $0x1C01  }
0x49: {  	[timem:s3], [sflag:s2] =	dma.local @!p0 [hbm:s0], s1  }
0x4a: {  	s0 =	simm.s32 @!p0 $0x1  }
0x4b: {  	_ =	swait.ge @!p0 [sflag:s0], s1  }
0x4c: {  	s1 =	ssub.s32 @!p0 $0x0, s1;
	[sflag:s0] =	ssyncset.done @!p0 $0x0  }
0x4d: {  	[sflag:s0] =	ssyncadd.s32 @!p0 s1  }
0x4e: {  	[bflag:$0x3] =	sbarrier.arrive $0xFFFF  }
0x4f: {  	_ =	shalt  }

// kernel: kernel.34.cloned.1.call-start
scs
__scs_entry_jumppad:
0x0: {  	(pc) =	sbr.rel $0x88, $3  }
0x1: {  	(tag) =	ssettag $0x0;
	lr =	simm.s32 $0x1  }
0x2: {  	[smem:$0x3F8F] =	sst lr;
	_ =	strace $0xD0000000  }
0x3: {  	_ = 	snop  }
0x4: {  	_ = 	snop  }
0x5: {  	_ = 	snop  }
0x6: {  	_ = 	snop  }
0x7: {  	_ = 	snop  }
__scs_overlays_trampoline_lowered:
0x8: {  	[smem:$0x3F9E] =	sst s0  }
0x9: {  	[smem:$0x3F9F] =	sst s1  }
0xa: {  	[smem:$0x3FA0] =	sst s2  }
0xb: {  	[smem:$0x3FA1] =	sst s3  }
0xc: {  	[smem:$0x3FA2] =	sst s4  }
0xd: {  	[smem:$0x3FA3] =	sst s5  }
0xe: {  	[smem:$0x3FA4] =	sst s6  }
0xf: {  	[smem:$0x3FA5] =	sst s7  }
0x10: {  	[smem:$0x3FA6] =	sst s8  }
0x11: {  	[smem:$0x3FA7] =	sst s9;
	s0 =	simm.s32 @!p0 $0x0  }
0x12: {  	s1 =	sld [smem:$0x3F8D];
	s0 =	simm.s32 @p0 $0x1  }
0x13: {  	[smem:$0x3FA8] =	sst s0;
	s0 =	simm.s32 @!p1 $0x0  }
0x14: {  	s2 =	sld [smem:$0x3F8C];
	s0 =	simm.s32 @p1 $0x1  }
0x15: {  	[smem:$0x3FA9] =	sst s0;
	s0 =	simm.s32 @!p2 $0x0  }
0x16: {  	s3 =	sld [smem:$0x3FDB];
	s0 =	simm.s32 @p2 $0x1  }
0x17: {  	s4 =	simm.s32 $0x1BF5;
	[smem:$0x3FAB] =	sst s0  }
0x18: {  	s0 =	sld [smem:$0x3F8E];
	_ =	swait.ge [sflag:s4], $0x0  }
0x19: {  	s7 =	sld [smem:$0x3F8F]  }
0x1a: {  	s8 =	sadd.s32 $0xFFFFE003, lr  }
0x1b: {  	s9 =	sadd.s32 $0xFFFFFEF7, lr;
	s5 =	simm.s32 $0xFFFFFFFF;
	p2 =	slt.u32 s8, $0xFFFFF086  }
0x1c: {  	p1 =	slt.u32 s9, $0xF7A;
	s5 =	simm.s32 @!p2 $0x0  }
0x1d: {  	s5 =	simm.s32 @p1 $0x1;
	p0 =	seq.s32 s7, s2  }
0x1e: {  	s7 =	smul.u32 @!p0 $0xF7A, s2;
	p2 =	seq.s32 @!p0 s5, $0x0  }
0x1f: {  	s9 =	smul.u32 $0xF7A, s1;
	s8 =	simm.s32 @!p0 $0x1BF5;
	p2 =	por !p2, p0  }
0x20: {  	[sflag:s8] =	ssyncset.s32 @!p0 $0xFFFFF086;
	s6 =	sadd.s32 @!p0 s3, s7;
	s7 =	simm.s32 @!p0 $0x108  }
0x21: {  	s3 =	sadd.s32 s3, s9;
	s6 =	sadd.s32 @!p0 $0x88, s6;
	s7 =	simm.s32 @p2 $0x1082  }
0x22: {  	[simem:s7], [sflag:s8] =	dma.local @!p0 [hbm:s6], $0xF7A  }
0x23: {  	s9 =	sor.u32 $0xD0000000, s2;
	s6 =	simm.s32 $0x108;
	_ =	swait.ge @!p0 [sflag:s8], $0x0  }
0x24: {  	s3 =	sadd.s32 $0x88, s3;
	s6 =	simm.s32 @!p1 $0x1082;
	[sflag:s4] =	ssyncset.s32 $0xFFFFF086  }
0x25: {  	[simem:s6], [sflag:s4] =	dma.local [hbm:s3], $0xF7A  }
0x26: {  	[smem:$0x3F8F] =	sst s1;
	(tag) =	ssettag s2;
	_ =	strace s9  }
0x27: {  	s1 =	sld [smem:$0x3F9F]  }
0x28: {  	s2 =	sld [smem:$0x3FA0]  }
0x29: {  	s4 =	sld [smem:$0x3FA2]  }
0x2a: {  	p0 =	seq.s32 s5, $0x0;
	s5 =	sld [smem:$0x3FA3]  }
0x2b: {  	s6 =	sld [smem:$0x3FA4]  }
0x2c: {  	s7 =	sld [smem:$0x3FA5]  }
0x2d: {  	s3 =	simm.s32 $0x108;
	s8 =	sld [smem:$0x3FA6]  }
0x2e: {  	s3 =	simm.s32 @!p0 $0x1082;
	s9 =	sld [smem:$0x3FA7]  }
0x2f: {  	lr =	sadd.s32 s0, s3;
	s0 =	sld [smem:$0x3F9E]  }
0x30: {  	s3 =	sld [smem:$0x3FA1]  }
0x31: {  	[smem:$0x3FAA] =	sst s10  }
0x32: {  	s10 =	sld [smem:$0x3FA8];
	_ =	sdelay $0x3  }
0x33: {  	p0 =	seq.s32 s10, $0x1;
	s10 =	sld [smem:$0x3FAA];
	_ =	sdelay $0x3  }
0x34: {  	[smem:$0x3FAA] =	sst s10  }
0x35: {  	s10 =	sld [smem:$0x3FA9];
	_ =	sdelay $0x3  }
0x36: {  	p1 =	seq.s32 s10, $0x1;
	s10 =	sld [smem:$0x3FAA];
	_ =	sdelay $0x3  }
0x37: {  	[smem:$0x3FAA] =	sst s10  }
0x38: {  	s10 =	sld [smem:$0x3FAB]  }
0x39: {  	_ = 	snop;
	(pc) =	sbr.ind lr, $3  }
0x3a: {  	_ = 	snop  }
0x3b: {  	_ = 	snop  }
0x3c: {  	p2 =	seq.s32 s10, $0x1;
	s10 =	sld [smem:$0x3FAA]  }
0x3d: {  	_ =	shalt  }
0x3e: {  	_ =	shalt  }
0x3f: {  	_ =	shalt  }
0x40: {  	_ =	shalt  }
0x41: {  	_ =	shalt  }
0x42: {  	_ =	shalt  }
0x43: {  	_ =	shalt  }
0x44: {  	_ =	shalt  }
0x45: {  	_ =	shalt  }
0x46: {  	_ =	shalt  }
0x47: {  	_ =	shalt  }
0x48: {  	_ =	shalt  }
0x49: {  	_ =	shalt  }
0x4a: {  	_ =	shalt  }
0x4b: {  	_ =	shalt  }
0x4c: {  	_ =	shalt  }
0x4d: {  	_ =	shalt  }
0x4e: {  	_ =	shalt  }
0x4f: {  	_ =	shalt  }
0x50: {  	_ =	shalt  }
0x51: {  	_ =	shalt  }
0x52: {  	_ =	shalt  }
0x53: {  	_ =	shalt  }
0x54: {  	_ =	shalt  }
0x55: {  	_ =	shalt  }
0x56: {  	_ =	shalt  }
0x57: {  	_ =	shalt  }
0x58: {  	_ =	shalt  }
0x59: {  	_ =	shalt  }
0x5a: {  	_ =	shalt  }
0x5b: {  	_ =	shalt  }
0x5c: {  	_ =	shalt  }
0x5d: {  	_ =	shalt  }
0x5e: {  	_ =	shalt  }
0x5f: {  	_ =	shalt  }
0x60: {  	_ =	shalt  }
0x61: {  	_ =	shalt  }
0x62: {  	_ =	shalt  }
0x63: {  	_ =	shalt  }
0x64: {  	_ =	shalt  }
0x65: {  	_ =	shalt  }
0x66: {  	_ =	shalt  }
0x67: {  	_ =	shalt  }
0x68: {  	_ =	shalt  }
0x69: {  	_ =	shalt  }
0x6a: {  	_ =	shalt  }
0x6b: {  	_ =	shalt  }
0x6c: {  	_ =	shalt  }
0x6d: {  	_ =	shalt  }
0x6e: {  	_ =	shalt  }
0x6f: {  	_ =	shalt  }
0x70: {  	_ =	shalt  }
0x71: {  	_ =	shalt  }
0x72: {  	_ =	shalt  }
0x73: {  	_ =	shalt  }
0x74: {  	_ =	shalt  }
0x75: {  	_ =	shalt  }
0x76: {  	_ =	shalt  }
0x77: {  	_ =	shalt  }
0x78: {  	_ =	shalt  }
0x79: {  	_ =	shalt  }
0x7a: {  	_ =	shalt  }
0x7b: {  	_ =	shalt  }
0x7c: {  	_ =	shalt  }
0x7d: {  	_ =	shalt  }
0x7e: {  	_ =	shalt  }
0x7f: {  	_ =	shalt  }
0x80: {  	_ =	shalt  }
0x81: {  	_ =	shalt  }
0x82: {  	_ =	shalt  }
0x83: {  	_ =	shalt  }
0x84: {  	_ =	shalt  }
0x85: {  	_ =	shalt  }
0x86: {  	_ =	shalt  }
0x87: {  	_ =	shalt  }
.Lfunc_end0:
.L_simem_size_0:
called_computation.2_lowered:
.L_overlay_start_0:
0x88: {  	s2 =	sld [smem:$0x3FD9]  }
0x89: {  	s3 =	sld [smem:$0x3FFE];
	_ =	sdelay $0x1  }
0x8a: {  	s1 =	srdreg.scid  }
0x8b: {  	s0 =	sand.u32 $0x1, s1  }
0x8c: {  	s14 =	sshll.u32 s0, $0xA;
	s2 =	sadd.s32 s3, s2  }
0x8d: {  	s2 =	sadd.s32 s2, s14  }
0x8e: {  	[smem:$0x3FB6] =	sst s2  }
0x8f: {  	_ = 	snop  }
0x90: {  	s2 =	sld [smem:$0x3FD0];
	_ =	sdelay $0x2  }
0x91: {  	s15 =	simm.s32 $0xB;
	s4 =	simm.s32 $0x10  }
0x92: {  	[smem:s4], [sflag:s15] =	dma.local [hbm:s2], $0x1  }
0x93: {  	_ =	swait.eq [sflag:s15], $0x1  }
0x94: {  	[sflag:s15] =	ssyncset.done $0x0  }
0x95: {  	s16 =	sld [smem:$0x11];
	[sflag:s15] =	ssyncadd.s32 $0xFFFFFFFF  }
0x96: {  	s17 =	sld [smem:$0x12];
	(tm) =	ssettm $0x1  }
0x97: {  	s18 =	sld [smem:$0x3FFB];
	_ =	sdelay $0x3  }
0x98: {  	_ =	strace s18  }
0x99: {  	s4 =	sld [smem:$0x3FFC];
	_ =	sdelay $0x3  }
0x9a: {  	_ =	strace s4  }
0x9b: {  	s4 =	sld [smem:$0x3FFD];
	_ =	sdelay $0x3  }
0x9c: {  	_ =	strace s4  }
0x9d: {  	_ =	strace $0x8FFFFFFF  }
0x9e: {  	s19 =	sld [smem:$0x3FDB];
	_ =	sdelay $0x1  }
0x9f: {  	s5 =	simm.s32 $_scs_section_size  }
0xa0: {  	s6 =	simm.s32 $_size__tile_overlayer_lowered;
	s7 =	simm.s32 $_tile_overlayer_lowered  }
0xa1: {  	s22 =	simm.s32 $0x1BFF;
	s21 =	sshll.u32 s7, $0x1;
	s4 =	sadd.s32 s5, s19  }
0xa2: {  	s8 =	simm.s32 $0x0;
	s20 =	sshll.u32 s6, $0x1;
	s6 =	sadd.s32 s21, s4  }
0xa3: {  	[timem:s8], [sflag:s22] =	dma.local [hbm:s6], s20  }
0xa4: {  	_ =	swait.ge [sflag:s22], s20  }
0xa5: {  	s5 =	ssub.s32 $0x0, s20;
	[sflag:s22] =	ssyncset.done $0x0  }
0xa6: {  	[sflag:s22] =	ssyncadd.s32 s5;
	_ =	sdelay $0x1  }
0xa7: {  	s23 =	simm.s32 $0x1B8B  }
0xa8: {  	_ =	swait.ge [sflag:s23], $0x1  }
0xa9: {  	[sflag:s23] =	ssyncset.done $0x0  }
0xaa: {  	s25 =	simm.s32 $0x1B8E;
	s24 =	sld [smem:$0x3FFE];
	[sflag:s23] =	ssyncadd.s32 $0xFFFFFFFF  }
0xab: {  	s26 =	simm.s32 $execute0_lowered;
	[smem:$0x3FD2] =	sst s25  }
0xac: {  	s6 =	sshll.u32 s26, $0x1;
	_ =	strace $0x80000049;
	[dreg:$0x1] =	wrdreg $0xFFFFFFFF  }
0xad: {  	s28 =	simm.s32 $_size_execute0_lowered;
	s4 =	sadd.s32 s4, s6;
	[dreg:$0x0] =	wrdreg $0x0  }
0xae: {  	s6 =	sshll.u32 s28, $0x1;
	[dreg:$0x2] =	wrdreg s4  }
0xaf: {  	[dreg:$0x3] =	wrdreg s6  }
0xb0: {  	[dreg:$0x4] =	wrdreg $0xC0  }
0xb1: {  	_ =	task [dreg:s8], $0x5FFFF  }
0xb2: {  	[dreg:$0x1] =	wrdreg $0xFFFFFFFF  }
0xb3: {  	[dreg:$0x0] =	wrdreg $0x60  }
0xb4: {  	[dreg:$0x2] =	wrdreg s24  }
0xb5: {  	[dreg:$0x3] =	wrdreg s16  }
0xb6: {  	[dreg:$0x4] =	wrdreg s17  }
0xb7: {  	[dreg:$0x5] =	wrdreg $0x33900  }
0xb8: {  	[dreg:$0x6] =	wrdreg $0xA  }
0xb9: {  	_ =	task.clear_ibuf [dreg:s8], $0x7FFFF;
	_ =	strace $0x90000049  }
0xba: {  	s29 =	simm.s32 $0xA;
	_ =	strace $0x8000004B  }
0xbb: {  	_ =	swait.ge [sflag:s29], $0x1  }
0xbc: {  	[sflag:s29] =	ssyncadd.s32 $0xFFFFFFFF  }
0xbd: {  	_ =	strace $0x9000004B  }
0xbe: {  	_ =	sfence  }
0xbf: {  	s30 =	sld [smem:$0x0];
	_ =	sdelay $0x2  }
0xc0: {  	s31 =	sshll.u32 s1, $0xD;
	s1 =	sshrl.u32 s1, $0x2  }
0xc1: {  	s3 =	sand.u32 $0x4000, s31;
	s1 =	sadd.s32 s1, s30  }
0xc2: {  	s0 =	sor.u32 s3, s0;
	s1 =	sshll.u32 s1, $0x11  }
0xc3: {  	s0 =	sor.u32 s1, s0  }
0xc4: {  	s0 =	sadd.s32 $0x8F2B, s0  }
0xc5: {  	[sflag:s0] =	ssyncadd.remote.s32 $0x1  }
0xc6: {  	_ =	sfence.sel $0xFFFF  }
0xc7: {  	[dreg:$0x0] =	wrdreg $0xFFFFFFFF;
	(pc) =	sbr.abs _section_cstart, $3  }
0xc8: {  	[dreg:$0x1] =	wrdreg $0xFFFFFFFF  }
0xc9: {  	_ =	task.clear_ibuf [dreg:s8], $0x2FFFF;
	_ =	strace $0x9FFFFFFF  }
0xca: {  	(tm) =	ssettm $0x7FFFFFFF  }
0xcb: {  	_ =	shalt  }
tec
execute0_lowered:
.L_overlay_start_1:
0x0: {  	(tag) =	ssettag $0x1  }
0x1: {  	s4 =	rddreg [dreg:$0x0]  }
0x2: {  	s5 =	rddreg [dreg:$0x1]  }
0x3: {  	s6 =	rddreg [dreg:$0x2]  }
0x4: {  	s2 =	rddreg [dreg:$0x3]  }
0x5: {  	s0 =	rddreg [dreg:$0x4];
	s1 =	stileid.u32  }
0x6: {  	s3 =	simm.s32 $0x0;
	s8 =	srdreg.scid;
	s7 =	smul.u32 $0xC3500, s1  }
0x7: {  	s14 =	simm.s32 $0x190;
	s15 =	simm.s32 $0x0;
	s9 =	smul.u32 $0x186A, s1  }
0x8: {  	[smem:$0x7FF] =	sst s3;
	s8 =	sand.u32 $0x1, s8;
	s11 =	smul.u32 $0x186A0, s1  }
0x9: {  	s31 =	sshll.u32 s1, $0x6;
	_ =	strace $0x8000004A;
	s10 =	ssub.s32 $0x2, s8  }
0xa: {  	s13 =	smul.u32 $0x186A00, s8;
	s8 =	sshll.u32 s8, $0x2;
	s7 =	sadd.s32 s7, s4  }
0xb: {  	s12 =	sshrl.u32 s10, $0x1;
	s9 =	sadd.s32 s9, s4;
	s28 =	sshrl.u32 s11, $0x3  }
0xc: {  	s29 =	sadd.s32 s11, s2;
	s10 =	ssub.s32 s10, s12;
	s4 =	sadd.s32 s5, s28  }
0xd: {  	s30 =	sadd.s32 s11, s13;
	s5 =	sor.u32 $0x1C01, s31;
	s8 =	sadd.s32 s8, s7  }
0xe: {  	s9 =	sadd.s32 $0xF1400, s9;
	s11 =	simm.s32 $0x1;
	s12 =	simm.s32 $0x20  }
0xf: {  	s13 =	sshrl.u32 s30, $0x3;
	s7 =	smax.u32 s10, $0x1;
	s8 =	sadd.s32 $0x3365808, s8  }
0x10: {  	s10 =	sshrl.u32 s29, $0x3;
	s6 =	sadd.s32 s6, s13;
	s13 =	simm.s32 $0x80  }
.LBB2_1:
0x11: {  	[spmem:s10], [sflag:s5] =	dma.local [hbm:s4], $0x30D4  }
0x12: {  	_ =	swait.ge [sflag:s11], $0x30D4  }
0x13: {  	[sflag:s11] =	ssyncset.done $0x0  }
0x14: {  	[sflag:s11] =	ssyncadd.s32 $0xFFFFCF2C  }
0x15: {  	s16 =	sadd.s32 $0x0, s9;
	[bflag:$0x0] =	sbarrier.arrive $0xFFFF  }
0x16: {  	[tilespmem:s3], [sflag:$0x1] =	stream.linear.gather [hbm4b:s16+s3], $0x190, $0x38;
	[tilespmem:$0x1BA30] =	vst v63  }
0x17: {  	_ =	swait.ge [sflag:s11], $0x190  }
0x18: {  	[sflag:s11] =	ssyncset.done $0x0  }
0x19: {  	[sflag:s11] =	ssyncadd.s32 $0xFFFFFE70  }
0x1a: {  	[tilespmem:s14], [sflag:$0x1] =	stream.strided.gather [hbm4b:s8+s12], $0x3200, s13, s12, $0x38;
	[tilespmem:$0x1BA30] =	vst v63  }
0x1b: {  	_ =	swait.ge [sflag:s11], $0x3200  }
0x1c: {  	[sflag:s11] =	ssyncset.done $0x0  }
0x1d: {  	[sflag:s11] =	ssyncadd.s32 $0xFFFFCE00  }
0x1e: {  	[spmem:s2] =	stream.indirect.scatter.add.f32 [tilespmem:s14], [sflag:$0x1], $0x20, s3, s14, $0xb8;
	[tilespmem:$0x1BA30] =	vst v63  }
0x1f: {  	s17 =	simm.s32 $0x32;
	_ =	swait.ge [sflag:s11], $0x3200  }
0x20: {  	s18 =	simm.s32 $0x64;
	s16 =	sadd.s32 $0x1900, s8;
	[sflag:s11] =	ssyncset.done $0x0  }
.LBB2_2:
0x21: {  	s19 =	sadd.s32 s17, s9  }
0x22: {  	[sflag:s11] =	ssyncadd.s32 $0xFFFFCE00;
	s17 =	smov.u32 s18;
	s20 =	sadd.s32 $0x32, s18  }
0x23: {  	[tilespmem:s3], [sflag:$0x1] =	stream.linear.gather [hbm4b:s19+s3], $0x190, $0x38;
	[tilespmem:$0x1BA30] =	vst v63  }
0x24: {  	p0 =	sne.s32 s18, $0x1838;
	_ =	swait.ge [sflag:s11], $0x190  }
0x25: {  	[sflag:s11] =	ssyncset.done $0x0  }
0x26: {  	[sflag:s11] =	ssyncadd.s32 $0xFFFFFE70  }
0x27: {  	[tilespmem:s14], [sflag:$0x1] =	stream.strided.gather [hbm4b:s16+s12], $0x3200, s13, s12, $0x38;
	[tilespmem:$0x1BA30] =	vst v63  }
0x28: {  	_ =	swait.ge [sflag:s11], $0x3200  }
.Ltmp0:
0x29: {  	[sflag:s11] =	ssyncset.done $0x0;
	(pc) =	sbr.rel @p0 .LBB2_2-.Ltmp0, $4  }
0x2a: {  	[sflag:s11] =	ssyncadd.s32 $0xFFFFCE00  }
0x2b: {  	[spmem:s2] =	stream.indirect.scatter.add.f32 [tilespmem:s14], [sflag:$0x1], $0x20, s3, s14, $0xb8;
	[tilespmem:$0x1BA30] =	vst v63  }
0x2c: {  	_ =	swait.ge [sflag:s11], $0x3200  }
0x2d: {  	s18 =	smov.u32 s20;
	s16 =	sadd.s32 $0x1900, s16;
	[sflag:s11] =	ssyncset.done $0x0  }
0x2e: {  	s17 =	sadd.s32 s17, s9;
	[sflag:s11] =	ssyncadd.s32 $0xFFFFCE00  }
0x2f: {  	[tilespmem:s3], [sflag:$0x1] =	stream.linear.gather [hbm4b:s17+s3], $0x190, $0x38;
	[tilespmem:$0x1BA30] =	vst v63  }
0x30: {  	_ =	swait.ge [sflag:s11], $0x190  }
0x31: {  	[sflag:s11] =	ssyncset.done $0x0  }
0x32: {  	[sflag:s11] =	ssyncadd.s32 $0xFFFFFE70  }
0x33: {  	[tilespmem:s14], [sflag:$0x1] =	stream.strided.gather [hbm4b:s16+s12], $0x3200, s13, s12, $0x38;
	[tilespmem:$0x1BA30] =	vst v63  }
0x34: {  	_ =	swait.ge [sflag:s11], $0x3200  }
0x35: {  	[sflag:s11] =	ssyncset.done $0x0  }
0x36: {  	[sflag:s11] =	ssyncadd.s32 $0xFFFFCE00  }
0x37: {  	[spmem:s2] =	stream.indirect.scatter.add.f32 [tilespmem:s14], [sflag:$0x1], $0x20, s3, s14, $0xb8;
	[tilespmem:$0x1BA30] =	vst v63  }
0x38: {  	_ =	swait.ge [sflag:s11], $0x3200  }
0x39: {  	s15 =	sadd.s32 $0x1, s15;
	[sflag:s11] =	ssyncset.done $0x0  }
0x3a: {  	p0 =	sne.s32 s15, s7;
	[sflag:s11] =	ssyncadd.s32 $0xFFFFCE00  }
.Ltmp1:
0x3b: {  	[bflag:$0x0] =	sbarrier.arrive $0xFFFF;
	(pc) =	sbr.rel @p0 .LBB2_1-.Ltmp1, $4  }
0x3c: {  	[hbm:s6], [sflag:s5] =	dma.local [spmem:s10], $0x30D4  }
0x3d: {  	_ =	swait.ge [sflag:s11], $0x30D4  }
0x3e: {  	[sflag:s11] =	ssyncset.done $0x0  }
0x3f: {  	[sflag:s11] =	ssyncadd.s32 $0xFFFFCF2C  }
0x40: {  	_ =	sfence.sel $0x180000  }
0x41: {  	[bflag:$0x0] =	sbarrier.arrive $0xFFFF  }
0x42: {  	p0 =	sne.s32 s1, $0x0;
	_ =	strace $0x9000004A  }
0x43: {  	s0 =	sadd.s32 @!p0 $0x100000, s0;
	[bflag:$0x2] =	sbarrier.arrive $0xFFFF  }
0x44: {  	[sflag:s0] =	ssyncadd.tile.s32 @!p0 $0x1;
	_ =	shalt  }
.Lfunc_end2:
_tile_overlayer_lowered:
.L_overlay_start_2:
0x45: {  	(tag) =	ssettag $0x2  }
0x46: {  	s0 =	rddreg [dreg:$0x0];
	s2 =	stileid.u32  }
0x47: {  	s1 =	rddreg [dreg:$0x1];
	p0 =	sne.s32 s2, $0x0  }
0x48: {  	s3 =	rddreg [dreg:$0x2];
	[bflag:$0x3] =	sbarrier.arrive $0xFFFF;
	s2 =	simm.s32 @!p0 $0x1C01  }
0x49: {  	[timem:s3], [sflag:s2] =	dma.local @!p0 [hbm:s0], s1  }
0x4a: {  	s0 =	simm.s32 @!p0 $0x1  }
0x4b: {  	_ =	swait.ge @!p0 [sflag:s0], s1  }
0x4c: {  	s1 =	ssub.s32 @!p0 $0x0, s1;
	[sflag:s0] =	ssyncset.done @!p0 $0x0  }
0x4d: {  	[sflag:s0] =	ssyncadd.s32 @!p0 s1  }
0x4e: {  	[bflag:$0x3] =	sbarrier.arrive $0xFFFF  }
0x4f: {  	_ =	shalt  }

// kernel: kernel.37.cloned.1.call-start
scs
__scs_entry_jumppad:
0x0: {  	(pc) =	sbr.rel $0x88, $3  }
0x1: {  	(tag) =	ssettag $0x0;
	lr =	simm.s32 $0x1  }
0x2: {  	[smem:$0x3F8F] =	sst lr;
	_ =	strace $0xD0000000  }
0x3: {  	_ = 	snop  }
0x4: {  	_ = 	snop  }
0x5: {  	_ = 	snop  }
0x6: {  	_ = 	snop  }
0x7: {  	_ = 	snop  }
__scs_overlays_trampoline_lowered:
0x8: {  	[smem:$0x3F9E] =	sst s0  }
0x9: {  	[smem:$0x3F9F] =	sst s1  }
0xa: {  	[smem:$0x3FA0] =	sst s2  }
0xb: {  	[smem:$0x3FA1] =	sst s3  }
0xc: {  	[smem:$0x3FA2] =	sst s4  }
0xd: {  	[smem:$0x3FA3] =	sst s5  }
0xe: {  	[smem:$0x3FA4] =	sst s6  }
0xf: {  	[smem:$0x3FA5] =	sst s7  }
0x10: {  	[smem:$0x3FA6] =	sst s8  }
0x11: {  	[smem:$0x3FA7] =	sst s9;
	s0 =	simm.s32 @!p0 $0x0  }
0x12: {  	s1 =	sld [smem:$0x3F8D];
	s0 =	simm.s32 @p0 $0x1  }
0x13: {  	[smem:$0x3FA8] =	sst s0;
	s0 =	simm.s32 @!p1 $0x0  }
0x14: {  	s2 =	sld [smem:$0x3F8C];
	s0 =	simm.s32 @p1 $0x1  }
0x15: {  	[smem:$0x3FA9] =	sst s0;
	s0 =	simm.s32 @!p2 $0x0  }
0x16: {  	s3 =	sld [smem:$0x3FDB];
	s0 =	simm.s32 @p2 $0x1  }
0x17: {  	s4 =	simm.s32 $0x1BF5;
	[smem:$0x3FAB] =	sst s0  }
0x18: {  	s0 =	sld [smem:$0x3F8E];
	_ =	swait.ge [sflag:s4], $0x0  }
0x19: {  	s7 =	sld [smem:$0x3F8F]  }
0x1a: {  	s8 =	sadd.s32 $0xFFFFE003, lr  }
0x1b: {  	s9 =	sadd.s32 $0xFFFFFEF7, lr;
	s5 =	simm.s32 $0xFFFFFFFF;
	p2 =	slt.u32 s8, $0xFFFFF086  }
0x1c: {  	p1 =	slt.u32 s9, $0xF7A;
	s5 =	simm.s32 @!p2 $0x0  }
0x1d: {  	s5 =	simm.s32 @p1 $0x1;
	p0 =	seq.s32 s7, s2  }
0x1e: {  	s7 =	smul.u32 @!p0 $0xF7A, s2;
	p2 =	seq.s32 @!p0 s5, $0x0  }
0x1f: {  	s9 =	smul.u32 $0xF7A, s1;
	s8 =	simm.s32 @!p0 $0x1BF5;
	p2 =	por !p2, p0  }
0x20: {  	[sflag:s8] =	ssyncset.s32 @!p0 $0xFFFFF086;
	s6 =	sadd.s32 @!p0 s3, s7;
	s7 =	simm.s32 @!p0 $0x108  }
0x21: {  	s3 =	sadd.s32 s3, s9;
	s6 =	sadd.s32 @!p0 $0x88, s6;
	s7 =	simm.s32 @p2 $0x1082  }
0x22: {  	[simem:s7], [sflag:s8] =	dma.local @!p0 [hbm:s6], $0xF7A  }
0x23: {  	s9 =	sor.u32 $0xD0000000, s2;
	s6 =	simm.s32 $0x108;
	_ =	swait.ge @!p0 [sflag:s8], $0x0  }
0x24: {  	s3 =	sadd.s32 $0x88, s3;
	s6 =	simm.s32 @!p1 $0x1082;
	[sflag:s4] =	ssyncset.s32 $0xFFFFF086  }
0x25: {  	[simem:s6], [sflag:s4] =	dma.local [hbm:s3], $0xF7A  }
0x26: {  	[smem:$0x3F8F] =	sst s1;
	(tag) =	ssettag s2;
	_ =	strace s9  }
0x27: {  	s1 =	sld [smem:$0x3F9F]  }
0x28: {  	s2 =	sld [smem:$0x3FA0]  }
0x29: {  	s4 =	sld [smem:$0x3FA2]  }
0x2a: {  	p0 =	seq.s32 s5, $0x0;
	s5 =	sld [smem:$0x3FA3]  }
0x2b: {  	s6 =	sld [smem:$0x3FA4]  }
0x2c: {  	s7 =	sld [smem:$0x3FA5]  }
0x2d: {  	s3 =	simm.s32 $0x108;
	s8 =	sld [smem:$0x3FA6]  }
0x2e: {  	s3 =	simm.s32 @!p0 $0x1082;
	s9 =	sld [smem:$0x3FA7]  }
0x2f: {  	lr =	sadd.s32 s0, s3;
	s0 =	sld [smem:$0x3F9E]  }
0x30: {  	s3 =	sld [smem:$0x3FA1]  }
0x31: {  	[smem:$0x3FAA] =	sst s10  }
0x32: {  	s10 =	sld [smem:$0x3FA8];
	_ =	sdelay $0x3  }
0x33: {  	p0 =	seq.s32 s10, $0x1;
	s10 =	sld [smem:$0x3FAA];
	_ =	sdelay $0x3  }
0x34: {  	[smem:$0x3FAA] =	sst s10  }
0x35: {  	s10 =	sld [smem:$0x3FA9];
	_ =	sdelay $0x3  }
0x36: {  	p1 =	seq.s32 s10, $0x1;
	s10 =	sld [smem:$0x3FAA];
	_ =	sdelay $0x3  }
0x37: {  	[smem:$0x3FAA] =	sst s10  }
0x38: {  	s10 =	sld [smem:$0x3FAB]  }
0x39: {  	_ = 	snop;
	(pc) =	sbr.ind lr, $3  }
0x3a: {  	_ = 	snop  }
0x3b: {  	_ = 	snop  }
0x3c: {  	p2 =	seq.s32 s10, $0x1;
	s10 =	sld [smem:$0x3FAA]  }
0x3d: {  	_ =	shalt  }
0x3e: {  	_ =	shalt  }
0x3f: {  	_ =	shalt  }
0x40: {  	_ =	shalt  }
0x41: {  	_ =	shalt  }
0x42: {  	_ =	shalt  }
0x43: {  	_ =	shalt  }
0x44: {  	_ =	shalt  }
0x45: {  	_ =	shalt  }
0x46: {  	_ =	shalt  }
0x47: {  	_ =	shalt  }
0x48: {  	_ =	shalt  }
0x49: {  	_ =	shalt  }
0x4a: {  	_ =	shalt  }
0x4b: {  	_ =	shalt  }
0x4c: {  	_ =	shalt  }
0x4d: {  	_ =	shalt  }
0x4e: {  	_ =	shalt  }
0x4f: {  	_ =	shalt  }
0x50: {  	_ =	shalt  }
0x51: {  	_ =	shalt  }
0x52: {  	_ =	shalt  }
0x53: {  	_ =	shalt  }
0x54: {  	_ =	shalt  }
0x55: {  	_ =	shalt  }
0x56: {  	_ =	shalt  }
0x57: {  	_ =	shalt  }
0x58: {  	_ =	shalt  }
0x59: {  	_ =	shalt  }
0x5a: {  	_ =	shalt  }
0x5b: {  	_ =	shalt  }
0x5c: {  	_ =	shalt  }
0x5d: {  	_ =	shalt  }
0x5e: {  	_ =	shalt  }
0x5f: {  	_ =	shalt  }
0x60: {  	_ =	shalt  }
0x61: {  	_ =	shalt  }
0x62: {  	_ =	shalt  }
0x63: {  	_ =	shalt  }
0x64: {  	_ =	shalt  }
0x65: {  	_ =	shalt  }
0x66: {  	_ =	shalt  }
0x67: {  	_ =	shalt  }
0x68: {  	_ =	shalt  }
0x69: {  	_ =	shalt  }
0x6a: {  	_ =	shalt  }
0x6b: {  	_ =	shalt  }
0x6c: {  	_ =	shalt  }
0x6d: {  	_ =	shalt  }
0x6e: {  	_ =	shalt  }
0x6f: {  	_ =	shalt  }
0x70: {  	_ =	shalt  }
0x71: {  	_ =	shalt  }
0x72: {  	_ =	shalt  }
0x73: {  	_ =	shalt  }
0x74: {  	_ =	shalt  }
0x75: {  	_ =	shalt  }
0x76: {  	_ =	shalt  }
0x77: {  	_ =	shalt  }
0x78: {  	_ =	shalt  }
0x79: {  	_ =	shalt  }
0x7a: {  	_ =	shalt  }
0x7b: {  	_ =	shalt  }
0x7c: {  	_ =	shalt  }
0x7d: {  	_ =	shalt  }
0x7e: {  	_ =	shalt  }
0x7f: {  	_ =	shalt  }
0x80: {  	_ =	shalt  }
0x81: {  	_ =	shalt  }
0x82: {  	_ =	shalt  }
0x83: {  	_ =	shalt  }
0x84: {  	_ =	shalt  }
0x85: {  	_ =	shalt  }
0x86: {  	_ =	shalt  }
0x87: {  	_ =	shalt  }
.Lfunc_end0:
.L_simem_size_0:
called_computation.3_lowered:
.L_overlay_start_0:
0x88: {  	s2 =	sld [smem:$0x3FD9]  }
0x89: {  	s3 =	sld [smem:$0x3FFE];
	_ =	sdelay $0x1  }
0x8a: {  	s1 =	srdreg.scid  }
0x8b: {  	s0 =	sand.u32 $0x1, s1  }
0x8c: {  	s16 =	sshll.u32 s0, $0xA;
	s2 =	sadd.s32 s3, s2  }
0x8d: {  	s2 =	sadd.s32 s2, s16  }
0x8e: {  	[smem:$0x3FB6] =	sst s2  }
0x8f: {  	_ = 	snop  }
0x90: {  	(tm) =	ssettm $0x1  }
0x91: {  	s17 =	sld [smem:$0x3FFB];
	_ =	sdelay $0x3  }
0x92: {  	_ =	strace s17  }
0x93: {  	s2 =	sld [smem:$0x3FFC];
	_ =	sdelay $0x3  }
0x94: {  	_ =	strace s2  }
0x95: {  	s2 =	sld [smem:$0x3FFD];
	_ =	sdelay $0x3  }
0x96: {  	_ =	strace s2  }
0x97: {  	_ =	strace $0x8FFFFFFF  }
0x98: {  	s18 =	sld [smem:$0x3FDB];
	_ =	sdelay $0x1  }
0x99: {  	s19 =	simm.s32 $_scs_section_size  }
0x9a: {  	s4 =	simm.s32 $_size__tile_overlayer_lowered;
	s5 =	simm.s32 $_tile_overlayer_lowered  }
0x9b: {  	s22 =	simm.s32 $0x1BFF;
	s21 =	sshll.u32 s5, $0x1;
	s2 =	sadd.s32 s19, s18  }
0x9c: {  	s6 =	simm.s32 $0x0;
	s20 =	sshll.u32 s4, $0x1;
	s4 =	sadd.s32 s21, s2  }
0x9d: {  	[timem:s6], [sflag:s22] =	dma.local [hbm:s4], s20  }
0x9e: {  	_ =	swait.ge [sflag:s22], s20  }
0x9f: {  	s3 =	ssub.s32 $0x0, s20;
	[sflag:s22] =	ssyncset.done $0x0  }
0xa0: {  	[sflag:s22] =	ssyncadd.s32 s3;
	_ =	sdelay $0x1  }
0xa1: {  	s23 =	simm.s32 $0x1B8B  }
0xa2: {  	_ =	swait.ge [sflag:s23], $0x1  }
0xa3: {  	[sflag:s23] =	ssyncset.done $0x0  }
0xa4: {  	s25 =	simm.s32 $0x1B8E;
	s24 =	sld [smem:$0x3FFE];
	[sflag:s23] =	ssyncadd.s32 $0xFFFFFFFF  }
0xa5: {  	s26 =	simm.s32 $execute0_lowered;
	[smem:$0x3FD2] =	sst s25  }
0xa6: {  	s4 =	sshll.u32 s26, $0x1;
	_ =	strace $0x8000004F;
	[dreg:$0x1] =	wrdreg $0xFFFFFFFF  }
0xa7: {  	s28 =	simm.s32 $_size_execute0_lowered;
	s2 =	sadd.s32 s2, s4;
	[dreg:$0x0] =	wrdreg $0x0  }
0xa8: {  	s4 =	sshll.u32 s28, $0x1;
	[dreg:$0x2] =	wrdreg s2  }
0xa9: {  	[dreg:$0x3] =	wrdreg s4  }
0xaa: {  	[dreg:$0x4] =	wrdreg $0xC0  }
0xab: {  	_ =	task [dreg:s6], $0x5FFFF  }
0xac: {  	[dreg:$0x1] =	wrdreg $0xFFFFFFFF  }
0xad: {  	[dreg:$0x0] =	wrdreg $0x60  }
0xae: {  	[dreg:$0x2] =	wrdreg s24  }
0xaf: {  	[dreg:$0x3] =	wrdreg $0x9  }
0xb0: {  	_ =	task.clear_ibuf [dreg:s6], $0x4FFFF;
	_ =	strace $0x9000004F  }
0xb1: {  	s29 =	simm.s32 $0x9;
	_ =	strace $0x80000051  }
0xb2: {  	_ =	swait.ge [sflag:s29], $0x1  }
0xb3: {  	[sflag:s29] =	ssyncadd.s32 $0xFFFFFFFF  }
0xb4: {  	_ =	strace $0x90000051  }
0xb5: {  	_ =	sfence  }
0xb6: {  	s30 =	sld [smem:$0x0];
	_ =	sdelay $0x2  }
0xb7: {  	s31 =	sshll.u32 s1, $0xD;
	s1 =	sshrl.u32 s1, $0x2  }
0xb8: {  	s3 =	sand.u32 $0x4000, s31;
	s1 =	sadd.s32 s1, s30  }
0xb9: {  	s0 =	sor.u32 s3, s0;
	s1 =	sshll.u32 s1, $0x11  }
0xba: {  	s0 =	sor.u32 s1, s0  }
0xbb: {  	s0 =	sadd.s32 $0x8F2B, s0  }
0xbc: {  	[sflag:s0] =	ssyncadd.remote.s32 $0x1  }
0xbd: {  	_ =	sfence.sel $0xFFFF  }
0xbe: {  	[dreg:$0x0] =	wrdreg $0xFFFFFFFF;
	(pc) =	sbr.abs _section_cstart, $3  }
0xbf: {  	[dreg:$0x1] =	wrdreg $0xFFFFFFFF  }
0xc0: {  	_ =	task.clear_ibuf [dreg:s6], $0x2FFFF;
	_ =	strace $0x9FFFFFFF  }
0xc1: {  	(tm) =	ssettm $0x7FFFFFFF  }
tec
execute0_lowered:
.L_overlay_start_1:
0x0: {  	(tag) =	ssettag $0x1  }
0x1: {  	s4 =	rddreg [dreg:$0x0]  }
0x2: {  	s0 =	rddreg [dreg:$0x1]  }
0x3: {  	s3 =	srdreg.scid;
	s1 =	stileid.u32;
	s2 =	simm.s32 $0x0  }
0x4: {  	s10 =	simm.s32 $0x400;
	s11 =	simm.s32 $0x3E8;
	s12 =	simm.s32 $0x800  }
0x5: {  	s13 =	simm.s32 $0x1;
	s14 =	simm.s32 $0x0;
	s6 =	smul.u32 $0xC350, s1  }
0x6: {  	s5 =	sand.u32 $0x1, s3;
	[smem:$0x7FF] =	sst s2;
	s8 =	smul.u32 $0xC3500, s1  }
0x7: {  	s3 =	sadd.s32 $0x297A800, s4;
	s7 =	smul.u32 $0x61A8, s5;
	s9 =	ssub.s32 $0x2, s5  }
0x8: {  	_ =	strace $0x80000050;
	s5 =	smul.u32 $0x61A80, s5;
	s30 =	sshrl.u32 s9, $0x1  }
0x9: {  	s29 =	sadd.s32 s8, s4;
	s6 =	sadd.s32 s7, s6;
	s8 =	ssub.s32 s9, s30  }
0xa: {  	s7 =	sadd.s32 s5, s29;
	s9 =	simm.s32 $0x2;
	s6 =	sshrl.u32 s6, $0x3  }
0xb: {  	s5 =	sadd.s32 $0x2A3DE00, s7;
	s31 =	sadd.s32 s6, s4;
	s4 =	smax.u32 s8, $0x1  }
0xc: {  	s6 =	sadd.s32 $0x10AC00, s7;
	s7 =	sadd.s32 $0xF1400, s31;
	s8 =	sadd.s32 $0xD8C00, s31  }
.LBB2_1:
0xd: {  	s15 =	sadd.s32 $0x0, s8  }
0xe: {  	[tilespmem:s2], [sflag:$0x2] =	stream.linear.gather [hbm4b:s15+s2], $0x3E8, $0x38;
	[tilespmem:$0x1FC00] =	vst v63  }
0xf: {  	_ =	swait.ge [sflag:s9], $0x3E8  }
0x10: {  	[sflag:s9] =	ssyncset.done $0x0  }
0x11: {  	s31 =	sadd.s32 $0x0, s7;
	[sflag:s9] =	ssyncadd.s32 $0xFFFFFC18  }
0x12: {  	[tilespmem:s10], [sflag:$0x2] =	stream.linear.gather [hbm4b:s31+s2], $0x3E8, $0x38;
	[tilespmem:$0x1FC00] =	vst v63  }
0x13: {  	_ =	swait.ge [sflag:s9], $0x3E8  }
0x14: {  	[sflag:s9] =	ssyncset.done $0x0  }
0x15: {  	[sflag:s9] =	ssyncadd.s32 $0xFFFFFC18  }
0x16: {  	[tilespmem:s12], [sflag:$0x1] =	stream.indirect.gather [hbm4b:s3+s11], $0x80, s2, s11, $0xb8;
	[tilespmem:$0x1FC00] =	vst v63  }
0x17: {  	_ =	swait.ge [sflag:s13], $0x1F400  }
0x18: {  	[sflag:s13] =	ssyncset.done $0x0  }
0x19: {  	[sflag:s13] =	ssyncadd.s32 $0xFFFE0C00  }
0x1a: {  	[hbm4b:s5+s2] =	stream.linear.scatter [tilespmem:s12], [sflag:$0x2], $0x1F400, $0x38;
	[tilespmem:$0x1FC00] =	vst v63  }
0x1b: {  	_ =	swait.ge [sflag:s9], $0x1F400  }
0x1c: {  	[sflag:s9] =	ssyncset.done $0x0  }
0x1d: {  	[sflag:s9] =	ssyncadd.s32 $0xFFFE0C00  }
0x1e: {  	[tilespmem:s12], [sflag:$0x1] =	stream.indirect.gather [hbm4b:s3+s11], $0x80, s10, s11, $0xb8;
	[tilespmem:$0x1FC00] =	vst v63  }
0x1f: {  	_ =	swait.ge [sflag:s13], $0x1F400  }
0x20: {  	[sflag:s13] =	ssyncset.done $0x0  }
0x21: {  	[sflag:s13] =	ssyncadd.s32 $0xFFFE0C00  }
0x22: {  	[hbm4b:s6+s2] =	stream.linear.scatter [tilespmem:s12], [sflag:$0x2], $0x1F400, $0x38;
	[tilespmem:$0x1FC00] =	vst v63  }
0x23: {  	s17 =	simm.s32 $0x7D;
	s18 =	simm.s32 $0xFA;
	_ =	swait.ge [sflag:s9], $0x1F400  }
0x24: {  	s16 =	sadd.s32 $0x3E80, s5;
	s15 =	sadd.s32 $0x3E80, s6;
	[sflag:s9] =	ssyncset.done $0x0  }
.LBB2_2:
0x25: {  	s19 =	sadd.s32 s17, s8  }
0x26: {  	[sflag:s9] =	ssyncadd.s32 $0xFFFE0C00;
	s20 =	smov.u32 s18;
	s21 =	sadd.s32 $0x7D, s18  }
0x27: {  	[tilespmem:s2], [sflag:$0x2] =	stream.linear.gather [hbm4b:s19+s2], $0x3E8, $0x38;
	[tilespmem:$0x1FC00] =	vst v63  }
0x28: {  	p0 =	sne.s32 s18, $0xBB8;
	_ =	swait.ge [sflag:s9], $0x3E8  }
0x29: {  	[sflag:s9] =	ssyncset.done $0x0  }
0x2a: {  	s18 =	sadd.s32 s17, s7;
	s17 =	smov.u32 s20;
	[sflag:s9] =	ssyncadd.s32 $0xFFFFFC18  }
0x2b: {  	[tilespmem:s10], [sflag:$0x2] =	stream.linear.gather [hbm4b:s18+s2], $0x3E8, $0x38;
	[tilespmem:$0x1FC00] =	vst v63  }
0x2c: {  	_ =	swait.ge [sflag:s9], $0x3E8  }
0x2d: {  	[sflag:s9] =	ssyncset.done $0x0  }
0x2e: {  	[sflag:s9] =	ssyncadd.s32 $0xFFFFFC18  }
0x2f: {  	[tilespmem:s12], [sflag:$0x1] =	stream.indirect.gather [hbm4b:s3+s11], $0x80, s2, s11, $0xb8;
	[tilespmem:$0x1FC00] =	vst v63  }
0x30: {  	_ =	swait.ge [sflag:s13], $0x1F400  }
0x31: {  	[sflag:s13] =	ssyncset.done $0x0  }
0x32: {  	[sflag:s13] =	ssyncadd.s32 $0xFFFE0C00  }
0x33: {  	[hbm4b:s16+s2] =	stream.linear.scatter [tilespmem:s12], [sflag:$0x2], $0x1F400, $0x38;
	[tilespmem:$0x1FC00] =	vst v63  }
0x34: {  	_ =	swait.ge [sflag:s9], $0x1F400  }
0x35: {  	[sflag:s9] =	ssyncset.done $0x0  }
0x36: {  	[sflag:s9] =	ssyncadd.s32 $0xFFFE0C00  }
0x37: {  	[tilespmem:s12], [sflag:$0x1] =	stream.indirect.gather [hbm4b:s3+s11], $0x80, s10, s11, $0xb8;
	[tilespmem:$0x1FC00] =	vst v63  }
0x38: {  	_ =	swait.ge [sflag:s13], $0x1F400  }
.Ltmp0:
0x39: {  	[sflag:s13] =	ssyncset.done $0x0;
	(pc) =	sbr.rel @p0 .LBB2_2-.Ltmp0, $4  }
0x3a: {  	[sflag:s13] =	ssyncadd.s32 $0xFFFE0C00  }
0x3b: {  	[hbm4b:s15+s2] =	stream.linear.scatter [tilespmem:s12], [sflag:$0x2], $0x1F400, $0x38;
	[tilespmem:$0x1FC00] =	vst v63  }
0x3c: {  	s18 =	smov.u32 s21;
	_ =	swait.ge [sflag:s9], $0x1F400  }
0x3d: {  	s16 =	sadd.s32 $0x3E80, s16;
	s15 =	sadd.s32 $0x3E80, s15;
	[sflag:s9] =	ssyncset.done $0x0  }
0x3e: {  	s18 =	sadd.s32 s17, s8;
	[sflag:s9] =	ssyncadd.s32 $0xFFFE0C00  }
0x3f: {  	[tilespmem:s2], [sflag:$0x2] =	stream.linear.gather [hbm4b:s18+s2], $0x3E8, $0x38;
	[tilespmem:$0x1FC00] =	vst v63  }
0x40: {  	_ =	swait.ge [sflag:s9], $0x3E8  }
0x41: {  	[sflag:s9] =	ssyncset.done $0x0  }
0x42: {  	s31 =	sadd.s32 s17, s7;
	[sflag:s9] =	ssyncadd.s32 $0xFFFFFC18  }
0x43: {  	[tilespmem:s10], [sflag:$0x2] =	stream.linear.gather [hbm4b:s31+s2], $0x3E8, $0x38;
	[tilespmem:$0x1FC00] =	vst v63  }
0x44: {  	_ =	swait.ge [sflag:s9], $0x3E8  }
0x45: {  	[sflag:s9] =	ssyncset.done $0x0  }
0x46: {  	[sflag:s9] =	ssyncadd.s32 $0xFFFFFC18  }
0x47: {  	[tilespmem:s12], [sflag:$0x1] =	stream.indirect.gather [hbm4b:s3+s11], $0x80, s2, s11, $0xb8;
	[tilespmem:$0x1FC00] =	vst v63  }
0x48: {  	_ =	swait.ge [sflag:s13], $0x1F400  }
0x49: {  	[sflag:s13] =	ssyncset.done $0x0  }
0x4a: {  	[sflag:s13] =	ssyncadd.s32 $0xFFFE0C00  }
0x4b: {  	[hbm4b:s16+s2] =	stream.linear.scatter [tilespmem:s12], [sflag:$0x2], $0x1F400, $0x38;
	[tilespmem:$0x1FC00] =	vst v63  }
0x4c: {  	_ =	swait.ge [sflag:s9], $0x1F400  }
0x4d: {  	[sflag:s9] =	ssyncset.done $0x0  }
0x4e: {  	[sflag:s9] =	ssyncadd.s32 $0xFFFE0C00  }
0x4f: {  	[tilespmem:s12], [sflag:$0x1] =	stream.indirect.gather [hbm4b:s3+s11], $0x80, s10, s11, $0xb8;
	[tilespmem:$0x1FC00] =	vst v63  }
0x50: {  	s14 =	sadd.s32 $0x1, s14;
	_ =	swait.ge [sflag:s13], $0x1F400  }
0x51: {  	p0 =	sne.s32 s14, s4;
	[sflag:s13] =	ssyncset.done $0x0  }
.Ltmp1:
0x52: {  	[sflag:s13] =	ssyncadd.s32 $0xFFFE0C00;
	(pc) =	sbr.rel @p0 .LBB2_1-.Ltmp1, $4  }
0x53: {  	[hbm4b:s15+s2] =	stream.linear.scatter [tilespmem:s12], [sflag:$0x2], $0x1F400, $0x38;
	[tilespmem:$0x1FC00] =	vst v63  }
0x54: {  	_ =	swait.ge [sflag:s9], $0x1F400  }
0x55: {  	[sflag:s9] =	ssyncset.done $0x0  }
0x56: {  	[sflag:s9] =	ssyncadd.s32 $0xFFFE0C00  }
0x57: {  	_ =	sfence.sel $0x180000  }
0x58: {  	[bflag:$0x0] =	sbarrier.arrive $0xFFFF  }
0x59: {  	p0 =	sne.s32 s1, $0x0;
	_ =	strace $0x90000050  }
0x5a: {  	s0 =	sadd.s32 @!p0 $0x100000, s0;
	[bflag:$0x2] =	sbarrier.arrive $0xFFFF  }
0x5b: {  	[sflag:s0] =	ssyncadd.tile.s32 @!p0 $0x1;
	_ =	shalt  }
.Lfunc_end2:
_tile_overlayer_lowered:
.L_overlay_start_2:
0x5c: {  	(tag) =	ssettag $0x2  }
0x5d: {  	s0 =	rddreg [dreg:$0x0];
	s2 =	stileid.u32  }
0x5e: {  	s1 =	rddreg [dreg:$0x1];
	p0 =	sne.s32 s2, $0x0  }
0x5f: {  	s3 =	rddreg [dreg:$0x2];
	[bflag:$0x3] =	sbarrier.arrive $0xFFFF;
	s2 =	simm.s32 @!p0 $0x1C02  }
0x60: {  	[timem:s3], [sflag:s2] =	dma.local @!p0 [hbm:s0], s1  }
0x61: {  	s0 =	simm.s32 @!p0 $0x2  }
0x62: {  	_ =	swait.ge @!p0 [sflag:s0], s1  }
0x63: {  	s1 =	ssub.s32 @!p0 $0x0, s1;
	[sflag:s0] =	ssyncset.done @!p0 $0x0  }
0x64: {  	[sflag:s0] =	ssyncadd.s32 @!p0 s1  }
0x65: {  	[bflag:$0x3] =	sbarrier.arrive $0xFFFF  }
0x66: {  	_ =	shalt  }

// kernel: kernel.40.cloned.1.call-start
scs
__scs_entry_jumppad:
0x0: {  	(pc) =	sbr.rel $0x88, $3  }
0x1: {  	(tag) =	ssettag $0x0;
	lr =	simm.s32 $0x1  }
0x2: {  	[smem:$0x3F8F] =	sst lr;
	_ =	strace $0xD0000000  }
0x3: {  	_ = 	snop  }
0x4: {  	_ = 	snop  }
0x5: {  	_ = 	snop  }
0x6: {  	_ = 	snop  }
0x7: {  	_ = 	snop  }
__scs_overlays_trampoline_lowered:
0x8: {  	[smem:$0x3F9E] =	sst s0  }
0x9: {  	[smem:$0x3F9F] =	sst s1  }
0xa: {  	[smem:$0x3FA0] =	sst s2  }
0xb: {  	[smem:$0x3FA1] =	sst s3  }
0xc: {  	[smem:$0x3FA2] =	sst s4  }
0xd: {  	[smem:$0x3FA3] =	sst s5  }
0xe: {  	[smem:$0x3FA4] =	sst s6  }
0xf: {  	[smem:$0x3FA5] =	sst s7  }
0x10: {  	[smem:$0x3FA6] =	sst s8  }
0x11: {  	[smem:$0x3FA7] =	sst s9;
	s0 =	simm.s32 @!p0 $0x0  }
0x12: {  	s1 =	sld [smem:$0x3F8D];
	s0 =	simm.s32 @p0 $0x1  }
0x13: {  	[smem:$0x3FA8] =	sst s0;
	s0 =	simm.s32 @!p1 $0x0  }
0x14: {  	s2 =	sld [smem:$0x3F8C];
	s0 =	simm.s32 @p1 $0x1  }
0x15: {  	[smem:$0x3FA9] =	sst s0;
	s0 =	simm.s32 @!p2 $0x0  }
0x16: {  	s3 =	sld [smem:$0x3FDB];
	s0 =	simm.s32 @p2 $0x1  }
0x17: {  	s4 =	simm.s32 $0x1BF5;
	[smem:$0x3FAB] =	sst s0  }
0x18: {  	s0 =	sld [smem:$0x3F8E];
	_ =	swait.ge [sflag:s4], $0x0  }
0x19: {  	s7 =	sld [smem:$0x3F8F]  }
0x1a: {  	s8 =	sadd.s32 $0xFFFFE003, lr  }
0x1b: {  	s9 =	sadd.s32 $0xFFFFFEF7, lr;
	s5 =	simm.s32 $0xFFFFFFFF;
	p2 =	slt.u32 s8, $0xFFFFF086  }
0x1c: {  	p1 =	slt.u32 s9, $0xF7A;
	s5 =	simm.s32 @!p2 $0x0  }
0x1d: {  	s5 =	simm.s32 @p1 $0x1;
	p0 =	seq.s32 s7, s2  }
0x1e: {  	s7 =	smul.u32 @!p0 $0xF7A, s2;
	p2 =	seq.s32 @!p0 s5, $0x0  }
0x1f: {  	s9 =	smul.u32 $0xF7A, s1;
	s8 =	simm.s32 @!p0 $0x1BF5;
	p2 =	por !p2, p0  }
0x20: {  	[sflag:s8] =	ssyncset.s32 @!p0 $0xFFFFF086;
	s6 =	sadd.s32 @!p0 s3, s7;
	s7 =	simm.s32 @!p0 $0x108  }
0x21: {  	s3 =	sadd.s32 s3, s9;
	s6 =	sadd.s32 @!p0 $0x88, s6;
	s7 =	simm.s32 @p2 $0x1082  }
0x22: {  	[simem:s7], [sflag:s8] =	dma.local @!p0 [hbm:s6], $0xF7A  }
0x23: {  	s9 =	sor.u32 $0xD0000000, s2;
	s6 =	simm.s32 $0x108;
	_ =	swait.ge @!p0 [sflag:s8], $0x0  }
0x24: {  	s3 =	sadd.s32 $0x88, s3;
	s6 =	simm.s32 @!p1 $0x1082;
	[sflag:s4] =	ssyncset.s32 $0xFFFFF086  }
0x25: {  	[simem:s6], [sflag:s4] =	dma.local [hbm:s3], $0xF7A  }
0x26: {  	[smem:$0x3F8F] =	sst s1;
	(tag) =	ssettag s2;
	_ =	strace s9  }
0x27: {  	s1 =	sld [smem:$0x3F9F]  }
0x28: {  	s2 =	sld [smem:$0x3FA0]  }
0x29: {  	s4 =	sld [smem:$0x3FA2]  }
0x2a: {  	p0 =	seq.s32 s5, $0x0;
	s5 =	sld [smem:$0x3FA3]  }
0x2b: {  	s6 =	sld [smem:$0x3FA4]  }
0x2c: {  	s7 =	sld [smem:$0x3FA5]  }
0x2d: {  	s3 =	simm.s32 $0x108;
	s8 =	sld [smem:$0x3FA6]  }
0x2e: {  	s3 =	simm.s32 @!p0 $0x1082;
	s9 =	sld [smem:$0x3FA7]  }
0x2f: {  	lr =	sadd.s32 s0, s3;
	s0 =	sld [smem:$0x3F9E]  }
0x30: {  	s3 =	sld [smem:$0x3FA1]  }
0x31: {  	[smem:$0x3FAA] =	sst s10  }
0x32: {  	s10 =	sld [smem:$0x3FA8];
	_ =	sdelay $0x3  }
0x33: {  	p0 =	seq.s32 s10, $0x1;
	s10 =	sld [smem:$0x3FAA];
	_ =	sdelay $0x3  }
0x34: {  	[smem:$0x3FAA] =	sst s10  }
0x35: {  	s10 =	sld [smem:$0x3FA9];
	_ =	sdelay $0x3  }
0x36: {  	p1 =	seq.s32 s10, $0x1;
	s10 =	sld [smem:$0x3FAA];
	_ =	sdelay $0x3  }
0x37: {  	[smem:$0x3FAA] =	sst s10  }
0x38: {  	s10 =	sld [smem:$0x3FAB]  }
0x39: {  	_ = 	snop;
	(pc) =	sbr.ind lr, $3  }
0x3a: {  	_ = 	snop  }
0x3b: {  	_ = 	snop  }
0x3c: {  	p2 =	seq.s32 s10, $0x1;
	s10 =	sld [smem:$0x3FAA]  }
0x3d: {  	_ =	shalt  }
0x3e: {  	_ =	shalt  }
0x3f: {  	_ =	shalt  }
0x40: {  	_ =	shalt  }
0x41: {  	_ =	shalt  }
0x42: {  	_ =	shalt  }
0x43: {  	_ =	shalt  }
0x44: {  	_ =	shalt  }
0x45: {  	_ =	shalt  }
0x46: {  	_ =	shalt  }
0x47: {  	_ =	shalt  }
0x48: {  	_ =	shalt  }
0x49: {  	_ =	shalt  }
0x4a: {  	_ =	shalt  }
0x4b: {  	_ =	shalt  }
0x4c: {  	_ =	shalt  }
0x4d: {  	_ =	shalt  }
0x4e: {  	_ =	shalt  }
0x4f: {  	_ =	shalt  }
0x50: {  	_ =	shalt  }
0x51: {  	_ =	shalt  }
0x52: {  	_ =	shalt  }
0x53: {  	_ =	shalt  }
0x54: {  	_ =	shalt  }
0x55: {  	_ =	shalt  }
0x56: {  	_ =	shalt  }
0x57: {  	_ =	shalt  }
0x58: {  	_ =	shalt  }
0x59: {  	_ =	shalt  }
0x5a: {  	_ =	shalt  }
0x5b: {  	_ =	shalt  }
0x5c: {  	_ =	shalt  }
0x5d: {  	_ =	shalt  }
0x5e: {  	_ =	shalt  }
0x5f: {  	_ =	shalt  }
0x60: {  	_ =	shalt  }
0x61: {  	_ =	shalt  }
0x62: {  	_ =	shalt  }
0x63: {  	_ =	shalt  }
0x64: {  	_ =	shalt  }
0x65: {  	_ =	shalt  }
0x66: {  	_ =	shalt  }
0x67: {  	_ =	shalt  }
0x68: {  	_ =	shalt  }
0x69: {  	_ =	shalt  }
0x6a: {  	_ =	shalt  }
0x6b: {  	_ =	shalt  }
0x6c: {  	_ =	shalt  }
0x6d: {  	_ =	shalt  }
0x6e: {  	_ =	shalt  }
0x6f: {  	_ =	shalt  }
0x70: {  	_ =	shalt  }
0x71: {  	_ =	shalt  }
0x72: {  	_ =	shalt  }
0x73: {  	_ =	shalt  }
0x74: {  	_ =	shalt  }
0x75: {  	_ =	shalt  }
0x76: {  	_ =	shalt  }
0x77: {  	_ =	shalt  }
0x78: {  	_ =	shalt  }
0x79: {  	_ =	shalt  }
0x7a: {  	_ =	shalt  }
0x7b: {  	_ =	shalt  }
0x7c: {  	_ =	shalt  }
0x7d: {  	_ =	shalt  }
0x7e: {  	_ =	shalt  }
0x7f: {  	_ =	shalt  }
0x80: {  	_ =	shalt  }
0x81: {  	_ =	shalt  }
0x82: {  	_ =	shalt  }
0x83: {  	_ =	shalt  }
0x84: {  	_ =	shalt  }
0x85: {  	_ =	shalt  }
0x86: {  	_ =	shalt  }
0x87: {  	_ =	shalt  }
.Lfunc_end0:
.L_simem_size_0:
called_computation.4_lowered:
.L_overlay_start_0:
0x88: {  	s2 =	sld [smem:$0x3FD9]  }
0x89: {  	s3 =	sld [smem:$0x3FFE];
	_ =	sdelay $0x1  }
0x8a: {  	s1 =	srdreg.scid  }
0x8b: {  	s0 =	sand.u32 $0x1, s1  }
0x8c: {  	s15 =	sshll.u32 s0, $0xA;
	s2 =	sadd.s32 s3, s2  }
0x8d: {  	s2 =	sadd.s32 s2, s15  }
0x8e: {  	[smem:$0x3FB6] =	sst s2  }
0x8f: {  	_ = 	snop  }
0x90: {  	s2 =	sld [smem:$0x3FD0];
	_ =	sdelay $0x2  }
0x91: {  	s4 =	simm.s32 $0xB;
	s16 =	simm.s32 $0x10  }
0x92: {  	[smem:s16], [sflag:s4] =	dma.local [hbm:s2], $0x1  }
0x93: {  	_ =	swait.eq [sflag:s4], $0x1  }
0x94: {  	[sflag:s4] =	ssyncset.done $0x0  }
0x95: {  	s17 =	sld [smem:$0x10];
	[sflag:s4] =	ssyncadd.s32 $0xFFFFFFFF  }
0x96: {  	s18 =	sld [smem:$0x11];
	(tm) =	ssettm $0x1  }
0x97: {  	s19 =	sld [smem:$0x3FFB];
	_ =	sdelay $0x3  }
0x98: {  	_ =	strace s19  }
0x99: {  	s2 =	sld [smem:$0x3FFC];
	_ =	sdelay $0x3  }
0x9a: {  	_ =	strace s2  }
0x9b: {  	s2 =	sld [smem:$0x3FFD];
	_ =	sdelay $0x3  }
0x9c: {  	_ =	strace s2  }
0x9d: {  	_ =	strace $0x8FFFFFFF  }
0x9e: {  	s20 =	sld [smem:$0x3FDB];
	_ =	sdelay $0x1  }
0x9f: {  	s5 =	simm.s32 $_scs_section_size  }
0xa0: {  	s6 =	simm.s32 $_size__tile_overlayer_lowered;
	s7 =	simm.s32 $_tile_overlayer_lowered  }
0xa1: {  	s8 =	simm.s32 $0x1BFF;
	s21 =	sshll.u32 s7, $0x1;
	s5 =	sadd.s32 s5, s20  }
0xa2: {  	s22 =	simm.s32 $0x0;
	s6 =	sshll.u32 s6, $0x1;
	s7 =	sadd.s32 s21, s5  }
0xa3: {  	[timem:s22], [sflag:s8] =	dma.local [hbm:s7], s6  }
0xa4: {  	_ =	swait.ge [sflag:s8], s6  }
0xa5: {  	s6 =	ssub.s32 $0x0, s6;
	[sflag:s8] =	ssyncset.done $0x0  }
0xa6: {  	[sflag:s8] =	ssyncadd.s32 s6;
	_ =	sdelay $0x1  }
0xa7: {  	s23 =	simm.s32 $0x1B8B  }
0xa8: {  	_ =	swait.ge [sflag:s23], $0x1  }
0xa9: {  	[sflag:s23] =	ssyncset.done $0x0  }
0xaa: {  	[sflag:s23] =	ssyncadd.s32 $0xFFFFFFFF  }
0xab: {  	s6 =	sld [smem:$0x0]  }
0xac: {  	s7 =	sand.u32 $0xFFFFFFFE, s1  }
0xad: {  	p0 =	sne.s32 s1, s7  }
0xae: {  	s7 =	sshll.u32 @p0 s7, $0xE  }
0xaf: {  	s7 =	sadd.s32 @p0 $0x11B8D, s7;
	s8 =	sshll.u32 @p0 s6, $0x11  }
0xb0: {  	s7 =	sor.u32 @p0 s8, s7  }
0xb1: {  	[sflag:s7] =	ssyncadd.remote.s32 @p0 $0x1;
	_ =	sdelay $0x1  }
0xb2: {  	s7 =	simm.s32 @p0 $0x1B8D  }
0xb3: {  	_ =	swait.eq @p0 [sflag:s7], $0x1  }
0xb4: {  	[sflag:s7] =	ssyncadd.s32 @p0 $0xFFFFFFFF  }
0xb5: {  	s8 =	sshll.u32 @!p0 s1, $0xE  }
0xb6: {  	s8 =	sor.u32 @!p0 $0x4000, s8;
	s7 =	simm.s32 @!p0 $0x1B8D  }
0xb7: {  	s6 =	sshll.u32 @!p0 s6, $0x11;
	s8 =	sadd.s32 @!p0 $0x11B8D, s8;
	_ =	swait.eq @!p0 [sflag:s7], $0x1  }
0xb8: {  	s6 =	sor.u32 @!p0 s6, s8;
	[sflag:s7] =	ssyncadd.s32 @!p0 $0xFFFFFFFF  }
0xb9: {  	s25 =	simm.s32 $0x1B8E;
	s24 =	sld [smem:$0x3FFE];
	[sflag:s6] =	ssyncadd.remote.s32 @!p0 $0x1  }
0xba: {  	s26 =	simm.s32 $execute0_lowered;
	[smem:$0x3FD2] =	sst s25  }
0xbb: {  	s7 =	sshll.u32 s26, $0x1;
	_ =	strace $0x80000055;
	[dreg:$0x1] =	wrdreg $0xFFFFFFFF  }
0xbc: {  	s28 =	simm.s32 $_size_execute0_lowered;
	s5 =	sadd.s32 s5, s7;
	[dreg:$0x0] =	wrdreg $0x0  }
0xbd: {  	s7 =	sshll.u32 s28, $0x1;
	[dreg:$0x2] =	wrdreg s5  }
0xbe: {  	[dreg:$0x3] =	wrdreg s7  }
0xbf: {  	[dreg:$0x4] =	wrdreg $0xC0  }
0xc0: {  	_ =	task [dreg:s22], $0x5FFFF  }
0xc1: {  	[dreg:$0x1] =	wrdreg $0xFFFFFFFF  }
0xc2: {  	[dreg:$0x0] =	wrdreg $0x60  }
0xc3: {  	[dreg:$0x2] =	wrdreg s24  }
0xc4: {  	[dreg:$0x3] =	wrdreg s18  }
0xc5: {  	[dreg:$0x4] =	wrdreg s17  }
0xc6: {  	[dreg:$0x5] =	wrdreg $0x33900  }
0xc7: {  	[dreg:$0x6] =	wrdreg $0x9  }
0xc8: {  	_ =	task.clear_ibuf [dreg:s22], $0x7FFFF;
	_ =	strace $0x90000055  }
0xc9: {  	s29 =	simm.s32 $0x9;
	_ =	strace $0x80000057  }
0xca: {  	_ =	swait.ge [sflag:s29], $0x1  }
0xcb: {  	[sflag:s29] =	ssyncadd.s32 $0xFFFFFFFF  }
0xcc: {  	_ =	strace $0x90000057  }
0xcd: {  	_ =	sfence  }
0xce: {  	s30 =	sld [smem:$0x0];
	_ =	sdelay $0x2  }
0xcf: {  	s31 =	sshll.u32 s1, $0xD;
	s1 =	sshrl.u32 s1, $0x2  }
0xd0: {  	s4 =	sand.u32 $0x4000, s31;
	s1 =	sadd.s32 s1, s30  }
0xd1: {  	s0 =	sor.u32 s4, s0;
	s1 =	sshll.u32 s1, $0x11  }
0xd2: {  	s0 =	sor.u32 s1, s0  }
0xd3: {  	s0 =	sadd.s32 $0x8F2B, s0  }
0xd4: {  	[sflag:s0] =	ssyncadd.remote.s32 $0x1  }
0xd5: {  	_ =	sfence.sel $0xFFFF  }
0xd6: {  	[dreg:$0x0] =	wrdreg $0xFFFFFFFF;
	(pc) =	sbr.abs _section_cstart, $3  }
0xd7: {  	[dreg:$0x1] =	wrdreg $0xFFFFFFFF  }
0xd8: {  	_ =	task.clear_ibuf [dreg:s22], $0x2FFFF;
	_ =	strace $0x9FFFFFFF  }
0xd9: {  	(tm) =	ssettm $0x7FFFFFFF  }
tec
execute0_lowered:
.L_overlay_start_1:
0x0: {  	(tag) =	ssettag $0x1  }
0x1: {  	s4 =	rddreg [dreg:$0x0]  }
0x2: {  	s5 =	rddreg [dreg:$0x1]  }
0x3: {  	s6 =	rddreg [dreg:$0x2]  }
0x4: {  	s2 =	rddreg [dreg:$0x3]  }
0x5: {  	s0 =	rddreg [dreg:$0x4];
	s1 =	stileid.u32  }
0x6: {  	s3 =	simm.s32 $0x0;
	s8 =	srdreg.scid;
	s7 =	smul.u32 $0xC3500, s1  }
0x7: {  	s14 =	simm.s32 $0x190;
	s15 =	simm.s32 $0x0;
	s9 =	smul.u32 $0x186A, s1  }
0x8: {  	[smem:$0x7FF] =	sst s3;
	s8 =	sand.u32 $0x1, s8;
	s11 =	smul.u32 $0x186A0, s1  }
0x9: {  	s31 =	sshll.u32 s1, $0x6;
	_ =	strace $0x80000056;
	s10 =	ssub.s32 $0x2, s8  }
0xa: {  	s13 =	smul.u32 $0x186A00, s8;
	s8 =	sshll.u32 s8, $0x2;
	s7 =	sadd.s32 s7, s4  }
0xb: {  	s12 =	sshrl.u32 s10, $0x1;
	s9 =	sadd.s32 s9, s4;
	s28 =	sshrl.u32 s11, $0x3  }
0xc: {  	s29 =	sadd.s32 s11, s2;
	s10 =	ssub.s32 s10, s12;
	s4 =	sadd.s32 s5, s28  }
0xd: {  	s30 =	sadd.s32 s11, s13;
	s5 =	sor.u32 $0x1C01, s31;
	s8 =	sadd.s32 s8, s7  }
0xe: {  	s9 =	sadd.s32 $0xF1400, s9;
	s11 =	simm.s32 $0x1;
	s12 =	simm.s32 $0x20  }
0xf: {  	s13 =	sshrl.u32 s30, $0x3;
	s7 =	smax.u32 s10, $0x1;
	s8 =	sadd.s32 $0xD3FC00, s8  }
0x10: {  	s10 =	sshrl.u32 s29, $0x3;
	s6 =	sadd.s32 s6, s13;
	s13 =	simm.s32 $0x80  }
.LBB2_1:
0x11: {  	[spmem:s10], [sflag:s5] =	dma.local [hbm:s4], $0x30D4  }
0x12: {  	_ =	swait.ge [sflag:s11], $0x30D4  }
0x13: {  	[sflag:s11] =	ssyncset.done $0x0  }
0x14: {  	[sflag:s11] =	ssyncadd.s32 $0xFFFFCF2C  }
0x15: {  	s16 =	sadd.s32 $0x0, s9;
	[bflag:$0x0] =	sbarrier.arrive $0xFFFF  }
0x16: {  	[tilespmem:s3], [sflag:$0x1] =	stream.linear.gather [hbm4b:s16+s3], $0x190, $0x38;
	[tilespmem:$0x1BA30] =	vst v63  }
0x17: {  	_ =	swait.ge [sflag:s11], $0x190  }
0x18: {  	[sflag:s11] =	ssyncset.done $0x0  }
0x19: {  	[sflag:s11] =	ssyncadd.s32 $0xFFFFFE70  }
0x1a: {  	[tilespmem:s14], [sflag:$0x1] =	stream.strided.gather [hbm4b:s8+s12], $0x3200, s13, s12, $0x38;
	[tilespmem:$0x1BA30] =	vst v63  }
0x1b: {  	_ =	swait.ge [sflag:s11], $0x3200  }
0x1c: {  	[sflag:s11] =	ssyncset.done $0x0  }
0x1d: {  	[sflag:s11] =	ssyncadd.s32 $0xFFFFCE00  }
0x1e: {  	[spmem:s2] =	stream.indirect.scatter.add.f32 [tilespmem:s14], [sflag:$0x1], $0x20, s3, s14, $0xb8;
	[tilespmem:$0x1BA30] =	vst v63  }
0x1f: {  	s17 =	simm.s32 $0x32;
	_ =	swait.ge [sflag:s11], $0x3200  }
0x20: {  	s18 =	simm.s32 $0x64;
	s16 =	sadd.s32 $0x1900, s8;
	[sflag:s11] =	ssyncset.done $0x0  }
.LBB2_2:
0x21: {  	s19 =	sadd.s32 s17, s9  }
0x22: {  	[sflag:s11] =	ssyncadd.s32 $0xFFFFCE00;
	s17 =	smov.u32 s18;
	s20 =	sadd.s32 $0x32, s18  }
0x23: {  	[tilespmem:s3], [sflag:$0x1] =	stream.linear.gather [hbm4b:s19+s3], $0x190, $0x38;
	[tilespmem:$0x1BA30] =	vst v63  }
0x24: {  	p0 =	sne.s32 s18, $0x1838;
	_ =	swait.ge [sflag:s11], $0x190  }
0x25: {  	[sflag:s11] =	ssyncset.done $0x0  }
0x26: {  	[sflag:s11] =	ssyncadd.s32 $0xFFFFFE70  }
0x27: {  	[tilespmem:s14], [sflag:$0x1] =	stream.strided.gather [hbm4b:s16+s12], $0x3200, s13, s12, $0x38;
	[tilespmem:$0x1BA30] =	vst v63  }
0x28: {  	_ =	swait.ge [sflag:s11], $0x3200  }
.Ltmp0:
0x29: {  	[sflag:s11] =	ssyncset.done $0x0;
	(pc) =	sbr.rel @p0 .LBB2_2-.Ltmp0, $4  }
0x2a: {  	[sflag:s11] =	ssyncadd.s32 $0xFFFFCE00  }
0x2b: {  	[spmem:s2] =	stream.indirect.scatter.add.f32 [tilespmem:s14], [sflag:$0x1], $0x20, s3, s14, $0xb8;
	[tilespmem:$0x1BA30] =	vst v63  }
0x2c: {  	_ =	swait.ge [sflag:s11], $0x3200  }
0x2d: {  	s18 =	smov.u32 s20;
	s16 =	sadd.s32 $0x1900, s16;
	[sflag:s11] =	ssyncset.done $0x0  }
0x2e: {  	s17 =	sadd.s32 s17, s9;
	[sflag:s11] =	ssyncadd.s32 $0xFFFFCE00  }
0x2f: {  	[tilespmem:s3], [sflag:$0x1] =	stream.linear.gather [hbm4b:s17+s3], $0x190, $0x38;
	[tilespmem:$0x1BA30] =	vst v63  }
0x30: {  	_ =	swait.ge [sflag:s11], $0x190  }
0x31: {  	[sflag:s11] =	ssyncset.done $0x0  }
0x32: {  	[sflag:s11] =	ssyncadd.s32 $0xFFFFFE70  }
0x33: {  	[tilespmem:s14], [sflag:$0x1] =	stream.strided.gather [hbm4b:s16+s12], $0x3200, s13, s12, $0x38;
	[tilespmem:$0x1BA30] =	vst v63  }
0x34: {  	_ =	swait.ge [sflag:s11], $0x3200  }
0x35: {  	[sflag:s11] =	ssyncset.done $0x0  }
0x36: {  	[sflag:s11] =	ssyncadd.s32 $0xFFFFCE00  }
0x37: {  	[spmem:s2] =	stream.indirect.scatter.add.f32 [tilespmem:s14], [sflag:$0x1], $0x20, s3, s14, $0xb8;
	[tilespmem:$0x1BA30] =	vst v63  }
0x38: {  	_ =	swait.ge [sflag:s11], $0x3200  }
0x39: {  	s15 =	sadd.s32 $0x1, s15;
	[sflag:s11] =	ssyncset.done $0x0  }
0x3a: {  	p0 =	sne.s32 s15, s7;
	[sflag:s11] =	ssyncadd.s32 $0xFFFFCE00  }
.Ltmp1:
0x3b: {  	[bflag:$0x0] =	sbarrier.arrive $0xFFFF;
	(pc) =	sbr.rel @p0 .LBB2_1-.Ltmp1, $4  }
0x3c: {  	[hbm:s6], [sflag:s5] =	dma.local [spmem:s10], $0x30D4  }
0x3d: {  	_ =	swait.ge [sflag:s11], $0x30D4  }
0x3e: {  	[sflag:s11] =	ssyncset.done $0x0  }
0x3f: {  	[sflag:s11] =	ssyncadd.s32 $0xFFFFCF2C  }
0x40: {  	_ =	sfence.sel $0x180000  }
0x41: {  	[bflag:$0x0] =	sbarrier.arrive $0xFFFF  }
0x42: {  	p0 =	sne.s32 s1, $0x0;
	_ =	strace $0x90000056  }
0x43: {  	s0 =	sadd.s32 @!p0 $0x100000, s0;
	[bflag:$0x2] =	sbarrier.arrive $0xFFFF  }
0x44: {  	[sflag:s0] =	ssyncadd.tile.s32 @!p0 $0x1;
	_ =	shalt  }
.Lfunc_end2:
_tile_overlayer_lowered:
.L_overlay_start_2:
0x45: {  	(tag) =	ssettag $0x2  }
0x46: {  	s0 =	rddreg [dreg:$0x0];
	s2 =	stileid.u32  }
0x47: {  	s1 =	rddreg [dreg:$0x1];
	p0 =	sne.s32 s2, $0x0  }
0x48: {  	s3 =	rddreg [dreg:$0x2];
	[bflag:$0x3] =	sbarrier.arrive $0xFFFF;
	s2 =	simm.s32 @!p0 $0x1C01  }
0x49: {  	[timem:s3], [sflag:s2] =	dma.local @!p0 [hbm:s0], s1  }
0x4a: {  	s0 =	simm.s32 @!p0 $0x1  }
0x4b: {  	_ =	swait.ge @!p0 [sflag:s0], s1  }
0x4c: {  	s1 =	ssub.s32 @!p0 $0x0, s1;
	[sflag:s0] =	ssyncset.done @!p0 $0x0  }
0x4d: {  	[sflag:s0] =	ssyncadd.s32 @!p0 s1  }
0x4e: {  	[bflag:$0x3] =	sbarrier.arrive $0xFFFF  }
0x4f: {  	_ =	shalt  }

// kernel: kernel.43.cloned.1.call-start
scs
__scs_entry_jumppad:
0x0: {  	(pc) =	sbr.rel $0x88, $3  }
0x1: {  	(tag) =	ssettag $0x0;
	lr =	simm.s32 $0x1  }
0x2: {  	[smem:$0x3F8F] =	sst lr;
	_ =	strace $0xD0000000  }
0x3: {  	_ = 	snop  }
0x4: {  	_ = 	snop  }
0x5: {  	_ = 	snop  }
0x6: {  	_ = 	snop  }
0x7: {  	_ = 	snop  }
__scs_overlays_trampoline_lowered:
0x8: {  	[smem:$0x3F9E] =	sst s0  }
0x9: {  	[smem:$0x3F9F] =	sst s1  }
0xa: {  	[smem:$0x3FA0] =	sst s2  }
0xb: {  	[smem:$0x3FA1] =	sst s3  }
0xc: {  	[smem:$0x3FA2] =	sst s4  }
0xd: {  	[smem:$0x3FA3] =	sst s5  }
0xe: {  	[smem:$0x3FA4] =	sst s6  }
0xf: {  	[smem:$0x3FA5] =	sst s7  }
0x10: {  	[smem:$0x3FA6] =	sst s8  }
0x11: {  	[smem:$0x3FA7] =	sst s9;
	s0 =	simm.s32 @!p0 $0x0  }
0x12: {  	s1 =	sld [smem:$0x3F8D];
	s0 =	simm.s32 @p0 $0x1  }
0x13: {  	[smem:$0x3FA8] =	sst s0;
	s0 =	simm.s32 @!p1 $0x0  }
0x14: {  	s2 =	sld [smem:$0x3F8C];
	s0 =	simm.s32 @p1 $0x1  }
0x15: {  	[smem:$0x3FA9] =	sst s0;
	s0 =	simm.s32 @!p2 $0x0  }
0x16: {  	s3 =	sld [smem:$0x3FDB];
	s0 =	simm.s32 @p2 $0x1  }
0x17: {  	s4 =	simm.s32 $0x1BF5;
	[smem:$0x3FAB] =	sst s0  }
0x18: {  	s0 =	sld [smem:$0x3F8E];
	_ =	swait.ge [sflag:s4], $0x0  }
0x19: {  	s7 =	sld [smem:$0x3F8F]  }
0x1a: {  	s8 =	sadd.s32 $0xFFFFE003, lr  }
0x1b: {  	s9 =	sadd.s32 $0xFFFFFEF7, lr;
	s5 =	simm.s32 $0xFFFFFFFF;
	p2 =	slt.u32 s8, $0xFFFFF086  }
0x1c: {  	p1 =	slt.u32 s9, $0xF7A;
	s5 =	simm.s32 @!p2 $0x0  }
0x1d: {  	s5 =	simm.s32 @p1 $0x1;
	p0 =	seq.s32 s7, s2  }
0x1e: {  	s7 =	smul.u32 @!p0 $0xF7A, s2;
	p2 =	seq.s32 @!p0 s5, $0x0  }
0x1f: {  	s9 =	smul.u32 $0xF7A, s1;
	s8 =	simm.s32 @!p0 $0x1BF5;
	p2 =	por !p2, p0  }
0x20: {  	[sflag:s8] =	ssyncset.s32 @!p0 $0xFFFFF086;
	s6 =	sadd.s32 @!p0 s3, s7;
	s7 =	simm.s32 @!p0 $0x108  }
0x21: {  	s3 =	sadd.s32 s3, s9;
	s6 =	sadd.s32 @!p0 $0x88, s6;
	s7 =	simm.s32 @p2 $0x1082  }
0x22: {  	[simem:s7], [sflag:s8] =	dma.local @!p0 [hbm:s6], $0xF7A  }
0x23: {  	s9 =	sor.u32 $0xD0000000, s2;
	s6 =	simm.s32 $0x108;
	_ =	swait.ge @!p0 [sflag:s8], $0x0  }
0x24: {  	s3 =	sadd.s32 $0x88, s3;
	s6 =	simm.s32 @!p1 $0x1082;
	[sflag:s4] =	ssyncset.s32 $0xFFFFF086  }
0x25: {  	[simem:s6], [sflag:s4] =	dma.local [hbm:s3], $0xF7A  }
0x26: {  	[smem:$0x3F8F] =	sst s1;
	(tag) =	ssettag s2;
	_ =	strace s9  }
0x27: {  	s1 =	sld [smem:$0x3F9F]  }
0x28: {  	s2 =	sld [smem:$0x3FA0]  }
0x29: {  	s4 =	sld [smem:$0x3FA2]  }
0x2a: {  	p0 =	seq.s32 s5, $0x0;
	s5 =	sld [smem:$0x3FA3]  }
0x2b: {  	s6 =	sld [smem:$0x3FA4]  }
0x2c: {  	s7 =	sld [smem:$0x3FA5]  }
0x2d: {  	s3 =	simm.s32 $0x108;
	s8 =	sld [smem:$0x3FA6]  }
0x2e: {  	s3 =	simm.s32 @!p0 $0x1082;
	s9 =	sld [smem:$0x3FA7]  }
0x2f: {  	lr =	sadd.s32 s0, s3;
	s0 =	sld [smem:$0x3F9E]  }
0x30: {  	s3 =	sld [smem:$0x3FA1]  }
0x31: {  	[smem:$0x3FAA] =	sst s10  }
0x32: {  	s10 =	sld [smem:$0x3FA8];
	_ =	sdelay $0x3  }
0x33: {  	p0 =	seq.s32 s10, $0x1;
	s10 =	sld [smem:$0x3FAA];
	_ =	sdelay $0x3  }
0x34: {  	[smem:$0x3FAA] =	sst s10  }
0x35: {  	s10 =	sld [smem:$0x3FA9];
	_ =	sdelay $0x3  }
0x36: {  	p1 =	seq.s32 s10, $0x1;
	s10 =	sld [smem:$0x3FAA];
	_ =	sdelay $0x3  }
0x37: {  	[smem:$0x3FAA] =	sst s10  }
0x38: {  	s10 =	sld [smem:$0x3FAB]  }
0x39: {  	_ = 	snop;
	(pc) =	sbr.ind lr, $3  }
0x3a: {  	_ = 	snop  }
0x3b: {  	_ = 	snop  }
0x3c: {  	p2 =	seq.s32 s10, $0x1;
	s10 =	sld [smem:$0x3FAA]  }
0x3d: {  	_ =	shalt  }
0x3e: {  	_ =	shalt  }
0x3f: {  	_ =	shalt  }
0x40: {  	_ =	shalt  }
0x41: {  	_ =	shalt  }
0x42: {  	_ =	shalt  }
0x43: {  	_ =	shalt  }
0x44: {  	_ =	shalt  }
0x45: {  	_ =	shalt  }
0x46: {  	_ =	shalt  }
0x47: {  	_ =	shalt  }
0x48: {  	_ =	shalt  }
0x49: {  	_ =	shalt  }
0x4a: {  	_ =	shalt  }
0x4b: {  	_ =	shalt  }
0x4c: {  	_ =	shalt  }
0x4d: {  	_ =	shalt  }
0x4e: {  	_ =	shalt  }
0x4f: {  	_ =	shalt  }
0x50: {  	_ =	shalt  }
0x51: {  	_ =	shalt  }
0x52: {  	_ =	shalt  }
0x53: {  	_ =	shalt  }
0x54: {  	_ =	shalt  }
0x55: {  	_ =	shalt  }
0x56: {  	_ =	shalt  }
0x57: {  	_ =	shalt  }
0x58: {  	_ =	shalt  }
0x59: {  	_ =	shalt  }
0x5a: {  	_ =	shalt  }
0x5b: {  	_ =	shalt  }
0x5c: {  	_ =	shalt  }
0x5d: {  	_ =	shalt  }
0x5e: {  	_ =	shalt  }
0x5f: {  	_ =	shalt  }
0x60: {  	_ =	shalt  }
0x61: {  	_ =	shalt  }
0x62: {  	_ =	shalt  }
0x63: {  	_ =	shalt  }
0x64: {  	_ =	shalt  }
0x65: {  	_ =	shalt  }
0x66: {  	_ =	shalt  }
0x67: {  	_ =	shalt  }
0x68: {  	_ =	shalt  }
0x69: {  	_ =	shalt  }
0x6a: {  	_ =	shalt  }
0x6b: {  	_ =	shalt  }
0x6c: {  	_ =	shalt  }
0x6d: {  	_ =	shalt  }
0x6e: {  	_ =	shalt  }
0x6f: {  	_ =	shalt  }
0x70: {  	_ =	shalt  }
0x71: {  	_ =	shalt  }
0x72: {  	_ =	shalt  }
0x73: {  	_ =	shalt  }
0x74: {  	_ =	shalt  }
0x75: {  	_ =	shalt  }
0x76: {  	_ =	shalt  }
0x77: {  	_ =	shalt  }
0x78: {  	_ =	shalt  }
0x79: {  	_ =	shalt  }
0x7a: {  	_ =	shalt  }
0x7b: {  	_ =	shalt  }
0x7c: {  	_ =	shalt  }
0x7d: {  	_ =	shalt  }
0x7e: {  	_ =	shalt  }
0x7f: {  	_ =	shalt  }
0x80: {  	_ =	shalt  }
0x81: {  	_ =	shalt  }
0x82: {  	_ =	shalt  }
0x83: {  	_ =	shalt  }
0x84: {  	_ =	shalt  }
0x85: {  	_ =	shalt  }
0x86: {  	_ =	shalt  }
0x87: {  	_ =	shalt  }
.Lfunc_end0:
.L_simem_size_0:
called_computation.5_lowered:
.L_overlay_start_0:
0x88: {  	s2 =	sld [smem:$0x3FD9]  }
0x89: {  	s3 =	sld [smem:$0x3FFE];
	_ =	sdelay $0x1  }
0x8a: {  	s1 =	srdreg.scid  }
0x8b: {  	s0 =	sand.u32 $0x1, s1  }
0x8c: {  	s14 =	sshll.u32 s0, $0xA;
	s2 =	sadd.s32 s3, s2  }
0x8d: {  	s2 =	sadd.s32 s2, s14  }
0x8e: {  	[smem:$0x3FB6] =	sst s2  }
0x8f: {  	_ = 	snop  }
0x90: {  	s2 =	sld [smem:$0x3FD0];
	_ =	sdelay $0x2  }
0x91: {  	s15 =	simm.s32 $0xB;
	s4 =	simm.s32 $0x10  }
0x92: {  	[smem:s4], [sflag:s15] =	dma.local [hbm:s2], $0x1  }
0x93: {  	_ =	swait.eq [sflag:s15], $0x1  }
0x94: {  	[sflag:s15] =	ssyncset.done $0x0  }
0x95: {  	s16 =	sld [smem:$0x11];
	[sflag:s15] =	ssyncadd.s32 $0xFFFFFFFF  }
0x96: {  	s17 =	sld [smem:$0x12];
	(tm) =	ssettm $0x1  }
0x97: {  	s18 =	sld [smem:$0x3FFB];
	_ =	sdelay $0x3  }
0x98: {  	_ =	strace s18  }
0x99: {  	s4 =	sld [smem:$0x3FFC];
	_ =	sdelay $0x3  }
0x9a: {  	_ =	strace s4  }
0x9b: {  	s4 =	sld [smem:$0x3FFD];
	_ =	sdelay $0x3  }
0x9c: {  	_ =	strace s4  }
0x9d: {  	_ =	strace $0x8FFFFFFF  }
0x9e: {  	s19 =	sld [smem:$0x3FDB];
	_ =	sdelay $0x1  }
0x9f: {  	s5 =	simm.s32 $_scs_section_size  }
0xa0: {  	s6 =	simm.s32 $_size__tile_overlayer_lowered;
	s7 =	simm.s32 $_tile_overlayer_lowered  }
0xa1: {  	s22 =	simm.s32 $0x1BFF;
	s21 =	sshll.u32 s7, $0x1;
	s4 =	sadd.s32 s5, s19  }
0xa2: {  	s8 =	simm.s32 $0x0;
	s20 =	sshll.u32 s6, $0x1;
	s6 =	sadd.s32 s21, s4  }
0xa3: {  	[timem:s8], [sflag:s22] =	dma.local [hbm:s6], s20  }
0xa4: {  	_ =	swait.ge [sflag:s22], s20  }
0xa5: {  	s5 =	ssub.s32 $0x0, s20;
	[sflag:s22] =	ssyncset.done $0x0  }
0xa6: {  	[sflag:s22] =	ssyncadd.s32 s5;
	_ =	sdelay $0x1  }
0xa7: {  	s23 =	simm.s32 $0x1B8B  }
0xa8: {  	_ =	swait.ge [sflag:s23], $0x1  }
0xa9: {  	[sflag:s23] =	ssyncset.done $0x0  }
0xaa: {  	s25 =	simm.s32 $0x1B8E;
	s24 =	sld [smem:$0x3FFE];
	[sflag:s23] =	ssyncadd.s32 $0xFFFFFFFF  }
0xab: {  	s26 =	simm.s32 $execute0_lowered;
	[smem:$0x3FD2] =	sst s25  }
0xac: {  	s6 =	sshll.u32 s26, $0x1;
	_ =	strace $0x80000052;
	[dreg:$0x1] =	wrdreg $0xFFFFFFFF  }
0xad: {  	s28 =	simm.s32 $_size_execute0_lowered;
	s4 =	sadd.s32 s4, s6;
	[dreg:$0x0] =	wrdreg $0x0  }
0xae: {  	s6 =	sshll.u32 s28, $0x1;
	[dreg:$0x2] =	wrdreg s4  }
0xaf: {  	[dreg:$0x3] =	wrdreg s6  }
0xb0: {  	[dreg:$0x4] =	wrdreg $0xC0  }
0xb1: {  	_ =	task [dreg:s8], $0x5FFFF  }
0xb2: {  	[dreg:$0x1] =	wrdreg $0xFFFFFFFF  }
0xb3: {  	[dreg:$0x0] =	wrdreg $0x60  }
0xb4: {  	[dreg:$0x2] =	wrdreg s24  }
0xb5: {  	[dreg:$0x3] =	wrdreg s16  }
0xb6: {  	[dreg:$0x4] =	wrdreg s17  }
0xb7: {  	[dreg:$0x5] =	wrdreg $0x33900  }
0xb8: {  	[dreg:$0x6] =	wrdreg $0xA  }
0xb9: {  	_ =	task.clear_ibuf [dreg:s8], $0x7FFFF;
	_ =	strace $0x90000052  }
0xba: {  	s29 =	simm.s32 $0xA;
	_ =	strace $0x80000054  }
0xbb: {  	_ =	swait.ge [sflag:s29], $0x1  }
0xbc: {  	[sflag:s29] =	ssyncadd.s32 $0xFFFFFFFF  }
0xbd: {  	_ =	strace $0x90000054  }
0xbe: {  	_ =	sfence  }
0xbf: {  	s30 =	sld [smem:$0x0];
	_ =	sdelay $0x2  }
0xc0: {  	s31 =	sshll.u32 s1, $0xD;
	s1 =	sshrl.u32 s1, $0x2  }
0xc1: {  	s3 =	sand.u32 $0x4000, s31;
	s1 =	sadd.s32 s1, s30  }
0xc2: {  	s0 =	sor.u32 s3, s0;
	s1 =	sshll.u32 s1, $0x11  }
0xc3: {  	s0 =	sor.u32 s1, s0  }
0xc4: {  	s0 =	sadd.s32 $0x8F2B, s0  }
0xc5: {  	[sflag:s0] =	ssyncadd.remote.s32 $0x1  }
0xc6: {  	_ =	sfence.sel $0xFFFF  }
0xc7: {  	[dreg:$0x0] =	wrdreg $0xFFFFFFFF;
	(pc) =	sbr.abs _section_cstart, $3  }
0xc8: {  	[dreg:$0x1] =	wrdreg $0xFFFFFFFF  }
0xc9: {  	_ =	task.clear_ibuf [dreg:s8], $0x2FFFF;
	_ =	strace $0x9FFFFFFF  }
0xca: {  	(tm) =	ssettm $0x7FFFFFFF  }
0xcb: {  	_ =	shalt  }
tec
execute0_lowered:
.L_overlay_start_1:
0x0: {  	(tag) =	ssettag $0x1  }
0x1: {  	s4 =	rddreg [dreg:$0x0]  }
0x2: {  	s5 =	rddreg [dreg:$0x1]  }
0x3: {  	s6 =	rddreg [dreg:$0x2]  }
0x4: {  	s2 =	rddreg [dreg:$0x3]  }
0x5: {  	s0 =	rddreg [dreg:$0x4];
	s1 =	stileid.u32  }
0x6: {  	s3 =	simm.s32 $0x0;
	s8 =	srdreg.scid;
	s7 =	smul.u32 $0xC3500, s1  }
0x7: {  	s14 =	simm.s32 $0x190;
	s15 =	simm.s32 $0x0;
	s9 =	smul.u32 $0x186A, s1  }
0x8: {  	[smem:$0x7FF] =	sst s3;
	s8 =	sand.u32 $0x1, s8;
	s11 =	smul.u32 $0x186A0, s1  }
0x9: {  	s31 =	sshll.u32 s1, $0x6;
	_ =	strace $0x80000053;
	s10 =	ssub.s32 $0x2, s8  }
0xa: {  	s13 =	smul.u32 $0x186A00, s8;
	s8 =	sshll.u32 s8, $0x2;
	s7 =	sadd.s32 s7, s4  }
0xb: {  	s12 =	sshrl.u32 s10, $0x1;
	s9 =	sadd.s32 s9, s4;
	s28 =	sshrl.u32 s11, $0x3  }
0xc: {  	s29 =	sadd.s32 s11, s2;
	s10 =	ssub.s32 s10, s12;
	s4 =	sadd.s32 s5, s28  }
0xd: {  	s30 =	sadd.s32 s11, s13;
	s5 =	sor.u32 $0x1C01, s31;
	s8 =	sadd.s32 s8, s7  }
0xe: {  	s9 =	sadd.s32 $0xF1400, s9;
	s11 =	simm.s32 $0x1;
	s12 =	simm.s32 $0x20  }
0xf: {  	s13 =	sshrl.u32 s30, $0x3;
	s7 =	smax.u32 s10, $0x1;
	s8 =	sadd.s32 $0xD3FC08, s8  }
0x10: {  	s10 =	sshrl.u32 s29, $0x3;
	s6 =	sadd.s32 s6, s13;
	s13 =	simm.s32 $0x80  }
.LBB2_1:
0x11: {  	[spmem:s10], [sflag:s5] =	dma.local [hbm:s4], $0x30D4  }
0x12: {  	_ =	swait.ge [sflag:s11], $0x30D4  }
0x13: {  	[sflag:s11] =	ssyncset.done $0x0  }
0x14: {  	[sflag:s11] =	ssyncadd.s32 $0xFFFFCF2C  }
0x15: {  	s16 =	sadd.s32 $0x0, s9;
	[bflag:$0x0] =	sbarrier.arrive $0xFFFF  }
0x16: {  	[tilespmem:s3], [sflag:$0x1] =	stream.linear.gather [hbm4b:s16+s3], $0x190, $0x38;
	[tilespmem:$0x1BA30] =	vst v63  }
0x17: {  	_ =	swait.ge [sflag:s11], $0x190  }
0x18: {  	[sflag:s11] =	ssyncset.done $0x0  }
0x19: {  	[sflag:s11] =	ssyncadd.s32 $0xFFFFFE70  }
0x1a: {  	[tilespmem:s14], [sflag:$0x1] =	stream.strided.gather [hbm4b:s8+s12], $0x3200, s13, s12, $0x38;
	[tilespmem:$0x1BA30] =	vst v63  }
0x1b: {  	_ =	swait.ge [sflag:s11], $0x3200  }
0x1c: {  	[sflag:s11] =	ssyncset.done $0x0  }
0x1d: {  	[sflag:s11] =	ssyncadd.s32 $0xFFFFCE00  }
0x1e: {  	[spmem:s2] =	stream.indirect.scatter.add.f32 [tilespmem:s14], [sflag:$0x1], $0x20, s3, s14, $0xb8;
	[tilespmem:$0x1BA30] =	vst v63  }
0x1f: {  	s17 =	simm.s32 $0x32;
	_ =	swait.ge [sflag:s11], $0x3200  }
0x20: {  	s18 =	simm.s32 $0x64;
	s16 =	sadd.s32 $0x1900, s8;
	[sflag:s11] =	ssyncset.done $0x0  }
.LBB2_2:
0x21: {  	s19 =	sadd.s32 s17, s9  }
0x22: {  	[sflag:s11] =	ssyncadd.s32 $0xFFFFCE00;
	s17 =	smov.u32 s18;
	s20 =	sadd.s32 $0x32, s18  }
0x23: {  	[tilespmem:s3], [sflag:$0x1] =	stream.linear.gather [hbm4b:s19+s3], $0x190, $0x38;
	[tilespmem:$0x1BA30] =	vst v63  }
0x24: {  	p0 =	sne.s32 s18, $0x1838;
	_ =	swait.ge [sflag:s11], $0x190  }
0x25: {  	[sflag:s11] =	ssyncset.done $0x0  }
0x26: {  	[sflag:s11] =	ssyncadd.s32 $0xFFFFFE70  }
0x27: {  	[tilespmem:s14], [sflag:$0x1] =	stream.strided.gather [hbm4b:s16+s12], $0x3200, s13, s12, $0x38;
	[tilespmem:$0x1BA30] =	vst v63  }
0x28: {  	_ =	swait.ge [sflag:s11], $0x3200  }
.Ltmp0:
0x29: {  	[sflag:s11] =	ssyncset.done $0x0;
	(pc) =	sbr.rel @p0 .LBB2_2-.Ltmp0, $4  }
0x2a: {  	[sflag:s11] =	ssyncadd.s32 $0xFFFFCE00  }
0x2b: {  	[spmem:s2] =	stream.indirect.scatter.add.f32 [tilespmem:s14], [sflag:$0x1], $0x20, s3, s14, $0xb8;
	[tilespmem:$0x1BA30] =	vst v63  }
0x2c: {  	_ =	swait.ge [sflag:s11], $0x3200  }
0x2d: {  	s18 =	smov.u32 s20;
	s16 =	sadd.s32 $0x1900, s16;
	[sflag:s11] =	ssyncset.done $0x0  }
0x2e: {  	s17 =	sadd.s32 s17, s9;
	[sflag:s11] =	ssyncadd.s32 $0xFFFFCE00  }
0x2f: {  	[tilespmem:s3], [sflag:$0x1] =	stream.linear.gather [hbm4b:s17+s3], $0x190, $0x38;
	[tilespmem:$0x1BA30] =	vst v63  }
0x30: {  	_ =	swait.ge [sflag:s11], $0x190  }
0x31: {  	[sflag:s11] =	ssyncset.done $0x0  }
0x32: {  	[sflag:s11] =	ssyncadd.s32 $0xFFFFFE70  }
0x33: {  	[tilespmem:s14], [sflag:$0x1] =	stream.strided.gather [hbm4b:s16+s12], $0x3200, s13, s12, $0x38;
	[tilespmem:$0x1BA30] =	vst v63  }
0x34: {  	_ =	swait.ge [sflag:s11], $0x3200  }
0x35: {  	[sflag:s11] =	ssyncset.done $0x0  }
0x36: {  	[sflag:s11] =	ssyncadd.s32 $0xFFFFCE00  }
0x37: {  	[spmem:s2] =	stream.indirect.scatter.add.f32 [tilespmem:s14], [sflag:$0x1], $0x20, s3, s14, $0xb8;
	[tilespmem:$0x1BA30] =	vst v63  }
0x38: {  	_ =	swait.ge [sflag:s11], $0x3200  }
0x39: {  	s15 =	sadd.s32 $0x1, s15;
	[sflag:s11] =	ssyncset.done $0x0  }
0x3a: {  	p0 =	sne.s32 s15, s7;
	[sflag:s11] =	ssyncadd.s32 $0xFFFFCE00  }
.Ltmp1:
0x3b: {  	[bflag:$0x0] =	sbarrier.arrive $0xFFFF;
	(pc) =	sbr.rel @p0 .LBB2_1-.Ltmp1, $4  }
0x3c: {  	[hbm:s6], [sflag:s5] =	dma.local [spmem:s10], $0x30D4  }
0x3d: {  	_ =	swait.ge [sflag:s11], $0x30D4  }
0x3e: {  	[sflag:s11] =	ssyncset.done $0x0  }
0x3f: {  	[sflag:s11] =	ssyncadd.s32 $0xFFFFCF2C  }
0x40: {  	_ =	sfence.sel $0x180000  }
0x41: {  	[bflag:$0x0] =	sbarrier.arrive $0xFFFF  }
0x42: {  	p0 =	sne.s32 s1, $0x0;
	_ =	strace $0x90000053  }
0x43: {  	s0 =	sadd.s32 @!p0 $0x100000, s0;
	[bflag:$0x2] =	sbarrier.arrive $0xFFFF  }
0x44: {  	[sflag:s0] =	ssyncadd.tile.s32 @!p0 $0x1;
	_ =	shalt  }
.Lfunc_end2:
_tile_overlayer_lowered:
.L_overlay_start_2:
0x45: {  	(tag) =	ssettag $0x2  }
0x46: {  	s0 =	rddreg [dreg:$0x0];
	s2 =	stileid.u32  }
0x47: {  	s1 =	rddreg [dreg:$0x1];
	p0 =	sne.s32 s2, $0x0  }
0x48: {  	s3 =	rddreg [dreg:$0x2];
	[bflag:$0x3] =	sbarrier.arrive $0xFFFF;
	s2 =	simm.s32 @!p0 $0x1C01  }
0x49: {  	[timem:s3], [sflag:s2] =	dma.local @!p0 [hbm:s0], s1  }
0x4a: {  	s0 =	simm.s32 @!p0 $0x1  }
0x4b: {  	_ =	swait.ge @!p0 [sflag:s0], s1  }
0x4c: {  	s1 =	ssub.s32 @!p0 $0x0, s1;
	[sflag:s0] =	ssyncset.done @!p0 $0x0  }
0x4d: {  	[sflag:s0] =	ssyncadd.s32 @!p0 s1  }
0x4e: {  	[bflag:$0x3] =	sbarrier.arrive $0xFFFF  }
0x4f: {  	_ =	shalt  }

// kernel: kernel.46.cloned.1.call-start
scs
__scs_entry_jumppad:
0x0: {  	(pc) =	sbr.rel $0x88, $3  }
0x1: {  	(tag) =	ssettag $0x0;
	lr =	simm.s32 $0x1  }
0x2: {  	[smem:$0x3F8F] =	sst lr;
	_ =	strace $0xD0000000  }
0x3: {  	_ = 	snop  }
0x4: {  	_ = 	snop  }
0x5: {  	_ = 	snop  }
0x6: {  	_ = 	snop  }
0x7: {  	_ = 	snop  }
__scs_overlays_trampoline_lowered:
0x8: {  	[smem:$0x3F9E] =	sst s0  }
0x9: {  	[smem:$0x3F9F] =	sst s1  }
0xa: {  	[smem:$0x3FA0] =	sst s2  }
0xb: {  	[smem:$0x3FA1] =	sst s3  }
0xc: {  	[smem:$0x3FA2] =	sst s4  }
0xd: {  	[smem:$0x3FA3] =	sst s5  }
0xe: {  	[smem:$0x3FA4] =	sst s6  }
0xf: {  	[smem:$0x3FA5] =	sst s7  }
0x10: {  	[smem:$0x3FA6] =	sst s8  }
0x11: {  	[smem:$0x3FA7] =	sst s9;
	s0 =	simm.s32 @!p0 $0x0  }
0x12: {  	s1 =	sld [smem:$0x3F8D];
	s0 =	simm.s32 @p0 $0x1  }
0x13: {  	[smem:$0x3FA8] =	sst s0;
	s0 =	simm.s32 @!p1 $0x0  }
0x14: {  	s2 =	sld [smem:$0x3F8C];
	s0 =	simm.s32 @p1 $0x1  }
0x15: {  	[smem:$0x3FA9] =	sst s0;
	s0 =	simm.s32 @!p2 $0x0  }
0x16: {  	s3 =	sld [smem:$0x3FDB];
	s0 =	simm.s32 @p2 $0x1  }
0x17: {  	s4 =	simm.s32 $0x1BF5;
	[smem:$0x3FAB] =	sst s0  }
0x18: {  	s0 =	sld [smem:$0x3F8E];
	_ =	swait.ge [sflag:s4], $0x0  }
0x19: {  	s7 =	sld [smem:$0x3F8F]  }
0x1a: {  	s8 =	sadd.s32 $0xFFFFE003, lr  }
0x1b: {  	s9 =	sadd.s32 $0xFFFFFEF7, lr;
	s5 =	simm.s32 $0xFFFFFFFF;
	p2 =	slt.u32 s8, $0xFFFFF086  }
0x1c: {  	p1 =	slt.u32 s9, $0xF7A;
	s5 =	simm.s32 @!p2 $0x0  }
0x1d: {  	s5 =	simm.s32 @p1 $0x1;
	p0 =	seq.s32 s7, s2  }
0x1e: {  	s7 =	smul.u32 @!p0 $0xF7A, s2;
	p2 =	seq.s32 @!p0 s5, $0x0  }
0x1f: {  	s9 =	smul.u32 $0xF7A, s1;
	s8 =	simm.s32 @!p0 $0x1BF5;
	p2 =	por !p2, p0  }
0x20: {  	[sflag:s8] =	ssyncset.s32 @!p0 $0xFFFFF086;
	s6 =	sadd.s32 @!p0 s3, s7;
	s7 =	simm.s32 @!p0 $0x108  }
0x21: {  	s3 =	sadd.s32 s3, s9;
	s6 =	sadd.s32 @!p0 $0x88, s6;
	s7 =	simm.s32 @p2 $0x1082  }
0x22: {  	[simem:s7], [sflag:s8] =	dma.local @!p0 [hbm:s6], $0xF7A  }
0x23: {  	s9 =	sor.u32 $0xD0000000, s2;
	s6 =	simm.s32 $0x108;
	_ =	swait.ge @!p0 [sflag:s8], $0x0  }
0x24: {  	s3 =	sadd.s32 $0x88, s3;
	s6 =	simm.s32 @!p1 $0x1082;
	[sflag:s4] =	ssyncset.s32 $0xFFFFF086  }
0x25: {  	[simem:s6], [sflag:s4] =	dma.local [hbm:s3], $0xF7A  }
0x26: {  	[smem:$0x3F8F] =	sst s1;
	(tag) =	ssettag s2;
	_ =	strace s9  }
0x27: {  	s1 =	sld [smem:$0x3F9F]  }
0x28: {  	s2 =	sld [smem:$0x3FA0]  }
0x29: {  	s4 =	sld [smem:$0x3FA2]  }
0x2a: {  	p0 =	seq.s32 s5, $0x0;
	s5 =	sld [smem:$0x3FA3]  }
0x2b: {  	s6 =	sld [smem:$0x3FA4]  }
0x2c: {  	s7 =	sld [smem:$0x3FA5]  }
0x2d: {  	s3 =	simm.s32 $0x108;
	s8 =	sld [smem:$0x3FA6]  }
0x2e: {  	s3 =	simm.s32 @!p0 $0x1082;
	s9 =	sld [smem:$0x3FA7]  }
0x2f: {  	lr =	sadd.s32 s0, s3;
	s0 =	sld [smem:$0x3F9E]  }
0x30: {  	s3 =	sld [smem:$0x3FA1]  }
0x31: {  	[smem:$0x3FAA] =	sst s10  }
0x32: {  	s10 =	sld [smem:$0x3FA8];
	_ =	sdelay $0x3  }
0x33: {  	p0 =	seq.s32 s10, $0x1;
	s10 =	sld [smem:$0x3FAA];
	_ =	sdelay $0x3  }
0x34: {  	[smem:$0x3FAA] =	sst s10  }
0x35: {  	s10 =	sld [smem:$0x3FA9];
	_ =	sdelay $0x3  }
0x36: {  	p1 =	seq.s32 s10, $0x1;
	s10 =	sld [smem:$0x3FAA];
	_ =	sdelay $0x3  }
0x37: {  	[smem:$0x3FAA] =	sst s10  }
0x38: {  	s10 =	sld [smem:$0x3FAB]  }
0x39: {  	_ = 	snop;
	(pc) =	sbr.ind lr, $3  }
0x3a: {  	_ = 	snop  }
0x3b: {  	_ = 	snop  }
0x3c: {  	p2 =	seq.s32 s10, $0x1;
	s10 =	sld [smem:$0x3FAA]  }
0x3d: {  	_ =	shalt  }
0x3e: {  	_ =	shalt  }
0x3f: {  	_ =	shalt  }
0x40: {  	_ =	shalt  }
0x41: {  	_ =	shalt  }
0x42: {  	_ =	shalt  }
0x43: {  	_ =	shalt  }
0x44: {  	_ =	shalt  }
0x45: {  	_ =	shalt  }
0x46: {  	_ =	shalt  }
0x47: {  	_ =	shalt  }
0x48: {  	_ =	shalt  }
0x49: {  	_ =	shalt  }
0x4a: {  	_ =	shalt  }
0x4b: {  	_ =	shalt  }
0x4c: {  	_ =	shalt  }
0x4d: {  	_ =	shalt  }
0x4e: {  	_ =	shalt  }
0x4f: {  	_ =	shalt  }
0x50: {  	_ =	shalt  }
0x51: {  	_ =	shalt  }
0x52: {  	_ =	shalt  }
0x53: {  	_ =	shalt  }
0x54: {  	_ =	shalt  }
0x55: {  	_ =	shalt  }
0x56: {  	_ =	shalt  }
0x57: {  	_ =	shalt  }
0x58: {  	_ =	shalt  }
0x59: {  	_ =	shalt  }
0x5a: {  	_ =	shalt  }
0x5b: {  	_ =	shalt  }
0x5c: {  	_ =	shalt  }
0x5d: {  	_ =	shalt  }
0x5e: {  	_ =	shalt  }
0x5f: {  	_ =	shalt  }
0x60: {  	_ =	shalt  }
0x61: {  	_ =	shalt  }
0x62: {  	_ =	shalt  }
0x63: {  	_ =	shalt  }
0x64: {  	_ =	shalt  }
0x65: {  	_ =	shalt  }
0x66: {  	_ =	shalt  }
0x67: {  	_ =	shalt  }
0x68: {  	_ =	shalt  }
0x69: {  	_ =	shalt  }
0x6a: {  	_ =	shalt  }
0x6b: {  	_ =	shalt  }
0x6c: {  	_ =	shalt  }
0x6d: {  	_ =	shalt  }
0x6e: {  	_ =	shalt  }
0x6f: {  	_ =	shalt  }
0x70: {  	_ =	shalt  }
0x71: {  	_ =	shalt  }
0x72: {  	_ =	shalt  }
0x73: {  	_ =	shalt  }
0x74: {  	_ =	shalt  }
0x75: {  	_ =	shalt  }
0x76: {  	_ =	shalt  }
0x77: {  	_ =	shalt  }
0x78: {  	_ =	shalt  }
0x79: {  	_ =	shalt  }
0x7a: {  	_ =	shalt  }
0x7b: {  	_ =	shalt  }
0x7c: {  	_ =	shalt  }
0x7d: {  	_ =	shalt  }
0x7e: {  	_ =	shalt  }
0x7f: {  	_ =	shalt  }
0x80: {  	_ =	shalt  }
0x81: {  	_ =	shalt  }
0x82: {  	_ =	shalt  }
0x83: {  	_ =	shalt  }
0x84: {  	_ =	shalt  }
0x85: {  	_ =	shalt  }
0x86: {  	_ =	shalt  }
0x87: {  	_ =	shalt  }
.Lfunc_end0:
.L_simem_size_0:
called_computation.6_lowered:
.L_overlay_start_0:
0x88: {  	s2 =	sld [smem:$0x3FD9]  }
0x89: {  	s3 =	sld [smem:$0x3FFE];
	_ =	sdelay $0x1  }
0x8a: {  	s1 =	srdreg.scid  }
0x8b: {  	s0 =	sand.u32 $0x1, s1  }
0x8c: {  	s16 =	sshll.u32 s0, $0xA;
	s2 =	sadd.s32 s3, s2  }
0x8d: {  	s2 =	sadd.s32 s2, s16  }
0x8e: {  	[smem:$0x3FB6] =	sst s2  }
0x8f: {  	_ = 	snop  }
0x90: {  	(tm) =	ssettm $0x1  }
0x91: {  	s17 =	sld [smem:$0x3FFB];
	_ =	sdelay $0x3  }
0x92: {  	_ =	strace s17  }
0x93: {  	s2 =	sld [smem:$0x3FFC];
	_ =	sdelay $0x3  }
0x94: {  	_ =	strace s2  }
0x95: {  	s2 =	sld [smem:$0x3FFD];
	_ =	sdelay $0x3  }
0x96: {  	_ =	strace s2  }
0x97: {  	_ =	strace $0x8FFFFFFF  }
0x98: {  	s18 =	sld [smem:$0x3FDB];
	_ =	sdelay $0x1  }
0x99: {  	s19 =	simm.s32 $_scs_section_size  }
0x9a: {  	s4 =	simm.s32 $_size__tile_overlayer_lowered;
	s5 =	simm.s32 $_tile_overlayer_lowered  }
0x9b: {  	s22 =	simm.s32 $0x1BFF;
	s21 =	sshll.u32 s5, $0x1;
	s2 =	sadd.s32 s19, s18  }
0x9c: {  	s6 =	simm.s32 $0x0;
	s20 =	sshll.u32 s4, $0x1;
	s4 =	sadd.s32 s21, s2  }
0x9d: {  	[timem:s6], [sflag:s22] =	dma.local [hbm:s4], s20  }
0x9e: {  	_ =	swait.ge [sflag:s22], s20  }
0x9f: {  	s3 =	ssub.s32 $0x0, s20;
	[sflag:s22] =	ssyncset.done $0x0  }
0xa0: {  	[sflag:s22] =	ssyncadd.s32 s3;
	_ =	sdelay $0x1  }
0xa1: {  	s23 =	simm.s32 $0x1B8B  }
0xa2: {  	_ =	swait.ge [sflag:s23], $0x1  }
0xa3: {  	[sflag:s23] =	ssyncset.done $0x0  }
0xa4: {  	s25 =	simm.s32 $0x1B8E;
	s24 =	sld [smem:$0x3FFE];
	[sflag:s23] =	ssyncadd.s32 $0xFFFFFFFF  }
0xa5: {  	s26 =	simm.s32 $execute0_lowered;
	[smem:$0x3FD2] =	sst s25  }
0xa6: {  	s4 =	sshll.u32 s26, $0x1;
	_ =	strace $0x80000058;
	[dreg:$0x1] =	wrdreg $0xFFFFFFFF  }
0xa7: {  	s28 =	simm.s32 $_size_execute0_lowered;
	s2 =	sadd.s32 s2, s4;
	[dreg:$0x0] =	wrdreg $0x0  }
0xa8: {  	s4 =	sshll.u32 s28, $0x1;
	[dreg:$0x2] =	wrdreg s2  }
0xa9: {  	[dreg:$0x3] =	wrdreg s4  }
0xaa: {  	[dreg:$0x4] =	wrdreg $0xC0  }
0xab: {  	_ =	task [dreg:s6], $0x5FFFF  }
0xac: {  	[dreg:$0x1] =	wrdreg $0xFFFFFFFF  }
0xad: {  	[dreg:$0x0] =	wrdreg $0x60  }
0xae: {  	[dreg:$0x2] =	wrdreg s24  }
0xaf: {  	[dreg:$0x3] =	wrdreg $0x9  }
0xb0: {  	_ =	task.clear_ibuf [dreg:s6], $0x4FFFF;
	_ =	strace $0x90000058  }
0xb1: {  	s29 =	simm.s32 $0x9;
	_ =	strace $0x8000005A  }
0xb2: {  	_ =	swait.ge [sflag:s29], $0x1  }
0xb3: {  	[sflag:s29] =	ssyncadd.s32 $0xFFFFFFFF  }
0xb4: {  	_ =	strace $0x9000005A  }
0xb5: {  	_ =	sfence  }
0xb6: {  	s30 =	sld [smem:$0x0];
	_ =	sdelay $0x2  }
0xb7: {  	s31 =	sshll.u32 s1, $0xD;
	s1 =	sshrl.u32 s1, $0x2  }
0xb8: {  	s3 =	sand.u32 $0x4000, s31;
	s1 =	sadd.s32 s1, s30  }
0xb9: {  	s0 =	sor.u32 s3, s0;
	s1 =	sshll.u32 s1, $0x11  }
0xba: {  	s0 =	sor.u32 s1, s0  }
0xbb: {  	s0 =	sadd.s32 $0x8F2B, s0  }
0xbc: {  	[sflag:s0] =	ssyncadd.remote.s32 $0x1  }
0xbd: {  	_ =	sfence.sel $0xFFFF  }
0xbe: {  	[dreg:$0x0] =	wrdreg $0xFFFFFFFF;
	(pc) =	sbr.abs _section_cstart, $3  }
0xbf: {  	[dreg:$0x1] =	wrdreg $0xFFFFFFFF  }
0xc0: {  	_ =	task.clear_ibuf [dreg:s6], $0x2FFFF;
	_ =	strace $0x9FFFFFFF  }
0xc1: {  	(tm) =	ssettm $0x7FFFFFFF  }
tec
execute0_lowered:
.L_overlay_start_1:
0x0: {  	(tag) =	ssettag $0x1  }
0x1: {  	s4 =	rddreg [dreg:$0x0]  }
0x2: {  	s0 =	rddreg [dreg:$0x1]  }
0x3: {  	s3 =	srdreg.scid;
	s1 =	stileid.u32;
	s2 =	simm.s32 $0x0  }
0x4: {  	s10 =	simm.s32 $0x400;
	s11 =	simm.s32 $0x3E8;
	s12 =	simm.s32 $0x800  }
0x5: {  	s13 =	simm.s32 $0x1;
	s14 =	simm.s32 $0x0;
	s6 =	smul.u32 $0xC350, s1  }
0x6: {  	s5 =	sand.u32 $0x1, s3;
	[smem:$0x7FF] =	sst s2;
	s8 =	smul.u32 $0xC3500, s1  }
0x7: {  	s3 =	sadd.s32 $0x10AC00, s4;
	s7 =	smul.u32 $0x61A8, s5;
	s9 =	ssub.s32 $0x2, s5  }
0x8: {  	_ =	strace $0x80000059;
	s5 =	smul.u32 $0x61A80, s5;
	s30 =	sshrl.u32 s9, $0x1  }
0x9: {  	s29 =	sadd.s32 s8, s4;
	s6 =	sadd.s32 s7, s6;
	s8 =	ssub.s32 s9, s30  }
0xa: {  	s7 =	sadd.s32 s5, s29;
	s9 =	simm.s32 $0x2;
	s6 =	sshrl.u32 s6, $0x3  }
0xb: {  	s5 =	sadd.s32 $0x1CE200, s7;
	s31 =	sadd.s32 s6, s4;
	s4 =	smax.u32 s8, $0x1  }
0xc: {  	s6 =	sadd.s32 $0xE03200, s7;
	s7 =	sadd.s32 $0xF1400, s31;
	s8 =	sadd.s32 $0xD8C00, s31  }
.LBB2_1:
0xd: {  	s15 =	sadd.s32 $0x0, s8  }
0xe: {  	[tilespmem:s2], [sflag:$0x2] =	stream.linear.gather [hbm4b:s15+s2], $0x3E8, $0x38;
	[tilespmem:$0x1FC00] =	vst v63  }
0xf: {  	_ =	swait.ge [sflag:s9], $0x3E8  }
0x10: {  	[sflag:s9] =	ssyncset.done $0x0  }
0x11: {  	s31 =	sadd.s32 $0x0, s7;
	[sflag:s9] =	ssyncadd.s32 $0xFFFFFC18  }
0x12: {  	[tilespmem:s10], [sflag:$0x2] =	stream.linear.gather [hbm4b:s31+s2], $0x3E8, $0x38;
	[tilespmem:$0x1FC00] =	vst v63  }
0x13: {  	_ =	swait.ge [sflag:s9], $0x3E8  }
0x14: {  	[sflag:s9] =	ssyncset.done $0x0  }
0x15: {  	[sflag:s9] =	ssyncadd.s32 $0xFFFFFC18  }
0x16: {  	[tilespmem:s12], [sflag:$0x1] =	stream.indirect.gather [hbm4b:s3+s11], $0x80, s2, s11, $0xb8;
	[tilespmem:$0x1FC00] =	vst v63  }
0x17: {  	_ =	swait.ge [sflag:s13], $0x1F400  }
0x18: {  	[sflag:s13] =	ssyncset.done $0x0  }
0x19: {  	[sflag:s13] =	ssyncadd.s32 $0xFFFE0C00  }
0x1a: {  	[hbm4b:s5+s2] =	stream.linear.scatter [tilespmem:s12], [sflag:$0x2], $0x1F400, $0x38;
	[tilespmem:$0x1FC00] =	vst v63  }
0x1b: {  	_ =	swait.ge [sflag:s9], $0x1F400  }
0x1c: {  	[sflag:s9] =	ssyncset.done $0x0  }
0x1d: {  	[sflag:s9] =	ssyncadd.s32 $0xFFFE0C00  }
0x1e: {  	[tilespmem:s12], [sflag:$0x1] =	stream.indirect.gather [hbm4b:s3+s11], $0x80, s10, s11, $0xb8;
	[tilespmem:$0x1FC00] =	vst v63  }
0x1f: {  	_ =	swait.ge [sflag:s13], $0x1F400  }
0x20: {  	[sflag:s13] =	ssyncset.done $0x0  }
0x21: {  	[sflag:s13] =	ssyncadd.s32 $0xFFFE0C00  }
0x22: {  	[hbm4b:s6+s2] =	stream.linear.scatter [tilespmem:s12], [sflag:$0x2], $0x1F400, $0x38;
	[tilespmem:$0x1FC00] =	vst v63  }
0x23: {  	s17 =	simm.s32 $0x7D;
	s18 =	simm.s32 $0xFA;
	_ =	swait.ge [sflag:s9], $0x1F400  }
0x24: {  	s16 =	sadd.s32 $0x3E80, s5;
	s15 =	sadd.s32 $0x3E80, s6;
	[sflag:s9] =	ssyncset.done $0x0  }
.LBB2_2:
0x25: {  	s19 =	sadd.s32 s17, s8  }
0x26: {  	[sflag:s9] =	ssyncadd.s32 $0xFFFE0C00;
	s20 =	smov.u32 s18;
	s21 =	sadd.s32 $0x7D, s18  }
0x27: {  	[tilespmem:s2], [sflag:$0x2] =	stream.linear.gather [hbm4b:s19+s2], $0x3E8, $0x38;
	[tilespmem:$0x1FC00] =	vst v63  }
0x28: {  	p0 =	sne.s32 s18, $0xBB8;
	_ =	swait.ge [sflag:s9], $0x3E8  }
0x29: {  	[sflag:s9] =	ssyncset.done $0x0  }
0x2a: {  	s18 =	sadd.s32 s17, s7;
	s17 =	smov.u32 s20;
	[sflag:s9] =	ssyncadd.s32 $0xFFFFFC18  }
0x2b: {  	[tilespmem:s10], [sflag:$0x2] =	stream.linear.gather [hbm4b:s18+s2], $0x3E8, $0x38;
	[tilespmem:$0x1FC00] =	vst v63  }
0x2c: {  	_ =	swait.ge [sflag:s9], $0x3E8  }
0x2d: {  	[sflag:s9] =	ssyncset.done $0x0  }
0x2e: {  	[sflag:s9] =	ssyncadd.s32 $0xFFFFFC18  }
0x2f: {  	[tilespmem:s12], [sflag:$0x1] =	stream.indirect.gather [hbm4b:s3+s11], $0x80, s2, s11, $0xb8;
	[tilespmem:$0x1FC00] =	vst v63  }
0x30: {  	_ =	swait.ge [sflag:s13], $0x1F400  }
0x31: {  	[sflag:s13] =	ssyncset.done $0x0  }
0x32: {  	[sflag:s13] =	ssyncadd.s32 $0xFFFE0C00  }
0x33: {  	[hbm4b:s16+s2] =	stream.linear.scatter [tilespmem:s12], [sflag:$0x2], $0x1F400, $0x38;
	[tilespmem:$0x1FC00] =	vst v63  }
0x34: {  	_ =	swait.ge [sflag:s9], $0x1F400  }
0x35: {  	[sflag:s9] =	ssyncset.done $0x0  }
0x36: {  	[sflag:s9] =	ssyncadd.s32 $0xFFFE0C00  }
0x37: {  	[tilespmem:s12], [sflag:$0x1] =	stream.indirect.gather [hbm4b:s3+s11], $0x80, s10, s11, $0xb8;
	[tilespmem:$0x1FC00] =	vst v63  }
0x38: {  	_ =	swait.ge [sflag:s13], $0x1F400  }
.Ltmp0:
0x39: {  	[sflag:s13] =	ssyncset.done $0x0;
	(pc) =	sbr.rel @p0 .LBB2_2-.Ltmp0, $4  }
0x3a: {  	[sflag:s13] =	ssyncadd.s32 $0xFFFE0C00  }
0x3b: {  	[hbm4b:s15+s2] =	stream.linear.scatter [tilespmem:s12], [sflag:$0x2], $0x1F400, $0x38;
	[tilespmem:$0x1FC00] =	vst v63  }
0x3c: {  	s18 =	smov.u32 s21;
	_ =	swait.ge [sflag:s9], $0x1F400  }
0x3d: {  	s16 =	sadd.s32 $0x3E80, s16;
	s15 =	sadd.s32 $0x3E80, s15;
	[sflag:s9] =	ssyncset.done $0x0  }
0x3e: {  	s18 =	sadd.s32 s17, s8;
	[sflag:s9] =	ssyncadd.s32 $0xFFFE0C00  }
0x3f: {  	[tilespmem:s2], [sflag:$0x2] =	stream.linear.gather [hbm4b:s18+s2], $0x3E8, $0x38;
	[tilespmem:$0x1FC00] =	vst v63  }
0x40: {  	_ =	swait.ge [sflag:s9], $0x3E8  }
0x41: {  	[sflag:s9] =	ssyncset.done $0x0  }
0x42: {  	s31 =	sadd.s32 s17, s7;
	[sflag:s9] =	ssyncadd.s32 $0xFFFFFC18  }
0x43: {  	[tilespmem:s10], [sflag:$0x2] =	stream.linear.gather [hbm4b:s31+s2], $0x3E8, $0x38;
	[tilespmem:$0x1FC00] =	vst v63  }
0x44: {  	_ =	swait.ge [sflag:s9], $0x3E8  }
0x45: {  	[sflag:s9] =	ssyncset.done $0x0  }
0x46: {  	[sflag:s9] =	ssyncadd.s32 $0xFFFFFC18  }
0x47: {  	[tilespmem:s12], [sflag:$0x1] =	stream.indirect.gather [hbm4b:s3+s11], $0x80, s2, s11, $0xb8;
	[tilespmem:$0x1FC00] =	vst v63  }
0x48: {  	_ =	swait.ge [sflag:s13], $0x1F400  }
0x49: {  	[sflag:s13] =	ssyncset.done $0x0  }
0x4a: {  	[sflag:s13] =	ssyncadd.s32 $0xFFFE0C00  }
0x4b: {  	[hbm4b:s16+s2] =	stream.linear.scatter [tilespmem:s12], [sflag:$0x2], $0x1F400, $0x38;
	[tilespmem:$0x1FC00] =	vst v63  }
0x4c: {  	_ =	swait.ge [sflag:s9], $0x1F400  }
0x4d: {  	[sflag:s9] =	ssyncset.done $0x0  }
0x4e: {  	[sflag:s9] =	ssyncadd.s32 $0xFFFE0C00  }
0x4f: {  	[tilespmem:s12], [sflag:$0x1] =	stream.indirect.gather [hbm4b:s3+s11], $0x80, s10, s11, $0xb8;
	[tilespmem:$0x1FC00] =	vst v63  }
0x50: {  	s14 =	sadd.s32 $0x1, s14;
	_ =	swait.ge [sflag:s13], $0x1F400  }
0x51: {  	p0 =	sne.s32 s14, s4;
	[sflag:s13] =	ssyncset.done $0x0  }
.Ltmp1:
0x52: {  	[sflag:s13] =	ssyncadd.s32 $0xFFFE0C00;
	(pc) =	sbr.rel @p0 .LBB2_1-.Ltmp1, $4  }
0x53: {  	[hbm4b:s15+s2] =	stream.linear.scatter [tilespmem:s12], [sflag:$0x2], $0x1F400, $0x38;
	[tilespmem:$0x1FC00] =	vst v63  }
0x54: {  	_ =	swait.ge [sflag:s9], $0x1F400  }
0x55: {  	[sflag:s9] =	ssyncset.done $0x0  }
0x56: {  	[sflag:s9] =	ssyncadd.s32 $0xFFFE0C00  }
0x57: {  	_ =	sfence.sel $0x180000  }
0x58: {  	[bflag:$0x0] =	sbarrier.arrive $0xFFFF  }
0x59: {  	p0 =	sne.s32 s1, $0x0;
	_ =	strace $0x90000059  }
0x5a: {  	s0 =	sadd.s32 @!p0 $0x100000, s0;
	[bflag:$0x2] =	sbarrier.arrive $0xFFFF  }
0x5b: {  	[sflag:s0] =	ssyncadd.tile.s32 @!p0 $0x1;
	_ =	shalt  }
.Lfunc_end2:
_tile_overlayer_lowered:
.L_overlay_start_2:
0x5c: {  	(tag) =	ssettag $0x2  }
0x5d: {  	s0 =	rddreg [dreg:$0x0];
	s2 =	stileid.u32  }
0x5e: {  	s1 =	rddreg [dreg:$0x1];
	p0 =	sne.s32 s2, $0x0  }
0x5f: {  	s3 =	rddreg [dreg:$0x2];
	[bflag:$0x3] =	sbarrier.arrive $0xFFFF;
	s2 =	simm.s32 @!p0 $0x1C02  }
0x60: {  	[timem:s3], [sflag:s2] =	dma.local @!p0 [hbm:s0], s1  }
0x61: {  	s0 =	simm.s32 @!p0 $0x2  }
0x62: {  	_ =	swait.ge @!p0 [sflag:s0], s1  }
0x63: {  	s1 =	ssub.s32 @!p0 $0x0, s1;
	[sflag:s0] =	ssyncset.done @!p0 $0x0  }
0x64: {  	[sflag:s0] =	ssyncadd.s32 @!p0 s1  }
0x65: {  	[bflag:$0x3] =	sbarrier.arrive $0xFFFF  }
0x66: {  	_ =	shalt  }

// kernel: kernel.49.cloned.1.call-start
scs
__scs_entry_jumppad:
0x0: {  	(pc) =	sbr.rel $0x88, $3  }
0x1: {  	(tag) =	ssettag $0x0;
	lr =	simm.s32 $0x1  }
0x2: {  	[smem:$0x3F8F] =	sst lr;
	_ =	strace $0xD0000000  }
0x3: {  	_ = 	snop  }
0x4: {  	_ = 	snop  }
0x5: {  	_ = 	snop  }
0x6: {  	_ = 	snop  }
0x7: {  	_ = 	snop  }
__scs_overlays_trampoline_lowered:
0x8: {  	[smem:$0x3F9E] =	sst s0  }
0x9: {  	[smem:$0x3F9F] =	sst s1  }
0xa: {  	[smem:$0x3FA0] =	sst s2  }
0xb: {  	[smem:$0x3FA1] =	sst s3  }
0xc: {  	[smem:$0x3FA2] =	sst s4  }
0xd: {  	[smem:$0x3FA3] =	sst s5  }
0xe: {  	[smem:$0x3FA4] =	sst s6  }
0xf: {  	[smem:$0x3FA5] =	sst s7  }
0x10: {  	[smem:$0x3FA6] =	sst s8  }
0x11: {  	[smem:$0x3FA7] =	sst s9;
	s0 =	simm.s32 @!p0 $0x0  }
0x12: {  	s1 =	sld [smem:$0x3F8D];
	s0 =	simm.s32 @p0 $0x1  }
0x13: {  	[smem:$0x3FA8] =	sst s0;
	s0 =	simm.s32 @!p1 $0x0  }
0x14: {  	s2 =	sld [smem:$0x3F8C];
	s0 =	simm.s32 @p1 $0x1  }
0x15: {  	[smem:$0x3FA9] =	sst s0;
	s0 =	simm.s32 @!p2 $0x0  }
0x16: {  	s3 =	sld [smem:$0x3FDB];
	s0 =	simm.s32 @p2 $0x1  }
0x17: {  	s4 =	simm.s32 $0x1BF5;
	[smem:$0x3FAB] =	sst s0  }
0x18: {  	s0 =	sld [smem:$0x3F8E];
	_ =	swait.ge [sflag:s4], $0x0  }
0x19: {  	s7 =	sld [smem:$0x3F8F]  }
0x1a: {  	s8 =	sadd.s32 $0xFFFFE003, lr  }
0x1b: {  	s9 =	sadd.s32 $0xFFFFFEF7, lr;
	s5 =	simm.s32 $0xFFFFFFFF;
	p2 =	slt.u32 s8, $0xFFFFF086  }
0x1c: {  	p1 =	slt.u32 s9, $0xF7A;
	s5 =	simm.s32 @!p2 $0x0  }
0x1d: {  	s5 =	simm.s32 @p1 $0x1;
	p0 =	seq.s32 s7, s2  }
0x1e: {  	s7 =	smul.u32 @!p0 $0xF7A, s2;
	p2 =	seq.s32 @!p0 s5, $0x0  }
0x1f: {  	s9 =	smul.u32 $0xF7A, s1;
	s8 =	simm.s32 @!p0 $0x1BF5;
	p2 =	por !p2, p0  }
0x20: {  	[sflag:s8] =	ssyncset.s32 @!p0 $0xFFFFF086;
	s6 =	sadd.s32 @!p0 s3, s7;
	s7 =	simm.s32 @!p0 $0x108  }
0x21: {  	s3 =	sadd.s32 s3, s9;
	s6 =	sadd.s32 @!p0 $0x88, s6;
	s7 =	simm.s32 @p2 $0x1082  }
0x22: {  	[simem:s7], [sflag:s8] =	dma.local @!p0 [hbm:s6], $0xF7A  }
0x23: {  	s9 =	sor.u32 $0xD0000000, s2;
	s6 =	simm.s32 $0x108;
	_ =	swait.ge @!p0 [sflag:s8], $0x0  }
0x24: {  	s3 =	sadd.s32 $0x88, s3;
	s6 =	simm.s32 @!p1 $0x1082;
	[sflag:s4] =	ssyncset.s32 $0xFFFFF086  }
0x25: {  	[simem:s6], [sflag:s4] =	dma.local [hbm:s3], $0xF7A  }
0x26: {  	[smem:$0x3F8F] =	sst s1;
	(tag) =	ssettag s2;
	_ =	strace s9  }
0x27: {  	s1 =	sld [smem:$0x3F9F]  }
0x28: {  	s2 =	sld [smem:$0x3FA0]  }
0x29: {  	s4 =	sld [smem:$0x3FA2]  }
0x2a: {  	p0 =	seq.s32 s5, $0x0;
	s5 =	sld [smem:$0x3FA3]  }
0x2b: {  	s6 =	sld [smem:$0x3FA4]  }
0x2c: {  	s7 =	sld [smem:$0x3FA5]  }
0x2d: {  	s3 =	simm.s32 $0x108;
	s8 =	sld [smem:$0x3FA6]  }
0x2e: {  	s3 =	simm.s32 @!p0 $0x1082;
	s9 =	sld [smem:$0x3FA7]  }
0x2f: {  	lr =	sadd.s32 s0, s3;
	s0 =	sld [smem:$0x3F9E]  }
0x30: {  	s3 =	sld [smem:$0x3FA1]  }
0x31: {  	[smem:$0x3FAA] =	sst s10  }
0x32: {  	s10 =	sld [smem:$0x3FA8];
	_ =	sdelay $0x3  }
0x33: {  	p0 =	seq.s32 s10, $0x1;
	s10 =	sld [smem:$0x3FAA];
	_ =	sdelay $0x3  }
0x34: {  	[smem:$0x3FAA] =	sst s10  }
0x35: {  	s10 =	sld [smem:$0x3FA9];
	_ =	sdelay $0x3  }
0x36: {  	p1 =	seq.s32 s10, $0x1;
	s10 =	sld [smem:$0x3FAA];
	_ =	sdelay $0x3  }
0x37: {  	[smem:$0x3FAA] =	sst s10  }
0x38: {  	s10 =	sld [smem:$0x3FAB]  }
0x39: {  	_ = 	snop;
	(pc) =	sbr.ind lr, $3  }
0x3a: {  	_ = 	snop  }
0x3b: {  	_ = 	snop  }
0x3c: {  	p2 =	seq.s32 s10, $0x1;
	s10 =	sld [smem:$0x3FAA]  }
0x3d: {  	_ =	shalt  }
0x3e: {  	_ =	shalt  }
0x3f: {  	_ =	shalt  }
0x40: {  	_ =	shalt  }
0x41: {  	_ =	shalt  }
0x42: {  	_ =	shalt  }
0x43: {  	_ =	shalt  }
0x44: {  	_ =	shalt  }
0x45: {  	_ =	shalt  }
0x46: {  	_ =	shalt  }
0x47: {  	_ =	shalt  }
0x48: {  	_ =	shalt  }
0x49: {  	_ =	shalt  }
0x4a: {  	_ =	shalt  }
0x4b: {  	_ =	shalt  }
0x4c: {  	_ =	shalt  }
0x4d: {  	_ =	shalt  }
0x4e: {  	_ =	shalt  }
0x4f: {  	_ =	shalt  }
0x50: {  	_ =	shalt  }
0x51: {  	_ =	shalt  }
0x52: {  	_ =	shalt  }
0x53: {  	_ =	shalt  }
0x54: {  	_ =	shalt  }
0x55: {  	_ =	shalt  }
0x56: {  	_ =	shalt  }
0x57: {  	_ =	shalt  }
0x58: {  	_ =	shalt  }
0x59: {  	_ =	shalt  }
0x5a: {  	_ =	shalt  }
0x5b: {  	_ =	shalt  }
0x5c: {  	_ =	shalt  }
0x5d: {  	_ =	shalt  }
0x5e: {  	_ =	shalt  }
0x5f: {  	_ =	shalt  }
0x60: {  	_ =	shalt  }
0x61: {  	_ =	shalt  }
0x62: {  	_ =	shalt  }
0x63: {  	_ =	shalt  }
0x64: {  	_ =	shalt  }
0x65: {  	_ =	shalt  }
0x66: {  	_ =	shalt  }
0x67: {  	_ =	shalt  }
0x68: {  	_ =	shalt  }
0x69: {  	_ =	shalt  }
0x6a: {  	_ =	shalt  }
0x6b: {  	_ =	shalt  }
0x6c: {  	_ =	shalt  }
0x6d: {  	_ =	shalt  }
0x6e: {  	_ =	shalt  }
0x6f: {  	_ =	shalt  }
0x70: {  	_ =	shalt  }
0x71: {  	_ =	shalt  }
0x72: {  	_ =	shalt  }
0x73: {  	_ =	shalt  }
0x74: {  	_ =	shalt  }
0x75: {  	_ =	shalt  }
0x76: {  	_ =	shalt  }
0x77: {  	_ =	shalt  }
0x78: {  	_ =	shalt  }
0x79: {  	_ =	shalt  }
0x7a: {  	_ =	shalt  }
0x7b: {  	_ =	shalt  }
0x7c: {  	_ =	shalt  }
0x7d: {  	_ =	shalt  }
0x7e: {  	_ =	shalt  }
0x7f: {  	_ =	shalt  }
0x80: {  	_ =	shalt  }
0x81: {  	_ =	shalt  }
0x82: {  	_ =	shalt  }
0x83: {  	_ =	shalt  }
0x84: {  	_ =	shalt  }
0x85: {  	_ =	shalt  }
0x86: {  	_ =	shalt  }
0x87: {  	_ =	shalt  }
.Lfunc_end0:
.L_simem_size_0:
called_computation.7_lowered:
.L_overlay_start_0:
0x88: {  	s2 =	sld [smem:$0x3FD9]  }
0x89: {  	s3 =	sld [smem:$0x3FFE];
	_ =	sdelay $0x1  }
0x8a: {  	s1 =	srdreg.scid  }
0x8b: {  	s0 =	sand.u32 $0x1, s1  }
0x8c: {  	s15 =	sshll.u32 s0, $0xA;
	s2 =	sadd.s32 s3, s2  }
0x8d: {  	s2 =	sadd.s32 s2, s15  }
0x8e: {  	[smem:$0x3FB6] =	sst s2  }
0x8f: {  	_ = 	snop  }
0x90: {  	s2 =	sld [smem:$0x3FD0];
	_ =	sdelay $0x2  }
0x91: {  	s4 =	simm.s32 $0xB;
	s16 =	simm.s32 $0x10  }
0x92: {  	[smem:s16], [sflag:s4] =	dma.local [hbm:s2], $0x1  }
0x93: {  	_ =	swait.eq [sflag:s4], $0x1  }
0x94: {  	[sflag:s4] =	ssyncset.done $0x0  }
0x95: {  	s17 =	sld [smem:$0x10];
	[sflag:s4] =	ssyncadd.s32 $0xFFFFFFFF  }
0x96: {  	s18 =	sld [smem:$0x11];
	(tm) =	ssettm $0x1  }
0x97: {  	s19 =	sld [smem:$0x3FFB];
	_ =	sdelay $0x3  }
0x98: {  	_ =	strace s19  }
0x99: {  	s2 =	sld [smem:$0x3FFC];
	_ =	sdelay $0x3  }
0x9a: {  	_ =	strace s2  }
0x9b: {  	s2 =	sld [smem:$0x3FFD];
	_ =	sdelay $0x3  }
0x9c: {  	_ =	strace s2  }
0x9d: {  	_ =	strace $0x8FFFFFFF  }
0x9e: {  	s20 =	sld [smem:$0x3FDB];
	_ =	sdelay $0x1  }
0x9f: {  	s5 =	simm.s32 $_scs_section_size  }
0xa0: {  	s6 =	simm.s32 $_size__tile_overlayer_lowered;
	s7 =	simm.s32 $_tile_overlayer_lowered  }
0xa1: {  	s8 =	simm.s32 $0x1BFF;
	s21 =	sshll.u32 s7, $0x1;
	s5 =	sadd.s32 s5, s20  }
0xa2: {  	s22 =	simm.s32 $0x0;
	s6 =	sshll.u32 s6, $0x1;
	s7 =	sadd.s32 s21, s5  }
0xa3: {  	[timem:s22], [sflag:s8] =	dma.local [hbm:s7], s6  }
0xa4: {  	_ =	swait.ge [sflag:s8], s6  }
0xa5: {  	s6 =	ssub.s32 $0x0, s6;
	[sflag:s8] =	ssyncset.done $0x0  }
0xa6: {  	[sflag:s8] =	ssyncadd.s32 s6;
	_ =	sdelay $0x1  }
0xa7: {  	s23 =	simm.s32 $0x1B8B  }
0xa8: {  	_ =	swait.ge [sflag:s23], $0x1  }
0xa9: {  	[sflag:s23] =	ssyncset.done $0x0  }
0xaa: {  	[sflag:s23] =	ssyncadd.s32 $0xFFFFFFFF  }
0xab: {  	s6 =	sld [smem:$0x0]  }
0xac: {  	s7 =	sand.u32 $0xFFFFFFFE, s1  }
0xad: {  	p0 =	sne.s32 s1, s7  }
0xae: {  	s7 =	sshll.u32 @p0 s7, $0xE  }
0xaf: {  	s7 =	sadd.s32 @p0 $0x11B8D, s7;
	s8 =	sshll.u32 @p0 s6, $0x11  }
0xb0: {  	s7 =	sor.u32 @p0 s8, s7  }
0xb1: {  	[sflag:s7] =	ssyncadd.remote.s32 @p0 $0x1;
	_ =	sdelay $0x1  }
0xb2: {  	s7 =	simm.s32 @p0 $0x1B8D  }
0xb3: {  	_ =	swait.eq @p0 [sflag:s7], $0x1  }
0xb4: {  	[sflag:s7] =	ssyncadd.s32 @p0 $0xFFFFFFFF  }
0xb5: {  	s8 =	sshll.u32 @!p0 s1, $0xE  }
0xb6: {  	s8 =	sor.u32 @!p0 $0x4000, s8;
	s7 =	simm.s32 @!p0 $0x1B8D  }
0xb7: {  	s6 =	sshll.u32 @!p0 s6, $0x11;
	s8 =	sadd.s32 @!p0 $0x11B8D, s8;
	_ =	swait.eq @!p0 [sflag:s7], $0x1  }
0xb8: {  	s6 =	sor.u32 @!p0 s6, s8;
	[sflag:s7] =	ssyncadd.s32 @!p0 $0xFFFFFFFF  }
0xb9: {  	s25 =	simm.s32 $0x1B8E;
	s24 =	sld [smem:$0x3FFE];
	[sflag:s6] =	ssyncadd.remote.s32 @!p0 $0x1  }
0xba: {  	s26 =	simm.s32 $execute0_lowered;
	[smem:$0x3FD2] =	sst s25  }
0xbb: {  	s7 =	sshll.u32 s26, $0x1;
	_ =	strace $0x8000005E;
	[dreg:$0x1] =	wrdreg $0xFFFFFFFF  }
0xbc: {  	s28 =	simm.s32 $_size_execute0_lowered;
	s5 =	sadd.s32 s5, s7;
	[dreg:$0x0] =	wrdreg $0x0  }
0xbd: {  	s7 =	sshll.u32 s28, $0x1;
	[dreg:$0x2] =	wrdreg s5  }
0xbe: {  	[dreg:$0x3] =	wrdreg s7  }
0xbf: {  	[dreg:$0x4] =	wrdreg $0xC0  }
0xc0: {  	_ =	task [dreg:s22], $0x5FFFF  }
0xc1: {  	[dreg:$0x1] =	wrdreg $0xFFFFFFFF  }
0xc2: {  	[dreg:$0x0] =	wrdreg $0x60  }
0xc3: {  	[dreg:$0x2] =	wrdreg s24  }
0xc4: {  	[dreg:$0x3] =	wrdreg s18  }
0xc5: {  	[dreg:$0x4] =	wrdreg s17  }
0xc6: {  	[dreg:$0x5] =	wrdreg $0x33900  }
0xc7: {  	[dreg:$0x6] =	wrdreg $0x9  }
0xc8: {  	_ =	task.clear_ibuf [dreg:s22], $0x7FFFF;
	_ =	strace $0x9000005E  }
0xc9: {  	s29 =	simm.s32 $0x9;
	_ =	strace $0x80000060  }
0xca: {  	_ =	swait.ge [sflag:s29], $0x1  }
0xcb: {  	[sflag:s29] =	ssyncadd.s32 $0xFFFFFFFF  }
0xcc: {  	_ =	strace $0x90000060  }
0xcd: {  	_ =	sfence  }
0xce: {  	s30 =	sld [smem:$0x0];
	_ =	sdelay $0x2  }
0xcf: {  	s31 =	sshll.u32 s1, $0xD;
	s1 =	sshrl.u32 s1, $0x2  }
0xd0: {  	s4 =	sand.u32 $0x4000, s31;
	s1 =	sadd.s32 s1, s30  }
0xd1: {  	s0 =	sor.u32 s4, s0;
	s1 =	sshll.u32 s1, $0x11  }
0xd2: {  	s0 =	sor.u32 s1, s0  }
0xd3: {  	s0 =	sadd.s32 $0x8F2B, s0  }
0xd4: {  	[sflag:s0] =	ssyncadd.remote.s32 $0x1  }
0xd5: {  	_ =	sfence.sel $0xFFFF  }
0xd6: {  	[dreg:$0x0] =	wrdreg $0xFFFFFFFF;
	(pc) =	sbr.abs _section_cstart, $3  }
0xd7: {  	[dreg:$0x1] =	wrdreg $0xFFFFFFFF  }
0xd8: {  	_ =	task.clear_ibuf [dreg:s22], $0x2FFFF;
	_ =	strace $0x9FFFFFFF  }
0xd9: {  	(tm) =	ssettm $0x7FFFFFFF  }
tec
execute0_lowered:
.L_overlay_start_1:
0x0: {  	(tag) =	ssettag $0x1  }
0x1: {  	s4 =	rddreg [dreg:$0x0]  }
0x2: {  	s5 =	rddreg [dreg:$0x1]  }
0x3: {  	s6 =	rddreg [dreg:$0x2]  }
0x4: {  	s2 =	rddreg [dreg:$0x3]  }
0x5: {  	s0 =	rddreg [dreg:$0x4];
	s1 =	stileid.u32  }
0x6: {  	s3 =	simm.s32 $0x0;
	s8 =	srdreg.scid;
	s7 =	smul.u32 $0xC3500, s1  }
0x7: {  	s14 =	simm.s32 $0x190;
	s15 =	simm.s32 $0x0;
	s9 =	smul.u32 $0x186A, s1  }
0x8: {  	[smem:$0x7FF] =	sst s3;
	s8 =	sand.u32 $0x1, s8;
	s11 =	smul.u32 $0x186A0, s1  }
0x9: {  	s31 =	sshll.u32 s1, $0x6;
	_ =	strace $0x8000005F;
	s10 =	ssub.s32 $0x2, s8  }
0xa: {  	s13 =	smul.u32 $0x186A00, s8;
	s8 =	sshll.u32 s8, $0x2;
	s7 =	sadd.s32 s7, s4  }
0xb: {  	s12 =	sshrl.u32 s10, $0x1;
	s9 =	sadd.s32 s9, s4;
	s28 =	sshrl.u32 s11, $0x3  }
0xc: {  	s29 =	sadd.s32 s11, s2;
	s10 =	ssub.s32 s10, s12;
	s4 =	sadd.s32 s5, s28  }
0xd: {  	s30 =	sadd.s32 s11, s13;
	s5 =	sor.u32 $0x1C01, s31;
	s8 =	sadd.s32 s8, s7  }
0xe: {  	s9 =	sadd.s32 $0xF1400, s9;
	s11 =	simm.s32 $0x1;
	s12 =	simm.s32 $0x20  }
0xf: {  	s13 =	sshrl.u32 s30, $0x3;
	s7 =	smax.u32 s10, $0x1;
	s8 =	sadd.s32 $0x2730800, s8  }
0x10: {  	s10 =	sshrl.u32 s29, $0x3;
	s6 =	sadd.s32 s6, s13;
	s13 =	simm.s32 $0x80  }
.LBB2_1:
0x11: {  	[spmem:s10], [sflag:s5] =	dma.local [hbm:s4], $0x30D4  }
0x12: {  	_ =	swait.ge [sflag:s11], $0x30D4  }
0x13: {  	[sflag:s11] =	ssyncset.done $0x0  }
0x14: {  	[sflag:s11] =	ssyncadd.s32 $0xFFFFCF2C  }
0x15: {  	s16 =	sadd.s32 $0x0, s9;
	[bflag:$0x0] =	sbarrier.arrive $0xFFFF  }
0x16: {  	[tilespmem:s3], [sflag:$0x1] =	stream.linear.gather [hbm4b:s16+s3], $0x190, $0x38;
	[tilespmem:$0x1BA30] =	vst v63  }
0x17: {  	_ =	swait.ge [sflag:s11], $0x190  }
0x18: {  	[sflag:s11] =	ssyncset.done $0x0  }
0x19: {  	[sflag:s11] =	ssyncadd.s32 $0xFFFFFE70  }
0x1a: {  	[tilespmem:s14], [sflag:$0x1] =	stream.strided.gather [hbm4b:s8+s12], $0x3200, s13, s12, $0x38;
	[tilespmem:$0x1BA30] =	vst v63  }
0x1b: {  	_ =	swait.ge [sflag:s11], $0x3200  }
0x1c: {  	[sflag:s11] =	ssyncset.done $0x0  }
0x1d: {  	[sflag:s11] =	ssyncadd.s32 $0xFFFFCE00  }
0x1e: {  	[spmem:s2] =	stream.indirect.scatter.add.f32 [tilespmem:s14], [sflag:$0x1], $0x20, s3, s14, $0xb8;
	[tilespmem:$0x1BA30] =	vst v63  }
0x1f: {  	s17 =	simm.s32 $0x32;
	_ =	swait.ge [sflag:s11], $0x3200  }
0x20: {  	s18 =	simm.s32 $0x64;
	s16 =	sadd.s32 $0x1900, s8;
	[sflag:s11] =	ssyncset.done $0x0  }
.LBB2_2:
0x21: {  	s19 =	sadd.s32 s17, s9  }
0x22: {  	[sflag:s11] =	ssyncadd.s32 $0xFFFFCE00;
	s17 =	smov.u32 s18;
	s20 =	sadd.s32 $0x32, s18  }
0x23: {  	[tilespmem:s3], [sflag:$0x1] =	stream.linear.gather [hbm4b:s19+s3], $0x190, $0x38;
	[tilespmem:$0x1BA30] =	vst v63  }
0x24: {  	p0 =	sne.s32 s18, $0x1838;
	_ =	swait.ge [sflag:s11], $0x190  }
0x25: {  	[sflag:s11] =	ssyncset.done $0x0  }
0x26: {  	[sflag:s11] =	ssyncadd.s32 $0xFFFFFE70  }
0x27: {  	[tilespmem:s14], [sflag:$0x1] =	stream.strided.gather [hbm4b:s16+s12], $0x3200, s13, s12, $0x38;
	[tilespmem:$0x1BA30] =	vst v63  }
0x28: {  	_ =	swait.ge [sflag:s11], $0x3200  }
.Ltmp0:
0x29: {  	[sflag:s11] =	ssyncset.done $0x0;
	(pc) =	sbr.rel @p0 .LBB2_2-.Ltmp0, $4  }
0x2a: {  	[sflag:s11] =	ssyncadd.s32 $0xFFFFCE00  }
0x2b: {  	[spmem:s2] =	stream.indirect.scatter.add.f32 [tilespmem:s14], [sflag:$0x1], $0x20, s3, s14, $0xb8;
	[tilespmem:$0x1BA30] =	vst v63  }
0x2c: {  	_ =	swait.ge [sflag:s11], $0x3200  }
0x2d: {  	s18 =	smov.u32 s20;
	s16 =	sadd.s32 $0x1900, s16;
	[sflag:s11] =	ssyncset.done $0x0  }
0x2e: {  	s17 =	sadd.s32 s17, s9;
	[sflag:s11] =	ssyncadd.s32 $0xFFFFCE00  }
0x2f: {  	[tilespmem:s3], [sflag:$0x1] =	stream.linear.gather [hbm4b:s17+s3], $0x190, $0x38;
	[tilespmem:$0x1BA30] =	vst v63  }
0x30: {  	_ =	swait.ge [sflag:s11], $0x190  }
0x31: {  	[sflag:s11] =	ssyncset.done $0x0  }
0x32: {  	[sflag:s11] =	ssyncadd.s32 $0xFFFFFE70  }
0x33: {  	[tilespmem:s14], [sflag:$0x1] =	stream.strided.gather [hbm4b:s16+s12], $0x3200, s13, s12, $0x38;
	[tilespmem:$0x1BA30] =	vst v63  }
0x34: {  	_ =	swait.ge [sflag:s11], $0x3200  }
0x35: {  	[sflag:s11] =	ssyncset.done $0x0  }
0x36: {  	[sflag:s11] =	ssyncadd.s32 $0xFFFFCE00  }
0x37: {  	[spmem:s2] =	stream.indirect.scatter.add.f32 [tilespmem:s14], [sflag:$0x1], $0x20, s3, s14, $0xb8;
	[tilespmem:$0x1BA30] =	vst v63  }
0x38: {  	_ =	swait.ge [sflag:s11], $0x3200  }
0x39: {  	s15 =	sadd.s32 $0x1, s15;
	[sflag:s11] =	ssyncset.done $0x0  }
0x3a: {  	p0 =	sne.s32 s15, s7;
	[sflag:s11] =	ssyncadd.s32 $0xFFFFCE00  }
.Ltmp1:
0x3b: {  	[bflag:$0x0] =	sbarrier.arrive $0xFFFF;
	(pc) =	sbr.rel @p0 .LBB2_1-.Ltmp1, $4  }
0x3c: {  	[hbm:s6], [sflag:s5] =	dma.local [spmem:s10], $0x30D4  }
0x3d: {  	_ =	swait.ge [sflag:s11], $0x30D4  }
0x3e: {  	[sflag:s11] =	ssyncset.done $0x0  }
0x3f: {  	[sflag:s11] =	ssyncadd.s32 $0xFFFFCF2C  }
0x40: {  	_ =	sfence.sel $0x180000  }
0x41: {  	[bflag:$0x0] =	sbarrier.arrive $0xFFFF  }
0x42: {  	p0 =	sne.s32 s1, $0x0;
	_ =	strace $0x9000005F  }
0x43: {  	s0 =	sadd.s32 @!p0 $0x100000, s0;
	[bflag:$0x2] =	sbarrier.arrive $0xFFFF  }
0x44: {  	[sflag:s0] =	ssyncadd.tile.s32 @!p0 $0x1;
	_ =	shalt  }
.Lfunc_end2:
_tile_overlayer_lowered:
.L_overlay_start_2:
0x45: {  	(tag) =	ssettag $0x2  }
0x46: {  	s0 =	rddreg [dreg:$0x0];
	s2 =	stileid.u32  }
0x47: {  	s1 =	rddreg [dreg:$0x1];
	p0 =	sne.s32 s2, $0x0  }
0x48: {  	s3 =	rddreg [dreg:$0x2];
	[bflag:$0x3] =	sbarrier.arrive $0xFFFF;
	s2 =	simm.s32 @!p0 $0x1C01  }
0x49: {  	[timem:s3], [sflag:s2] =	dma.local @!p0 [hbm:s0], s1  }
0x4a: {  	s0 =	simm.s32 @!p0 $0x1  }
0x4b: {  	_ =	swait.ge @!p0 [sflag:s0], s1  }
0x4c: {  	s1 =	ssub.s32 @!p0 $0x0, s1;
	[sflag:s0] =	ssyncset.done @!p0 $0x0  }
0x4d: {  	[sflag:s0] =	ssyncadd.s32 @!p0 s1  }
0x4e: {  	[bflag:$0x3] =	sbarrier.arrive $0xFFFF  }
0x4f: {  	_ =	shalt  }

// kernel: kernel.52.cloned.1.call-start
scs
__scs_entry_jumppad:
0x0: {  	(pc) =	sbr.rel $0x88, $3  }
0x1: {  	(tag) =	ssettag $0x0;
	lr =	simm.s32 $0x1  }
0x2: {  	[smem:$0x3F8F] =	sst lr;
	_ =	strace $0xD0000000  }
0x3: {  	_ = 	snop  }
0x4: {  	_ = 	snop  }
0x5: {  	_ = 	snop  }
0x6: {  	_ = 	snop  }
0x7: {  	_ = 	snop  }
__scs_overlays_trampoline_lowered:
0x8: {  	[smem:$0x3F9E] =	sst s0  }
0x9: {  	[smem:$0x3F9F] =	sst s1  }
0xa: {  	[smem:$0x3FA0] =	sst s2  }
0xb: {  	[smem:$0x3FA1] =	sst s3  }
0xc: {  	[smem:$0x3FA2] =	sst s4  }
0xd: {  	[smem:$0x3FA3] =	sst s5  }
0xe: {  	[smem:$0x3FA4] =	sst s6  }
0xf: {  	[smem:$0x3FA5] =	sst s7  }
0x10: {  	[smem:$0x3FA6] =	sst s8  }
0x11: {  	[smem:$0x3FA7] =	sst s9;
	s0 =	simm.s32 @!p0 $0x0  }
0x12: {  	s1 =	sld [smem:$0x3F8D];
	s0 =	simm.s32 @p0 $0x1  }
0x13: {  	[smem:$0x3FA8] =	sst s0;
	s0 =	simm.s32 @!p1 $0x0  }
0x14: {  	s2 =	sld [smem:$0x3F8C];
	s0 =	simm.s32 @p1 $0x1  }
0x15: {  	[smem:$0x3FA9] =	sst s0;
	s0 =	simm.s32 @!p2 $0x0  }
0x16: {  	s3 =	sld [smem:$0x3FDB];
	s0 =	simm.s32 @p2 $0x1  }
0x17: {  	s4 =	simm.s32 $0x1BF5;
	[smem:$0x3FAB] =	sst s0  }
0x18: {  	s0 =	sld [smem:$0x3F8E];
	_ =	swait.ge [sflag:s4], $0x0  }
0x19: {  	s7 =	sld [smem:$0x3F8F]  }
0x1a: {  	s8 =	sadd.s32 $0xFFFFE003, lr  }
0x1b: {  	s9 =	sadd.s32 $0xFFFFFEF7, lr;
	s5 =	simm.s32 $0xFFFFFFFF;
	p2 =	slt.u32 s8, $0xFFFFF086  }
0x1c: {  	p1 =	slt.u32 s9, $0xF7A;
	s5 =	simm.s32 @!p2 $0x0  }
0x1d: {  	s5 =	simm.s32 @p1 $0x1;
	p0 =	seq.s32 s7, s2  }
0x1e: {  	s7 =	smul.u32 @!p0 $0xF7A, s2;
	p2 =	seq.s32 @!p0 s5, $0x0  }
0x1f: {  	s9 =	smul.u32 $0xF7A, s1;
	s8 =	simm.s32 @!p0 $0x1BF5;
	p2 =	por !p2, p0  }
0x20: {  	[sflag:s8] =	ssyncset.s32 @!p0 $0xFFFFF086;
	s6 =	sadd.s32 @!p0 s3, s7;
	s7 =	simm.s32 @!p0 $0x108  }
0x21: {  	s3 =	sadd.s32 s3, s9;
	s6 =	sadd.s32 @!p0 $0x88, s6;
	s7 =	simm.s32 @p2 $0x1082  }
0x22: {  	[simem:s7], [sflag:s8] =	dma.local @!p0 [hbm:s6], $0xF7A  }
0x23: {  	s9 =	sor.u32 $0xD0000000, s2;
	s6 =	simm.s32 $0x108;
	_ =	swait.ge @!p0 [sflag:s8], $0x0  }
0x24: {  	s3 =	sadd.s32 $0x88, s3;
	s6 =	simm.s32 @!p1 $0x1082;
	[sflag:s4] =	ssyncset.s32 $0xFFFFF086  }
0x25: {  	[simem:s6], [sflag:s4] =	dma.local [hbm:s3], $0xF7A  }
0x26: {  	[smem:$0x3F8F] =	sst s1;
	(tag) =	ssettag s2;
	_ =	strace s9  }
0x27: {  	s1 =	sld [smem:$0x3F9F]  }
0x28: {  	s2 =	sld [smem:$0x3FA0]  }
0x29: {  	s4 =	sld [smem:$0x3FA2]  }
0x2a: {  	p0 =	seq.s32 s5, $0x0;
	s5 =	sld [smem:$0x3FA3]  }
0x2b: {  	s6 =	sld [smem:$0x3FA4]  }
0x2c: {  	s7 =	sld [smem:$0x3FA5]  }
0x2d: {  	s3 =	simm.s32 $0x108;
	s8 =	sld [smem:$0x3FA6]  }
0x2e: {  	s3 =	simm.s32 @!p0 $0x1082;
	s9 =	sld [smem:$0x3FA7]  }
0x2f: {  	lr =	sadd.s32 s0, s3;
	s0 =	sld [smem:$0x3F9E]  }
0x30: {  	s3 =	sld [smem:$0x3FA1]  }
0x31: {  	[smem:$0x3FAA] =	sst s10  }
0x32: {  	s10 =	sld [smem:$0x3FA8];
	_ =	sdelay $0x3  }
0x33: {  	p0 =	seq.s32 s10, $0x1;
	s10 =	sld [smem:$0x3FAA];
	_ =	sdelay $0x3  }
0x34: {  	[smem:$0x3FAA] =	sst s10  }
0x35: {  	s10 =	sld [smem:$0x3FA9];
	_ =	sdelay $0x3  }
0x36: {  	p1 =	seq.s32 s10, $0x1;
	s10 =	sld [smem:$0x3FAA];
	_ =	sdelay $0x3  }
0x37: {  	[smem:$0x3FAA] =	sst s10  }
0x38: {  	s10 =	sld [smem:$0x3FAB]  }
0x39: {  	_ = 	snop;
	(pc) =	sbr.ind lr, $3  }
0x3a: {  	_ = 	snop  }
0x3b: {  	_ = 	snop  }
0x3c: {  	p2 =	seq.s32 s10, $0x1;
	s10 =	sld [smem:$0x3FAA]  }
0x3d: {  	_ =	shalt  }
0x3e: {  	_ =	shalt  }
0x3f: {  	_ =	shalt  }
0x40: {  	_ =	shalt  }
0x41: {  	_ =	shalt  }
0x42: {  	_ =	shalt  }
0x43: {  	_ =	shalt  }
0x44: {  	_ =	shalt  }
0x45: {  	_ =	shalt  }
0x46: {  	_ =	shalt  }
0x47: {  	_ =	shalt  }
0x48: {  	_ =	shalt  }
0x49: {  	_ =	shalt  }
0x4a: {  	_ =	shalt  }
0x4b: {  	_ =	shalt  }
0x4c: {  	_ =	shalt  }
0x4d: {  	_ =	shalt  }
0x4e: {  	_ =	shalt  }
0x4f: {  	_ =	shalt  }
0x50: {  	_ =	shalt  }
0x51: {  	_ =	shalt  }
0x52: {  	_ =	shalt  }
0x53: {  	_ =	shalt  }
0x54: {  	_ =	shalt  }
0x55: {  	_ =	shalt  }
0x56: {  	_ =	shalt  }
0x57: {  	_ =	shalt  }
0x58: {  	_ =	shalt  }
0x59: {  	_ =	shalt  }
0x5a: {  	_ =	shalt  }
0x5b: {  	_ =	shalt  }
0x5c: {  	_ =	shalt  }
0x5d: {  	_ =	shalt  }
0x5e: {  	_ =	shalt  }
0x5f: {  	_ =	shalt  }
0x60: {  	_ =	shalt  }
0x61: {  	_ =	shalt  }
0x62: {  	_ =	shalt  }
0x63: {  	_ =	shalt  }
0x64: {  	_ =	shalt  }
0x65: {  	_ =	shalt  }
0x66: {  	_ =	shalt  }
0x67: {  	_ =	shalt  }
0x68: {  	_ =	shalt  }
0x69: {  	_ =	shalt  }
0x6a: {  	_ =	shalt  }
0x6b: {  	_ =	shalt  }
0x6c: {  	_ =	shalt  }
0x6d: {  	_ =	shalt  }
0x6e: {  	_ =	shalt  }
0x6f: {  	_ =	shalt  }
0x70: {  	_ =	shalt  }
0x71: {  	_ =	shalt  }
0x72: {  	_ =	shalt  }
0x73: {  	_ =	shalt  }
0x74: {  	_ =	shalt  }
0x75: {  	_ =	shalt  }
0x76: {  	_ =	shalt  }
0x77: {  	_ =	shalt  }
0x78: {  	_ =	shalt  }
0x79: {  	_ =	shalt  }
0x7a: {  	_ =	shalt  }
0x7b: {  	_ =	shalt  }
0x7c: {  	_ =	shalt  }
0x7d: {  	_ =	shalt  }
0x7e: {  	_ =	shalt  }
0x7f: {  	_ =	shalt  }
0x80: {  	_ =	shalt  }
0x81: {  	_ =	shalt  }
0x82: {  	_ =	shalt  }
0x83: {  	_ =	shalt  }
0x84: {  	_ =	shalt  }
0x85: {  	_ =	shalt  }
0x86: {  	_ =	shalt  }
0x87: {  	_ =	shalt  }
.Lfunc_end0:
.L_simem_size_0:
called_computation.8_lowered:
.L_overlay_start_0:
0x88: {  	s2 =	sld [smem:$0x3FD9]  }
0x89: {  	s3 =	sld [smem:$0x3FFE];
	_ =	sdelay $0x1  }
0x8a: {  	s1 =	srdreg.scid  }
0x8b: {  	s0 =	sand.u32 $0x1, s1  }
0x8c: {  	s14 =	sshll.u32 s0, $0xA;
	s2 =	sadd.s32 s3, s2  }
0x8d: {  	s2 =	sadd.s32 s2, s14  }
0x8e: {  	[smem:$0x3FB6] =	sst s2  }
0x8f: {  	_ = 	snop  }
0x90: {  	s2 =	sld [smem:$0x3FD0];
	_ =	sdelay $0x2  }
0x91: {  	s15 =	simm.s32 $0xB;
	s4 =	simm.s32 $0x10  }
0x92: {  	[smem:s4], [sflag:s15] =	dma.local [hbm:s2], $0x1  }
0x93: {  	_ =	swait.eq [sflag:s15], $0x1  }
0x94: {  	[sflag:s15] =	ssyncset.done $0x0  }
0x95: {  	s16 =	sld [smem:$0x11];
	[sflag:s15] =	ssyncadd.s32 $0xFFFFFFFF  }
0x96: {  	s17 =	sld [smem:$0x12];
	(tm) =	ssettm $0x1  }
0x97: {  	s18 =	sld [smem:$0x3FFB];
	_ =	sdelay $0x3  }
0x98: {  	_ =	strace s18  }
0x99: {  	s4 =	sld [smem:$0x3FFC];
	_ =	sdelay $0x3  }
0x9a: {  	_ =	strace s4  }
0x9b: {  	s4 =	sld [smem:$0x3FFD];
	_ =	sdelay $0x3  }
0x9c: {  	_ =	strace s4  }
0x9d: {  	_ =	strace $0x8FFFFFFF  }
0x9e: {  	s19 =	sld [smem:$0x3FDB];
	_ =	sdelay $0x1  }
0x9f: {  	s5 =	simm.s32 $_scs_section_size  }
0xa0: {  	s6 =	simm.s32 $_size__tile_overlayer_lowered;
	s7 =	simm.s32 $_tile_overlayer_lowered  }
0xa1: {  	s22 =	simm.s32 $0x1BFF;
	s21 =	sshll.u32 s7, $0x1;
	s4 =	sadd.s32 s5, s19  }
0xa2: {  	s8 =	simm.s32 $0x0;
	s20 =	sshll.u32 s6, $0x1;
	s6 =	sadd.s32 s21, s4  }
0xa3: {  	[timem:s8], [sflag:s22] =	dma.local [hbm:s6], s20  }
0xa4: {  	_ =	swait.ge [sflag:s22], s20  }
0xa5: {  	s5 =	ssub.s32 $0x0, s20;
	[sflag:s22] =	ssyncset.done $0x0  }
0xa6: {  	[sflag:s22] =	ssyncadd.s32 s5;
	_ =	sdelay $0x1  }
0xa7: {  	s23 =	simm.s32 $0x1B8B  }
0xa8: {  	_ =	swait.ge [sflag:s23], $0x1  }
0xa9: {  	[sflag:s23] =	ssyncset.done $0x0  }
0xaa: {  	s25 =	simm.s32 $0x1B8E;
	s24 =	sld [smem:$0x3FFE];
	[sflag:s23] =	ssyncadd.s32 $0xFFFFFFFF  }
0xab: {  	s26 =	simm.s32 $execute0_lowered;
	[smem:$0x3FD2] =	sst s25  }
0xac: {  	s6 =	sshll.u32 s26, $0x1;
	_ =	strace $0x8000005B;
	[dreg:$0x1] =	wrdreg $0xFFFFFFFF  }
0xad: {  	s28 =	simm.s32 $_size_execute0_lowered;
	s4 =	sadd.s32 s4, s6;
	[dreg:$0x0] =	wrdreg $0x0  }
0xae: {  	s6 =	sshll.u32 s28, $0x1;
	[dreg:$0x2] =	wrdreg s4  }
0xaf: {  	[dreg:$0x3] =	wrdreg s6  }
0xb0: {  	[dreg:$0x4] =	wrdreg $0xC0  }
0xb1: {  	_ =	task [dreg:s8], $0x5FFFF  }
0xb2: {  	[dreg:$0x1] =	wrdreg $0xFFFFFFFF  }
0xb3: {  	[dreg:$0x0] =	wrdreg $0x60  }
0xb4: {  	[dreg:$0x2] =	wrdreg s24  }
0xb5: {  	[dreg:$0x3] =	wrdreg s16  }
0xb6: {  	[dreg:$0x4] =	wrdreg s17  }
0xb7: {  	[dreg:$0x5] =	wrdreg $0x33900  }
0xb8: {  	[dreg:$0x6] =	wrdreg $0xA  }
0xb9: {  	_ =	task.clear_ibuf [dreg:s8], $0x7FFFF;
	_ =	strace $0x9000005B  }
0xba: {  	s29 =	simm.s32 $0xA;
	_ =	strace $0x8000005D  }
0xbb: {  	_ =	swait.ge [sflag:s29], $0x1  }
0xbc: {  	[sflag:s29] =	ssyncadd.s32 $0xFFFFFFFF  }
0xbd: {  	_ =	strace $0x9000005D  }
0xbe: {  	_ =	sfence  }
0xbf: {  	s30 =	sld [smem:$0x0];
	_ =	sdelay $0x2  }
0xc0: {  	s31 =	sshll.u32 s1, $0xD;
	s1 =	sshrl.u32 s1, $0x2  }
0xc1: {  	s3 =	sand.u32 $0x4000, s31;
	s1 =	sadd.s32 s1, s30  }
0xc2: {  	s0 =	sor.u32 s3, s0;
	s1 =	sshll.u32 s1, $0x11  }
0xc3: {  	s0 =	sor.u32 s1, s0  }
0xc4: {  	s0 =	sadd.s32 $0x8F2B, s0  }
0xc5: {  	[sflag:s0] =	ssyncadd.remote.s32 $0x1  }
0xc6: {  	_ =	sfence.sel $0xFFFF  }
0xc7: {  	[dreg:$0x0] =	wrdreg $0xFFFFFFFF;
	(pc) =	sbr.abs _section_cstart, $3  }
0xc8: {  	[dreg:$0x1] =	wrdreg $0xFFFFFFFF  }
0xc9: {  	_ =	task.clear_ibuf [dreg:s8], $0x2FFFF;
	_ =	strace $0x9FFFFFFF  }
0xca: {  	(tm) =	ssettm $0x7FFFFFFF  }
0xcb: {  	_ =	shalt  }
tec
execute0_lowered:
.L_overlay_start_1:
0x0: {  	(tag) =	ssettag $0x1  }
0x1: {  	s4 =	rddreg [dreg:$0x0]  }
0x2: {  	s5 =	rddreg [dreg:$0x1]  }
0x3: {  	s6 =	rddreg [dreg:$0x2]  }
0x4: {  	s2 =	rddreg [dreg:$0x3]  }
0x5: {  	s0 =	rddreg [dreg:$0x4];
	s1 =	stileid.u32  }
0x6: {  	s3 =	simm.s32 $0x0;
	s8 =	srdreg.scid;
	s7 =	smul.u32 $0xC3500, s1  }
0x7: {  	s14 =	simm.s32 $0x190;
	s15 =	simm.s32 $0x0;
	s9 =	smul.u32 $0x186A, s1  }
0x8: {  	[smem:$0x7FF] =	sst s3;
	s8 =	sand.u32 $0x1, s8;
	s11 =	smul.u32 $0x186A0, s1  }
0x9: {  	s31 =	sshll.u32 s1, $0x6;
	_ =	strace $0x8000005C;
	s10 =	ssub.s32 $0x2, s8  }
0xa: {  	s13 =	smul.u32 $0x186A00, s8;
	s8 =	sshll.u32 s8, $0x2;
	s7 =	sadd.s32 s7, s4  }
0xb: {  	s12 =	sshrl.u32 s10, $0x1;
	s9 =	sadd.s32 s9, s4;
	s28 =	sshrl.u32 s11, $0x3  }
0xc: {  	s29 =	sadd.s32 s11, s2;
	s10 =	ssub.s32 s10, s12;
	s4 =	sadd.s32 s5, s28  }
0xd: {  	s30 =	sadd.s32 s11, s13;
	s5 =	sor.u32 $0x1C01, s31;
	s8 =	sadd.s32 s8, s7  }
0xe: {  	s9 =	sadd.s32 $0xF1400, s9;
	s11 =	simm.s32 $0x1;
	s12 =	simm.s32 $0x20  }
0xf: {  	s13 =	sshrl.u32 s30, $0x3;
	s7 =	smax.u32 s10, $0x1;
	s8 =	sadd.s32 $0x2730808, s8  }
0x10: {  	s10 =	sshrl.u32 s29, $0x3;
	s6 =	sadd.s32 s6, s13;
	s13 =	simm.s32 $0x80  }
.LBB2_1:
0x11: {  	[spmem:s10], [sflag:s5] =	dma.local [hbm:s4], $0x30D4  }
0x12: {  	_ =	swait.ge [sflag:s11], $0x30D4  }
0x13: {  	[sflag:s11] =	ssyncset.done $0x0  }
0x14: {  	[sflag:s11] =	ssyncadd.s32 $0xFFFFCF2C  }
0x15: {  	s16 =	sadd.s32 $0x0, s9;
	[bflag:$0x0] =	sbarrier.arrive $0xFFFF  }
0x16: {  	[tilespmem:s3], [sflag:$0x1] =	stream.linear.gather [hbm4b:s16+s3], $0x190, $0x38;
	[tilespmem:$0x1BA30] =	vst v63  }
0x17: {  	_ =	swait.ge [sflag:s11], $0x190  }
0x18: {  	[sflag:s11] =	ssyncset.done $0x0  }
0x19: {  	[sflag:s11] =	ssyncadd.s32 $0xFFFFFE70  }
0x1a: {  	[tilespmem:s14], [sflag:$0x1] =	stream.strided.gather [hbm4b:s8+s12], $0x3200, s13, s12, $0x38;
	[tilespmem:$0x1BA30] =	vst v63  }
0x1b: {  	_ =	swait.ge [sflag:s11], $0x3200  }
0x1c: {  	[sflag:s11] =	ssyncset.done $0x0  }
0x1d: {  	[sflag:s11] =	ssyncadd.s32 $0xFFFFCE00  }
0x1e: {  	[spmem:s2] =	stream.indirect.scatter.add.f32 [tilespmem:s14], [sflag:$0x1], $0x20, s3, s14, $0xb8;
	[tilespmem:$0x1BA30] =	vst v63  }
0x1f: {  	s17 =	simm.s32 $0x32;
	_ =	swait.ge [sflag:s11], $0x3200  }
0x20: {  	s18 =	simm.s32 $0x64;
	s16 =	sadd.s32 $0x1900, s8;
	[sflag:s11] =	ssyncset.done $0x0  }
.LBB2_2:
0x21: {  	s19 =	sadd.s32 s17, s9  }
0x22: {  	[sflag:s11] =	ssyncadd.s32 $0xFFFFCE00;
	s17 =	smov.u32 s18;
	s20 =	sadd.s32 $0x32, s18  }
0x23: {  	[tilespmem:s3], [sflag:$0x1] =	stream.linear.gather [hbm4b:s19+s3], $0x190, $0x38;
	[tilespmem:$0x1BA30] =	vst v63  }
0x24: {  	p0 =	sne.s32 s18, $0x1838;
	_ =	swait.ge [sflag:s11], $0x190  }
0x25: {  	[sflag:s11] =	ssyncset.done $0x0  }
0x26: {  	[sflag:s11] =	ssyncadd.s32 $0xFFFFFE70  }
0x27: {  	[tilespmem:s14], [sflag:$0x1] =	stream.strided.gather [hbm4b:s16+s12], $0x3200, s13, s12, $0x38;
	[tilespmem:$0x1BA30] =	vst v63  }
0x28: {  	_ =	swait.ge [sflag:s11], $0x3200  }
.Ltmp0:
0x29: {  	[sflag:s11] =	ssyncset.done $0x0;
	(pc) =	sbr.rel @p0 .LBB2_2-.Ltmp0, $4  }
0x2a: {  	[sflag:s11] =	ssyncadd.s32 $0xFFFFCE00  }
0x2b: {  	[spmem:s2] =	stream.indirect.scatter.add.f32 [tilespmem:s14], [sflag:$0x1], $0x20, s3, s14, $0xb8;
	[tilespmem:$0x1BA30] =	vst v63  }
0x2c: {  	_ =	swait.ge [sflag:s11], $0x3200  }
0x2d: {  	s18 =	smov.u32 s20;
	s16 =	sadd.s32 $0x1900, s16;
	[sflag:s11] =	ssyncset.done $0x0  }
0x2e: {  	s17 =	sadd.s32 s17, s9;
	[sflag:s11] =	ssyncadd.s32 $0xFFFFCE00  }
0x2f: {  	[tilespmem:s3], [sflag:$0x1] =	stream.linear.gather [hbm4b:s17+s3], $0x190, $0x38;
	[tilespmem:$0x1BA30] =	vst v63  }
0x30: {  	_ =	swait.ge [sflag:s11], $0x190  }
0x31: {  	[sflag:s11] =	ssyncset.done $0x0  }
0x32: {  	[sflag:s11] =	ssyncadd.s32 $0xFFFFFE70  }
0x33: {  	[tilespmem:s14], [sflag:$0x1] =	stream.strided.gather [hbm4b:s16+s12], $0x3200, s13, s12, $0x38;
	[tilespmem:$0x1BA30] =	vst v63  }
0x34: {  	_ =	swait.ge [sflag:s11], $0x3200  }
0x35: {  	[sflag:s11] =	ssyncset.done $0x0  }
0x36: {  	[sflag:s11] =	ssyncadd.s32 $0xFFFFCE00  }
0x37: {  	[spmem:s2] =	stream.indirect.scatter.add.f32 [tilespmem:s14], [sflag:$0x1], $0x20, s3, s14, $0xb8;
	[tilespmem:$0x1BA30] =	vst v63  }
0x38: {  	_ =	swait.ge [sflag:s11], $0x3200  }
0x39: {  	s15 =	sadd.s32 $0x1, s15;
	[sflag:s11] =	ssyncset.done $0x0  }
0x3a: {  	p0 =	sne.s32 s15, s7;
	[sflag:s11] =	ssyncadd.s32 $0xFFFFCE00  }
.Ltmp1:
0x3b: {  	[bflag:$0x0] =	sbarrier.arrive $0xFFFF;
	(pc) =	sbr.rel @p0 .LBB2_1-.Ltmp1, $4  }
0x3c: {  	[hbm:s6], [sflag:s5] =	dma.local [spmem:s10], $0x30D4  }
0x3d: {  	_ =	swait.ge [sflag:s11], $0x30D4  }
0x3e: {  	[sflag:s11] =	ssyncset.done $0x0  }
0x3f: {  	[sflag:s11] =	ssyncadd.s32 $0xFFFFCF2C  }
0x40: {  	_ =	sfence.sel $0x180000  }
0x41: {  	[bflag:$0x0] =	sbarrier.arrive $0xFFFF  }
0x42: {  	p0 =	sne.s32 s1, $0x0;
	_ =	strace $0x9000005C  }
0x43: {  	s0 =	sadd.s32 @!p0 $0x100000, s0;
	[bflag:$0x2] =	sbarrier.arrive $0xFFFF  }
0x44: {  	[sflag:s0] =	ssyncadd.tile.s32 @!p0 $0x1;
	_ =	shalt  }
.Lfunc_end2:
_tile_overlayer_lowered:
.L_overlay_start_2:
0x45: {  	(tag) =	ssettag $0x2  }
0x46: {  	s0 =	rddreg [dreg:$0x0];
	s2 =	stileid.u32  }
0x47: {  	s1 =	rddreg [dreg:$0x1];
	p0 =	sne.s32 s2, $0x0  }
0x48: {  	s3 =	rddreg [dreg:$0x2];
	[bflag:$0x3] =	sbarrier.arrive $0xFFFF;
	s2 =	simm.s32 @!p0 $0x1C01  }
0x49: {  	[timem:s3], [sflag:s2] =	dma.local @!p0 [hbm:s0], s1  }
0x4a: {  	s0 =	simm.s32 @!p0 $0x1  }
0x4b: {  	_ =	swait.ge @!p0 [sflag:s0], s1  }
0x4c: {  	s1 =	ssub.s32 @!p0 $0x0, s1;
	[sflag:s0] =	ssyncset.done @!p0 $0x0  }
0x4d: {  	[sflag:s0] =	ssyncadd.s32 @!p0 s1  }
0x4e: {  	[bflag:$0x3] =	sbarrier.arrive $0xFFFF  }
0x4f: {  	_ =	shalt  }

// kernel: kernel.55.cloned.1.call-start
scs
__scs_entry_jumppad:
0x0: {  	(pc) =	sbr.rel $0x88, $3  }
0x1: {  	(tag) =	ssettag $0x0;
	lr =	simm.s32 $0x1  }
0x2: {  	[smem:$0x3F8F] =	sst lr;
	_ =	strace $0xD0000000  }
0x3: {  	_ = 	snop  }
0x4: {  	_ = 	snop  }
0x5: {  	_ = 	snop  }
0x6: {  	_ = 	snop  }
0x7: {  	_ = 	snop  }
__scs_overlays_trampoline_lowered:
0x8: {  	[smem:$0x3F9E] =	sst s0  }
0x9: {  	[smem:$0x3F9F] =	sst s1  }
0xa: {  	[smem:$0x3FA0] =	sst s2  }
0xb: {  	[smem:$0x3FA1] =	sst s3  }
0xc: {  	[smem:$0x3FA2] =	sst s4  }
0xd: {  	[smem:$0x3FA3] =	sst s5  }
0xe: {  	[smem:$0x3FA4] =	sst s6  }
0xf: {  	[smem:$0x3FA5] =	sst s7  }
0x10: {  	[smem:$0x3FA6] =	sst s8  }
0x11: {  	[smem:$0x3FA7] =	sst s9;
	s0 =	simm.s32 @!p0 $0x0  }
0x12: {  	s1 =	sld [smem:$0x3F8D];
	s0 =	simm.s32 @p0 $0x1  }
0x13: {  	[smem:$0x3FA8] =	sst s0;
	s0 =	simm.s32 @!p1 $0x0  }
0x14: {  	s2 =	sld [smem:$0x3F8C];
	s0 =	simm.s32 @p1 $0x1  }
0x15: {  	[smem:$0x3FA9] =	sst s0;
	s0 =	simm.s32 @!p2 $0x0  }
0x16: {  	s3 =	sld [smem:$0x3FDB];
	s0 =	simm.s32 @p2 $0x1  }
0x17: {  	s4 =	simm.s32 $0x1BF5;
	[smem:$0x3FAB] =	sst s0  }
0x18: {  	s0 =	sld [smem:$0x3F8E];
	_ =	swait.ge [sflag:s4], $0x0  }
0x19: {  	s7 =	sld [smem:$0x3F8F]  }
0x1a: {  	s8 =	sadd.s32 $0xFFFFE003, lr  }
0x1b: {  	s9 =	sadd.s32 $0xFFFFFEF7, lr;
	s5 =	simm.s32 $0xFFFFFFFF;
	p2 =	slt.u32 s8, $0xFFFFF086  }
0x1c: {  	p1 =	slt.u32 s9, $0xF7A;
	s5 =	simm.s32 @!p2 $0x0  }
0x1d: {  	s5 =	simm.s32 @p1 $0x1;
	p0 =	seq.s32 s7, s2  }
0x1e: {  	s7 =	smul.u32 @!p0 $0xF7A, s2;
	p2 =	seq.s32 @!p0 s5, $0x0  }
0x1f: {  	s9 =	smul.u32 $0xF7A, s1;
	s8 =	simm.s32 @!p0 $0x1BF5;
	p2 =	por !p2, p0  }
0x20: {  	[sflag:s8] =	ssyncset.s32 @!p0 $0xFFFFF086;
	s6 =	sadd.s32 @!p0 s3, s7;
	s7 =	simm.s32 @!p0 $0x108  }
0x21: {  	s3 =	sadd.s32 s3, s9;
	s6 =	sadd.s32 @!p0 $0x88, s6;
	s7 =	simm.s32 @p2 $0x1082  }
0x22: {  	[simem:s7], [sflag:s8] =	dma.local @!p0 [hbm:s6], $0xF7A  }
0x23: {  	s9 =	sor.u32 $0xD0000000, s2;
	s6 =	simm.s32 $0x108;
	_ =	swait.ge @!p0 [sflag:s8], $0x0  }
0x24: {  	s3 =	sadd.s32 $0x88, s3;
	s6 =	simm.s32 @!p1 $0x1082;
	[sflag:s4] =	ssyncset.s32 $0xFFFFF086  }
0x25: {  	[simem:s6], [sflag:s4] =	dma.local [hbm:s3], $0xF7A  }
0x26: {  	[smem:$0x3F8F] =	sst s1;
	(tag) =	ssettag s2;
	_ =	strace s9  }
0x27: {  	s1 =	sld [smem:$0x3F9F]  }
0x28: {  	s2 =	sld [smem:$0x3FA0]  }
0x29: {  	s4 =	sld [smem:$0x3FA2]  }
0x2a: {  	p0 =	seq.s32 s5, $0x0;
	s5 =	sld [smem:$0x3FA3]  }
0x2b: {  	s6 =	sld [smem:$0x3FA4]  }
0x2c: {  	s7 =	sld [smem:$0x3FA5]  }
0x2d: {  	s3 =	simm.s32 $0x108;
	s8 =	sld [smem:$0x3FA6]  }
0x2e: {  	s3 =	simm.s32 @!p0 $0x1082;
	s9 =	sld [smem:$0x3FA7]  }
0x2f: {  	lr =	sadd.s32 s0, s3;
	s0 =	sld [smem:$0x3F9E]  }
0x30: {  	s3 =	sld [smem:$0x3FA1]  }
0x31: {  	[smem:$0x3FAA] =	sst s10  }
0x32: {  	s10 =	sld [smem:$0x3FA8];
	_ =	sdelay $0x3  }
0x33: {  	p0 =	seq.s32 s10, $0x1;
	s10 =	sld [smem:$0x3FAA];
	_ =	sdelay $0x3  }
0x34: {  	[smem:$0x3FAA] =	sst s10  }
0x35: {  	s10 =	sld [smem:$0x3FA9];
	_ =	sdelay $0x3  }
0x36: {  	p1 =	seq.s32 s10, $0x1;
	s10 =	sld [smem:$0x3FAA];
	_ =	sdelay $0x3  }
0x37: {  	[smem:$0x3FAA] =	sst s10  }
0x38: {  	s10 =	sld [smem:$0x3FAB]  }
0x39: {  	_ = 	snop;
	(pc) =	sbr.ind lr, $3  }
0x3a: {  	_ = 	snop  }
0x3b: {  	_ = 	snop  }
0x3c: {  	p2 =	seq.s32 s10, $0x1;
	s10 =	sld [smem:$0x3FAA]  }
0x3d: {  	_ =	shalt  }
0x3e: {  	_ =	shalt  }
0x3f: {  	_ =	shalt  }
0x40: {  	_ =	shalt  }
0x41: {  	_ =	shalt  }
0x42: {  	_ =	shalt  }
0x43: {  	_ =	shalt  }
0x44: {  	_ =	shalt  }
0x45: {  	_ =	shalt  }
0x46: {  	_ =	shalt  }
0x47: {  	_ =	shalt  }
0x48: {  	_ =	shalt  }
0x49: {  	_ =	shalt  }
0x4a: {  	_ =	shalt  }
0x4b: {  	_ =	shalt  }
0x4c: {  	_ =	shalt  }
0x4d: {  	_ =	shalt  }
0x4e: {  	_ =	shalt  }
0x4f: {  	_ =	shalt  }
0x50: {  	_ =	shalt  }
0x51: {  	_ =	shalt  }
0x52: {  	_ =	shalt  }
0x53: {  	_ =	shalt  }
0x54: {  	_ =	shalt  }
0x55: {  	_ =	shalt  }
0x56: {  	_ =	shalt  }
0x57: {  	_ =	shalt  }
0x58: {  	_ =	shalt  }
0x59: {  	_ =	shalt  }
0x5a: {  	_ =	shalt  }
0x5b: {  	_ =	shalt  }
0x5c: {  	_ =	shalt  }
0x5d: {  	_ =	shalt  }
0x5e: {  	_ =	shalt  }
0x5f: {  	_ =	shalt  }
0x60: {  	_ =	shalt  }
0x61: {  	_ =	shalt  }
0x62: {  	_ =	shalt  }
0x63: {  	_ =	shalt  }
0x64: {  	_ =	shalt  }
0x65: {  	_ =	shalt  }
0x66: {  	_ =	shalt  }
0x67: {  	_ =	shalt  }
0x68: {  	_ =	shalt  }
0x69: {  	_ =	shalt  }
0x6a: {  	_ =	shalt  }
0x6b: {  	_ =	shalt  }
0x6c: {  	_ =	shalt  }
0x6d: {  	_ =	shalt  }
0x6e: {  	_ =	shalt  }
0x6f: {  	_ =	shalt  }
0x70: {  	_ =	shalt  }
0x71: {  	_ =	shalt  }
0x72: {  	_ =	shalt  }
0x73: {  	_ =	shalt  }
0x74: {  	_ =	shalt  }
0x75: {  	_ =	shalt  }
0x76: {  	_ =	shalt  }
0x77: {  	_ =	shalt  }
0x78: {  	_ =	shalt  }
0x79: {  	_ =	shalt  }
0x7a: {  	_ =	shalt  }
0x7b: {  	_ =	shalt  }
0x7c: {  	_ =	shalt  }
0x7d: {  	_ =	shalt  }
0x7e: {  	_ =	shalt  }
0x7f: {  	_ =	shalt  }
0x80: {  	_ =	shalt  }
0x81: {  	_ =	shalt  }
0x82: {  	_ =	shalt  }
0x83: {  	_ =	shalt  }
0x84: {  	_ =	shalt  }
0x85: {  	_ =	shalt  }
0x86: {  	_ =	shalt  }
0x87: {  	_ =	shalt  }
.Lfunc_end0:
.L_simem_size_0:
called_computation.9_lowered:
.L_overlay_start_0:
0x88: {  	s2 =	sld [smem:$0x3FD9]  }
0x89: {  	s3 =	sld [smem:$0x3FFE];
	_ =	sdelay $0x1  }
0x8a: {  	s1 =	srdreg.scid  }
0x8b: {  	s0 =	sand.u32 $0x1, s1  }
0x8c: {  	s16 =	sshll.u32 s0, $0xA;
	s2 =	sadd.s32 s3, s2  }
0x8d: {  	s2 =	sadd.s32 s2, s16  }
0x8e: {  	[smem:$0x3FB6] =	sst s2  }
0x8f: {  	_ = 	snop  }
0x90: {  	(tm) =	ssettm $0x1  }
0x91: {  	s17 =	sld [smem:$0x3FFB];
	_ =	sdelay $0x3  }
0x92: {  	_ =	strace s17  }
0x93: {  	s2 =	sld [smem:$0x3FFC];
	_ =	sdelay $0x3  }
0x94: {  	_ =	strace s2  }
0x95: {  	s2 =	sld [smem:$0x3FFD];
	_ =	sdelay $0x3  }
0x96: {  	_ =	strace s2  }
0x97: {  	_ =	strace $0x8FFFFFFF  }
0x98: {  	s18 =	sld [smem:$0x3FDB];
	_ =	sdelay $0x1  }
0x99: {  	s19 =	simm.s32 $_scs_section_size  }
0x9a: {  	s4 =	simm.s32 $_size__tile_overlayer_lowered;
	s5 =	simm.s32 $_tile_overlayer_lowered  }
0x9b: {  	s22 =	simm.s32 $0x1BFF;
	s21 =	sshll.u32 s5, $0x1;
	s2 =	sadd.s32 s19, s18  }
0x9c: {  	s6 =	simm.s32 $0x0;
	s20 =	sshll.u32 s4, $0x1;
	s4 =	sadd.s32 s21, s2  }
0x9d: {  	[timem:s6], [sflag:s22] =	dma.local [hbm:s4], s20  }
0x9e: {  	_ =	swait.ge [sflag:s22], s20  }
0x9f: {  	s3 =	ssub.s32 $0x0, s20;
	[sflag:s22] =	ssyncset.done $0x0  }
0xa0: {  	[sflag:s22] =	ssyncadd.s32 s3;
	_ =	sdelay $0x1  }
0xa1: {  	s23 =	simm.s32 $0x1B8B  }
0xa2: {  	_ =	swait.ge [sflag:s23], $0x1  }
0xa3: {  	[sflag:s23] =	ssyncset.done $0x0  }
0xa4: {  	s25 =	simm.s32 $0x1B8E;
	s24 =	sld [smem:$0x3FFE];
	[sflag:s23] =	ssyncadd.s32 $0xFFFFFFFF  }
0xa5: {  	s26 =	simm.s32 $execute0_lowered;
	[smem:$0x3FD2] =	sst s25  }
0xa6: {  	s4 =	sshll.u32 s26, $0x1;
	_ =	strace $0x80000061;
	[dreg:$0x1] =	wrdreg $0xFFFFFFFF  }
0xa7: {  	s28 =	simm.s32 $_size_execute0_lowered;
	s2 =	sadd.s32 s2, s4;
	[dreg:$0x0] =	wrdreg $0x0  }
0xa8: {  	s4 =	sshll.u32 s28, $0x1;
	[dreg:$0x2] =	wrdreg s2  }
0xa9: {  	[dreg:$0x3] =	wrdreg s4  }
0xaa: {  	[dreg:$0x4] =	wrdreg $0xC0  }
0xab: {  	_ =	task [dreg:s6], $0x5FFFF  }
0xac: {  	[dreg:$0x1] =	wrdreg $0xFFFFFFFF  }
0xad: {  	[dreg:$0x0] =	wrdreg $0x60  }
0xae: {  	[dreg:$0x2] =	wrdreg s24  }
0xaf: {  	[dreg:$0x3] =	wrdreg $0x9  }
0xb0: {  	_ =	task.clear_ibuf [dreg:s6], $0x4FFFF;
	_ =	strace $0x90000061  }
0xb1: {  	s29 =	simm.s32 $0x9;
	_ =	strace $0x80000063  }
0xb2: {  	_ =	swait.ge [sflag:s29], $0x1  }
0xb3: {  	[sflag:s29] =	ssyncadd.s32 $0xFFFFFFFF  }
0xb4: {  	_ =	strace $0x90000063  }
0xb5: {  	_ =	sfence  }
0xb6: {  	s30 =	sld [smem:$0x0];
	_ =	sdelay $0x2  }
0xb7: {  	s31 =	sshll.u32 s1, $0xD;
	s1 =	sshrl.u32 s1, $0x2  }
0xb8: {  	s3 =	sand.u32 $0x4000, s31;
	s1 =	sadd.s32 s1, s30  }
0xb9: {  	s0 =	sor.u32 s3, s0;
	s1 =	sshll.u32 s1, $0x11  }
0xba: {  	s0 =	sor.u32 s1, s0  }
0xbb: {  	s0 =	sadd.s32 $0x8F2B, s0  }
0xbc: {  	[sflag:s0] =	ssyncadd.remote.s32 $0x1  }
0xbd: {  	_ =	sfence.sel $0xFFFF  }
0xbe: {  	[dreg:$0x0] =	wrdreg $0xFFFFFFFF;
	(pc) =	sbr.abs _section_cstart, $3  }
0xbf: {  	[dreg:$0x1] =	wrdreg $0xFFFFFFFF  }
0xc0: {  	_ =	task.clear_ibuf [dreg:s6], $0x2FFFF;
	_ =	strace $0x9FFFFFFF  }
0xc1: {  	(tm) =	ssettm $0x7FFFFFFF  }
tec
execute0_lowered:
.L_overlay_start_1:
0x0: {  	(tag) =	ssettag $0x1  }
0x1: {  	s4 =	rddreg [dreg:$0x0]  }
0x2: {  	s0 =	rddreg [dreg:$0x1]  }
0x3: {  	s3 =	srdreg.scid;
	s1 =	stileid.u32;
	s2 =	simm.s32 $0x0  }
0x4: {  	s10 =	simm.s32 $0x400;
	s11 =	simm.s32 $0x3E8;
	s12 =	simm.s32 $0x800  }
0x5: {  	s13 =	simm.s32 $0x1;
	s14 =	simm.s32 $0x0;
	s6 =	smul.u32 $0xC350, s1  }
0x6: {  	s5 =	sand.u32 $0x1, s3;
	[smem:$0x7FF] =	sst s2;
	s8 =	smul.u32 $0xC3500, s1  }
0x7: {  	s3 =	sadd.s32 $0x28B7400, s4;
	s7 =	smul.u32 $0x61A8, s5;
	s9 =	ssub.s32 $0x2, s5  }
0x8: {  	_ =	strace $0x80000062;
	s5 =	smul.u32 $0x61A80, s5;
	s30 =	sshrl.u32 s9, $0x1  }
0x9: {  	s29 =	sadd.s32 s8, s4;
	s6 =	sadd.s32 s7, s6;
	s8 =	ssub.s32 s9, s30  }
0xa: {  	s7 =	sadd.s32 s5, s29;
	s9 =	simm.s32 $0x2;
	s6 =	sshrl.u32 s6, $0x3  }
0xb: {  	s5 =	sadd.s32 $0x10AC00, s7;
	s31 =	sadd.s32 s6, s4;
	s4 =	smax.u32 s8, $0x1  }
0xc: {  	s6 =	sadd.s32 $0xD3FC00, s7;
	s7 =	sadd.s32 $0xF1400, s31;
	s8 =	sadd.s32 $0xD8C00, s31  }
.LBB2_1:
0xd: {  	s15 =	sadd.s32 $0x0, s8  }
0xe: {  	[tilespmem:s2], [sflag:$0x2] =	stream.linear.gather [hbm4b:s15+s2], $0x3E8, $0x38;
	[tilespmem:$0x1FC00] =	vst v63  }
0xf: {  	_ =	swait.ge [sflag:s9], $0x3E8  }
0x10: {  	[sflag:s9] =	ssyncset.done $0x0  }
0x11: {  	s31 =	sadd.s32 $0x0, s7;
	[sflag:s9] =	ssyncadd.s32 $0xFFFFFC18  }
0x12: {  	[tilespmem:s10], [sflag:$0x2] =	stream.linear.gather [hbm4b:s31+s2], $0x3E8, $0x38;
	[tilespmem:$0x1FC00] =	vst v63  }
0x13: {  	_ =	swait.ge [sflag:s9], $0x3E8  }
0x14: {  	[sflag:s9] =	ssyncset.done $0x0  }
0x15: {  	[sflag:s9] =	ssyncadd.s32 $0xFFFFFC18  }
0x16: {  	[tilespmem:s12], [sflag:$0x1] =	stream.indirect.gather [hbm4b:s3+s11], $0x80, s2, s11, $0xb8;
	[tilespmem:$0x1FC00] =	vst v63  }
0x17: {  	_ =	swait.ge [sflag:s13], $0x1F400  }
0x18: {  	[sflag:s13] =	ssyncset.done $0x0  }
0x19: {  	[sflag:s13] =	ssyncadd.s32 $0xFFFE0C00  }
0x1a: {  	[hbm4b:s5+s2] =	stream.linear.scatter [tilespmem:s12], [sflag:$0x2], $0x1F400, $0x38;
	[tilespmem:$0x1FC00] =	vst v63  }
0x1b: {  	_ =	swait.ge [sflag:s9], $0x1F400  }
0x1c: {  	[sflag:s9] =	ssyncset.done $0x0  }
0x1d: {  	[sflag:s9] =	ssyncadd.s32 $0xFFFE0C00  }
0x1e: {  	[tilespmem:s12], [sflag:$0x1] =	stream.indirect.gather [hbm4b:s3+s11], $0x80, s10, s11, $0xb8;
	[tilespmem:$0x1FC00] =	vst v63  }
0x1f: {  	_ =	swait.ge [sflag:s13], $0x1F400  }
0x20: {  	[sflag:s13] =	ssyncset.done $0x0  }
0x21: {  	[sflag:s13] =	ssyncadd.s32 $0xFFFE0C00  }
0x22: {  	[hbm4b:s6+s2] =	stream.linear.scatter [tilespmem:s12], [sflag:$0x2], $0x1F400, $0x38;
	[tilespmem:$0x1FC00] =	vst v63  }
0x23: {  	s17 =	simm.s32 $0x7D;
	s18 =	simm.s32 $0xFA;
	_ =	swait.ge [sflag:s9], $0x1F400  }
0x24: {  	s16 =	sadd.s32 $0x3E80, s5;
	s15 =	sadd.s32 $0x3E80, s6;
	[sflag:s9] =	ssyncset.done $0x0  }
.LBB2_2:
0x25: {  	s19 =	sadd.s32 s17, s8  }
0x26: {  	[sflag:s9] =	ssyncadd.s32 $0xFFFE0C00;
	s20 =	smov.u32 s18;
	s21 =	sadd.s32 $0x7D, s18  }
0x27: {  	[tilespmem:s2], [sflag:$0x2] =	stream.linear.gather [hbm4b:s19+s2], $0x3E8, $0x38;
	[tilespmem:$0x1FC00] =	vst v63  }
0x28: {  	p0 =	sne.s32 s18, $0xBB8;
	_ =	swait.ge [sflag:s9], $0x3E8  }
0x29: {  	[sflag:s9] =	ssyncset.done $0x0  }
0x2a: {  	s18 =	sadd.s32 s17, s7;
	s17 =	smov.u32 s20;
	[sflag:s9] =	ssyncadd.s32 $0xFFFFFC18  }
0x2b: {  	[tilespmem:s10], [sflag:$0x2] =	stream.linear.gather [hbm4b:s18+s2], $0x3E8, $0x38;
	[tilespmem:$0x1FC00] =	vst v63  }
0x2c: {  	_ =	swait.ge [sflag:s9], $0x3E8  }
0x2d: {  	[sflag:s9] =	ssyncset.done $0x0  }
0x2e: {  	[sflag:s9] =	ssyncadd.s32 $0xFFFFFC18  }
0x2f: {  	[tilespmem:s12], [sflag:$0x1] =	stream.indirect.gather [hbm4b:s3+s11], $0x80, s2, s11, $0xb8;
	[tilespmem:$0x1FC00] =	vst v63  }
0x30: {  	_ =	swait.ge [sflag:s13], $0x1F400  }
0x31: {  	[sflag:s13] =	ssyncset.done $0x0  }
0x32: {  	[sflag:s13] =	ssyncadd.s32 $0xFFFE0C00  }
0x33: {  	[hbm4b:s16+s2] =	stream.linear.scatter [tilespmem:s12], [sflag:$0x2], $0x1F400, $0x38;
	[tilespmem:$0x1FC00] =	vst v63  }
0x34: {  	_ =	swait.ge [sflag:s9], $0x1F400  }
0x35: {  	[sflag:s9] =	ssyncset.done $0x0  }
0x36: {  	[sflag:s9] =	ssyncadd.s32 $0xFFFE0C00  }
0x37: {  	[tilespmem:s12], [sflag:$0x1] =	stream.indirect.gather [hbm4b:s3+s11], $0x80, s10, s11, $0xb8;
	[tilespmem:$0x1FC00] =	vst v63  }
0x38: {  	_ =	swait.ge [sflag:s13], $0x1F400  }
.Ltmp0:
0x39: {  	[sflag:s13] =	ssyncset.done $0x0;
	(pc) =	sbr.rel @p0 .LBB2_2-.Ltmp0, $4  }
0x3a: {  	[sflag:s13] =	ssyncadd.s32 $0xFFFE0C00  }
0x3b: {  	[hbm4b:s15+s2] =	stream.linear.scatter [tilespmem:s12], [sflag:$0x2], $0x1F400, $0x38;
	[tilespmem:$0x1FC00] =	vst v63  }
0x3c: {  	s18 =	smov.u32 s21;
	_ =	swait.ge [sflag:s9], $0x1F400  }
0x3d: {  	s16 =	sadd.s32 $0x3E80, s16;
	s15 =	sadd.s32 $0x3E80, s15;
	[sflag:s9] =	ssyncset.done $0x0  }
0x3e: {  	s18 =	sadd.s32 s17, s8;
	[sflag:s9] =	ssyncadd.s32 $0xFFFE0C00  }
0x3f: {  	[tilespmem:s2], [sflag:$0x2] =	stream.linear.gather [hbm4b:s18+s2], $0x3E8, $0x38;
	[tilespmem:$0x1FC00] =	vst v63  }
0x40: {  	_ =	swait.ge [sflag:s9], $0x3E8  }
0x41: {  	[sflag:s9] =	ssyncset.done $0x0  }
0x42: {  	s31 =	sadd.s32 s17, s7;
	[sflag:s9] =	ssyncadd.s32 $0xFFFFFC18  }
0x43: {  	[tilespmem:s10], [sflag:$0x2] =	stream.linear.gather [hbm4b:s31+s2], $0x3E8, $0x38;
	[tilespmem:$0x1FC00] =	vst v63  }
0x44: {  	_ =	swait.ge [sflag:s9], $0x3E8  }
0x45: {  	[sflag:s9] =	ssyncset.done $0x0  }
0x46: {  	[sflag:s9] =	ssyncadd.s32 $0xFFFFFC18  }
0x47: {  	[tilespmem:s12], [sflag:$0x1] =	stream.indirect.gather [hbm4b:s3+s11], $0x80, s2, s11, $0xb8;
	[tilespmem:$0x1FC00] =	vst v63  }
0x48: {  	_ =	swait.ge [sflag:s13], $0x1F400  }
0x49: {  	[sflag:s13] =	ssyncset.done $0x0  }
0x4a: {  	[sflag:s13] =	ssyncadd.s32 $0xFFFE0C00  }
0x4b: {  	[hbm4b:s16+s2] =	stream.linear.scatter [tilespmem:s12], [sflag:$0x2], $0x1F400, $0x38;
	[tilespmem:$0x1FC00] =	vst v63  }
0x4c: {  	_ =	swait.ge [sflag:s9], $0x1F400  }
0x4d: {  	[sflag:s9] =	ssyncset.done $0x0  }
0x4e: {  	[sflag:s9] =	ssyncadd.s32 $0xFFFE0C00  }
0x4f: {  	[tilespmem:s12], [sflag:$0x1] =	stream.indirect.gather [hbm4b:s3+s11], $0x80, s10, s11, $0xb8;
	[tilespmem:$0x1FC00] =	vst v63  }
0x50: {  	s14 =	sadd.s32 $0x1, s14;
	_ =	swait.ge [sflag:s13], $0x1F400  }
0x51: {  	p0 =	sne.s32 s14, s4;
	[sflag:s13] =	ssyncset.done $0x0  }
.Ltmp1:
0x52: {  	[sflag:s13] =	ssyncadd.s32 $0xFFFE0C00;
	(pc) =	sbr.rel @p0 .LBB2_1-.Ltmp1, $4  }
0x53: {  	[hbm4b:s15+s2] =	stream.linear.scatter [tilespmem:s12], [sflag:$0x2], $0x1F400, $0x38;
	[tilespmem:$0x1FC00] =	vst v63  }
0x54: {  	_ =	swait.ge [sflag:s9], $0x1F400  }
0x55: {  	[sflag:s9] =	ssyncset.done $0x0  }
0x56: {  	[sflag:s9] =	ssyncadd.s32 $0xFFFE0C00  }
0x57: {  	_ =	sfence.sel $0x180000  }
0x58: {  	[bflag:$0x0] =	sbarrier.arrive $0xFFFF  }
0x59: {  	p0 =	sne.s32 s1, $0x0;
	_ =	strace $0x90000062  }
0x5a: {  	s0 =	sadd.s32 @!p0 $0x100000, s0;
	[bflag:$0x2] =	sbarrier.arrive $0xFFFF  }
0x5b: {  	[sflag:s0] =	ssyncadd.tile.s32 @!p0 $0x1;
	_ =	shalt  }
.Lfunc_end2:
_tile_overlayer_lowered:
.L_overlay_start_2:
0x5c: {  	(tag) =	ssettag $0x2  }
0x5d: {  	s0 =	rddreg [dreg:$0x0];
	s2 =	stileid.u32  }
0x5e: {  	s1 =	rddreg [dreg:$0x1];
	p0 =	sne.s32 s2, $0x0  }
0x5f: {  	s3 =	rddreg [dreg:$0x2];
	[bflag:$0x3] =	sbarrier.arrive $0xFFFF;
	s2 =	simm.s32 @!p0 $0x1C02  }
0x60: {  	[timem:s3], [sflag:s2] =	dma.local @!p0 [hbm:s0], s1  }
0x61: {  	s0 =	simm.s32 @!p0 $0x2  }
0x62: {  	_ =	swait.ge @!p0 [sflag:s0], s1  }
0x63: {  	s1 =	ssub.s32 @!p0 $0x0, s1;
	[sflag:s0] =	ssyncset.done @!p0 $0x0  }
0x64: {  	[sflag:s0] =	ssyncadd.s32 @!p0 s1  }
0x65: {  	[bflag:$0x3] =	sbarrier.arrive $0xFFFF  }
0x66: {  	_ =	shalt  }

// kernel: kernel.58.cloned.1.call-start
scs
__scs_entry_jumppad:
0x0: {  	(pc) =	sbr.rel $0x88, $3  }
0x1: {  	(tag) =	ssettag $0x0;
	lr =	simm.s32 $0x1  }
0x2: {  	[smem:$0x3F8F] =	sst lr;
	_ =	strace $0xD0000000  }
0x3: {  	_ = 	snop  }
0x4: {  	_ = 	snop  }
0x5: {  	_ = 	snop  }
0x6: {  	_ = 	snop  }
0x7: {  	_ = 	snop  }
__scs_overlays_trampoline_lowered:
0x8: {  	[smem:$0x3F9E] =	sst s0  }
0x9: {  	[smem:$0x3F9F] =	sst s1  }
0xa: {  	[smem:$0x3FA0] =	sst s2  }
0xb: {  	[smem:$0x3FA1] =	sst s3  }
0xc: {  	[smem:$0x3FA2] =	sst s4  }
0xd: {  	[smem:$0x3FA3] =	sst s5  }
0xe: {  	[smem:$0x3FA4] =	sst s6  }
0xf: {  	[smem:$0x3FA5] =	sst s7  }
0x10: {  	[smem:$0x3FA6] =	sst s8  }
0x11: {  	[smem:$0x3FA7] =	sst s9;
	s0 =	simm.s32 @!p0 $0x0  }
0x12: {  	s1 =	sld [smem:$0x3F8D];
	s0 =	simm.s32 @p0 $0x1  }
0x13: {  	[smem:$0x3FA8] =	sst s0;
	s0 =	simm.s32 @!p1 $0x0  }
0x14: {  	s2 =	sld [smem:$0x3F8C];
	s0 =	simm.s32 @p1 $0x1  }
0x15: {  	[smem:$0x3FA9] =	sst s0;
	s0 =	simm.s32 @!p2 $0x0  }
0x16: {  	s3 =	sld [smem:$0x3FDB];
	s0 =	simm.s32 @p2 $0x1  }
0x17: {  	s4 =	simm.s32 $0x1BF5;
	[smem:$0x3FAB] =	sst s0  }
0x18: {  	s0 =	sld [smem:$0x3F8E];
	_ =	swait.ge [sflag:s4], $0x0  }
0x19: {  	s7 =	sld [smem:$0x3F8F]  }
0x1a: {  	s8 =	sadd.s32 $0xFFFFE003, lr  }
0x1b: {  	s9 =	sadd.s32 $0xFFFFFEF7, lr;
	s5 =	simm.s32 $0xFFFFFFFF;
	p2 =	slt.u32 s8, $0xFFFFF086  }
0x1c: {  	p1 =	slt.u32 s9, $0xF7A;
	s5 =	simm.s32 @!p2 $0x0  }
0x1d: {  	s5 =	simm.s32 @p1 $0x1;
	p0 =	seq.s32 s7, s2  }
0x1e: {  	s7 =	smul.u32 @!p0 $0xF7A, s2;
	p2 =	seq.s32 @!p0 s5, $0x0  }
0x1f: {  	s9 =	smul.u32 $0xF7A, s1;
	s8 =	simm.s32 @!p0 $0x1BF5;
	p2 =	por !p2, p0  }
0x20: {  	[sflag:s8] =	ssyncset.s32 @!p0 $0xFFFFF086;
	s6 =	sadd.s32 @!p0 s3, s7;
	s7 =	simm.s32 @!p0 $0x108  }
0x21: {  	s3 =	sadd.s32 s3, s9;
	s6 =	sadd.s32 @!p0 $0x88, s6;
	s7 =	simm.s32 @p2 $0x1082  }
0x22: {  	[simem:s7], [sflag:s8] =	dma.local @!p0 [hbm:s6], $0xF7A  }
0x23: {  	s9 =	sor.u32 $0xD0000000, s2;
	s6 =	simm.s32 $0x108;
	_ =	swait.ge @!p0 [sflag:s8], $0x0  }
0x24: {  	s3 =	sadd.s32 $0x88, s3;
	s6 =	simm.s32 @!p1 $0x1082;
	[sflag:s4] =	ssyncset.s32 $0xFFFFF086  }
0x25: {  	[simem:s6], [sflag:s4] =	dma.local [hbm:s3], $0xF7A  }
0x26: {  	[smem:$0x3F8F] =	sst s1;
	(tag) =	ssettag s2;
	_ =	strace s9  }
0x27: {  	s1 =	sld [smem:$0x3F9F]  }
0x28: {  	s2 =	sld [smem:$0x3FA0]  }
0x29: {  	s4 =	sld [smem:$0x3FA2]  }
0x2a: {  	p0 =	seq.s32 s5, $0x0;
	s5 =	sld [smem:$0x3FA3]  }
0x2b: {  	s6 =	sld [smem:$0x3FA4]  }
0x2c: {  	s7 =	sld [smem:$0x3FA5]  }
0x2d: {  	s3 =	simm.s32 $0x108;
	s8 =	sld [smem:$0x3FA6]  }
0x2e: {  	s3 =	simm.s32 @!p0 $0x1082;
	s9 =	sld [smem:$0x3FA7]  }
0x2f: {  	lr =	sadd.s32 s0, s3;
	s0 =	sld [smem:$0x3F9E]  }
0x30: {  	s3 =	sld [smem:$0x3FA1]  }
0x31: {  	[smem:$0x3FAA] =	sst s10  }
0x32: {  	s10 =	sld [smem:$0x3FA8];
	_ =	sdelay $0x3  }
0x33: {  	p0 =	seq.s32 s10, $0x1;
	s10 =	sld [smem:$0x3FAA];
	_ =	sdelay $0x3  }
0x34: {  	[smem:$0x3FAA] =	sst s10  }
0x35: {  	s10 =	sld [smem:$0x3FA9];
	_ =	sdelay $0x3  }
0x36: {  	p1 =	seq.s32 s10, $0x1;
	s10 =	sld [smem:$0x3FAA];
	_ =	sdelay $0x3  }
0x37: {  	[smem:$0x3FAA] =	sst s10  }
0x38: {  	s10 =	sld [smem:$0x3FAB]  }
0x39: {  	_ = 	snop;
	(pc) =	sbr.ind lr, $3  }
0x3a: {  	_ = 	snop  }
0x3b: {  	_ = 	snop  }
0x3c: {  	p2 =	seq.s32 s10, $0x1;
	s10 =	sld [smem:$0x3FAA]  }
0x3d: {  	_ =	shalt  }
0x3e: {  	_ =	shalt  }
0x3f: {  	_ =	shalt  }
0x40: {  	_ =	shalt  }
0x41: {  	_ =	shalt  }
0x42: {  	_ =	shalt  }
0x43: {  	_ =	shalt  }
0x44: {  	_ =	shalt  }
0x45: {  	_ =	shalt  }
0x46: {  	_ =	shalt  }
0x47: {  	_ =	shalt  }
0x48: {  	_ =	shalt  }
0x49: {  	_ =	shalt  }
0x4a: {  	_ =	shalt  }
0x4b: {  	_ =	shalt  }
0x4c: {  	_ =	shalt  }
0x4d: {  	_ =	shalt  }
0x4e: {  	_ =	shalt  }
0x4f: {  	_ =	shalt  }
0x50: {  	_ =	shalt  }
0x51: {  	_ =	shalt  }
0x52: {  	_ =	shalt  }
0x53: {  	_ =	shalt  }
0x54: {  	_ =	shalt  }
0x55: {  	_ =	shalt  }
0x56: {  	_ =	shalt  }
0x57: {  	_ =	shalt  }
0x58: {  	_ =	shalt  }
0x59: {  	_ =	shalt  }
0x5a: {  	_ =	shalt  }
0x5b: {  	_ =	shalt  }
0x5c: {  	_ =	shalt  }
0x5d: {  	_ =	shalt  }
0x5e: {  	_ =	shalt  }
0x5f: {  	_ =	shalt  }
0x60: {  	_ =	shalt  }
0x61: {  	_ =	shalt  }
0x62: {  	_ =	shalt  }
0x63: {  	_ =	shalt  }
0x64: {  	_ =	shalt  }
0x65: {  	_ =	shalt  }
0x66: {  	_ =	shalt  }
0x67: {  	_ =	shalt  }
0x68: {  	_ =	shalt  }
0x69: {  	_ =	shalt  }
0x6a: {  	_ =	shalt  }
0x6b: {  	_ =	shalt  }
0x6c: {  	_ =	shalt  }
0x6d: {  	_ =	shalt  }
0x6e: {  	_ =	shalt  }
0x6f: {  	_ =	shalt  }
0x70: {  	_ =	shalt  }
0x71: {  	_ =	shalt  }
0x72: {  	_ =	shalt  }
0x73: {  	_ =	shalt  }
0x74: {  	_ =	shalt  }
0x75: {  	_ =	shalt  }
0x76: {  	_ =	shalt  }
0x77: {  	_ =	shalt  }
0x78: {  	_ =	shalt  }
0x79: {  	_ =	shalt  }
0x7a: {  	_ =	shalt  }
0x7b: {  	_ =	shalt  }
0x7c: {  	_ =	shalt  }
0x7d: {  	_ =	shalt  }
0x7e: {  	_ =	shalt  }
0x7f: {  	_ =	shalt  }
0x80: {  	_ =	shalt  }
0x81: {  	_ =	shalt  }
0x82: {  	_ =	shalt  }
0x83: {  	_ =	shalt  }
0x84: {  	_ =	shalt  }
0x85: {  	_ =	shalt  }
0x86: {  	_ =	shalt  }
0x87: {  	_ =	shalt  }
.Lfunc_end0:
.L_simem_size_0:
called_computation.10_lowered:
.L_overlay_start_0:
0x88: {  	s2 =	sld [smem:$0x3FD9]  }
0x89: {  	s3 =	sld [smem:$0x3FFE];
	_ =	sdelay $0x1  }
0x8a: {  	s1 =	srdreg.scid  }
0x8b: {  	s0 =	sand.u32 $0x1, s1  }
0x8c: {  	s15 =	sshll.u32 s0, $0xA;
	s2 =	sadd.s32 s3, s2  }
0x8d: {  	s2 =	sadd.s32 s2, s15  }
0x8e: {  	[smem:$0x3FB6] =	sst s2  }
0x8f: {  	_ = 	snop  }
0x90: {  	s2 =	sld [smem:$0x3FD0];
	_ =	sdelay $0x2  }
0x91: {  	s4 =	simm.s32 $0xB;
	s16 =	simm.s32 $0x10  }
0x92: {  	[smem:s16], [sflag:s4] =	dma.local [hbm:s2], $0x1  }
0x93: {  	_ =	swait.eq [sflag:s4], $0x1  }
0x94: {  	[sflag:s4] =	ssyncset.done $0x0  }
0x95: {  	s17 =	sld [smem:$0x10];
	[sflag:s4] =	ssyncadd.s32 $0xFFFFFFFF  }
0x96: {  	s18 =	sld [smem:$0x11];
	(tm) =	ssettm $0x1  }
0x97: {  	s19 =	sld [smem:$0x3FFB];
	_ =	sdelay $0x3  }
0x98: {  	_ =	strace s19  }
0x99: {  	s2 =	sld [smem:$0x3FFC];
	_ =	sdelay $0x3  }
0x9a: {  	_ =	strace s2  }
0x9b: {  	s2 =	sld [smem:$0x3FFD];
	_ =	sdelay $0x3  }
0x9c: {  	_ =	strace s2  }
0x9d: {  	_ =	strace $0x8FFFFFFF  }
0x9e: {  	s20 =	sld [smem:$0x3FDB];
	_ =	sdelay $0x1  }
0x9f: {  	s5 =	simm.s32 $_scs_section_size  }
0xa0: {  	s6 =	simm.s32 $_size__tile_overlayer_lowered;
	s7 =	simm.s32 $_tile_overlayer_lowered  }
0xa1: {  	s8 =	simm.s32 $0x1BFF;
	s21 =	sshll.u32 s7, $0x1;
	s5 =	sadd.s32 s5, s20  }
0xa2: {  	s22 =	simm.s32 $0x0;
	s6 =	sshll.u32 s6, $0x1;
	s7 =	sadd.s32 s21, s5  }
0xa3: {  	[timem:s22], [sflag:s8] =	dma.local [hbm:s7], s6  }
0xa4: {  	_ =	swait.ge [sflag:s8], s6  }
0xa5: {  	s6 =	ssub.s32 $0x0, s6;
	[sflag:s8] =	ssyncset.done $0x0  }
0xa6: {  	[sflag:s8] =	ssyncadd.s32 s6;
	_ =	sdelay $0x1  }
0xa7: {  	s23 =	simm.s32 $0x1B8B  }
0xa8: {  	_ =	swait.ge [sflag:s23], $0x1  }
0xa9: {  	[sflag:s23] =	ssyncset.done $0x0  }
0xaa: {  	[sflag:s23] =	ssyncadd.s32 $0xFFFFFFFF  }
0xab: {  	s6 =	sld [smem:$0x0]  }
0xac: {  	s7 =	sand.u32 $0xFFFFFFFE, s1  }
0xad: {  	p0 =	sne.s32 s1, s7  }
0xae: {  	s7 =	sshll.u32 @p0 s7, $0xE  }
0xaf: {  	s7 =	sadd.s32 @p0 $0x11B8D, s7;
	s8 =	sshll.u32 @p0 s6, $0x11  }
0xb0: {  	s7 =	sor.u32 @p0 s8, s7  }
0xb1: {  	[sflag:s7] =	ssyncadd.remote.s32 @p0 $0x1;
	_ =	sdelay $0x1  }
0xb2: {  	s7 =	simm.s32 @p0 $0x1B8D  }
0xb3: {  	_ =	swait.eq @p0 [sflag:s7], $0x1  }
0xb4: {  	[sflag:s7] =	ssyncadd.s32 @p0 $0xFFFFFFFF  }
0xb5: {  	s8 =	sshll.u32 @!p0 s1, $0xE  }
0xb6: {  	s8 =	sor.u32 @!p0 $0x4000, s8;
	s7 =	simm.s32 @!p0 $0x1B8D  }
0xb7: {  	s6 =	sshll.u32 @!p0 s6, $0x11;
	s8 =	sadd.s32 @!p0 $0x11B8D, s8;
	_ =	swait.eq @!p0 [sflag:s7], $0x1  }
0xb8: {  	s6 =	sor.u32 @!p0 s6, s8;
	[sflag:s7] =	ssyncadd.s32 @!p0 $0xFFFFFFFF  }
0xb9: {  	s25 =	simm.s32 $0x1B8E;
	s24 =	sld [smem:$0x3FFE];
	[sflag:s6] =	ssyncadd.remote.s32 @!p0 $0x1  }
0xba: {  	s26 =	simm.s32 $execute0_lowered;
	[smem:$0x3FD2] =	sst s25  }
0xbb: {  	s7 =	sshll.u32 s26, $0x1;
	_ =	strace $0x80000067;
	[dreg:$0x1] =	wrdreg $0xFFFFFFFF  }
0xbc: {  	s28 =	simm.s32 $_size_execute0_lowered;
	s5 =	sadd.s32 s5, s7;
	[dreg:$0x0] =	wrdreg $0x0  }
0xbd: {  	s7 =	sshll.u32 s28, $0x1;
	[dreg:$0x2] =	wrdreg s5  }
0xbe: {  	[dreg:$0x3] =	wrdreg s7  }
0xbf: {  	[dreg:$0x4] =	wrdreg $0xC0  }
0xc0: {  	_ =	task [dreg:s22], $0x5FFFF  }
0xc1: {  	[dreg:$0x1] =	wrdreg $0xFFFFFFFF  }
0xc2: {  	[dreg:$0x0] =	wrdreg $0x60  }
0xc3: {  	[dreg:$0x2] =	wrdreg s24  }
0xc4: {  	[dreg:$0x3] =	wrdreg s18  }
0xc5: {  	[dreg:$0x4] =	wrdreg s17  }
0xc6: {  	[dreg:$0x5] =	wrdreg $0x33900  }
0xc7: {  	[dreg:$0x6] =	wrdreg $0x9  }
0xc8: {  	_ =	task.clear_ibuf [dreg:s22], $0x7FFFF;
	_ =	strace $0x90000067  }
0xc9: {  	s29 =	simm.s32 $0x9;
	_ =	strace $0x80000069  }
0xca: {  	_ =	swait.ge [sflag:s29], $0x1  }
0xcb: {  	[sflag:s29] =	ssyncadd.s32 $0xFFFFFFFF  }
0xcc: {  	_ =	strace $0x90000069  }
0xcd: {  	_ =	sfence  }
0xce: {  	s30 =	sld [smem:$0x0];
	_ =	sdelay $0x2  }
0xcf: {  	s31 =	sshll.u32 s1, $0xD;
	s1 =	sshrl.u32 s1, $0x2  }
0xd0: {  	s4 =	sand.u32 $0x4000, s31;
	s1 =	sadd.s32 s1, s30  }
0xd1: {  	s0 =	sor.u32 s4, s0;
	s1 =	sshll.u32 s1, $0x11  }
0xd2: {  	s0 =	sor.u32 s1, s0  }
0xd3: {  	s0 =	sadd.s32 $0x8F2B, s0  }
0xd4: {  	[sflag:s0] =	ssyncadd.remote.s32 $0x1  }
0xd5: {  	_ =	sfence.sel $0xFFFF  }
0xd6: {  	[dreg:$0x0] =	wrdreg $0xFFFFFFFF;
	(pc) =	sbr.abs _section_cstart, $3  }
0xd7: {  	[dreg:$0x1] =	wrdreg $0xFFFFFFFF  }
0xd8: {  	_ =	task.clear_ibuf [dreg:s22], $0x2FFFF;
	_ =	strace $0x9FFFFFFF  }
0xd9: {  	(tm) =	ssettm $0x7FFFFFFF  }
tec
execute0_lowered:
.L_overlay_start_1:
0x0: {  	(tag) =	ssettag $0x1  }
0x1: {  	s4 =	rddreg [dreg:$0x0]  }
0x2: {  	s5 =	rddreg [dreg:$0x1]  }
0x3: {  	s6 =	rddreg [dreg:$0x2]  }
0x4: {  	s2 =	rddreg [dreg:$0x3]  }
0x5: {  	s0 =	rddreg [dreg:$0x4];
	s1 =	stileid.u32  }
0x6: {  	s3 =	simm.s32 $0x0;
	s8 =	srdreg.scid;
	s7 =	smul.u32 $0xC3500, s1  }
0x7: {  	s14 =	simm.s32 $0x190;
	s15 =	simm.s32 $0x0;
	s9 =	smul.u32 $0x186A, s1  }
0x8: {  	[smem:$0x7FF] =	sst s3;
	s8 =	sand.u32 $0x1, s8;
	s11 =	smul.u32 $0x186A0, s1  }
0x9: {  	s31 =	sshll.u32 s1, $0x6;
	_ =	strace $0x80000068;
	s10 =	ssub.s32 $0x2, s8  }
0xa: {  	s13 =	smul.u32 $0x186A00, s8;
	s8 =	sshll.u32 s8, $0x2;
	s7 =	sadd.s32 s7, s4  }
0xb: {  	s12 =	sshrl.u32 s10, $0x1;
	s9 =	sadd.s32 s9, s4;
	s28 =	sshrl.u32 s11, $0x3  }
0xc: {  	s29 =	sadd.s32 s11, s2;
	s10 =	ssub.s32 s10, s12;
	s4 =	sadd.s32 s5, s28  }
0xd: {  	s30 =	sadd.s32 s11, s13;
	s5 =	sor.u32 $0x1C01, s31;
	s8 =	sadd.s32 s8, s7  }
0xe: {  	s9 =	sadd.s32 $0xF1400, s9;
	s11 =	simm.s32 $0x1;
	s12 =	simm.s32 $0x20  }
0xf: {  	s13 =	sshrl.u32 s30, $0x3;
	s7 =	smax.u32 s10, $0x1;
	s8 =	sadd.s32 $0x3F9A800, s8  }
0x10: {  	s10 =	sshrl.u32 s29, $0x3;
	s6 =	sadd.s32 s6, s13;
	s13 =	simm.s32 $0x80  }
.LBB2_1:
0x11: {  	[spmem:s10], [sflag:s5] =	dma.local [hbm:s4], $0x30D4  }
0x12: {  	_ =	swait.ge [sflag:s11], $0x30D4  }
0x13: {  	[sflag:s11] =	ssyncset.done $0x0  }
0x14: {  	[sflag:s11] =	ssyncadd.s32 $0xFFFFCF2C  }
0x15: {  	s16 =	sadd.s32 $0x0, s9;
	[bflag:$0x0] =	sbarrier.arrive $0xFFFF  }
0x16: {  	[tilespmem:s3], [sflag:$0x1] =	stream.linear.gather [hbm4b:s16+s3], $0x190, $0x38;
	[tilespmem:$0x1BA30] =	vst v63  }
0x17: {  	_ =	swait.ge [sflag:s11], $0x190  }
0x18: {  	[sflag:s11] =	ssyncset.done $0x0  }
0x19: {  	[sflag:s11] =	ssyncadd.s32 $0xFFFFFE70  }
0x1a: {  	[tilespmem:s14], [sflag:$0x1] =	stream.strided.gather [hbm4b:s8+s12], $0x3200, s13, s12, $0x38;
	[tilespmem:$0x1BA30] =	vst v63  }
0x1b: {  	_ =	swait.ge [sflag:s11], $0x3200  }
0x1c: {  	[sflag:s11] =	ssyncset.done $0x0  }
0x1d: {  	[sflag:s11] =	ssyncadd.s32 $0xFFFFCE00  }
0x1e: {  	[spmem:s2] =	stream.indirect.scatter.add.f32 [tilespmem:s14], [sflag:$0x1], $0x20, s3, s14, $0xb8;
	[tilespmem:$0x1BA30] =	vst v63  }
0x1f: {  	s17 =	simm.s32 $0x32;
	_ =	swait.ge [sflag:s11], $0x3200  }
0x20: {  	s18 =	simm.s32 $0x64;
	s16 =	sadd.s32 $0x1900, s8;
	[sflag:s11] =	ssyncset.done $0x0  }
.LBB2_2:
0x21: {  	s19 =	sadd.s32 s17, s9  }
0x22: {  	[sflag:s11] =	ssyncadd.s32 $0xFFFFCE00;
	s17 =	smov.u32 s18;
	s20 =	sadd.s32 $0x32, s18  }
0x23: {  	[tilespmem:s3], [sflag:$0x1] =	stream.linear.gather [hbm4b:s19+s3], $0x190, $0x38;
	[tilespmem:$0x1BA30] =	vst v63  }
0x24: {  	p0 =	sne.s32 s18, $0x1838;
	_ =	swait.ge [sflag:s11], $0x190  }
0x25: {  	[sflag:s11] =	ssyncset.done $0x0  }
0x26: {  	[sflag:s11] =	ssyncadd.s32 $0xFFFFFE70  }
0x27: {  	[tilespmem:s14], [sflag:$0x1] =	stream.strided.gather [hbm4b:s16+s12], $0x3200, s13, s12, $0x38;
	[tilespmem:$0x1BA30] =	vst v63  }
0x28: {  	_ =	swait.ge [sflag:s11], $0x3200  }
.Ltmp0:
0x29: {  	[sflag:s11] =	ssyncset.done $0x0;
	(pc) =	sbr.rel @p0 .LBB2_2-.Ltmp0, $4  }
0x2a: {  	[sflag:s11] =	ssyncadd.s32 $0xFFFFCE00  }
0x2b: {  	[spmem:s2] =	stream.indirect.scatter.add.f32 [tilespmem:s14], [sflag:$0x1], $0x20, s3, s14, $0xb8;
	[tilespmem:$0x1BA30] =	vst v63  }
0x2c: {  	_ =	swait.ge [sflag:s11], $0x3200  }
0x2d: {  	s18 =	smov.u32 s20;
	s16 =	sadd.s32 $0x1900, s16;
	[sflag:s11] =	ssyncset.done $0x0  }
0x2e: {  	s17 =	sadd.s32 s17, s9;
	[sflag:s11] =	ssyncadd.s32 $0xFFFFCE00  }
0x2f: {  	[tilespmem:s3], [sflag:$0x1] =	stream.linear.gather [hbm4b:s17+s3], $0x190, $0x38;
	[tilespmem:$0x1BA30] =	vst v63  }
0x30: {  	_ =	swait.ge [sflag:s11], $0x190  }
0x31: {  	[sflag:s11] =	ssyncset.done $0x0  }
0x32: {  	[sflag:s11] =	ssyncadd.s32 $0xFFFFFE70  }
0x33: {  	[tilespmem:s14], [sflag:$0x1] =	stream.strided.gather [hbm4b:s16+s12], $0x3200, s13, s12, $0x38;
	[tilespmem:$0x1BA30] =	vst v63  }
0x34: {  	_ =	swait.ge [sflag:s11], $0x3200  }
0x35: {  	[sflag:s11] =	ssyncset.done $0x0  }
0x36: {  	[sflag:s11] =	ssyncadd.s32 $0xFFFFCE00  }
0x37: {  	[spmem:s2] =	stream.indirect.scatter.add.f32 [tilespmem:s14], [sflag:$0x1], $0x20, s3, s14, $0xb8;
	[tilespmem:$0x1BA30] =	vst v63  }
0x38: {  	_ =	swait.ge [sflag:s11], $0x3200  }
0x39: {  	s15 =	sadd.s32 $0x1, s15;
	[sflag:s11] =	ssyncset.done $0x0  }
0x3a: {  	p0 =	sne.s32 s15, s7;
	[sflag:s11] =	ssyncadd.s32 $0xFFFFCE00  }
.Ltmp1:
0x3b: {  	[bflag:$0x0] =	sbarrier.arrive $0xFFFF;
	(pc) =	sbr.rel @p0 .LBB2_1-.Ltmp1, $4  }
0x3c: {  	[hbm:s6], [sflag:s5] =	dma.local [spmem:s10], $0x30D4  }
0x3d: {  	_ =	swait.ge [sflag:s11], $0x30D4  }
0x3e: {  	[sflag:s11] =	ssyncset.done $0x0  }
0x3f: {  	[sflag:s11] =	ssyncadd.s32 $0xFFFFCF2C  }
0x40: {  	_ =	sfence.sel $0x180000  }
0x41: {  	[bflag:$0x0] =	sbarrier.arrive $0xFFFF  }
0x42: {  	p0 =	sne.s32 s1, $0x0;
	_ =	strace $0x90000068  }
0x43: {  	s0 =	sadd.s32 @!p0 $0x100000, s0;
	[bflag:$0x2] =	sbarrier.arrive $0xFFFF  }
0x44: {  	[sflag:s0] =	ssyncadd.tile.s32 @!p0 $0x1;
	_ =	shalt  }
.Lfunc_end2:
_tile_overlayer_lowered:
.L_overlay_start_2:
0x45: {  	(tag) =	ssettag $0x2  }
0x46: {  	s0 =	rddreg [dreg:$0x0];
	s2 =	stileid.u32  }
0x47: {  	s1 =	rddreg [dreg:$0x1];
	p0 =	sne.s32 s2, $0x0  }
0x48: {  	s3 =	rddreg [dreg:$0x2];
	[bflag:$0x3] =	sbarrier.arrive $0xFFFF;
	s2 =	simm.s32 @!p0 $0x1C01  }
0x49: {  	[timem:s3], [sflag:s2] =	dma.local @!p0 [hbm:s0], s1  }
0x4a: {  	s0 =	simm.s32 @!p0 $0x1  }
0x4b: {  	_ =	swait.ge @!p0 [sflag:s0], s1  }
0x4c: {  	s1 =	ssub.s32 @!p0 $0x0, s1;
	[sflag:s0] =	ssyncset.done @!p0 $0x0  }
0x4d: {  	[sflag:s0] =	ssyncadd.s32 @!p0 s1  }
0x4e: {  	[bflag:$0x3] =	sbarrier.arrive $0xFFFF  }
0x4f: {  	_ =	shalt  }

// kernel: kernel.61.cloned.1.call-start
scs
__scs_entry_jumppad:
0x0: {  	(pc) =	sbr.rel $0x88, $3  }
0x1: {  	(tag) =	ssettag $0x0;
	lr =	simm.s32 $0x1  }
0x2: {  	[smem:$0x3F8F] =	sst lr;
	_ =	strace $0xD0000000  }
0x3: {  	_ = 	snop  }
0x4: {  	_ = 	snop  }
0x5: {  	_ = 	snop  }
0x6: {  	_ = 	snop  }
0x7: {  	_ = 	snop  }
__scs_overlays_trampoline_lowered:
0x8: {  	[smem:$0x3F9E] =	sst s0  }
0x9: {  	[smem:$0x3F9F] =	sst s1  }
0xa: {  	[smem:$0x3FA0] =	sst s2  }
0xb: {  	[smem:$0x3FA1] =	sst s3  }
0xc: {  	[smem:$0x3FA2] =	sst s4  }
0xd: {  	[smem:$0x3FA3] =	sst s5  }
0xe: {  	[smem:$0x3FA4] =	sst s6  }
0xf: {  	[smem:$0x3FA5] =	sst s7  }
0x10: {  	[smem:$0x3FA6] =	sst s8  }
0x11: {  	[smem:$0x3FA7] =	sst s9;
	s0 =	simm.s32 @!p0 $0x0  }
0x12: {  	s1 =	sld [smem:$0x3F8D];
	s0 =	simm.s32 @p0 $0x1  }
0x13: {  	[smem:$0x3FA8] =	sst s0;
	s0 =	simm.s32 @!p1 $0x0  }
0x14: {  	s2 =	sld [smem:$0x3F8C];
	s0 =	simm.s32 @p1 $0x1  }
0x15: {  	[smem:$0x3FA9] =	sst s0;
	s0 =	simm.s32 @!p2 $0x0  }
0x16: {  	s3 =	sld [smem:$0x3FDB];
	s0 =	simm.s32 @p2 $0x1  }
0x17: {  	s4 =	simm.s32 $0x1BF5;
	[smem:$0x3FAB] =	sst s0  }
0x18: {  	s0 =	sld [smem:$0x3F8E];
	_ =	swait.ge [sflag:s4], $0x0  }
0x19: {  	s7 =	sld [smem:$0x3F8F]  }
0x1a: {  	s8 =	sadd.s32 $0xFFFFE003, lr  }
0x1b: {  	s9 =	sadd.s32 $0xFFFFFEF7, lr;
	s5 =	simm.s32 $0xFFFFFFFF;
	p2 =	slt.u32 s8, $0xFFFFF086  }
0x1c: {  	p1 =	slt.u32 s9, $0xF7A;
	s5 =	simm.s32 @!p2 $0x0  }
0x1d: {  	s5 =	simm.s32 @p1 $0x1;
	p0 =	seq.s32 s7, s2  }
0x1e: {  	s7 =	smul.u32 @!p0 $0xF7A, s2;
	p2 =	seq.s32 @!p0 s5, $0x0  }
0x1f: {  	s9 =	smul.u32 $0xF7A, s1;
	s8 =	simm.s32 @!p0 $0x1BF5;
	p2 =	por !p2, p0  }
0x20: {  	[sflag:s8] =	ssyncset.s32 @!p0 $0xFFFFF086;
	s6 =	sadd.s32 @!p0 s3, s7;
	s7 =	simm.s32 @!p0 $0x108  }
0x21: {  	s3 =	sadd.s32 s3, s9;
	s6 =	sadd.s32 @!p0 $0x88, s6;
	s7 =	simm.s32 @p2 $0x1082  }
0x22: {  	[simem:s7], [sflag:s8] =	dma.local @!p0 [hbm:s6], $0xF7A  }
0x23: {  	s9 =	sor.u32 $0xD0000000, s2;
	s6 =	simm.s32 $0x108;
	_ =	swait.ge @!p0 [sflag:s8], $0x0  }
0x24: {  	s3 =	sadd.s32 $0x88, s3;
	s6 =	simm.s32 @!p1 $0x1082;
	[sflag:s4] =	ssyncset.s32 $0xFFFFF086  }
0x25: {  	[simem:s6], [sflag:s4] =	dma.local [hbm:s3], $0xF7A  }
0x26: {  	[smem:$0x3F8F] =	sst s1;
	(tag) =	ssettag s2;
	_ =	strace s9  }
0x27: {  	s1 =	sld [smem:$0x3F9F]  }
0x28: {  	s2 =	sld [smem:$0x3FA0]  }
0x29: {  	s4 =	sld [smem:$0x3FA2]  }
0x2a: {  	p0 =	seq.s32 s5, $0x0;
	s5 =	sld [smem:$0x3FA3]  }
0x2b: {  	s6 =	sld [smem:$0x3FA4]  }
0x2c: {  	s7 =	sld [smem:$0x3FA5]  }
0x2d: {  	s3 =	simm.s32 $0x108;
	s8 =	sld [smem:$0x3FA6]  }
0x2e: {  	s3 =	simm.s32 @!p0 $0x1082;
	s9 =	sld [smem:$0x3FA7]  }
0x2f: {  	lr =	sadd.s32 s0, s3;
	s0 =	sld [smem:$0x3F9E]  }
0x30: {  	s3 =	sld [smem:$0x3FA1]  }
0x31: {  	[smem:$0x3FAA] =	sst s10  }
0x32: {  	s10 =	sld [smem:$0x3FA8];
	_ =	sdelay $0x3  }
0x33: {  	p0 =	seq.s32 s10, $0x1;
	s10 =	sld [smem:$0x3FAA];
	_ =	sdelay $0x3  }
0x34: {  	[smem:$0x3FAA] =	sst s10  }
0x35: {  	s10 =	sld [smem:$0x3FA9];
	_ =	sdelay $0x3  }
0x36: {  	p1 =	seq.s32 s10, $0x1;
	s10 =	sld [smem:$0x3FAA];
	_ =	sdelay $0x3  }
0x37: {  	[smem:$0x3FAA] =	sst s10  }
0x38: {  	s10 =	sld [smem:$0x3FAB]  }
0x39: {  	_ = 	snop;
	(pc) =	sbr.ind lr, $3  }
0x3a: {  	_ = 	snop  }
0x3b: {  	_ = 	snop  }
0x3c: {  	p2 =	seq.s32 s10, $0x1;
	s10 =	sld [smem:$0x3FAA]  }
0x3d: {  	_ =	shalt  }
0x3e: {  	_ =	shalt  }
0x3f: {  	_ =	shalt  }
0x40: {  	_ =	shalt  }
0x41: {  	_ =	shalt  }
0x42: {  	_ =	shalt  }
0x43: {  	_ =	shalt  }
0x44: {  	_ =	shalt  }
0x45: {  	_ =	shalt  }
0x46: {  	_ =	shalt  }
0x47: {  	_ =	shalt  }
0x48: {  	_ =	shalt  }
0x49: {  	_ =	shalt  }
0x4a: {  	_ =	shalt  }
0x4b: {  	_ =	shalt  }
0x4c: {  	_ =	shalt  }
0x4d: {  	_ =	shalt  }
0x4e: {  	_ =	shalt  }
0x4f: {  	_ =	shalt  }
0x50: {  	_ =	shalt  }
0x51: {  	_ =	shalt  }
0x52: {  	_ =	shalt  }
0x53: {  	_ =	shalt  }
0x54: {  	_ =	shalt  }
0x55: {  	_ =	shalt  }
0x56: {  	_ =	shalt  }
0x57: {  	_ =	shalt  }
0x58: {  	_ =	shalt  }
0x59: {  	_ =	shalt  }
0x5a: {  	_ =	shalt  }
0x5b: {  	_ =	shalt  }
0x5c: {  	_ =	shalt  }
0x5d: {  	_ =	shalt  }
0x5e: {  	_ =	shalt  }
0x5f: {  	_ =	shalt  }
0x60: {  	_ =	shalt  }
0x61: {  	_ =	shalt  }
0x62: {  	_ =	shalt  }
0x63: {  	_ =	shalt  }
0x64: {  	_ =	shalt  }
0x65: {  	_ =	shalt  }
0x66: {  	_ =	shalt  }
0x67: {  	_ =	shalt  }
0x68: {  	_ =	shalt  }
0x69: {  	_ =	shalt  }
0x6a: {  	_ =	shalt  }
0x6b: {  	_ =	shalt  }
0x6c: {  	_ =	shalt  }
0x6d: {  	_ =	shalt  }
0x6e: {  	_ =	shalt  }
0x6f: {  	_ =	shalt  }
0x70: {  	_ =	shalt  }
0x71: {  	_ =	shalt  }
0x72: {  	_ =	shalt  }
0x73: {  	_ =	shalt  }
0x74: {  	_ =	shalt  }
0x75: {  	_ =	shalt  }
0x76: {  	_ =	shalt  }
0x77: {  	_ =	shalt  }
0x78: {  	_ =	shalt  }
0x79: {  	_ =	shalt  }
0x7a: {  	_ =	shalt  }
0x7b: {  	_ =	shalt  }
0x7c: {  	_ =	shalt  }
0x7d: {  	_ =	shalt  }
0x7e: {  	_ =	shalt  }
0x7f: {  	_ =	shalt  }
0x80: {  	_ =	shalt  }
0x81: {  	_ =	shalt  }
0x82: {  	_ =	shalt  }
0x83: {  	_ =	shalt  }
0x84: {  	_ =	shalt  }
0x85: {  	_ =	shalt  }
0x86: {  	_ =	shalt  }
0x87: {  	_ =	shalt  }
.Lfunc_end0:
.L_simem_size_0:
called_computation.11_lowered:
.L_overlay_start_0:
0x88: {  	s2 =	sld [smem:$0x3FD9]  }
0x89: {  	s3 =	sld [smem:$0x3FFE];
	_ =	sdelay $0x1  }
0x8a: {  	s1 =	srdreg.scid  }
0x8b: {  	s0 =	sand.u32 $0x1, s1  }
0x8c: {  	s14 =	sshll.u32 s0, $0xA;
	s2 =	sadd.s32 s3, s2  }
0x8d: {  	s2 =	sadd.s32 s2, s14  }
0x8e: {  	[smem:$0x3FB6] =	sst s2  }
0x8f: {  	_ = 	snop  }
0x90: {  	s2 =	sld [smem:$0x3FD0];
	_ =	sdelay $0x2  }
0x91: {  	s15 =	simm.s32 $0xB;
	s4 =	simm.s32 $0x10  }
0x92: {  	[smem:s4], [sflag:s15] =	dma.local [hbm:s2], $0x1  }
0x93: {  	_ =	swait.eq [sflag:s15], $0x1  }
0x94: {  	[sflag:s15] =	ssyncset.done $0x0  }
0x95: {  	s16 =	sld [smem:$0x11];
	[sflag:s15] =	ssyncadd.s32 $0xFFFFFFFF  }
0x96: {  	s17 =	sld [smem:$0x12];
	(tm) =	ssettm $0x1  }
0x97: {  	s18 =	sld [smem:$0x3FFB];
	_ =	sdelay $0x3  }
0x98: {  	_ =	strace s18  }
0x99: {  	s4 =	sld [smem:$0x3FFC];
	_ =	sdelay $0x3  }
0x9a: {  	_ =	strace s4  }
0x9b: {  	s4 =	sld [smem:$0x3FFD];
	_ =	sdelay $0x3  }
0x9c: {  	_ =	strace s4  }
0x9d: {  	_ =	strace $0x8FFFFFFF  }
0x9e: {  	s19 =	sld [smem:$0x3FDB];
	_ =	sdelay $0x1  }
0x9f: {  	s5 =	simm.s32 $_scs_section_size  }
0xa0: {  	s6 =	simm.s32 $_size__tile_overlayer_lowered;
	s7 =	simm.s32 $_tile_overlayer_lowered  }
0xa1: {  	s22 =	simm.s32 $0x1BFF;
	s21 =	sshll.u32 s7, $0x1;
	s4 =	sadd.s32 s5, s19  }
0xa2: {  	s8 =	simm.s32 $0x0;
	s20 =	sshll.u32 s6, $0x1;
	s6 =	sadd.s32 s21, s4  }
0xa3: {  	[timem:s8], [sflag:s22] =	dma.local [hbm:s6], s20  }
0xa4: {  	_ =	swait.ge [sflag:s22], s20  }
0xa5: {  	s5 =	ssub.s32 $0x0, s20;
	[sflag:s22] =	ssyncset.done $0x0  }
0xa6: {  	[sflag:s22] =	ssyncadd.s32 s5;
	_ =	sdelay $0x1  }
0xa7: {  	s23 =	simm.s32 $0x1B8B  }
0xa8: {  	_ =	swait.ge [sflag:s23], $0x1  }
0xa9: {  	[sflag:s23] =	ssyncset.done $0x0  }
0xaa: {  	s25 =	simm.s32 $0x1B8E;
	s24 =	sld [smem:$0x3FFE];
	[sflag:s23] =	ssyncadd.s32 $0xFFFFFFFF  }
0xab: {  	s26 =	simm.s32 $execute0_lowered;
	[smem:$0x3FD2] =	sst s25  }
0xac: {  	s6 =	sshll.u32 s26, $0x1;
	_ =	strace $0x80000064;
	[dreg:$0x1] =	wrdreg $0xFFFFFFFF  }
0xad: {  	s28 =	simm.s32 $_size_execute0_lowered;
	s4 =	sadd.s32 s4, s6;
	[dreg:$0x0] =	wrdreg $0x0  }
0xae: {  	s6 =	sshll.u32 s28, $0x1;
	[dreg:$0x2] =	wrdreg s4  }
0xaf: {  	[dreg:$0x3] =	wrdreg s6  }
0xb0: {  	[dreg:$0x4] =	wrdreg $0xC0  }
0xb1: {  	_ =	task [dreg:s8], $0x5FFFF  }
0xb2: {  	[dreg:$0x1] =	wrdreg $0xFFFFFFFF  }
0xb3: {  	[dreg:$0x0] =	wrdreg $0x60  }
0xb4: {  	[dreg:$0x2] =	wrdreg s24  }
0xb5: {  	[dreg:$0x3] =	wrdreg s16  }
0xb6: {  	[dreg:$0x4] =	wrdreg s17  }
0xb7: {  	[dreg:$0x5] =	wrdreg $0x33900  }
0xb8: {  	[dreg:$0x6] =	wrdreg $0xA  }
0xb9: {  	_ =	task.clear_ibuf [dreg:s8], $0x7FFFF;
	_ =	strace $0x90000064  }
0xba: {  	s29 =	simm.s32 $0xA;
	_ =	strace $0x80000066  }
0xbb: {  	_ =	swait.ge [sflag:s29], $0x1  }
0xbc: {  	[sflag:s29] =	ssyncadd.s32 $0xFFFFFFFF  }
0xbd: {  	_ =	strace $0x90000066  }
0xbe: {  	_ =	sfence  }
0xbf: {  	s30 =	sld [smem:$0x0];
	_ =	sdelay $0x2  }
0xc0: {  	s31 =	sshll.u32 s1, $0xD;
	s1 =	sshrl.u32 s1, $0x2  }
0xc1: {  	s3 =	sand.u32 $0x4000, s31;
	s1 =	sadd.s32 s1, s30  }
0xc2: {  	s0 =	sor.u32 s3, s0;
	s1 =	sshll.u32 s1, $0x11  }
0xc3: {  	s0 =	sor.u32 s1, s0  }
0xc4: {  	s0 =	sadd.s32 $0x8F2B, s0  }
0xc5: {  	[sflag:s0] =	ssyncadd.remote.s32 $0x1  }
0xc6: {  	_ =	sfence.sel $0xFFFF  }
0xc7: {  	[dreg:$0x0] =	wrdreg $0xFFFFFFFF;
	(pc) =	sbr.abs _section_cstart, $3  }
0xc8: {  	[dreg:$0x1] =	wrdreg $0xFFFFFFFF  }
0xc9: {  	_ =	task.clear_ibuf [dreg:s8], $0x2FFFF;
	_ =	strace $0x9FFFFFFF  }
0xca: {  	(tm) =	ssettm $0x7FFFFFFF  }
0xcb: {  	_ =	shalt  }
tec
execute0_lowered:
.L_overlay_start_1:
0x0: {  	(tag) =	ssettag $0x1  }
0x1: {  	s4 =	rddreg [dreg:$0x0]  }
0x2: {  	s5 =	rddreg [dreg:$0x1]  }
0x3: {  	s6 =	rddreg [dreg:$0x2]  }
0x4: {  	s2 =	rddreg [dreg:$0x3]  }
0x5: {  	s0 =	rddreg [dreg:$0x4];
	s1 =	stileid.u32  }
0x6: {  	s3 =	simm.s32 $0x0;
	s8 =	srdreg.scid;
	s7 =	smul.u32 $0xC3500, s1  }
0x7: {  	s14 =	simm.s32 $0x190;
	s15 =	simm.s32 $0x0;
	s9 =	smul.u32 $0x186A, s1  }
0x8: {  	[smem:$0x7FF] =	sst s3;
	s8 =	sand.u32 $0x1, s8;
	s11 =	smul.u32 $0x186A0, s1  }
0x9: {  	s31 =	sshll.u32 s1, $0x6;
	_ =	strace $0x80000065;
	s10 =	ssub.s32 $0x2, s8  }
0xa: {  	s13 =	smul.u32 $0x186A00, s8;
	s8 =	sshll.u32 s8, $0x2;
	s7 =	sadd.s32 s7, s4  }
0xb: {  	s12 =	sshrl.u32 s10, $0x1;
	s9 =	sadd.s32 s9, s4;
	s28 =	sshrl.u32 s11, $0x3  }
0xc: {  	s29 =	sadd.s32 s11, s2;
	s10 =	ssub.s32 s10, s12;
	s4 =	sadd.s32 s5, s28  }
0xd: {  	s30 =	sadd.s32 s11, s13;
	s5 =	sor.u32 $0x1C01, s31;
	s8 =	sadd.s32 s8, s7  }
0xe: {  	s9 =	sadd.s32 $0xF1400, s9;
	s11 =	simm.s32 $0x1;
	s12 =	simm.s32 $0x20  }
0xf: {  	s13 =	sshrl.u32 s30, $0x3;
	s7 =	smax.u32 s10, $0x1;
	s8 =	sadd.s32 $0x3F9A808, s8  }
0x10: {  	s10 =	sshrl.u32 s29, $0x3;
	s6 =	sadd.s32 s6, s13;
	s13 =	simm.s32 $0x80  }
.LBB2_1:
0x11: {  	[spmem:s10], [sflag:s5] =	dma.local [hbm:s4], $0x30D4  }
0x12: {  	_ =	swait.ge [sflag:s11], $0x30D4  }
0x13: {  	[sflag:s11] =	ssyncset.done $0x0  }
0x14: {  	[sflag:s11] =	ssyncadd.s32 $0xFFFFCF2C  }
0x15: {  	s16 =	sadd.s32 $0x0, s9;
	[bflag:$0x0] =	sbarrier.arrive $0xFFFF  }
0x16: {  	[tilespmem:s3], [sflag:$0x1] =	stream.linear.gather [hbm4b:s16+s3], $0x190, $0x38;
	[tilespmem:$0x1BA30] =	vst v63  }
0x17: {  	_ =	swait.ge [sflag:s11], $0x190  }
0x18: {  	[sflag:s11] =	ssyncset.done $0x0  }
0x19: {  	[sflag:s11] =	ssyncadd.s32 $0xFFFFFE70  }
0x1a: {  	[tilespmem:s14], [sflag:$0x1] =	stream.strided.gather [hbm4b:s8+s12], $0x3200, s13, s12, $0x38;
	[tilespmem:$0x1BA30] =	vst v63  }
0x1b: {  	_ =	swait.ge [sflag:s11], $0x3200  }
0x1c: {  	[sflag:s11] =	ssyncset.done $0x0  }
0x1d: {  	[sflag:s11] =	ssyncadd.s32 $0xFFFFCE00  }
0x1e: {  	[spmem:s2] =	stream.indirect.scatter.add.f32 [tilespmem:s14], [sflag:$0x1], $0x20, s3, s14, $0xb8;
	[tilespmem:$0x1BA30] =	vst v63  }
0x1f: {  	s17 =	simm.s32 $0x32;
	_ =	swait.ge [sflag:s11], $0x3200  }
0x20: {  	s18 =	simm.s32 $0x64;
	s16 =	sadd.s32 $0x1900, s8;
	[sflag:s11] =	ssyncset.done $0x0  }
.LBB2_2:
0x21: {  	s19 =	sadd.s32 s17, s9  }
0x22: {  	[sflag:s11] =	ssyncadd.s32 $0xFFFFCE00;
	s17 =	smov.u32 s18;
	s20 =	sadd.s32 $0x32, s18  }
0x23: {  	[tilespmem:s3], [sflag:$0x1] =	stream.linear.gather [hbm4b:s19+s3], $0x190, $0x38;
	[tilespmem:$0x1BA30] =	vst v63  }
0x24: {  	p0 =	sne.s32 s18, $0x1838;
	_ =	swait.ge [sflag:s11], $0x190  }
0x25: {  	[sflag:s11] =	ssyncset.done $0x0  }
0x26: {  	[sflag:s11] =	ssyncadd.s32 $0xFFFFFE70  }
0x27: {  	[tilespmem:s14], [sflag:$0x1] =	stream.strided.gather [hbm4b:s16+s12], $0x3200, s13, s12, $0x38;
	[tilespmem:$0x1BA30] =	vst v63  }
0x28: {  	_ =	swait.ge [sflag:s11], $0x3200  }
.Ltmp0:
0x29: {  	[sflag:s11] =	ssyncset.done $0x0;
	(pc) =	sbr.rel @p0 .LBB2_2-.Ltmp0, $4  }
0x2a: {  	[sflag:s11] =	ssyncadd.s32 $0xFFFFCE00  }
0x2b: {  	[spmem:s2] =	stream.indirect.scatter.add.f32 [tilespmem:s14], [sflag:$0x1], $0x20, s3, s14, $0xb8;
	[tilespmem:$0x1BA30] =	vst v63  }
0x2c: {  	_ =	swait.ge [sflag:s11], $0x3200  }
0x2d: {  	s18 =	smov.u32 s20;
	s16 =	sadd.s32 $0x1900, s16;
	[sflag:s11] =	ssyncset.done $0x0  }
0x2e: {  	s17 =	sadd.s32 s17, s9;
	[sflag:s11] =	ssyncadd.s32 $0xFFFFCE00  }
0x2f: {  	[tilespmem:s3], [sflag:$0x1] =	stream.linear.gather [hbm4b:s17+s3], $0x190, $0x38;
	[tilespmem:$0x1BA30] =	vst v63  }
0x30: {  	_ =	swait.ge [sflag:s11], $0x190  }
0x31: {  	[sflag:s11] =	ssyncset.done $0x0  }
0x32: {  	[sflag:s11] =	ssyncadd.s32 $0xFFFFFE70  }
0x33: {  	[tilespmem:s14], [sflag:$0x1] =	stream.strided.gather [hbm4b:s16+s12], $0x3200, s13, s12, $0x38;
	[tilespmem:$0x1BA30] =	vst v63  }
0x34: {  	_ =	swait.ge [sflag:s11], $0x3200  }
0x35: {  	[sflag:s11] =	ssyncset.done $0x0  }
0x36: {  	[sflag:s11] =	ssyncadd.s32 $0xFFFFCE00  }
0x37: {  	[spmem:s2] =	stream.indirect.scatter.add.f32 [tilespmem:s14], [sflag:$0x1], $0x20, s3, s14, $0xb8;
	[tilespmem:$0x1BA30] =	vst v63  }
0x38: {  	_ =	swait.ge [sflag:s11], $0x3200  }
0x39: {  	s15 =	sadd.s32 $0x1, s15;
	[sflag:s11] =	ssyncset.done $0x0  }
0x3a: {  	p0 =	sne.s32 s15, s7;
	[sflag:s11] =	ssyncadd.s32 $0xFFFFCE00  }
.Ltmp1:
0x3b: {  	[bflag:$0x0] =	sbarrier.arrive $0xFFFF;
	(pc) =	sbr.rel @p0 .LBB2_1-.Ltmp1, $4  }
0x3c: {  	[hbm:s6], [sflag:s5] =	dma.local [spmem:s10], $0x30D4  }
0x3d: {  	_ =	swait.ge [sflag:s11], $0x30D4  }
0x3e: {  	[sflag:s11] =	ssyncset.done $0x0  }
0x3f: {  	[sflag:s11] =	ssyncadd.s32 $0xFFFFCF2C  }
0x40: {  	_ =	sfence.sel $0x180000  }
0x41: {  	[bflag:$0x0] =	sbarrier.arrive $0xFFFF  }
0x42: {  	p0 =	sne.s32 s1, $0x0;
	_ =	strace $0x90000065  }
0x43: {  	s0 =	sadd.s32 @!p0 $0x100000, s0;
	[bflag:$0x2] =	sbarrier.arrive $0xFFFF  }
0x44: {  	[sflag:s0] =	ssyncadd.tile.s32 @!p0 $0x1;
	_ =	shalt  }
.Lfunc_end2:
_tile_overlayer_lowered:
.L_overlay_start_2:
0x45: {  	(tag) =	ssettag $0x2  }
0x46: {  	s0 =	rddreg [dreg:$0x0];
	s2 =	stileid.u32  }
0x47: {  	s1 =	rddreg [dreg:$0x1];
	p0 =	sne.s32 s2, $0x0  }
0x48: {  	s3 =	rddreg [dreg:$0x2];
	[bflag:$0x3] =	sbarrier.arrive $0xFFFF;
	s2 =	simm.s32 @!p0 $0x1C01  }
0x49: {  	[timem:s3], [sflag:s2] =	dma.local @!p0 [hbm:s0], s1  }
0x4a: {  	s0 =	simm.s32 @!p0 $0x1  }
0x4b: {  	_ =	swait.ge @!p0 [sflag:s0], s1  }
0x4c: {  	s1 =	ssub.s32 @!p0 $0x0, s1;
	[sflag:s0] =	ssyncset.done @!p0 $0x0  }
0x4d: {  	[sflag:s0] =	ssyncadd.s32 @!p0 s1  }
0x4e: {  	[bflag:$0x3] =	sbarrier.arrive $0xFFFF  }
0x4f: {  	_ =	shalt  }

// kernel: kernel.64.cloned.1.call-start
scs
__scs_entry_jumppad:
0x0: {  	(pc) =	sbr.rel $0x88, $3  }
0x1: {  	(tag) =	ssettag $0x0;
	lr =	simm.s32 $0x1  }
0x2: {  	[smem:$0x3F8F] =	sst lr;
	_ =	strace $0xD0000000  }
0x3: {  	_ = 	snop  }
0x4: {  	_ = 	snop  }
0x5: {  	_ = 	snop  }
0x6: {  	_ = 	snop  }
0x7: {  	_ = 	snop  }
__scs_overlays_trampoline_lowered:
0x8: {  	[smem:$0x3F9E] =	sst s0  }
0x9: {  	[smem:$0x3F9F] =	sst s1  }
0xa: {  	[smem:$0x3FA0] =	sst s2  }
0xb: {  	[smem:$0x3FA1] =	sst s3  }
0xc: {  	[smem:$0x3FA2] =	sst s4  }
0xd: {  	[smem:$0x3FA3] =	sst s5  }
0xe: {  	[smem:$0x3FA4] =	sst s6  }
0xf: {  	[smem:$0x3FA5] =	sst s7  }
0x10: {  	[smem:$0x3FA6] =	sst s8  }
0x11: {  	[smem:$0x3FA7] =	sst s9;
	s0 =	simm.s32 @!p0 $0x0  }
0x12: {  	s1 =	sld [smem:$0x3F8D];
	s0 =	simm.s32 @p0 $0x1  }
0x13: {  	[smem:$0x3FA8] =	sst s0;
	s0 =	simm.s32 @!p1 $0x0  }
0x14: {  	s2 =	sld [smem:$0x3F8C];
	s0 =	simm.s32 @p1 $0x1  }
0x15: {  	[smem:$0x3FA9] =	sst s0;
	s0 =	simm.s32 @!p2 $0x0  }
0x16: {  	s3 =	sld [smem:$0x3FDB];
	s0 =	simm.s32 @p2 $0x1  }
0x17: {  	s4 =	simm.s32 $0x1BF5;
	[smem:$0x3FAB] =	sst s0  }
0x18: {  	s0 =	sld [smem:$0x3F8E];
	_ =	swait.ge [sflag:s4], $0x0  }
0x19: {  	s7 =	sld [smem:$0x3F8F]  }
0x1a: {  	s8 =	sadd.s32 $0xFFFFE003, lr  }
0x1b: {  	s9 =	sadd.s32 $0xFFFFFEF7, lr;
	s5 =	simm.s32 $0xFFFFFFFF;
	p2 =	slt.u32 s8, $0xFFFFF086  }
0x1c: {  	p1 =	slt.u32 s9, $0xF7A;
	s5 =	simm.s32 @!p2 $0x0  }
0x1d: {  	s5 =	simm.s32 @p1 $0x1;
	p0 =	seq.s32 s7, s2  }
0x1e: {  	s7 =	smul.u32 @!p0 $0xF7A, s2;
	p2 =	seq.s32 @!p0 s5, $0x0  }
0x1f: {  	s9 =	smul.u32 $0xF7A, s1;
	s8 =	simm.s32 @!p0 $0x1BF5;
	p2 =	por !p2, p0  }
0x20: {  	[sflag:s8] =	ssyncset.s32 @!p0 $0xFFFFF086;
	s6 =	sadd.s32 @!p0 s3, s7;
	s7 =	simm.s32 @!p0 $0x108  }
0x21: {  	s3 =	sadd.s32 s3, s9;
	s6 =	sadd.s32 @!p0 $0x88, s6;
	s7 =	simm.s32 @p2 $0x1082  }
0x22: {  	[simem:s7], [sflag:s8] =	dma.local @!p0 [hbm:s6], $0xF7A  }
0x23: {  	s9 =	sor.u32 $0xD0000000, s2;
	s6 =	simm.s32 $0x108;
	_ =	swait.ge @!p0 [sflag:s8], $0x0  }
0x24: {  	s3 =	sadd.s32 $0x88, s3;
	s6 =	simm.s32 @!p1 $0x1082;
	[sflag:s4] =	ssyncset.s32 $0xFFFFF086  }
0x25: {  	[simem:s6], [sflag:s4] =	dma.local [hbm:s3], $0xF7A  }
0x26: {  	[smem:$0x3F8F] =	sst s1;
	(tag) =	ssettag s2;
	_ =	strace s9  }
0x27: {  	s1 =	sld [smem:$0x3F9F]  }
0x28: {  	s2 =	sld [smem:$0x3FA0]  }
0x29: {  	s4 =	sld [smem:$0x3FA2]  }
0x2a: {  	p0 =	seq.s32 s5, $0x0;
	s5 =	sld [smem:$0x3FA3]  }
0x2b: {  	s6 =	sld [smem:$0x3FA4]  }
0x2c: {  	s7 =	sld [smem:$0x3FA5]  }
0x2d: {  	s3 =	simm.s32 $0x108;
	s8 =	sld [smem:$0x3FA6]  }
0x2e: {  	s3 =	simm.s32 @!p0 $0x1082;
	s9 =	sld [smem:$0x3FA7]  }
0x2f: {  	lr =	sadd.s32 s0, s3;
	s0 =	sld [smem:$0x3F9E]  }
0x30: {  	s3 =	sld [smem:$0x3FA1]  }
0x31: {  	[smem:$0x3FAA] =	sst s10  }
0x32: {  	s10 =	sld [smem:$0x3FA8];
	_ =	sdelay $0x3  }
0x33: {  	p0 =	seq.s32 s10, $0x1;
	s10 =	sld [smem:$0x3FAA];
	_ =	sdelay $0x3  }
0x34: {  	[smem:$0x3FAA] =	sst s10  }
0x35: {  	s10 =	sld [smem:$0x3FA9];
	_ =	sdelay $0x3  }
0x36: {  	p1 =	seq.s32 s10, $0x1;
	s10 =	sld [smem:$0x3FAA];
	_ =	sdelay $0x3  }
0x37: {  	[smem:$0x3FAA] =	sst s10  }
0x38: {  	s10 =	sld [smem:$0x3FAB]  }
0x39: {  	_ = 	snop;
	(pc) =	sbr.ind lr, $3  }
0x3a: {  	_ = 	snop  }
0x3b: {  	_ = 	snop  }
0x3c: {  	p2 =	seq.s32 s10, $0x1;
	s10 =	sld [smem:$0x3FAA]  }
0x3d: {  	_ =	shalt  }
0x3e: {  	_ =	shalt  }
0x3f: {  	_ =	shalt  }
0x40: {  	_ =	shalt  }
0x41: {  	_ =	shalt  }
0x42: {  	_ =	shalt  }
0x43: {  	_ =	shalt  }
0x44: {  	_ =	shalt  }
0x45: {  	_ =	shalt  }
0x46: {  	_ =	shalt  }
0x47: {  	_ =	shalt  }
0x48: {  	_ =	shalt  }
0x49: {  	_ =	shalt  }
0x4a: {  	_ =	shalt  }
0x4b: {  	_ =	shalt  }
0x4c: {  	_ =	shalt  }
0x4d: {  	_ =	shalt  }
0x4e: {  	_ =	shalt  }
0x4f: {  	_ =	shalt  }
0x50: {  	_ =	shalt  }
0x51: {  	_ =	shalt  }
0x52: {  	_ =	shalt  }
0x53: {  	_ =	shalt  }
0x54: {  	_ =	shalt  }
0x55: {  	_ =	shalt  }
0x56: {  	_ =	shalt  }
0x57: {  	_ =	shalt  }
0x58: {  	_ =	shalt  }
0x59: {  	_ =	shalt  }
0x5a: {  	_ =	shalt  }
0x5b: {  	_ =	shalt  }
0x5c: {  	_ =	shalt  }
0x5d: {  	_ =	shalt  }
0x5e: {  	_ =	shalt  }
0x5f: {  	_ =	shalt  }
0x60: {  	_ =	shalt  }
0x61: {  	_ =	shalt  }
0x62: {  	_ =	shalt  }
0x63: {  	_ =	shalt  }
0x64: {  	_ =	shalt  }
0x65: {  	_ =	shalt  }
0x66: {  	_ =	shalt  }
0x67: {  	_ =	shalt  }
0x68: {  	_ =	shalt  }
0x69: {  	_ =	shalt  }
0x6a: {  	_ =	shalt  }
0x6b: {  	_ =	shalt  }
0x6c: {  	_ =	shalt  }
0x6d: {  	_ =	shalt  }
0x6e: {  	_ =	shalt  }
0x6f: {  	_ =	shalt  }
0x70: {  	_ =	shalt  }
0x71: {  	_ =	shalt  }
0x72: {  	_ =	shalt  }
0x73: {  	_ =	shalt  }
0x74: {  	_ =	shalt  }
0x75: {  	_ =	shalt  }
0x76: {  	_ =	shalt  }
0x77: {  	_ =	shalt  }
0x78: {  	_ =	shalt  }
0x79: {  	_ =	shalt  }
0x7a: {  	_ =	shalt  }
0x7b: {  	_ =	shalt  }
0x7c: {  	_ =	shalt  }
0x7d: {  	_ =	shalt  }
0x7e: {  	_ =	shalt  }
0x7f: {  	_ =	shalt  }
0x80: {  	_ =	shalt  }
0x81: {  	_ =	shalt  }
0x82: {  	_ =	shalt  }
0x83: {  	_ =	shalt  }
0x84: {  	_ =	shalt  }
0x85: {  	_ =	shalt  }
0x86: {  	_ =	shalt  }
0x87: {  	_ =	shalt  }
.Lfunc_end0:
.L_simem_size_0:
called_computation.12_lowered:
.L_overlay_start_0:
0x88: {  	s2 =	sld [smem:$0x3FD9]  }
0x89: {  	s3 =	sld [smem:$0x3FFE];
	_ =	sdelay $0x1  }
0x8a: {  	s1 =	srdreg.scid  }
0x8b: {  	s0 =	sand.u32 $0x1, s1  }
0x8c: {  	s16 =	sshll.u32 s0, $0xA;
	s2 =	sadd.s32 s3, s2  }
0x8d: {  	s2 =	sadd.s32 s2, s16  }
0x8e: {  	[smem:$0x3FB6] =	sst s2  }
0x8f: {  	_ = 	snop  }
0x90: {  	(tm) =	ssettm $0x1  }
0x91: {  	s17 =	sld [smem:$0x3FFB];
	_ =	sdelay $0x3  }
0x92: {  	_ =	strace s17  }
0x93: {  	s2 =	sld [smem:$0x3FFC];
	_ =	sdelay $0x3  }
0x94: {  	_ =	strace s2  }
0x95: {  	s2 =	sld [smem:$0x3FFD];
	_ =	sdelay $0x3  }
0x96: {  	_ =	strace s2  }
0x97: {  	_ =	strace $0x8FFFFFFF  }
0x98: {  	s18 =	sld [smem:$0x3FDB];
	_ =	sdelay $0x1  }
0x99: {  	s19 =	simm.s32 $_scs_section_size  }
0x9a: {  	s4 =	simm.s32 $_size__tile_overlayer_lowered;
	s5 =	simm.s32 $_tile_overlayer_lowered  }
0x9b: {  	s22 =	simm.s32 $0x1BFF;
	s21 =	sshll.u32 s5, $0x1;
	s2 =	sadd.s32 s19, s18  }
0x9c: {  	s6 =	simm.s32 $0x0;
	s20 =	sshll.u32 s4, $0x1;
	s4 =	sadd.s32 s21, s2  }
0x9d: {  	[timem:s6], [sflag:s22] =	dma.local [hbm:s4], s20  }
0x9e: {  	_ =	swait.ge [sflag:s22], s20  }
0x9f: {  	s3 =	ssub.s32 $0x0, s20;
	[sflag:s22] =	ssyncset.done $0x0  }
0xa0: {  	[sflag:s22] =	ssyncadd.s32 s3;
	_ =	sdelay $0x1  }
0xa1: {  	s23 =	simm.s32 $0x1B8B  }
0xa2: {  	_ =	swait.ge [sflag:s23], $0x1  }
0xa3: {  	[sflag:s23] =	ssyncset.done $0x0  }
0xa4: {  	s25 =	simm.s32 $0x1B8E;
	s24 =	sld [smem:$0x3FFE];
	[sflag:s23] =	ssyncadd.s32 $0xFFFFFFFF  }
0xa5: {  	s26 =	simm.s32 $execute0_lowered;
	[smem:$0x3FD2] =	sst s25  }
0xa6: {  	s4 =	sshll.u32 s26, $0x1;
	_ =	strace $0x8000006A;
	[dreg:$0x1] =	wrdreg $0xFFFFFFFF  }
0xa7: {  	s28 =	simm.s32 $_size_execute0_lowered;
	s2 =	sadd.s32 s2, s4;
	[dreg:$0x0] =	wrdreg $0x0  }
0xa8: {  	s4 =	sshll.u32 s28, $0x1;
	[dreg:$0x2] =	wrdreg s2  }
0xa9: {  	[dreg:$0x3] =	wrdreg s4  }
0xaa: {  	[dreg:$0x4] =	wrdreg $0xC0  }
0xab: {  	_ =	task [dreg:s6], $0x5FFFF  }
0xac: {  	[dreg:$0x1] =	wrdreg $0xFFFFFFFF  }
0xad: {  	[dreg:$0x0] =	wrdreg $0x60  }
0xae: {  	[dreg:$0x2] =	wrdreg s24  }
0xaf: {  	[dreg:$0x3] =	wrdreg $0x9  }
0xb0: {  	_ =	task.clear_ibuf [dreg:s6], $0x4FFFF;
	_ =	strace $0x9000006A  }
0xb1: {  	s29 =	simm.s32 $0x9;
	_ =	strace $0x8000006C  }
0xb2: {  	_ =	swait.ge [sflag:s29], $0x1  }
0xb3: {  	[sflag:s29] =	ssyncadd.s32 $0xFFFFFFFF  }
0xb4: {  	_ =	strace $0x9000006C  }
0xb5: {  	_ =	sfence  }
0xb6: {  	s30 =	sld [smem:$0x0];
	_ =	sdelay $0x2  }
0xb7: {  	s31 =	sshll.u32 s1, $0xD;
	s1 =	sshrl.u32 s1, $0x2  }
0xb8: {  	s3 =	sand.u32 $0x4000, s31;
	s1 =	sadd.s32 s1, s30  }
0xb9: {  	s0 =	sor.u32 s3, s0;
	s1 =	sshll.u32 s1, $0x11  }
0xba: {  	s0 =	sor.u32 s1, s0  }
0xbb: {  	s0 =	sadd.s32 $0x8F2B, s0  }
0xbc: {  	[sflag:s0] =	ssyncadd.remote.s32 $0x1  }
0xbd: {  	_ =	sfence.sel $0xFFFF  }
0xbe: {  	[dreg:$0x0] =	wrdreg $0xFFFFFFFF;
	(pc) =	sbr.abs _section_cstart, $3  }
0xbf: {  	[dreg:$0x1] =	wrdreg $0xFFFFFFFF  }
0xc0: {  	_ =	task.clear_ibuf [dreg:s6], $0x2FFFF;
	_ =	strace $0x9FFFFFFF  }
0xc1: {  	(tm) =	ssettm $0x7FFFFFFF  }
tec
execute0_lowered:
.L_overlay_start_1:
0x0: {  	(tag) =	ssettag $0x1  }
0x1: {  	s4 =	rddreg [dreg:$0x0]  }
0x2: {  	s0 =	rddreg [dreg:$0x1]  }
0x3: {  	s3 =	srdreg.scid;
	s1 =	stileid.u32;
	s2 =	simm.s32 $0x0  }
0x4: {  	s10 =	simm.s32 $0x400;
	s11 =	simm.s32 $0x3E8;
	s12 =	simm.s32 $0x800  }
0x5: {  	s13 =	simm.s32 $0x1;
	s14 =	simm.s32 $0x0;
	s6 =	smul.u32 $0xC350, s1  }
0x6: {  	s5 =	sand.u32 $0x1, s3;
	[smem:$0x7FF] =	sst s2;
	s8 =	smul.u32 $0xC3500, s1  }
0x7: {  	s3 =	sadd.s32 $0x291800, s4;
	s7 =	smul.u32 $0x61A8, s5;
	s9 =	ssub.s32 $0x2, s5  }
0x8: {  	_ =	strace $0x8000006B;
	s5 =	smul.u32 $0x61A80, s5;
	s30 =	sshrl.u32 s9, $0x1  }
0x9: {  	s29 =	sadd.s32 s8, s4;
	s6 =	sadd.s32 s7, s6;
	s8 =	ssub.s32 s9, s30  }
0xa: {  	s7 =	sadd.s32 s5, s29;
	s9 =	simm.s32 $0x2;
	s6 =	sshrl.u32 s6, $0x3  }
0xb: {  	s5 =	sadd.s32 $0x354E00, s7;
	s31 =	sadd.s32 s6, s4;
	s4 =	smax.u32 s8, $0x1  }
0xc: {  	s6 =	sadd.s32 $0x2730800, s7;
	s7 =	sadd.s32 $0xF1400, s31;
	s8 =	sadd.s32 $0xD8C00, s31  }
.LBB2_1:
0xd: {  	s15 =	sadd.s32 $0x0, s8  }
0xe: {  	[tilespmem:s2], [sflag:$0x2] =	stream.linear.gather [hbm4b:s15+s2], $0x3E8, $0x38;
	[tilespmem:$0x1FC00] =	vst v63  }
0xf: {  	_ =	swait.ge [sflag:s9], $0x3E8  }
0x10: {  	[sflag:s9] =	ssyncset.done $0x0  }
0x11: {  	s31 =	sadd.s32 $0x0, s7;
	[sflag:s9] =	ssyncadd.s32 $0xFFFFFC18  }
0x12: {  	[tilespmem:s10], [sflag:$0x2] =	stream.linear.gather [hbm4b:s31+s2], $0x3E8, $0x38;
	[tilespmem:$0x1FC00] =	vst v63  }
0x13: {  	_ =	swait.ge [sflag:s9], $0x3E8  }
0x14: {  	[sflag:s9] =	ssyncset.done $0x0  }
0x15: {  	[sflag:s9] =	ssyncadd.s32 $0xFFFFFC18  }
0x16: {  	[tilespmem:s12], [sflag:$0x1] =	stream.indirect.gather [hbm4b:s3+s11], $0x80, s2, s11, $0xb8;
	[tilespmem:$0x1FC00] =	vst v63  }
0x17: {  	_ =	swait.ge [sflag:s13], $0x1F400  }
0x18: {  	[sflag:s13] =	ssyncset.done $0x0  }
0x19: {  	[sflag:s13] =	ssyncadd.s32 $0xFFFE0C00  }
0x1a: {  	[hbm4b:s5+s2] =	stream.linear.scatter [tilespmem:s12], [sflag:$0x2], $0x1F400, $0x38;
	[tilespmem:$0x1FC00] =	vst v63  }
0x1b: {  	_ =	swait.ge [sflag:s9], $0x1F400  }
0x1c: {  	[sflag:s9] =	ssyncset.done $0x0  }
0x1d: {  	[sflag:s9] =	ssyncadd.s32 $0xFFFE0C00  }
0x1e: {  	[tilespmem:s12], [sflag:$0x1] =	stream.indirect.gather [hbm4b:s3+s11], $0x80, s10, s11, $0xb8;
	[tilespmem:$0x1FC00] =	vst v63  }
0x1f: {  	_ =	swait.ge [sflag:s13], $0x1F400  }
0x20: {  	[sflag:s13] =	ssyncset.done $0x0  }
0x21: {  	[sflag:s13] =	ssyncadd.s32 $0xFFFE0C00  }
0x22: {  	[hbm4b:s6+s2] =	stream.linear.scatter [tilespmem:s12], [sflag:$0x2], $0x1F400, $0x38;
	[tilespmem:$0x1FC00] =	vst v63  }
0x23: {  	s17 =	simm.s32 $0x7D;
	s18 =	simm.s32 $0xFA;
	_ =	swait.ge [sflag:s9], $0x1F400  }
0x24: {  	s16 =	sadd.s32 $0x3E80, s5;
	s15 =	sadd.s32 $0x3E80, s6;
	[sflag:s9] =	ssyncset.done $0x0  }
.LBB2_2:
0x25: {  	s19 =	sadd.s32 s17, s8  }
0x26: {  	[sflag:s9] =	ssyncadd.s32 $0xFFFE0C00;
	s20 =	smov.u32 s18;
	s21 =	sadd.s32 $0x7D, s18  }
0x27: {  	[tilespmem:s2], [sflag:$0x2] =	stream.linear.gather [hbm4b:s19+s2], $0x3E8, $0x38;
	[tilespmem:$0x1FC00] =	vst v63  }
0x28: {  	p0 =	sne.s32 s18, $0xBB8;
	_ =	swait.ge [sflag:s9], $0x3E8  }
0x29: {  	[sflag:s9] =	ssyncset.done $0x0  }
0x2a: {  	s18 =	sadd.s32 s17, s7;
	s17 =	smov.u32 s20;
	[sflag:s9] =	ssyncadd.s32 $0xFFFFFC18  }
0x2b: {  	[tilespmem:s10], [sflag:$0x2] =	stream.linear.gather [hbm4b:s18+s2], $0x3E8, $0x38;
	[tilespmem:$0x1FC00] =	vst v63  }
0x2c: {  	_ =	swait.ge [sflag:s9], $0x3E8  }
0x2d: {  	[sflag:s9] =	ssyncset.done $0x0  }
0x2e: {  	[sflag:s9] =	ssyncadd.s32 $0xFFFFFC18  }
0x2f: {  	[tilespmem:s12], [sflag:$0x1] =	stream.indirect.gather [hbm4b:s3+s11], $0x80, s2, s11, $0xb8;
	[tilespmem:$0x1FC00] =	vst v63  }
0x30: {  	_ =	swait.ge [sflag:s13], $0x1F400  }
0x31: {  	[sflag:s13] =	ssyncset.done $0x0  }
0x32: {  	[sflag:s13] =	ssyncadd.s32 $0xFFFE0C00  }
0x33: {  	[hbm4b:s16+s2] =	stream.linear.scatter [tilespmem:s12], [sflag:$0x2], $0x1F400, $0x38;
	[tilespmem:$0x1FC00] =	vst v63  }
0x34: {  	_ =	swait.ge [sflag:s9], $0x1F400  }
0x35: {  	[sflag:s9] =	ssyncset.done $0x0  }
0x36: {  	[sflag:s9] =	ssyncadd.s32 $0xFFFE0C00  }
0x37: {  	[tilespmem:s12], [sflag:$0x1] =	stream.indirect.gather [hbm4b:s3+s11], $0x80, s10, s11, $0xb8;
	[tilespmem:$0x1FC00] =	vst v63  }
0x38: {  	_ =	swait.ge [sflag:s13], $0x1F400  }
.Ltmp0:
0x39: {  	[sflag:s13] =	ssyncset.done $0x0;
	(pc) =	sbr.rel @p0 .LBB2_2-.Ltmp0, $4  }
0x3a: {  	[sflag:s13] =	ssyncadd.s32 $0xFFFE0C00  }
0x3b: {  	[hbm4b:s15+s2] =	stream.linear.scatter [tilespmem:s12], [sflag:$0x2], $0x1F400, $0x38;
	[tilespmem:$0x1FC00] =	vst v63  }
0x3c: {  	s18 =	smov.u32 s21;
	_ =	swait.ge [sflag:s9], $0x1F400  }
0x3d: {  	s16 =	sadd.s32 $0x3E80, s16;
	s15 =	sadd.s32 $0x3E80, s15;
	[sflag:s9] =	ssyncset.done $0x0  }
0x3e: {  	s18 =	sadd.s32 s17, s8;
	[sflag:s9] =	ssyncadd.s32 $0xFFFE0C00  }
0x3f: {  	[tilespmem:s2], [sflag:$0x2] =	stream.linear.gather [hbm4b:s18+s2], $0x3E8, $0x38;
	[tilespmem:$0x1FC00] =	vst v63  }
0x40: {  	_ =	swait.ge [sflag:s9], $0x3E8  }
0x41: {  	[sflag:s9] =	ssyncset.done $0x0  }
0x42: {  	s31 =	sadd.s32 s17, s7;
	[sflag:s9] =	ssyncadd.s32 $0xFFFFFC18  }
0x43: {  	[tilespmem:s10], [sflag:$0x2] =	stream.linear.gather [hbm4b:s31+s2], $0x3E8, $0x38;
	[tilespmem:$0x1FC00] =	vst v63  }
0x44: {  	_ =	swait.ge [sflag:s9], $0x3E8  }
0x45: {  	[sflag:s9] =	ssyncset.done $0x0  }
0x46: {  	[sflag:s9] =	ssyncadd.s32 $0xFFFFFC18  }
0x47: {  	[tilespmem:s12], [sflag:$0x1] =	stream.indirect.gather [hbm4b:s3+s11], $0x80, s2, s11, $0xb8;
	[tilespmem:$0x1FC00] =	vst v63  }
0x48: {  	_ =	swait.ge [sflag:s13], $0x1F400  }
0x49: {  	[sflag:s13] =	ssyncset.done $0x0  }
0x4a: {  	[sflag:s13] =	ssyncadd.s32 $0xFFFE0C00  }
0x4b: {  	[hbm4b:s16+s2] =	stream.linear.scatter [tilespmem:s12], [sflag:$0x2], $0x1F400, $0x38;
	[tilespmem:$0x1FC00] =	vst v63  }
0x4c: {  	_ =	swait.ge [sflag:s9], $0x1F400  }
0x4d: {  	[sflag:s9] =	ssyncset.done $0x0  }
0x4e: {  	[sflag:s9] =	ssyncadd.s32 $0xFFFE0C00  }
0x4f: {  	[tilespmem:s12], [sflag:$0x1] =	stream.indirect.gather [hbm4b:s3+s11], $0x80, s10, s11, $0xb8;
	[tilespmem:$0x1FC00] =	vst v63  }
0x50: {  	s14 =	sadd.s32 $0x1, s14;
	_ =	swait.ge [sflag:s13], $0x1F400  }
0x51: {  	p0 =	sne.s32 s14, s4;
	[sflag:s13] =	ssyncset.done $0x0  }
.Ltmp1:
0x52: {  	[sflag:s13] =	ssyncadd.s32 $0xFFFE0C00;
	(pc) =	sbr.rel @p0 .LBB2_1-.Ltmp1, $4  }
0x53: {  	[hbm4b:s15+s2] =	stream.linear.scatter [tilespmem:s12], [sflag:$0x2], $0x1F400, $0x38;
	[tilespmem:$0x1FC00] =	vst v63  }
0x54: {  	_ =	swait.ge [sflag:s9], $0x1F400  }
0x55: {  	[sflag:s9] =	ssyncset.done $0x0  }
0x56: {  	[sflag:s9] =	ssyncadd.s32 $0xFFFE0C00  }
0x57: {  	_ =	sfence.sel $0x180000  }
0x58: {  	[bflag:$0x0] =	sbarrier.arrive $0xFFFF  }
0x59: {  	p0 =	sne.s32 s1, $0x0;
	_ =	strace $0x9000006B  }
0x5a: {  	s0 =	sadd.s32 @!p0 $0x100000, s0;
	[bflag:$0x2] =	sbarrier.arrive $0xFFFF  }
0x5b: {  	[sflag:s0] =	ssyncadd.tile.s32 @!p0 $0x1;
	_ =	shalt  }
.Lfunc_end2:
_tile_overlayer_lowered:
.L_overlay_start_2:
0x5c: {  	(tag) =	ssettag $0x2  }
0x5d: {  	s0 =	rddreg [dreg:$0x0];
	s2 =	stileid.u32  }
0x5e: {  	s1 =	rddreg [dreg:$0x1];
	p0 =	sne.s32 s2, $0x0  }
0x5f: {  	s3 =	rddreg [dreg:$0x2];
	[bflag:$0x3] =	sbarrier.arrive $0xFFFF;
	s2 =	simm.s32 @!p0 $0x1C02  }
0x60: {  	[timem:s3], [sflag:s2] =	dma.local @!p0 [hbm:s0], s1  }
0x61: {  	s0 =	simm.s32 @!p0 $0x2  }
0x62: {  	_ =	swait.ge @!p0 [sflag:s0], s1  }
0x63: {  	s1 =	ssub.s32 @!p0 $0x0, s1;
	[sflag:s0] =	ssyncset.done @!p0 $0x0  }
0x64: {  	[sflag:s0] =	ssyncadd.s32 @!p0 s1  }
0x65: {  	[bflag:$0x3] =	sbarrier.arrive $0xFFFF  }
0x66: {  	_ =	shalt  }

// kernel: kernel.67.cloned.1.call-start
scs
__scs_entry_jumppad:
0x0: {  	(pc) =	sbr.rel $0x88, $3  }
0x1: {  	(tag) =	ssettag $0x0;
	lr =	simm.s32 $0x1  }
0x2: {  	[smem:$0x3F8F] =	sst lr;
	_ =	strace $0xD0000000  }
0x3: {  	_ = 	snop  }
0x4: {  	_ = 	snop  }
0x5: {  	_ = 	snop  }
0x6: {  	_ = 	snop  }
0x7: {  	_ = 	snop  }
__scs_overlays_trampoline_lowered:
0x8: {  	[smem:$0x3F9E] =	sst s0  }
0x9: {  	[smem:$0x3F9F] =	sst s1  }
0xa: {  	[smem:$0x3FA0] =	sst s2  }
0xb: {  	[smem:$0x3FA1] =	sst s3  }
0xc: {  	[smem:$0x3FA2] =	sst s4  }
0xd: {  	[smem:$0x3FA3] =	sst s5  }
0xe: {  	[smem:$0x3FA4] =	sst s6  }
0xf: {  	[smem:$0x3FA5] =	sst s7  }
0x10: {  	[smem:$0x3FA6] =	sst s8  }
0x11: {  	[smem:$0x3FA7] =	sst s9;
	s0 =	simm.s32 @!p0 $0x0  }
0x12: {  	s1 =	sld [smem:$0x3F8D];
	s0 =	simm.s32 @p0 $0x1  }
0x13: {  	[smem:$0x3FA8] =	sst s0;
	s0 =	simm.s32 @!p1 $0x0  }
0x14: {  	s2 =	sld [smem:$0x3F8C];
	s0 =	simm.s32 @p1 $0x1  }
0x15: {  	[smem:$0x3FA9] =	sst s0;
	s0 =	simm.s32 @!p2 $0x0  }
0x16: {  	s3 =	sld [smem:$0x3FDB];
	s0 =	simm.s32 @p2 $0x1  }
0x17: {  	s4 =	simm.s32 $0x1BF5;
	[smem:$0x3FAB] =	sst s0  }
0x18: {  	s0 =	sld [smem:$0x3F8E];
	_ =	swait.ge [sflag:s4], $0x0  }
0x19: {  	s7 =	sld [smem:$0x3F8F]  }
0x1a: {  	s8 =	sadd.s32 $0xFFFFE003, lr  }
0x1b: {  	s9 =	sadd.s32 $0xFFFFFEF7, lr;
	s5 =	simm.s32 $0xFFFFFFFF;
	p2 =	slt.u32 s8, $0xFFFFF086  }
0x1c: {  	p1 =	slt.u32 s9, $0xF7A;
	s5 =	simm.s32 @!p2 $0x0  }
0x1d: {  	s5 =	simm.s32 @p1 $0x1;
	p0 =	seq.s32 s7, s2  }
0x1e: {  	s7 =	smul.u32 @!p0 $0xF7A, s2;
	p2 =	seq.s32 @!p0 s5, $0x0  }
0x1f: {  	s9 =	smul.u32 $0xF7A, s1;
	s8 =	simm.s32 @!p0 $0x1BF5;
	p2 =	por !p2, p0  }
0x20: {  	[sflag:s8] =	ssyncset.s32 @!p0 $0xFFFFF086;
	s6 =	sadd.s32 @!p0 s3, s7;
	s7 =	simm.s32 @!p0 $0x108  }
0x21: {  	s3 =	sadd.s32 s3, s9;
	s6 =	sadd.s32 @!p0 $0x88, s6;
	s7 =	simm.s32 @p2 $0x1082  }
0x22: {  	[simem:s7], [sflag:s8] =	dma.local @!p0 [hbm:s6], $0xF7A  }
0x23: {  	s9 =	sor.u32 $0xD0000000, s2;
	s6 =	simm.s32 $0x108;
	_ =	swait.ge @!p0 [sflag:s8], $0x0  }
0x24: {  	s3 =	sadd.s32 $0x88, s3;
	s6 =	simm.s32 @!p1 $0x1082;
	[sflag:s4] =	ssyncset.s32 $0xFFFFF086  }
0x25: {  	[simem:s6], [sflag:s4] =	dma.local [hbm:s3], $0xF7A  }
0x26: {  	[smem:$0x3F8F] =	sst s1;
	(tag) =	ssettag s2;
	_ =	strace s9  }
0x27: {  	s1 =	sld [smem:$0x3F9F]  }
0x28: {  	s2 =	sld [smem:$0x3FA0]  }
0x29: {  	s4 =	sld [smem:$0x3FA2]  }
0x2a: {  	p0 =	seq.s32 s5, $0x0;
	s5 =	sld [smem:$0x3FA3]  }
0x2b: {  	s6 =	sld [smem:$0x3FA4]  }
0x2c: {  	s7 =	sld [smem:$0x3FA5]  }
0x2d: {  	s3 =	simm.s32 $0x108;
	s8 =	sld [smem:$0x3FA6]  }
0x2e: {  	s3 =	simm.s32 @!p0 $0x1082;
	s9 =	sld [smem:$0x3FA7]  }
0x2f: {  	lr =	sadd.s32 s0, s3;
	s0 =	sld [smem:$0x3F9E]  }
0x30: {  	s3 =	sld [smem:$0x3FA1]  }
0x31: {  	[smem:$0x3FAA] =	sst s10  }
0x32: {  	s10 =	sld [smem:$0x3FA8];
	_ =	sdelay $0x3  }
0x33: {  	p0 =	seq.s32 s10, $0x1;
	s10 =	sld [smem:$0x3FAA];
	_ =	sdelay $0x3  }
0x34: {  	[smem:$0x3FAA] =	sst s10  }
0x35: {  	s10 =	sld [smem:$0x3FA9];
	_ =	sdelay $0x3  }
0x36: {  	p1 =	seq.s32 s10, $0x1;
	s10 =	sld [smem:$0x3FAA];
	_ =	sdelay $0x3  }
0x37: {  	[smem:$0x3FAA] =	sst s10  }
0x38: {  	s10 =	sld [smem:$0x3FAB]  }
0x39: {  	_ = 	snop;
	(pc) =	sbr.ind lr, $3  }
0x3a: {  	_ = 	snop  }
0x3b: {  	_ = 	snop  }
0x3c: {  	p2 =	seq.s32 s10, $0x1;
	s10 =	sld [smem:$0x3FAA]  }
0x3d: {  	_ =	shalt  }
0x3e: {  	_ =	shalt  }
0x3f: {  	_ =	shalt  }
0x40: {  	_ =	shalt  }
0x41: {  	_ =	shalt  }
0x42: {  	_ =	shalt  }
0x43: {  	_ =	shalt  }
0x44: {  	_ =	shalt  }
0x45: {  	_ =	shalt  }
0x46: {  	_ =	shalt  }
0x47: {  	_ =	shalt  }
0x48: {  	_ =	shalt  }
0x49: {  	_ =	shalt  }
0x4a: {  	_ =	shalt  }
0x4b: {  	_ =	shalt  }
0x4c: {  	_ =	shalt  }
0x4d: {  	_ =	shalt  }
0x4e: {  	_ =	shalt  }
0x4f: {  	_ =	shalt  }
0x50: {  	_ =	shalt  }
0x51: {  	_ =	shalt  }
0x52: {  	_ =	shalt  }
0x53: {  	_ =	shalt  }
0x54: {  	_ =	shalt  }
0x55: {  	_ =	shalt  }
0x56: {  	_ =	shalt  }
0x57: {  	_ =	shalt  }
0x58: {  	_ =	shalt  }
0x59: {  	_ =	shalt  }
0x5a: {  	_ =	shalt  }
0x5b: {  	_ =	shalt  }
0x5c: {  	_ =	shalt  }
0x5d: {  	_ =	shalt  }
0x5e: {  	_ =	shalt  }
0x5f: {  	_ =	shalt  }
0x60: {  	_ =	shalt  }
0x61: {  	_ =	shalt  }
0x62: {  	_ =	shalt  }
0x63: {  	_ =	shalt  }
0x64: {  	_ =	shalt  }
0x65: {  	_ =	shalt  }
0x66: {  	_ =	shalt  }
0x67: {  	_ =	shalt  }
0x68: {  	_ =	shalt  }
0x69: {  	_ =	shalt  }
0x6a: {  	_ =	shalt  }
0x6b: {  	_ =	shalt  }
0x6c: {  	_ =	shalt  }
0x6d: {  	_ =	shalt  }
0x6e: {  	_ =	shalt  }
0x6f: {  	_ =	shalt  }
0x70: {  	_ =	shalt  }
0x71: {  	_ =	shalt  }
0x72: {  	_ =	shalt  }
0x73: {  	_ =	shalt  }
0x74: {  	_ =	shalt  }
0x75: {  	_ =	shalt  }
0x76: {  	_ =	shalt  }
0x77: {  	_ =	shalt  }
0x78: {  	_ =	shalt  }
0x79: {  	_ =	shalt  }
0x7a: {  	_ =	shalt  }
0x7b: {  	_ =	shalt  }
0x7c: {  	_ =	shalt  }
0x7d: {  	_ =	shalt  }
0x7e: {  	_ =	shalt  }
0x7f: {  	_ =	shalt  }
0x80: {  	_ =	shalt  }
0x81: {  	_ =	shalt  }
0x82: {  	_ =	shalt  }
0x83: {  	_ =	shalt  }
0x84: {  	_ =	shalt  }
0x85: {  	_ =	shalt  }
0x86: {  	_ =	shalt  }
0x87: {  	_ =	shalt  }
.Lfunc_end0:
.L_simem_size_0:
called_computation.13_lowered:
.L_overlay_start_0:
0x88: {  	s2 =	sld [smem:$0x3FD9]  }
0x89: {  	s3 =	sld [smem:$0x3FFE];
	_ =	sdelay $0x1  }
0x8a: {  	s1 =	srdreg.scid  }
0x8b: {  	s0 =	sand.u32 $0x1, s1  }
0x8c: {  	s15 =	sshll.u32 s0, $0xA;
	s2 =	sadd.s32 s3, s2  }
0x8d: {  	s2 =	sadd.s32 s2, s15  }
0x8e: {  	[smem:$0x3FB6] =	sst s2  }
0x8f: {  	_ = 	snop  }
0x90: {  	s2 =	sld [smem:$0x3FD0];
	_ =	sdelay $0x2  }
0x91: {  	s4 =	simm.s32 $0xB;
	s16 =	simm.s32 $0x10  }
0x92: {  	[smem:s16], [sflag:s4] =	dma.local [hbm:s2], $0x1  }
0x93: {  	_ =	swait.eq [sflag:s4], $0x1  }
0x94: {  	[sflag:s4] =	ssyncset.done $0x0  }
0x95: {  	s17 =	sld [smem:$0x10];
	[sflag:s4] =	ssyncadd.s32 $0xFFFFFFFF  }
0x96: {  	s18 =	sld [smem:$0x11];
	(tm) =	ssettm $0x1  }
0x97: {  	s19 =	sld [smem:$0x3FFB];
	_ =	sdelay $0x3  }
0x98: {  	_ =	strace s19  }
0x99: {  	s2 =	sld [smem:$0x3FFC];
	_ =	sdelay $0x3  }
0x9a: {  	_ =	strace s2  }
0x9b: {  	s2 =	sld [smem:$0x3FFD];
	_ =	sdelay $0x3  }
0x9c: {  	_ =	strace s2  }
0x9d: {  	_ =	strace $0x8FFFFFFF  }
0x9e: {  	s20 =	sld [smem:$0x3FDB];
	_ =	sdelay $0x1  }
0x9f: {  	s5 =	simm.s32 $_scs_section_size  }
0xa0: {  	s6 =	simm.s32 $_size__tile_overlayer_lowered;
	s7 =	simm.s32 $_tile_overlayer_lowered  }
0xa1: {  	s8 =	simm.s32 $0x1BFF;
	s21 =	sshll.u32 s7, $0x1;
	s5 =	sadd.s32 s5, s20  }
0xa2: {  	s22 =	simm.s32 $0x0;
	s6 =	sshll.u32 s6, $0x1;
	s7 =	sadd.s32 s21, s5  }
0xa3: {  	[timem:s22], [sflag:s8] =	dma.local [hbm:s7], s6  }
0xa4: {  	_ =	swait.ge [sflag:s8], s6  }
0xa5: {  	s6 =	ssub.s32 $0x0, s6;
	[sflag:s8] =	ssyncset.done $0x0  }
0xa6: {  	[sflag:s8] =	ssyncadd.s32 s6;
	_ =	sdelay $0x1  }
0xa7: {  	s23 =	simm.s32 $0x1B8B  }
0xa8: {  	_ =	swait.ge [sflag:s23], $0x1  }
0xa9: {  	[sflag:s23] =	ssyncset.done $0x0  }
0xaa: {  	[sflag:s23] =	ssyncadd.s32 $0xFFFFFFFF  }
0xab: {  	s6 =	sld [smem:$0x0]  }
0xac: {  	s7 =	sand.u32 $0xFFFFFFFE, s1  }
0xad: {  	p0 =	sne.s32 s1, s7  }
0xae: {  	s7 =	sshll.u32 @p0 s7, $0xE  }
0xaf: {  	s7 =	sadd.s32 @p0 $0x11B8D, s7;
	s8 =	sshll.u32 @p0 s6, $0x11  }
0xb0: {  	s7 =	sor.u32 @p0 s8, s7  }
0xb1: {  	[sflag:s7] =	ssyncadd.remote.s32 @p0 $0x1;
	_ =	sdelay $0x1  }
0xb2: {  	s7 =	simm.s32 @p0 $0x1B8D  }
0xb3: {  	_ =	swait.eq @p0 [sflag:s7], $0x1  }
0xb4: {  	[sflag:s7] =	ssyncadd.s32 @p0 $0xFFFFFFFF  }
0xb5: {  	s8 =	sshll.u32 @!p0 s1, $0xE  }
0xb6: {  	s8 =	sor.u32 @!p0 $0x4000, s8;
	s7 =	simm.s32 @!p0 $0x1B8D  }
0xb7: {  	s6 =	sshll.u32 @!p0 s6, $0x11;
	s8 =	sadd.s32 @!p0 $0x11B8D, s8;
	_ =	swait.eq @!p0 [sflag:s7], $0x1  }
0xb8: {  	s6 =	sor.u32 @!p0 s6, s8;
	[sflag:s7] =	ssyncadd.s32 @!p0 $0xFFFFFFFF  }
0xb9: {  	s25 =	simm.s32 $0x1B8E;
	s24 =	sld [smem:$0x3FFE];
	[sflag:s6] =	ssyncadd.remote.s32 @!p0 $0x1  }
0xba: {  	s26 =	simm.s32 $execute0_lowered;
	[smem:$0x3FD2] =	sst s25  }
0xbb: {  	s7 =	sshll.u32 s26, $0x1;
	_ =	strace $0x80000070;
	[dreg:$0x1] =	wrdreg $0xFFFFFFFF  }
0xbc: {  	s28 =	simm.s32 $_size_execute0_lowered;
	s5 =	sadd.s32 s5, s7;
	[dreg:$0x0] =	wrdreg $0x0  }
0xbd: {  	s7 =	sshll.u32 s28, $0x1;
	[dreg:$0x2] =	wrdreg s5  }
0xbe: {  	[dreg:$0x3] =	wrdreg s7  }
0xbf: {  	[dreg:$0x4] =	wrdreg $0xC0  }
0xc0: {  	_ =	task [dreg:s22], $0x5FFFF  }
0xc1: {  	[dreg:$0x1] =	wrdreg $0xFFFFFFFF  }
0xc2: {  	[dreg:$0x0] =	wrdreg $0x60  }
0xc3: {  	[dreg:$0x2] =	wrdreg s24  }
0xc4: {  	[dreg:$0x3] =	wrdreg s18  }
0xc5: {  	[dreg:$0x4] =	wrdreg s17  }
0xc6: {  	[dreg:$0x5] =	wrdreg $0x33900  }
0xc7: {  	[dreg:$0x6] =	wrdreg $0x9  }
0xc8: {  	_ =	task.clear_ibuf [dreg:s22], $0x7FFFF;
	_ =	strace $0x90000070  }
0xc9: {  	s29 =	simm.s32 $0x9;
	_ =	strace $0x80000072  }
0xca: {  	_ =	swait.ge [sflag:s29], $0x1  }
0xcb: {  	[sflag:s29] =	ssyncadd.s32 $0xFFFFFFFF  }
0xcc: {  	_ =	strace $0x90000072  }
0xcd: {  	_ =	sfence  }
0xce: {  	s30 =	sld [smem:$0x0];
	_ =	sdelay $0x2  }
0xcf: {  	s31 =	sshll.u32 s1, $0xD;
	s1 =	sshrl.u32 s1, $0x2  }
0xd0: {  	s4 =	sand.u32 $0x4000, s31;
	s1 =	sadd.s32 s1, s30  }
0xd1: {  	s0 =	sor.u32 s4, s0;
	s1 =	sshll.u32 s1, $0x11  }
0xd2: {  	s0 =	sor.u32 s1, s0  }
0xd3: {  	s0 =	sadd.s32 $0x8F2B, s0  }
0xd4: {  	[sflag:s0] =	ssyncadd.remote.s32 $0x1  }
0xd5: {  	_ =	sfence.sel $0xFFFF  }
0xd6: {  	[dreg:$0x0] =	wrdreg $0xFFFFFFFF;
	(pc) =	sbr.abs _section_cstart, $3  }
0xd7: {  	[dreg:$0x1] =	wrdreg $0xFFFFFFFF  }
0xd8: {  	_ =	task.clear_ibuf [dreg:s22], $0x2FFFF;
	_ =	strace $0x9FFFFFFF  }
0xd9: {  	(tm) =	ssettm $0x7FFFFFFF  }
tec
execute0_lowered:
.L_overlay_start_1:
0x0: {  	(tag) =	ssettag $0x1  }
0x1: {  	s4 =	rddreg [dreg:$0x0]  }
0x2: {  	s5 =	rddreg [dreg:$0x1]  }
0x3: {  	s6 =	rddreg [dreg:$0x2]  }
0x4: {  	s2 =	rddreg [dreg:$0x3]  }
0x5: {  	s0 =	rddreg [dreg:$0x4];
	s1 =	stileid.u32  }
0x6: {  	s3 =	simm.s32 $0x0;
	s8 =	srdreg.scid;
	s7 =	smul.u32 $0xC3500, s1  }
0x7: {  	s14 =	simm.s32 $0x190;
	s15 =	simm.s32 $0x0;
	s9 =	smul.u32 $0x186A, s1  }
0x8: {  	[smem:$0x7FF] =	sst s3;
	s8 =	sand.u32 $0x1, s8;
	s11 =	smul.u32 $0x186A0, s1  }
0x9: {  	s31 =	sshll.u32 s1, $0x6;
	_ =	strace $0x80000071;
	s10 =	ssub.s32 $0x2, s8  }
0xa: {  	s13 =	smul.u32 $0x186A00, s8;
	s8 =	sshll.u32 s8, $0x2;
	s7 =	sadd.s32 s7, s4  }
0xb: {  	s12 =	sshrl.u32 s10, $0x1;
	s9 =	sadd.s32 s9, s4;
	s28 =	sshrl.u32 s11, $0x3  }
0xc: {  	s29 =	sadd.s32 s11, s2;
	s10 =	ssub.s32 s10, s12;
	s4 =	sadd.s32 s5, s28  }
0xd: {  	s30 =	sadd.s32 s11, s13;
	s5 =	sor.u32 $0x1C01, s31;
	s8 =	sadd.s32 s8, s7  }
0xe: {  	s9 =	sadd.s32 $0xF1400, s9;
	s11 =	simm.s32 $0x1;
	s12 =	simm.s32 $0x20  }
0xf: {  	s13 =	sshrl.u32 s30, $0x3;
	s7 =	smax.u32 s10, $0x1;
	s8 =	sadd.s32 $0x3F9A800, s8  }
0x10: {  	s10 =	sshrl.u32 s29, $0x3;
	s6 =	sadd.s32 s6, s13;
	s13 =	simm.s32 $0x80  }
.LBB2_1:
0x11: {  	[spmem:s10], [sflag:s5] =	dma.local [hbm:s4], $0x30D4  }
0x12: {  	_ =	swait.ge [sflag:s11], $0x30D4  }
0x13: {  	[sflag:s11] =	ssyncset.done $0x0  }
0x14: {  	[sflag:s11] =	ssyncadd.s32 $0xFFFFCF2C  }
0x15: {  	s16 =	sadd.s32 $0x0, s9;
	[bflag:$0x0] =	sbarrier.arrive $0xFFFF  }
0x16: {  	[tilespmem:s3], [sflag:$0x1] =	stream.linear.gather [hbm4b:s16+s3], $0x190, $0x38;
	[tilespmem:$0x1BA30] =	vst v63  }
0x17: {  	_ =	swait.ge [sflag:s11], $0x190  }
0x18: {  	[sflag:s11] =	ssyncset.done $0x0  }
0x19: {  	[sflag:s11] =	ssyncadd.s32 $0xFFFFFE70  }
0x1a: {  	[tilespmem:s14], [sflag:$0x1] =	stream.strided.gather [hbm4b:s8+s12], $0x3200, s13, s12, $0x38;
	[tilespmem:$0x1BA30] =	vst v63  }
0x1b: {  	_ =	swait.ge [sflag:s11], $0x3200  }
0x1c: {  	[sflag:s11] =	ssyncset.done $0x0  }
0x1d: {  	[sflag:s11] =	ssyncadd.s32 $0xFFFFCE00  }
0x1e: {  	[spmem:s2] =	stream.indirect.scatter.add.f32 [tilespmem:s14], [sflag:$0x1], $0x20, s3, s14, $0xb8;
	[tilespmem:$0x1BA30] =	vst v63  }
0x1f: {  	s17 =	simm.s32 $0x32;
	_ =	swait.ge [sflag:s11], $0x3200  }
0x20: {  	s18 =	simm.s32 $0x64;
	s16 =	sadd.s32 $0x1900, s8;
	[sflag:s11] =	ssyncset.done $0x0  }
.LBB2_2:
0x21: {  	s19 =	sadd.s32 s17, s9  }
0x22: {  	[sflag:s11] =	ssyncadd.s32 $0xFFFFCE00;
	s17 =	smov.u32 s18;
	s20 =	sadd.s32 $0x32, s18  }
0x23: {  	[tilespmem:s3], [sflag:$0x1] =	stream.linear.gather [hbm4b:s19+s3], $0x190, $0x38;
	[tilespmem:$0x1BA30] =	vst v63  }
0x24: {  	p0 =	sne.s32 s18, $0x1838;
	_ =	swait.ge [sflag:s11], $0x190  }
0x25: {  	[sflag:s11] =	ssyncset.done $0x0  }
0x26: {  	[sflag:s11] =	ssyncadd.s32 $0xFFFFFE70  }
0x27: {  	[tilespmem:s14], [sflag:$0x1] =	stream.strided.gather [hbm4b:s16+s12], $0x3200, s13, s12, $0x38;
	[tilespmem:$0x1BA30] =	vst v63  }
0x28: {  	_ =	swait.ge [sflag:s11], $0x3200  }
.Ltmp0:
0x29: {  	[sflag:s11] =	ssyncset.done $0x0;
	(pc) =	sbr.rel @p0 .LBB2_2-.Ltmp0, $4  }
0x2a: {  	[sflag:s11] =	ssyncadd.s32 $0xFFFFCE00  }
0x2b: {  	[spmem:s2] =	stream.indirect.scatter.add.f32 [tilespmem:s14], [sflag:$0x1], $0x20, s3, s14, $0xb8;
	[tilespmem:$0x1BA30] =	vst v63  }
0x2c: {  	_ =	swait.ge [sflag:s11], $0x3200  }
0x2d: {  	s18 =	smov.u32 s20;
	s16 =	sadd.s32 $0x1900, s16;
	[sflag:s11] =	ssyncset.done $0x0  }
0x2e: {  	s17 =	sadd.s32 s17, s9;
	[sflag:s11] =	ssyncadd.s32 $0xFFFFCE00  }
0x2f: {  	[tilespmem:s3], [sflag:$0x1] =	stream.linear.gather [hbm4b:s17+s3], $0x190, $0x38;
	[tilespmem:$0x1BA30] =	vst v63  }
0x30: {  	_ =	swait.ge [sflag:s11], $0x190  }
0x31: {  	[sflag:s11] =	ssyncset.done $0x0  }
0x32: {  	[sflag:s11] =	ssyncadd.s32 $0xFFFFFE70  }
0x33: {  	[tilespmem:s14], [sflag:$0x1] =	stream.strided.gather [hbm4b:s16+s12], $0x3200, s13, s12, $0x38;
	[tilespmem:$0x1BA30] =	vst v63  }
0x34: {  	_ =	swait.ge [sflag:s11], $0x3200  }
0x35: {  	[sflag:s11] =	ssyncset.done $0x0  }
0x36: {  	[sflag:s11] =	ssyncadd.s32 $0xFFFFCE00  }
0x37: {  	[spmem:s2] =	stream.indirect.scatter.add.f32 [tilespmem:s14], [sflag:$0x1], $0x20, s3, s14, $0xb8;
	[tilespmem:$0x1BA30] =	vst v63  }
0x38: {  	_ =	swait.ge [sflag:s11], $0x3200  }
0x39: {  	s15 =	sadd.s32 $0x1, s15;
	[sflag:s11] =	ssyncset.done $0x0  }
0x3a: {  	p0 =	sne.s32 s15, s7;
	[sflag:s11] =	ssyncadd.s32 $0xFFFFCE00  }
.Ltmp1:
0x3b: {  	[bflag:$0x0] =	sbarrier.arrive $0xFFFF;
	(pc) =	sbr.rel @p0 .LBB2_1-.Ltmp1, $4  }
0x3c: {  	[hbm:s6], [sflag:s5] =	dma.local [spmem:s10], $0x30D4  }
0x3d: {  	_ =	swait.ge [sflag:s11], $0x30D4  }
0x3e: {  	[sflag:s11] =	ssyncset.done $0x0  }
0x3f: {  	[sflag:s11] =	ssyncadd.s32 $0xFFFFCF2C  }
0x40: {  	_ =	sfence.sel $0x180000  }
0x41: {  	[bflag:$0x0] =	sbarrier.arrive $0xFFFF  }
0x42: {  	p0 =	sne.s32 s1, $0x0;
	_ =	strace $0x90000071  }
0x43: {  	s0 =	sadd.s32 @!p0 $0x100000, s0;
	[bflag:$0x2] =	sbarrier.arrive $0xFFFF  }
0x44: {  	[sflag:s0] =	ssyncadd.tile.s32 @!p0 $0x1;
	_ =	shalt  }
.Lfunc_end2:
_tile_overlayer_lowered:
.L_overlay_start_2:
0x45: {  	(tag) =	ssettag $0x2  }
0x46: {  	s0 =	rddreg [dreg:$0x0];
	s2 =	stileid.u32  }
0x47: {  	s1 =	rddreg [dreg:$0x1];
	p0 =	sne.s32 s2, $0x0  }
0x48: {  	s3 =	rddreg [dreg:$0x2];
	[bflag:$0x3] =	sbarrier.arrive $0xFFFF;
	s2 =	simm.s32 @!p0 $0x1C01  }
0x49: {  	[timem:s3], [sflag:s2] =	dma.local @!p0 [hbm:s0], s1  }
0x4a: {  	s0 =	simm.s32 @!p0 $0x1  }
0x4b: {  	_ =	swait.ge @!p0 [sflag:s0], s1  }
0x4c: {  	s1 =	ssub.s32 @!p0 $0x0, s1;
	[sflag:s0] =	ssyncset.done @!p0 $0x0  }
0x4d: {  	[sflag:s0] =	ssyncadd.s32 @!p0 s1  }
0x4e: {  	[bflag:$0x3] =	sbarrier.arrive $0xFFFF  }
0x4f: {  	_ =	shalt  }

// kernel: kernel.70.cloned.1.call-start
scs
__scs_entry_jumppad:
0x0: {  	(pc) =	sbr.rel $0x88, $3  }
0x1: {  	(tag) =	ssettag $0x0;
	lr =	simm.s32 $0x1  }
0x2: {  	[smem:$0x3F8F] =	sst lr;
	_ =	strace $0xD0000000  }
0x3: {  	_ = 	snop  }
0x4: {  	_ = 	snop  }
0x5: {  	_ = 	snop  }
0x6: {  	_ = 	snop  }
0x7: {  	_ = 	snop  }
__scs_overlays_trampoline_lowered:
0x8: {  	[smem:$0x3F9E] =	sst s0  }
0x9: {  	[smem:$0x3F9F] =	sst s1  }
0xa: {  	[smem:$0x3FA0] =	sst s2  }
0xb: {  	[smem:$0x3FA1] =	sst s3  }
0xc: {  	[smem:$0x3FA2] =	sst s4  }
0xd: {  	[smem:$0x3FA3] =	sst s5  }
0xe: {  	[smem:$0x3FA4] =	sst s6  }
0xf: {  	[smem:$0x3FA5] =	sst s7  }
0x10: {  	[smem:$0x3FA6] =	sst s8  }
0x11: {  	[smem:$0x3FA7] =	sst s9;
	s0 =	simm.s32 @!p0 $0x0  }
0x12: {  	s1 =	sld [smem:$0x3F8D];
	s0 =	simm.s32 @p0 $0x1  }
0x13: {  	[smem:$0x3FA8] =	sst s0;
	s0 =	simm.s32 @!p1 $0x0  }
0x14: {  	s2 =	sld [smem:$0x3F8C];
	s0 =	simm.s32 @p1 $0x1  }
0x15: {  	[smem:$0x3FA9] =	sst s0;
	s0 =	simm.s32 @!p2 $0x0  }
0x16: {  	s3 =	sld [smem:$0x3FDB];
	s0 =	simm.s32 @p2 $0x1  }
0x17: {  	s4 =	simm.s32 $0x1BF5;
	[smem:$0x3FAB] =	sst s0  }
0x18: {  	s0 =	sld [smem:$0x3F8E];
	_ =	swait.ge [sflag:s4], $0x0  }
0x19: {  	s7 =	sld [smem:$0x3F8F]  }
0x1a: {  	s8 =	sadd.s32 $0xFFFFE003, lr  }
0x1b: {  	s9 =	sadd.s32 $0xFFFFFEF7, lr;
	s5 =	simm.s32 $0xFFFFFFFF;
	p2 =	slt.u32 s8, $0xFFFFF086  }
0x1c: {  	p1 =	slt.u32 s9, $0xF7A;
	s5 =	simm.s32 @!p2 $0x0  }
0x1d: {  	s5 =	simm.s32 @p1 $0x1;
	p0 =	seq.s32 s7, s2  }
0x1e: {  	s7 =	smul.u32 @!p0 $0xF7A, s2;
	p2 =	seq.s32 @!p0 s5, $0x0  }
0x1f: {  	s9 =	smul.u32 $0xF7A, s1;
	s8 =	simm.s32 @!p0 $0x1BF5;
	p2 =	por !p2, p0  }
0x20: {  	[sflag:s8] =	ssyncset.s32 @!p0 $0xFFFFF086;
	s6 =	sadd.s32 @!p0 s3, s7;
	s7 =	simm.s32 @!p0 $0x108  }
0x21: {  	s3 =	sadd.s32 s3, s9;
	s6 =	sadd.s32 @!p0 $0x88, s6;
	s7 =	simm.s32 @p2 $0x1082  }
0x22: {  	[simem:s7], [sflag:s8] =	dma.local @!p0 [hbm:s6], $0xF7A  }
0x23: {  	s9 =	sor.u32 $0xD0000000, s2;
	s6 =	simm.s32 $0x108;
	_ =	swait.ge @!p0 [sflag:s8], $0x0  }
0x24: {  	s3 =	sadd.s32 $0x88, s3;
	s6 =	simm.s32 @!p1 $0x1082;
	[sflag:s4] =	ssyncset.s32 $0xFFFFF086  }
0x25: {  	[simem:s6], [sflag:s4] =	dma.local [hbm:s3], $0xF7A  }
0x26: {  	[smem:$0x3F8F] =	sst s1;
	(tag) =	ssettag s2;
	_ =	strace s9  }
0x27: {  	s1 =	sld [smem:$0x3F9F]  }
0x28: {  	s2 =	sld [smem:$0x3FA0]  }
0x29: {  	s4 =	sld [smem:$0x3FA2]  }
0x2a: {  	p0 =	seq.s32 s5, $0x0;
	s5 =	sld [smem:$0x3FA3]  }
0x2b: {  	s6 =	sld [smem:$0x3FA4]  }
0x2c: {  	s7 =	sld [smem:$0x3FA5]  }
0x2d: {  	s3 =	simm.s32 $0x108;
	s8 =	sld [smem:$0x3FA6]  }
0x2e: {  	s3 =	simm.s32 @!p0 $0x1082;
	s9 =	sld [smem:$0x3FA7]  }
0x2f: {  	lr =	sadd.s32 s0, s3;
	s0 =	sld [smem:$0x3F9E]  }
0x30: {  	s3 =	sld [smem:$0x3FA1]  }
0x31: {  	[smem:$0x3FAA] =	sst s10  }
0x32: {  	s10 =	sld [smem:$0x3FA8];
	_ =	sdelay $0x3  }
0x33: {  	p0 =	seq.s32 s10, $0x1;
	s10 =	sld [smem:$0x3FAA];
	_ =	sdelay $0x3  }
0x34: {  	[smem:$0x3FAA] =	sst s10  }
0x35: {  	s10 =	sld [smem:$0x3FA9];
	_ =	sdelay $0x3  }
0x36: {  	p1 =	seq.s32 s10, $0x1;
	s10 =	sld [smem:$0x3FAA];
	_ =	sdelay $0x3  }
0x37: {  	[smem:$0x3FAA] =	sst s10  }
0x38: {  	s10 =	sld [smem:$0x3FAB]  }
0x39: {  	_ = 	snop;
	(pc) =	sbr.ind lr, $3  }
0x3a: {  	_ = 	snop  }
0x3b: {  	_ = 	snop  }
0x3c: {  	p2 =	seq.s32 s10, $0x1;
	s10 =	sld [smem:$0x3FAA]  }
0x3d: {  	_ =	shalt  }
0x3e: {  	_ =	shalt  }
0x3f: {  	_ =	shalt  }
0x40: {  	_ =	shalt  }
0x41: {  	_ =	shalt  }
0x42: {  	_ =	shalt  }
0x43: {  	_ =	shalt  }
0x44: {  	_ =	shalt  }
0x45: {  	_ =	shalt  }
0x46: {  	_ =	shalt  }
0x47: {  	_ =	shalt  }
0x48: {  	_ =	shalt  }
0x49: {  	_ =	shalt  }
0x4a: {  	_ =	shalt  }
0x4b: {  	_ =	shalt  }
0x4c: {  	_ =	shalt  }
0x4d: {  	_ =	shalt  }
0x4e: {  	_ =	shalt  }
0x4f: {  	_ =	shalt  }
0x50: {  	_ =	shalt  }
0x51: {  	_ =	shalt  }
0x52: {  	_ =	shalt  }
0x53: {  	_ =	shalt  }
0x54: {  	_ =	shalt  }
0x55: {  	_ =	shalt  }
0x56: {  	_ =	shalt  }
0x57: {  	_ =	shalt  }
0x58: {  	_ =	shalt  }
0x59: {  	_ =	shalt  }
0x5a: {  	_ =	shalt  }
0x5b: {  	_ =	shalt  }
0x5c: {  	_ =	shalt  }
0x5d: {  	_ =	shalt  }
0x5e: {  	_ =	shalt  }
0x5f: {  	_ =	shalt  }
0x60: {  	_ =	shalt  }
0x61: {  	_ =	shalt  }
0x62: {  	_ =	shalt  }
0x63: {  	_ =	shalt  }
0x64: {  	_ =	shalt  }
0x65: {  	_ =	shalt  }
0x66: {  	_ =	shalt  }
0x67: {  	_ =	shalt  }
0x68: {  	_ =	shalt  }
0x69: {  	_ =	shalt  }
0x6a: {  	_ =	shalt  }
0x6b: {  	_ =	shalt  }
0x6c: {  	_ =	shalt  }
0x6d: {  	_ =	shalt  }
0x6e: {  	_ =	shalt  }
0x6f: {  	_ =	shalt  }
0x70: {  	_ =	shalt  }
0x71: {  	_ =	shalt  }
0x72: {  	_ =	shalt  }
0x73: {  	_ =	shalt  }
0x74: {  	_ =	shalt  }
0x75: {  	_ =	shalt  }
0x76: {  	_ =	shalt  }
0x77: {  	_ =	shalt  }
0x78: {  	_ =	shalt  }
0x79: {  	_ =	shalt  }
0x7a: {  	_ =	shalt  }
0x7b: {  	_ =	shalt  }
0x7c: {  	_ =	shalt  }
0x7d: {  	_ =	shalt  }
0x7e: {  	_ =	shalt  }
0x7f: {  	_ =	shalt  }
0x80: {  	_ =	shalt  }
0x81: {  	_ =	shalt  }
0x82: {  	_ =	shalt  }
0x83: {  	_ =	shalt  }
0x84: {  	_ =	shalt  }
0x85: {  	_ =	shalt  }
0x86: {  	_ =	shalt  }
0x87: {  	_ =	shalt  }
.Lfunc_end0:
.L_simem_size_0:
called_computation.14_lowered:
.L_overlay_start_0:
0x88: {  	s2 =	sld [smem:$0x3FD9]  }
0x89: {  	s3 =	sld [smem:$0x3FFE];
	_ =	sdelay $0x1  }
0x8a: {  	s1 =	srdreg.scid  }
0x8b: {  	s0 =	sand.u32 $0x1, s1  }
0x8c: {  	s14 =	sshll.u32 s0, $0xA;
	s2 =	sadd.s32 s3, s2  }
0x8d: {  	s2 =	sadd.s32 s2, s14  }
0x8e: {  	[smem:$0x3FB6] =	sst s2  }
0x8f: {  	_ = 	snop  }
0x90: {  	s2 =	sld [smem:$0x3FD0];
	_ =	sdelay $0x2  }
0x91: {  	s15 =	simm.s32 $0xB;
	s4 =	simm.s32 $0x10  }
0x92: {  	[smem:s4], [sflag:s15] =	dma.local [hbm:s2], $0x1  }
0x93: {  	_ =	swait.eq [sflag:s15], $0x1  }
0x94: {  	[sflag:s15] =	ssyncset.done $0x0  }
0x95: {  	[sflag:s15] =	ssyncadd.s32 $0xFFFFFFFF  }
0x96: {  	s16 =	sld [smem:$0x11];
	(tm) =	ssettm $0x1  }
0x97: {  	s17 =	sld [smem:$0x3FFB];
	_ =	sdelay $0x3  }
0x98: {  	_ =	strace s17  }
0x99: {  	s3 =	sld [smem:$0x3FFC];
	_ =	sdelay $0x3  }
0x9a: {  	_ =	strace s3  }
0x9b: {  	s3 =	sld [smem:$0x3FFD];
	_ =	sdelay $0x3  }
0x9c: {  	_ =	strace s3  }
0x9d: {  	_ =	strace $0x8FFFFFFF  }
0x9e: {  	s18 =	sld [smem:$0x3FDB];
	_ =	sdelay $0x1  }
0x9f: {  	s19 =	simm.s32 $_scs_section_size  }
0xa0: {  	s5 =	simm.s32 $_size__tile_overlayer_lowered;
	s6 =	simm.s32 $_tile_overlayer_lowered  }
0xa1: {  	s22 =	simm.s32 $0x1BFF;
	s21 =	sshll.u32 s6, $0x1;
	s3 =	sadd.s32 s19, s18  }
0xa2: {  	s7 =	simm.s32 $0x0;
	s20 =	sshll.u32 s5, $0x1;
	s5 =	sadd.s32 s21, s3  }
0xa3: {  	[timem:s7], [sflag:s22] =	dma.local [hbm:s5], s20  }
0xa4: {  	_ =	swait.ge [sflag:s22], s20  }
0xa5: {  	s4 =	ssub.s32 $0x0, s20;
	[sflag:s22] =	ssyncset.done $0x0  }
0xa6: {  	[sflag:s22] =	ssyncadd.s32 s4;
	_ =	sdelay $0x1  }
0xa7: {  	s23 =	simm.s32 $0x1B8B  }
0xa8: {  	_ =	swait.ge [sflag:s23], $0x1  }
0xa9: {  	[sflag:s23] =	ssyncset.done $0x0  }
0xaa: {  	s25 =	simm.s32 $0x1B8E;
	s24 =	sld [smem:$0x3FFE];
	[sflag:s23] =	ssyncadd.s32 $0xFFFFFFFF  }
0xab: {  	s26 =	simm.s32 $execute0_lowered;
	[smem:$0x3FD2] =	sst s25  }
0xac: {  	s5 =	sshll.u32 s26, $0x1;
	_ =	strace $0x8000006D;
	[dreg:$0x1] =	wrdreg $0xFFFFFFFF  }
0xad: {  	s28 =	simm.s32 $_size_execute0_lowered;
	s3 =	sadd.s32 s3, s5;
	[dreg:$0x0] =	wrdreg $0x0  }
0xae: {  	s5 =	sshll.u32 s28, $0x1;
	[dreg:$0x2] =	wrdreg s3  }
0xaf: {  	[dreg:$0x3] =	wrdreg s5  }
0xb0: {  	[dreg:$0x4] =	wrdreg $0xC0  }
0xb1: {  	_ =	task [dreg:s7], $0x5FFFF  }
0xb2: {  	[dreg:$0x1] =	wrdreg $0xFFFFFFFF  }
0xb3: {  	[dreg:$0x0] =	wrdreg $0x60  }
0xb4: {  	[dreg:$0x2] =	wrdreg s24  }
0xb5: {  	[dreg:$0x3] =	wrdreg s16  }
0xb6: {  	[dreg:$0x4] =	wrdreg $0x33900  }
0xb7: {  	[dreg:$0x5] =	wrdreg $0xA  }
0xb8: {  	_ =	task.clear_ibuf [dreg:s7], $0x6FFFF;
	_ =	strace $0x9000006D  }
0xb9: {  	s29 =	simm.s32 $0xA;
	_ =	strace $0x8000006F  }
0xba: {  	_ =	swait.ge [sflag:s29], $0x1  }
0xbb: {  	[sflag:s29] =	ssyncadd.s32 $0xFFFFFFFF  }
0xbc: {  	_ =	strace $0x9000006F  }
0xbd: {  	_ =	sfence  }
0xbe: {  	s30 =	sld [smem:$0x0];
	_ =	sdelay $0x2  }
0xbf: {  	s31 =	sshll.u32 s1, $0xD;
	s1 =	sshrl.u32 s1, $0x2  }
0xc0: {  	s3 =	sand.u32 $0x4000, s31;
	s1 =	sadd.s32 s1, s30  }
0xc1: {  	s0 =	sor.u32 s3, s0;
	s1 =	sshll.u32 s1, $0x11  }
0xc2: {  	s0 =	sor.u32 s1, s0  }
0xc3: {  	s0 =	sadd.s32 $0x8F2B, s0  }
0xc4: {  	[sflag:s0] =	ssyncadd.remote.s32 $0x1  }
0xc5: {  	_ =	sfence.sel $0xFFFF  }
0xc6: {  	[dreg:$0x0] =	wrdreg $0xFFFFFFFF;
	(pc) =	sbr.abs _section_cstart, $3  }
0xc7: {  	[dreg:$0x1] =	wrdreg $0xFFFFFFFF  }
0xc8: {  	_ =	task.clear_ibuf [dreg:s7], $0x2FFFF;
	_ =	strace $0x9FFFFFFF  }
0xc9: {  	(tm) =	ssettm $0x7FFFFFFF  }
tec
execute0_lowered:
.L_overlay_start_1:
0x0: {  	(tag) =	ssettag $0x1  }
0x1: {  	s4 =	rddreg [dreg:$0x0]  }
0x2: {  	s5 =	rddreg [dreg:$0x1];
	s0 =	stileid.u32  }
0x3: {  	s1 =	srdreg.scid;
	s2 =	rddreg [dreg:$0x2];
	s3 =	simm.s32 $0x0  }
0x4: {  	s13 =	simm.s32 $0x80;
	s14 =	simm.s32 $0x190;
	s7 =	smul.u32 $0x186A0, s0  }
0x5: {  	s6 =	sand.u32 $0x1, s1;
	s1 =	rddreg [dreg:$0x3];
	s9 =	smul.u32 $0xC3500, s0  }
0x6: {  	s15 =	simm.s32 $0x0;
	[smem:$0x7FF] =	sst s3;
	s10 =	smul.u32 $0x186A, s0  }
0x7: {  	s29 =	sshll.u32 s0, $0x6;
	s8 =	smul.u32 $0x186A00, s6;
	_ =	strace $0x8000006E  }
0x8: {  	s11 =	ssub.s32 $0x2, s6;
	s30 =	sshll.u32 s6, $0x2;
	s9 =	sadd.s32 s9, s4  }
0x9: {  	s10 =	sadd.s32 s10, s4;
	s26 =	sshrl.u32 s11, $0x1;
	s12 =	sadd.s32 s7, s2  }
0xa: {  	s28 =	sshrl.u32 s7, $0x3;
	s8 =	sadd.s32 s7, s8;
	s11 =	ssub.s32 s11, s26  }
0xb: {  	s31 =	sadd.s32 s30, s9;
	s9 =	sadd.s32 $0xF1400, s10;
	s10 =	sshrl.u32 s12, $0x3  }
0xc: {  	s12 =	simm.s32 $0x20;
	s8 =	sshrl.u32 s8, $0x3;
	s7 =	smax.u32 s11, $0x1  }
0xd: {  	s11 =	simm.s32 $0x1;
	s8 =	sadd.s32 s8, s4;
	s4 =	sadd.s32 s5, s28  }
0xe: {  	s5 =	sor.u32 $0x1C01, s29;
	s6 =	sadd.s32 $0x21200, s8;
	s8 =	sadd.s32 $0x3F9A808, s31  }
.LBB2_1:
0xf: {  	[spmem:s10], [sflag:s5] =	dma.local [hbm:s4], $0x30D4  }
0x10: {  	_ =	swait.ge [sflag:s11], $0x30D4  }
0x11: {  	[sflag:s11] =	ssyncset.done $0x0  }
0x12: {  	[sflag:s11] =	ssyncadd.s32 $0xFFFFCF2C  }
0x13: {  	s16 =	sadd.s32 $0x0, s9;
	[bflag:$0x0] =	sbarrier.arrive $0xFFFF  }
0x14: {  	[tilespmem:s3], [sflag:$0x1] =	stream.linear.gather [hbm4b:s16+s3], $0x190, $0x38;
	[tilespmem:$0x1BA30] =	vst v63  }
0x15: {  	_ =	swait.ge [sflag:s11], $0x190  }
0x16: {  	[sflag:s11] =	ssyncset.done $0x0  }
0x17: {  	[sflag:s11] =	ssyncadd.s32 $0xFFFFFE70  }
0x18: {  	[tilespmem:s14], [sflag:$0x1] =	stream.strided.gather [hbm4b:s8+s12], $0x3200, s13, s12, $0x38;
	[tilespmem:$0x1BA30] =	vst v63  }
0x19: {  	_ =	swait.ge [sflag:s11], $0x3200  }
0x1a: {  	[sflag:s11] =	ssyncset.done $0x0  }
0x1b: {  	[sflag:s11] =	ssyncadd.s32 $0xFFFFCE00  }
0x1c: {  	[spmem:s2] =	stream.indirect.scatter.add.f32 [tilespmem:s14], [sflag:$0x1], $0x20, s3, s14, $0xb8;
	[tilespmem:$0x1BA30] =	vst v63  }
0x1d: {  	s17 =	simm.s32 $0x32;
	_ =	swait.ge [sflag:s11], $0x3200  }
0x1e: {  	s18 =	simm.s32 $0x64;
	s16 =	sadd.s32 $0x1900, s8;
	[sflag:s11] =	ssyncset.done $0x0  }
.LBB2_2:
0x1f: {  	s19 =	sadd.s32 s17, s9  }
0x20: {  	[sflag:s11] =	ssyncadd.s32 $0xFFFFCE00;
	s17 =	smov.u32 s18;
	s20 =	sadd.s32 $0x32, s18  }
0x21: {  	[tilespmem:s3], [sflag:$0x1] =	stream.linear.gather [hbm4b:s19+s3], $0x190, $0x38;
	[tilespmem:$0x1BA30] =	vst v63  }
0x22: {  	p0 =	sne.s32 s18, $0x1838;
	_ =	swait.ge [sflag:s11], $0x190  }
0x23: {  	[sflag:s11] =	ssyncset.done $0x0  }
0x24: {  	[sflag:s11] =	ssyncadd.s32 $0xFFFFFE70  }
0x25: {  	[tilespmem:s14], [sflag:$0x1] =	stream.strided.gather [hbm4b:s16+s12], $0x3200, s13, s12, $0x38;
	[tilespmem:$0x1BA30] =	vst v63  }
0x26: {  	_ =	swait.ge [sflag:s11], $0x3200  }
.Ltmp0:
0x27: {  	[sflag:s11] =	ssyncset.done $0x0;
	(pc) =	sbr.rel @p0 .LBB2_2-.Ltmp0, $4  }
0x28: {  	[sflag:s11] =	ssyncadd.s32 $0xFFFFCE00  }
0x29: {  	[spmem:s2] =	stream.indirect.scatter.add.f32 [tilespmem:s14], [sflag:$0x1], $0x20, s3, s14, $0xb8;
	[tilespmem:$0x1BA30] =	vst v63  }
0x2a: {  	_ =	swait.ge [sflag:s11], $0x3200  }
0x2b: {  	s18 =	smov.u32 s20;
	s16 =	sadd.s32 $0x1900, s16;
	[sflag:s11] =	ssyncset.done $0x0  }
0x2c: {  	s17 =	sadd.s32 s17, s9;
	[sflag:s11] =	ssyncadd.s32 $0xFFFFCE00  }
0x2d: {  	[tilespmem:s3], [sflag:$0x1] =	stream.linear.gather [hbm4b:s17+s3], $0x190, $0x38;
	[tilespmem:$0x1BA30] =	vst v63  }
0x2e: {  	_ =	swait.ge [sflag:s11], $0x190  }
0x2f: {  	[sflag:s11] =	ssyncset.done $0x0  }
0x30: {  	[sflag:s11] =	ssyncadd.s32 $0xFFFFFE70  }
0x31: {  	[tilespmem:s14], [sflag:$0x1] =	stream.strided.gather [hbm4b:s16+s12], $0x3200, s13, s12, $0x38;
	[tilespmem:$0x1BA30] =	vst v63  }
0x32: {  	_ =	swait.ge [sflag:s11], $0x3200  }
0x33: {  	[sflag:s11] =	ssyncset.done $0x0  }
0x34: {  	[sflag:s11] =	ssyncadd.s32 $0xFFFFCE00  }
0x35: {  	[spmem:s2] =	stream.indirect.scatter.add.f32 [tilespmem:s14], [sflag:$0x1], $0x20, s3, s14, $0xb8;
	[tilespmem:$0x1BA30] =	vst v63  }
0x36: {  	_ =	swait.ge [sflag:s11], $0x3200  }
0x37: {  	s15 =	sadd.s32 $0x1, s15;
	[sflag:s11] =	ssyncset.done $0x0  }
0x38: {  	p0 =	sne.s32 s15, s7;
	[sflag:s11] =	ssyncadd.s32 $0xFFFFCE00  }
.Ltmp1:
0x39: {  	[bflag:$0x0] =	sbarrier.arrive $0xFFFF;
	(pc) =	sbr.rel @p0 .LBB2_1-.Ltmp1, $4  }
0x3a: {  	[hbm:s6], [sflag:s5] =	dma.local [spmem:s10], $0x30D4  }
0x3b: {  	_ =	swait.ge [sflag:s11], $0x30D4  }
0x3c: {  	[sflag:s11] =	ssyncset.done $0x0  }
0x3d: {  	[sflag:s11] =	ssyncadd.s32 $0xFFFFCF2C  }
0x3e: {  	_ =	sfence.sel $0x180000  }
0x3f: {  	[bflag:$0x0] =	sbarrier.arrive $0xFFFF  }
0x40: {  	p0 =	sne.s32 s0, $0x0;
	_ =	strace $0x9000006E  }
0x41: {  	s0 =	sadd.s32 @!p0 $0x100000, s1;
	[bflag:$0x2] =	sbarrier.arrive $0xFFFF  }
0x42: {  	[sflag:s0] =	ssyncadd.tile.s32 @!p0 $0x1;
	_ =	shalt  }
.Lfunc_end2:
_tile_overlayer_lowered:
.L_overlay_start_2:
0x43: {  	(tag) =	ssettag $0x2  }
0x44: {  	s0 =	rddreg [dreg:$0x0];
	s2 =	stileid.u32  }
0x45: {  	s1 =	rddreg [dreg:$0x1];
	p0 =	sne.s32 s2, $0x0  }
0x46: {  	s3 =	rddreg [dreg:$0x2];
	[bflag:$0x3] =	sbarrier.arrive $0xFFFF;
	s2 =	simm.s32 @!p0 $0x1C01  }
0x47: {  	[timem:s3], [sflag:s2] =	dma.local @!p0 [hbm:s0], s1  }
0x48: {  	s0 =	simm.s32 @!p0 $0x1  }
0x49: {  	_ =	swait.ge @!p0 [sflag:s0], s1  }
0x4a: {  	s1 =	ssub.s32 @!p0 $0x0, s1;
	[sflag:s0] =	ssyncset.done @!p0 $0x0  }
0x4b: {  	[sflag:s0] =	ssyncadd.s32 @!p0 s1  }
0x4c: {  	[bflag:$0x3] =	sbarrier.arrive $0xFFFF  }
0x4d: {  	_ =	shalt  }

</sc_bundles>
